<compile_context>
chip_gen: v7x
topology: tpu7x:2x2x1
jax: 0.10.2.dev20260603
libtpu: 0.0.44.dev20260713+nightly
codegen_flags: <defaults>
</compile_context>

<pallas_src>
import functools

import jax
import jax.numpy as jnp
import numpy as np
from jax import lax
from jax.experimental import pallas as pl
from jax.experimental.pallas import tpu as pltpu
from jax.experimental.pallas import tpu_sc as plsc

_PERM = [0, 2, 6, 3, 7, 1, 5, 8, 4]
_INV_PERM = list(np.argsort(np.array(_PERM)))
_L_EXPAND_NP = np.array([0, 1, 1, 1, 2, 2, 2, 2, 2])
_GATE_SEL = [None if _PERM[p] == 0 else (0 if _PERM[p] <= 3 else 1) for p in range(9)]

_EB = 256


def _smooth_leaky(x, alpha=0.2):
    return ((1 + alpha) / 2.0) * x + ((1 - alpha) / 2.0) * x * (2.0 * jax.nn.sigmoid(x) - 1.0)


def _edge_body(xs_ref, xd_ref, ef_ref, wig_ref, winv_ref,
               w0s_ref, w0d_ref, w0f_ref, b0_ref,
               w1s_ref, w1d_ref, w1f_ref,
               w2s_ref, w2d_ref, w2f_ref,
               lng_ref, lnb_ref, adot_ref,
               w02_ref, b02_ref, w12_ref, w22_ref,
               vrot_ref, eal_ref):
    XS = xs_ref[...]
    XD = xd_ref[...]
    EF = ef_ref[...]
    WG = wig_ref[...]
    WI = winv_ref[...]

    def rot_rows(S):
        out = []
        for p in range(9):
            acc = None
            for j in range(9):
                t = WG[:, _PERM[p] * 9 + j][:, None] * S[:, 32 * j:32 * j + 32]
                acc = t if acc is None else acc + t
            out.append(acc)
        return out

    es = rot_rows(XS)
    ed = rot_rows(XD)
    ef9 = rot_rows(EF)

    def cat(parts):
        return jnp.concatenate(parts, axis=1)

    def mm(a, b):
        return jax.lax.dot_general(a, b, dimension_numbers=(((1,), (0,)), ((), ())),
                                   preferred_element_type=jnp.float32)

    x0 = (mm(cat(es[0:3]), w0s_ref[...]) + mm(cat(ed[0:3]), w0d_ref[...])
          + mm(cat(ef9[0:3]), w0f_ref[...]) + b0_ref[...])
    y1a = (mm(cat(es[3:5]), w1s_ref[...]) + mm(cat(ed[3:5]), w1d_ref[...])
           + mm(cat(ef9[3:5]), w1f_ref[...]))
    y1b = (mm(cat(es[5:7]), w1s_ref[...]) + mm(cat(ed[5:7]), w1d_ref[...])
           + mm(cat(ef9[5:7]), w1f_ref[...]))
    m1r = y1a[:, :64] - y1b[:, 64:]
    m1i = y1b[:, :64] + y1a[:, 64:]
    y2a = mm(es[7], w2s_ref[...]) + mm(ed[7], w2d_ref[...]) + mm(ef9[7], w2f_ref[...])
    y2b = mm(es[8], w2s_ref[...]) + mm(ed[8], w2d_ref[...]) + mm(ef9[8], w2f_ref[...])
    m2r = y2a[:, :32] - y2b[:, 32:]
    m2i = y2b[:, :32] + y2a[:, 32:]

    x0_alpha = x0[:, 0:64]
    g0 = jax.nn.sigmoid(x0[:, 64:96])
    g1 = jax.nn.sigmoid(x0[:, 96:128])
    x0m = x0[:, 128:224]

    rows1 = [x0m[:, 0:32], x0m[:, 32:64], x0m[:, 64:96],
             m1r[:, 0:32], m1r[:, 32:64], m1i[:, 0:32], m1i[:, 32:64],
             m2r, m2i]
    z = []
    for p in range(9):
        if _GATE_SEL[p] is None:
            z.append(rows1[p] * jax.nn.sigmoid(rows1[p]))
        elif _GATE_SEL[p] == 0:
            z.append(rows1[p] * g0)
        else:
            z.append(rows1[p] * g1)

    x02 = mm(cat(z[0:3]), w02_ref[...]) + b02_ref[...]
    y1a2 = mm(cat(z[3:5]), w12_ref[...])
    y1b2 = mm(cat(z[5:7]), w12_ref[...])
    m1r2 = y1a2[:, :64] - y1b2[:, 64:]
    m1i2 = y1b2[:, :64] + y1a2[:, 64:]
    y2a2 = mm(z[7], w22_ref[...])
    y2b2 = mm(z[8], w22_ref[...])
    m2r2 = y2a2[:, :32] - y2b2[:, 32:]
    m2i2 = y2b2[:, :32] + y2a2[:, 32:]
    Z2 = [x02[:, 0:32], x02[:, 32:64], x02[:, 64:96],
          m1r2[:, 0:32], m1r2[:, 32:64], m1i2[:, 0:32], m1i2[:, 32:64],
          m2r2, m2i2]

    lng = lng_ref[...]
    lnb = lnb_ref[...]
    eal_cols = []
    for h in range(4):
        ah = x0_alpha[:, 16 * h:16 * h + 16]
        mu = jnp.mean(ah, axis=1, keepdims=True)
        d = ah - mu
        var = jnp.mean(d * d, axis=1, keepdims=True)
        a = d * jax.lax.rsqrt(var + 1e-5) * lng + lnb
        a = _smooth_leaky(a)
        al = jnp.sum(a * adot_ref[h, :][None, :], axis=1, keepdims=True)
        eal_cols.append(jnp.exp(al))
    eal_ref[...] = jnp.concatenate(eal_cols, axis=1)

    vcols = []
    for i in range(9):
        acc = None
        for r in range(9):
            t = WI[:, i * 9 + r][:, None] * Z2[_INV_PERM[r]]
            acc = t if acc is None else acc + t
        vcols.append(acc)
    vrot_ref[...] = jnp.concatenate(vcols, axis=1)


def _edge_compute(xs, xd, ef, wig, winv, weights):
    (w0s, w0d, w0f, b0, w1s, w1d, w1f, w2s, w2d, w2f,
     lng, lnb, adot, w02, b02, w12, w22) = weights
    E = xs.shape[0]
    B = _EB
    grid = (E // B,)
    espec = lambda cols: pl.BlockSpec((B, cols), lambda e: (e, 0))
    wspec = lambda r, c: pl.BlockSpec((r, c), lambda e: (0, 0))
    vrot, eal = pl.pallas_call(
        _edge_body,
        grid=grid,
        in_specs=[espec(xs.shape[1]), espec(xd.shape[1]), espec(288), espec(81), espec(81),
                  wspec(96, 224), wspec(96, 224), wspec(96, 224), wspec(1, 224),
                  wspec(64, 128), wspec(64, 128), wspec(64, 128),
                  wspec(32, 64), wspec(32, 64), wspec(32, 64),
                  wspec(1, 16), wspec(1, 16), wspec(4, 16),
                  wspec(96, 96), wspec(1, 96), wspec(64, 128), wspec(32, 64)],
        out_specs=[pl.BlockSpec((B, 288), lambda e: (e, 0)),
                   pl.BlockSpec((B, 4), lambda e: (e, 0))],
        out_shape=[jax.ShapeDtypeStruct((E, 288), jnp.float32),
                   jax.ShapeDtypeStruct((E, 4), jnp.float32)],
    )(xs, xd, ef, wig, winv, w0s, w0d, w0f, b0, w1s, w1d, w1f,
      w2s, w2d, w2f, lng, lnb, adot, w02, b02, w12, w22)
    return vrot, eal


_NW = 32
_GK = 200


def _sc_gather(x2, src, dst):
    E = src.shape[0]
    D = x2.shape[1]
    per_w = E // _NW
    nchunk = per_w // _GK
    mesh = plsc.VectorSubcoreMesh(core_axis_name="c", subcore_axis_name="s")

    @functools.partial(
        pl.kernel, mesh=mesh,
        out_type=[jax.ShapeDtypeStruct((E, D), jnp.float32),
                  jax.ShapeDtypeStruct((E, D), jnp.float32)],
        scratch_types=[pltpu.VMEM((_GK,), jnp.int32),
                       pltpu.VMEM((_GK, D), jnp.float32),
                       pltpu.SemaphoreType.DMA],
    )
    def gk(x_hbm, src_hbm, dst_hbm, xs_hbm, xd_hbm, idx_v, rows_v, sem):
        wid = lax.axis_index("s") * 2 + lax.axis_index("c")
        base = wid * per_w

        def body(k, carry):
            off = base + k * _GK
            pltpu.sync_copy(src_hbm.at[pl.ds(off, _GK)], idx_v)
            pltpu.async_copy(x_hbm.at[idx_v], rows_v, sem).wait()
            pltpu.sync_copy(rows_v, xs_hbm.at[pl.ds(off, _GK)])
            pltpu.sync_copy(dst_hbm.at[pl.ds(off, _GK)], idx_v)
            pltpu.async_copy(x_hbm.at[idx_v], rows_v, sem).wait()
            pltpu.sync_copy(rows_v, xd_hbm.at[pl.ds(off, _GK)])
            return carry

        lax.fori_loop(0, nchunk, body, 0)

    return gk(x2, src, dst)


def _split3(w, ncoeff, cout):
    w3 = w.reshape(ncoeff, 3, 32, cout)
    return (w3[:, 0].reshape(ncoeff * 32, cout),
            w3[:, 1].reshape(ncoeff * 32, cout),
            w3[:, 2].reshape(ncoeff * 32, cout))


def _proj_body(node_ref, pw_ref, pb_ref, out_ref):
    m = pl.program_id(0)
    acc = jax.lax.dot_general(
        node_ref[0], pw_ref[0],
        dimension_numbers=(((1,), (1,)), ((), ())),
        preferred_element_type=jnp.float32)

    @pl.when(m == 0)
    def _():
        out_ref[0] = acc + pb_ref[...][0][None, :]

    @pl.when(m != 0)
    def _():
        out_ref[0] = acc


def _so3_project(node, proj_w, proj_b):
    N, M, C = node.shape
    OUT = proj_w.shape[1]
    node_t = jnp.transpose(node, (1, 0, 2))
    pw = proj_w[_L_EXPAND_NP]
    out_t = pl.pallas_call(
        _proj_body,
        grid=(M,),
        in_specs=[
            pl.BlockSpec((1, N, C), lambda m: (m, 0, 0)),
            pl.BlockSpec((1, OUT, C), lambda m: (m, 0, 0)),
            pl.BlockSpec((1, OUT), lambda m: (0, 0)),
        ],
        out_specs=pl.BlockSpec((1, N, OUT), lambda m: (m, 0, 0)),
        out_shape=jax.ShapeDtypeStruct((M, N, OUT), jnp.float32),
    )(node_t, pw, proj_b.reshape(1, OUT))
    return jnp.transpose(out_t, (1, 0, 2))


def kernel(x, atomic_numbers, edge_distance, edge_index, edge_fea, wigner, wigner_inv,
           src_emb, tgt_emb, w0_1, b0_1, w1_1, w2_1, ln_gamma, ln_beta, alpha_dot,
           w0_2, b0_2, w1_2, w2_2, proj_w, proj_b):
    N = x.shape[0]
    E = edge_index.shape[1]
    src, dst = edge_index[0], edge_index[1]

    x2 = jnp.pad(x.reshape(N, 288), ((0, 0), (0, 96)))
    xs, xd = _sc_gather(x2, src, dst)
    ef = edge_fea.reshape(E, 288)
    wig = wigner.reshape(E, 81)
    winv = wigner_inv.reshape(E, 81)

    w0s, w0d, w0f = _split3(w0_1, 3, 224)
    w1s, w1d, w1f = _split3(w1_1, 2, 128)
    w2s, w2d, w2f = _split3(w2_1, 1, 64)
    weights = (w0s, w0d, w0f, b0_1.reshape(1, 224),
               w1s, w1d, w1f, w2s, w2d, w2f,
               ln_gamma.reshape(1, 16), ln_beta.reshape(1, 16), alpha_dot,
               w0_2, b0_2.reshape(1, 96), w1_2, w2_2)

    vrot, eal = _edge_compute(xs, xd, ef, wig, winv, weights)

    den = jax.ops.segment_sum(eal, dst, num_segments=N)
    alnorm = eal / den[dst]
    attn = vrot.reshape(E, 9, 4, 8) * alnorm[:, None, :, None]
    node = jax.ops.segment_sum(attn.reshape(E, 9, 32), dst, num_segments=N)
    return _so3_project(node, proj_w, proj_b)

# --- scband reference (transcript-rebuilt; emitter-appended) ---
"""Pipeline reference for scband-so2-node-update-27444841021658 (READ-ONLY COPY).

The authoritative reference and input builder live on the scoring server;
editing this copy changes nothing except your own understanding.
"""

import jax, jax.numpy as jnp
import numpy as np

LMAX = 2
N_COEFF = 9
_PERM_NP = np.array([0, 2, 6, 3, 7, 1, 5, 8, 4])
PERM = jnp.array(_PERM_NP)
INV_PERM = jnp.array(np.argsort(_PERM_NP))
GATE_EXPAND = jnp.array([0, 0, 0, 1, 1, 1, 1, 1])
L_EXPAND = jnp.array([0, 1, 1, 1, 2, 2, 2, 2, 2])


def smooth_leaky(x, alpha=0.2):
    return ((1 + alpha) / 2.0) * x + ((1 - alpha) / 2.0) * x * (2.0 * jax.nn.sigmoid(x) - 1.0)


def so2_conv(emb, w0, b0, w1, w2, extra):
    # emb: [E, 9, C] in l-primary order. Internal-weight SO(2) convolution (lmax=mmax=2).
    E, _, C = emb.shape
    em = emb[:, PERM]  # m-primary: [m0(l=0,1,2), m1 real(l=1,2), m1 imag(l=1,2), m2 real(l=2), m2 imag(l=2)]
    x0 = em[:, 0:3].reshape(E, 3 * C) @ w0 + b0
    if extra > 0:
        x0_extra = x0[:, :extra]
        x0 = x0[:, extra:]
    else:
        x0_extra = None
    cout = w1.shape[1] // 4
    out0 = x0.reshape(E, 3, cout)
    # m = 1
    x1 = em[:, 3:7].reshape(E, 2, 2 * C)
    y1 = x1 @ w1
    h1 = y1.shape[-1] // 2
    y1r, y1i = y1[..., :h1], y1[..., h1:]
    m1r = y1r[:, 0] - y1i[:, 1]
    m1i = y1r[:, 1] + y1i[:, 0]
    out1 = jnp.stack([m1r, m1i], axis=1).reshape(E, 4, cout)
    # m = 2
    x2 = em[:, 7:9].reshape(E, 2, C)
    y2 = x2 @ w2
    h2 = y2.shape[-1] // 2
    y2r, y2i = y2[..., :h2], y2[..., h2:]
    m2r = y2r[:, 0] - y2i[:, 1]
    m2i = y2r[:, 1] + y2i[:, 0]
    out2 = jnp.stack([m2r, m2i], axis=1).reshape(E, 2, cout)
    out = jnp.concatenate([out0, out1, out2], axis=1)
    return out[:, INV_PERM], x0_extra


def _forward(x, edge_distance, edge_fea, wigner, wigner_inv, src_emb, tgt_emb,
             w0_1, b0_1, w1_1, w2_1, ln_gamma, ln_beta, alpha_dot,
             w0_2, b0_2, w1_2, w2_2, proj_w, proj_b,
             atomic_numbers, edge_index):
    N = x.shape[0]
    E = edge_index.shape[1]
    NH, AC, VC, HID = 4, 16, 8, 32
    src, dst = edge_index[0], edge_index[1]
    # atom-edge embedding (x_edge is built as in the original; unused by internal-weight SO2 convs)
    x_edge = jnp.concatenate([edge_distance, src_emb[atomic_numbers[src]], tgt_emb[atomic_numbers[dst]]], axis=1)
    # gather node features to edges and concat with edge features
    msg = jnp.concatenate([x[src], x[dst], edge_fea], axis=2)  # [E, 9, 3C]
    # rotate into edge-aligned frame (Wigner-D)
    msg = jnp.einsum('eij,ejc->eic', wigner, msg)
    msg, x0_extra = so2_conv(msg, w0_1, b0_1, w1_1, w2_1, NH * AC + LMAX * HID)
    x0_alpha = x0_extra[:, :NH * AC]
    x0_gate = x0_extra[:, NH * AC:]
    # gate activation
    gates = jax.nn.sigmoid(x0_gate).reshape(E, LMAX, HID)[:, GATE_EXPAND]
    msg = jnp.concatenate([jax.nn.silu(msg[:, 0:1]), msg[:, 1:] * gates], axis=1)
    msg, _ = so2_conv(msg, w0_2, b0_2, w1_2, w2_2, 0)  # [E, 9, NH*VC]
    # attention logits
    a = x0_alpha.reshape(E, NH, AC)
    mu = a.mean(axis=-1, keepdims=True)
    var = ((a - mu) ** 2).mean(axis=-1, keepdims=True)
    a = (a - mu) / jnp.sqrt(var + 1e-5) * ln_gamma + ln_beta
    a = smooth_leaky(a)
    al = jnp.einsum('bik,ik->bi', a, alpha_dot)  # [E, NH]
    # segment softmax over destination node
    mx = jax.ops.segment_max(al, dst, num_segments=N)
    ex = jnp.exp(al - mx[dst])
    den = jax.ops.segment_sum(ex, dst, num_segments=N)
    al = ex / (den[dst] + 1e-16)
    attn = msg.reshape(E, N_COEFF, NH, VC) * al[:, None, :, None]
    attn = attn.reshape(E, N_COEFF, NH * VC)
    # rotate back and scatter-add to nodes
    attn = jnp.einsum('eij,ejc->eic', wigner_inv, attn)
    node = jax.ops.segment_sum(attn, dst, num_segments=N)
    # SO3_LinearV2 projection (per-degree linear, bias on l=0 only)
    out = jnp.einsum('bmi,moi->bmo', node, proj_w[L_EXPAND])
    out = out.at[:, 0, :].add(proj_b)
    return out


def setup_inputs(seed: int = 0):
    key = jax.random.key(seed)
    ks = jax.random.split(key, 20)
    N, E = 10000, 160000
    C, HID, NH, AC, VC, OUT = 32, 32, 4, 16, 8, 32
    MAXEL, ECH = 90, 64

    def lin(k, fin, fout):
        return jax.random.uniform(k, (fin, fout), minval=-1.0, maxval=1.0, dtype=jnp.float32) / np.sqrt(fin)

    inp = {}
    inp['x'] = jax.random.normal(ks[0], (N, 9, C), dtype=jnp.float32)
    inp['atomic_numbers'] = jax.random.randint(ks[1], (N,), 0, MAXEL)
    inp['edge_distance'] = jax.random.normal(ks[2], (E, ECH), dtype=jnp.float32)
    inp['edge_index'] = jax.random.randint(ks[3], (2, E), 0, N)
    inp['edge_fea'] = jax.random.normal(ks[4], (E, 9, C), dtype=jnp.float32)
    inp['wigner'] = jax.random.normal(ks[5], (E, 9, 9), dtype=jnp.float32) / 3.0
    inp['wigner_inv'] = jax.random.normal(ks[6], (E, 9, 9), dtype=jnp.float32) / 3.0
    inp['src_emb'] = jax.random.uniform(ks[7], (MAXEL, ECH), minval=-0.001, maxval=0.001, dtype=jnp.float32)
    inp['tgt_emb'] = jax.random.uniform(ks[8], (MAXEL, ECH), minval=-0.001, maxval=0.001, dtype=jnp.float32)
    extra = NH * AC + LMAX * HID
    inp['w0_1'] = lin(ks[9], 9 * C, 3 * HID + extra)
    inp['b0_1'] = jnp.zeros((3 * HID + extra,), dtype=jnp.float32)
    inp['w1_1'] = lin(ks[10], 6 * C, 4 * HID)
    inp['w2_1'] = lin(ks[11], 3 * C, 2 * HID)
    inp['ln_gamma'] = jnp.ones((AC,), dtype=jnp.float32)
    inp['ln_beta'] = jnp.zeros((AC,), dtype=jnp.float32)
    std = 1.0 / np.sqrt(AC)
    inp['alpha_dot'] = jax.random.uniform(ks[12], (NH, AC), minval=-std, maxval=std, dtype=jnp.float32)
    NV = NH * VC
    inp['w0_2'] = lin(ks[13], 3 * HID, 3 * NV)
    inp['b0_2'] = jnp.zeros((3 * NV,), dtype=jnp.float32)
    inp['w1_2'] = lin(ks[14], 2 * HID, 4 * NV)
    inp['w2_2'] = lin(ks[15], HID, 2 * NV)
    inp['proj_w'] = jax.random.normal(ks[16], (3, OUT, NV), dtype=jnp.float32) / np.sqrt(NV)
    inp['proj_b'] = jnp.zeros((OUT,), dtype=jnp.float32)
    return inp


def reference(x, atomic_numbers, edge_distance, edge_index, edge_fea, wigner, wigner_inv,
              src_emb, tgt_emb, w0_1, b0_1, w1_1, w2_1, ln_gamma, ln_beta, alpha_dot,
              w0_2, b0_2, w1_2, w2_2, proj_w, proj_b):
    return _forward(x, edge_distance, edge_fea, wigner, wigner_inv, src_emb, tgt_emb,
                    w0_1, b0_1, w1_1, w2_1, ln_gamma, ln_beta, alpha_dot,
                    w0_2, b0_2, w1_2, w2_2, proj_w, proj_b,
                    atomic_numbers, edge_index)

if __name__ == "__main__":
    import jax
    _d = setup_inputs()
    print(jax.jit(kernel)(*tuple(_d.values())))

</pallas_src>

<mosaic_0001>
#map = affine_map<(d0, d1) -> (0, 0)>
#map1 = affine_map<(d0, d1) -> (0)>
module attributes {stable_mosaic.version = 14 : i64} {
  func.func @gk(%arg0: i32, %arg1: i32, %arg2: memref<10000x384xf32, #tpu.memory_space<hbm>>, %arg3: memref<160000xi32, #tpu.memory_space<hbm>>, %arg4: memref<160000xi32, #tpu.memory_space<hbm>>, %arg5: memref<160000x384xf32, #tpu.memory_space<hbm>>, %arg6: memref<160000x384xf32, #tpu.memory_space<hbm>>, %arg7: memref<200xi32, #tpu.memory_space<vmem>>, %arg8: memref<200x384xf32, #tpu.memory_space<vmem>>, %arg9: memref<!tpu.dma_semaphore, #tpu.memory_space<semaphore_mem>>) attributes {dimension_semantics = [#tpu.dimension_semantics<core_parallel>, #tpu.dimension_semantics<subcore_parallel>], iteration_bounds = array<i64: 2, 16>, scalar_prefetch = 0 : i64, scratch_operands = 3 : i64, tpu.core_type = #tpu.core_type<sc_vector_subcore>, window_params = [{transform_indices = #map}, {transform_indices = #map1}, {transform_indices = #map1}, {transform_indices = #map}, {transform_indices = #map}]} {
    %mul3A = arith.constant 2 : i32
    %mul3A_0 = arith.muli %arg1, %mul3A : i32
    %add3A = arith.addi %mul3A_0, %arg0 : i32
    %mul3A_1 = arith.constant 5000 : i32
    %mul3A_2 = arith.muli %add3A, %mul3A_1 : i32
    %scan3A = arith.constant 0 : i32
    %scan3A_3 = arith.constant 0 : i32
    %scan3A_4 = arith.constant 25 : i32
    %scan3A_5 = arith.addi %scan3A_3, %scan3A_4 : i32
    %scan3A_6 = arith.constant 1 : i32
    scf.for %scan3A_8 = %scan3A_3 to %scan3A_5 step %scan3A_6  : i32 {
      %mul3A_9 = arith.constant 200 : i32
      %mul3A_10 = arith.muli %scan3A_8, %mul3A_9 : i32
      %add3A_11 = arith.addi %mul3A_2, %mul3A_10 : i32
      "tpu.region"() ({
        %run_scoped3A = tpu.sem_alloc : memref<!tpu.dma_semaphore, #tpu.memory_space<semaphore_mem>>
        %dma_start3A_22 = tpu.memref_slice %arg3[%add3A_11] : memref<160000xi32, #tpu.memory_space<hbm>> -> memref<200xi32, #tpu.memory_space<hbm>>
        %dma_start3A_23 = tpu.memref_slice %arg3[%add3A_11] : memref<160000xi32, #tpu.memory_space<hbm>> -> memref<200xi32, #tpu.memory_space<hbm>>
        tpu.enqueue_dma source(%dma_start3A_23 : memref<200xi32, #tpu.memory_space<hbm>>) target(%arg7 : memref<200xi32, #tpu.memory_space<vmem>>) target_semaphore(%run_scoped3A : memref<!tpu.dma_semaphore, #tpu.memory_space<semaphore_mem>>)
        %dma_wait3A_24 = tpu.memref_slice %arg3[%add3A_11] : memref<160000xi32, #tpu.memory_space<hbm>> -> memref<200xi32, #tpu.memory_space<hbm>>
        %dma_wait3A_25 = tpu.memref_slice %arg3[%add3A_11] : memref<160000xi32, #tpu.memory_space<hbm>> -> memref<200xi32, #tpu.memory_space<hbm>>
        tpu.wait_dma2 semaphore(%run_scoped3A : memref<!tpu.dma_semaphore, #tpu.memory_space<semaphore_mem>>) src(%dma_wait3A_25 : memref<200xi32, #tpu.memory_space<hbm>>) dst(%arg7 : memref<200xi32, #tpu.memory_space<vmem>>)
        tpu.yield
      }) : () -> ()
      %dma_start3A = arith.constant 0 : i32
      %dma_start3A_12 = arith.constant 0 : i32
      %dma_start3A_13 = tpu.memref_slice %arg2[%dma_start3A, %dma_start3A_12] : memref<10000x384xf32, #tpu.memory_space<hbm>> -> memref<10000x384xf32, #tpu.memory_space<hbm>>
      tpu.enqueue_indirect_dma source(%dma_start3A_13 : memref<10000x384xf32, #tpu.memory_space<hbm>>) target(%arg8 : memref<200x384xf32, #tpu.memory_space<vmem>>) offsets(%arg7 : memref<200xi32, #tpu.memory_space<vmem>>) semaphore(%arg9 : memref<!tpu.dma_semaphore, #tpu.memory_space<semaphore_mem>>)
      %dma_wait3A = arith.constant 0 : i32
      %dma_wait3A_14 = arith.constant 0 : i32
      %dma_wait3A_15 = tpu.memref_slice %arg2[%dma_wait3A, %dma_wait3A_14] : memref<10000x384xf32, #tpu.memory_space<hbm>> -> memref<10000x384xf32, #tpu.memory_space<hbm>>
      tpu.wait_indirect_dma semaphore(%arg9 : memref<!tpu.dma_semaphore, #tpu.memory_space<semaphore_mem>>) src(%dma_wait3A_15 : memref<10000x384xf32, #tpu.memory_space<hbm>>) dst(%arg8 : memref<200x384xf32, #tpu.memory_space<vmem>>)
      "tpu.region"() ({
        %run_scoped3A = tpu.sem_alloc : memref<!tpu.dma_semaphore, #tpu.memory_space<semaphore_mem>>
        %dma_start3A_22 = arith.constant 0 : i32
        %dma_start3A_23 = tpu.memref_slice %arg5[%add3A_11, %dma_start3A_22] : memref<160000x384xf32, #tpu.memory_space<hbm>> -> memref<200x384xf32, #tpu.memory_space<hbm>>
        %dma_start3A_24 = arith.constant 0 : i32
        %dma_start3A_25 = tpu.memref_slice %arg5[%add3A_11, %dma_start3A_24] : memref<160000x384xf32, #tpu.memory_space<hbm>> -> memref<200x384xf32, #tpu.memory_space<hbm>>
        tpu.enqueue_dma source(%arg8 : memref<200x384xf32, #tpu.memory_space<vmem>>) target(%dma_start3A_25 : memref<200x384xf32, #tpu.memory_space<hbm>>) target_semaphore(%run_scoped3A : memref<!tpu.dma_semaphore, #tpu.memory_space<semaphore_mem>>)
        %dma_wait3A_26 = arith.constant 0 : i32
        %dma_wait3A_27 = tpu.memref_slice %arg5[%add3A_11, %dma_wait3A_26] : memref<160000x384xf32, #tpu.memory_space<hbm>> -> memref<200x384xf32, #tpu.memory_space<hbm>>
        %dma_wait3A_28 = arith.constant 0 : i32
        %dma_wait3A_29 = tpu.memref_slice %arg5[%add3A_11, %dma_wait3A_28] : memref<160000x384xf32, #tpu.memory_space<hbm>> -> memref<200x384xf32, #tpu.memory_space<hbm>>
        tpu.wait_dma2 semaphore(%run_scoped3A : memref<!tpu.dma_semaphore, #tpu.memory_space<semaphore_mem>>) src(%arg8 : memref<200x384xf32, #tpu.memory_space<vmem>>) dst(%dma_wait3A_29 : memref<200x384xf32, #tpu.memory_space<hbm>>)
        tpu.yield
      }) : () -> ()
      "tpu.region"() ({
        %run_scoped3A = tpu.sem_alloc : memref<!tpu.dma_semaphore, #tpu.memory_space<semaphore_mem>>
        %dma_start3A_22 = tpu.memref_slice %arg4[%add3A_11] : memref<160000xi32, #tpu.memory_space<hbm>> -> memref<200xi32, #tpu.memory_space<hbm>>
        %dma_start3A_23 = tpu.memref_slice %arg4[%add3A_11] : memref<160000xi32, #tpu.memory_space<hbm>> -> memref<200xi32, #tpu.memory_space<hbm>>
        tpu.enqueue_dma source(%dma_start3A_23 : memref<200xi32, #tpu.memory_space<hbm>>) target(%arg7 : memref<200xi32, #tpu.memory_space<vmem>>) target_semaphore(%run_scoped3A : memref<!tpu.dma_semaphore, #tpu.memory_space<semaphore_mem>>)
        %dma_wait3A_24 = tpu.memref_slice %arg4[%add3A_11] : memref<160000xi32, #tpu.memory_space<hbm>> -> memref<200xi32, #tpu.memory_space<hbm>>
        %dma_wait3A_25 = tpu.memref_slice %arg4[%add3A_11] : memref<160000xi32, #tpu.memory_space<hbm>> -> memref<200xi32, #tpu.memory_space<hbm>>
        tpu.wait_dma2 semaphore(%run_scoped3A : memref<!tpu.dma_semaphore, #tpu.memory_space<semaphore_mem>>) src(%dma_wait3A_25 : memref<200xi32, #tpu.memory_space<hbm>>) dst(%arg7 : memref<200xi32, #tpu.memory_space<vmem>>)
        tpu.yield
      }) : () -> ()
      %dma_start3A_16 = arith.constant 0 : i32
      %dma_start3A_17 = arith.constant 0 : i32
      %dma_start3A_18 = tpu.memref_slice %arg2[%dma_start3A_16, %dma_start3A_17] : memref<10000x384xf32, #tpu.memory_space<hbm>> -> memref<10000x384xf32, #tpu.memory_space<hbm>>
      tpu.enqueue_indirect_dma source(%dma_start3A_18 : memref<10000x384xf32, #tpu.memory_space<hbm>>) target(%arg8 : memref<200x384xf32, #tpu.memory_space<vmem>>) offsets(%arg7 : memref<200xi32, #tpu.memory_space<vmem>>) semaphore(%arg9 : memref<!tpu.dma_semaphore, #tpu.memory_space<semaphore_mem>>)
      %dma_wait3A_19 = arith.constant 0 : i32
      %dma_wait3A_20 = arith.constant 0 : i32
      %dma_wait3A_21 = tpu.memref_slice %arg2[%dma_wait3A_19, %dma_wait3A_20] : memref<10000x384xf32, #tpu.memory_space<hbm>> -> memref<10000x384xf32, #tpu.memory_space<hbm>>
      tpu.wait_indirect_dma semaphore(%arg9 : memref<!tpu.dma_semaphore, #tpu.memory_space<semaphore_mem>>) src(%dma_wait3A_21 : memref<10000x384xf32, #tpu.memory_space<hbm>>) dst(%arg8 : memref<200x384xf32, #tpu.memory_space<vmem>>)
      "tpu.region"() ({
        %run_scoped3A = tpu.sem_alloc : memref<!tpu.dma_semaphore, #tpu.memory_space<semaphore_mem>>
        %dma_start3A_22 = arith.constant 0 : i32
        %dma_start3A_23 = tpu.memref_slice %arg6[%add3A_11, %dma_start3A_22] : memref<160000x384xf32, #tpu.memory_space<hbm>> -> memref<200x384xf32, #tpu.memory_space<hbm>>
        %dma_start3A_24 = arith.constant 0 : i32
        %dma_start3A_25 = tpu.memref_slice %arg6[%add3A_11, %dma_start3A_24] : memref<160000x384xf32, #tpu.memory_space<hbm>> -> memref<200x384xf32, #tpu.memory_space<hbm>>
        tpu.enqueue_dma source(%arg8 : memref<200x384xf32, #tpu.memory_space<vmem>>) target(%dma_start3A_25 : memref<200x384xf32, #tpu.memory_space<hbm>>) target_semaphore(%run_scoped3A : memref<!tpu.dma_semaphore, #tpu.memory_space<semaphore_mem>>)
        %dma_wait3A_26 = arith.constant 0 : i32
        %dma_wait3A_27 = tpu.memref_slice %arg6[%add3A_11, %dma_wait3A_26] : memref<160000x384xf32, #tpu.memory_space<hbm>> -> memref<200x384xf32, #tpu.memory_space<hbm>>
        %dma_wait3A_28 = arith.constant 0 : i32
        %dma_wait3A_29 = tpu.memref_slice %arg6[%add3A_11, %dma_wait3A_28] : memref<160000x384xf32, #tpu.memory_space<hbm>> -> memref<200x384xf32, #tpu.memory_space<hbm>>
        tpu.wait_dma2 semaphore(%run_scoped3A : memref<!tpu.dma_semaphore, #tpu.memory_space<semaphore_mem>>) src(%arg8 : memref<200x384xf32, #tpu.memory_space<vmem>>) dst(%dma_wait3A_29 : memref<200x384xf32, #tpu.memory_space<hbm>>)
        tpu.yield
      }) : () -> ()
    }
    %scan3A_7 = arith.constant 25 : i32
    return
  }
}

module attributes {stable_mosaic.version = 14 : i64} {
  func.func @_edge_body(%arg0: i32, %arg1: memref<256x384xf32, #tpu.memory_space<vmem>>, %arg2: memref<256x384xf32, #tpu.memory_space<vmem>>, %arg3: memref<256x288xf32, #tpu.memory_space<vmem>>, %arg4: memref<256x81xf32, #tpu.memory_space<vmem>>, %arg5: memref<256x81xf32, #tpu.memory_space<vmem>>, %arg6: memref<96x224xf32, #tpu.memory_space<vmem>>, %arg7: memref<96x224xf32, #tpu.memory_space<vmem>>, %arg8: memref<96x224xf32, #tpu.memory_space<vmem>>, %arg9: memref<1x224xf32, #tpu.memory_space<vmem>>, %arg10: memref<64x128xf32, #tpu.memory_space<vmem>>, %arg11: memref<64x128xf32, #tpu.memory_space<vmem>>, %arg12: memref<64x128xf32, #tpu.memory_space<vmem>>, %arg13: memref<32x64xf32, #tpu.memory_space<vmem>>, %arg14: memref<32x64xf32, #tpu.memory_space<vmem>>, %arg15: memref<32x64xf32, #tpu.memory_space<vmem>>, %arg16: memref<1x16xf32, #tpu.memory_space<vmem>>, %arg17: memref<1x16xf32, #tpu.memory_space<vmem>>, %arg18: memref<4x16xf32, #tpu.memory_space<vmem>>, %arg19: memref<96x96xf32, #tpu.memory_space<vmem>>, %arg20: memref<1x96xf32, #tpu.memory_space<vmem>>, %arg21: memref<64x128xf32, #tpu.memory_space<vmem>>, %arg22: memref<32x64xf32, #tpu.memory_space<vmem>>, %arg23: memref<256x288xf32, #tpu.memory_space<vmem>>, %arg24: memref<256x4xf32, #tpu.memory_space<vmem>>) attributes {dimension_semantics = [#tpu.dimension_semantics<arbitrary>], iteration_bounds = array<i64: 625>, scalar_prefetch = 0 : i64, scratch_operands = 0 : i64, tpu.core_type = #tpu.core_type<tc>, window_params = [{transform_indices = @transform_0, window_bounds = array<i64: 256, 384>}, {transform_indices = @transform_1, window_bounds = array<i64: 256, 384>}, {transform_indices = @transform_2, window_bounds = array<i64: 256, 288>}, {transform_indices = @transform_3, window_bounds = array<i64: 256, 81>}, {transform_indices = @transform_4, window_bounds = array<i64: 256, 81>}, {pipeline_mode = #tpu.pipeline_mode<synchronous>, transform_indices = @transform_5, window_bounds = array<i64: 96, 224>}, {pipeline_mode = #tpu.pipeline_mode<synchronous>, transform_indices = @transform_6, window_bounds = array<i64: 96, 224>}, {pipeline_mode = #tpu.pipeline_mode<synchronous>, transform_indices = @transform_7, window_bounds = array<i64: 96, 224>}, {pipeline_mode = #tpu.pipeline_mode<synchronous>, transform_indices = @transform_8, window_bounds = array<i64: 1, 224>}, {pipeline_mode = #tpu.pipeline_mode<synchronous>, transform_indices = @transform_9, window_bounds = array<i64: 64, 128>}, {pipeline_mode = #tpu.pipeline_mode<synchronous>, transform_indices = @transform_10, window_bounds = array<i64: 64, 128>}, {pipeline_mode = #tpu.pipeline_mode<synchronous>, transform_indices = @transform_11, window_bounds = array<i64: 64, 128>}, {pipeline_mode = #tpu.pipeline_mode<synchronous>, transform_indices = @transform_12, window_bounds = array<i64: 32, 64>}, {pipeline_mode = #tpu.pipeline_mode<synchronous>, transform_indices = @transform_13, window_bounds = array<i64: 32, 64>}, {pipeline_mode = #tpu.pipeline_mode<synchronous>, transform_indices = @transform_14, window_bounds = array<i64: 32, 64>}, {pipeline_mode = #tpu.pipeline_mode<synchronous>, transform_indices = @transform_15, window_bounds = array<i64: 1, 16>}, {pipeline_mode = #tpu.pipeline_mode<synchronous>, transform_indices = @transform_16, window_bounds = array<i64: 1, 16>}, {pipeline_mode = #tpu.pipeline_mode<synchronous>, transform_indices = @transform_17, window_bounds = array<i64: 4, 16>}, {pipeline_mode = #tpu.pipeline_mode<synchronous>, transform_indices = @transform_18, window_bounds = array<i64: 96, 96>}, {pipeline_mode = #tpu.pipeline_mode<synchronous>, transform_indices = @transform_19, window_bounds = array<i64: 1, 96>}, {pipeline_mode = #tpu.pipeline_mode<synchronous>, transform_indices = @transform_20, window_bounds = array<i64: 64, 128>}, {pipeline_mode = #tpu.pipeline_mode<synchronous>, transform_indices = @transform_21, window_bounds = array<i64: 32, 64>}, {transform_indices = @transform_22, window_bounds = array<i64: 256, 288>}, {transform_indices = @transform_23, window_bounds = array<i64: 256, 4>}]} {
    %get3A = arith.constant 0 : index
    %get3A_0 = arith.constant 0 : index
    %get3A_1 = vector.load %arg1[%get3A, %get3A_0] : memref<256x384xf32, #tpu.memory_space<vmem>>, vector<256x384xf32>
    %get3A_2 = arith.constant 0 : index
    %get3A_3 = arith.constant 0 : index
    %get3A_4 = vector.load %arg2[%get3A_2, %get3A_3] : memref<256x384xf32, #tpu.memory_space<vmem>>, vector<256x384xf32>
    %get3A_5 = arith.constant 0 : index
    %get3A_6 = arith.constant 0 : index
    %get3A_7 = vector.load %arg3[%get3A_5, %get3A_6] : memref<256x288xf32, #tpu.memory_space<vmem>>, vector<256x288xf32>
    %get3A_8 = arith.constant 0 : index
    %get3A_9 = arith.constant 0 : index
    %get3A_10 = vector.load %arg4[%get3A_8, %get3A_9] : memref<256x81xf32, #tpu.memory_space<vmem>>, vector<256x81xf32>
    %get3A_11 = arith.constant 0 : index
    %get3A_12 = arith.constant 0 : index
    %get3A_13 = vector.load %arg5[%get3A_11, %get3A_12] : memref<256x81xf32, #tpu.memory_space<vmem>>, vector<256x81xf32>
    %slice3A = vector.extract_strided_slice %get3A_10 {offsets = [0, 0], sizes = [256, 1], strides = [1, 1]} : vector<256x81xf32> to vector<256x1xf32>
    %squeeze3A = vector.shape_cast %slice3A : vector<256x1xf32> to vector<256xf32>
    %broadcast_in_dim3A = vector.shape_cast %squeeze3A : vector<256xf32> to vector<256x1xf32>
    %slice3A_14 = vector.extract_strided_slice %get3A_1 {offsets = [0, 0], sizes = [256, 32], strides = [1, 1]} : vector<256x384xf32> to vector<256x32xf32>
    %mul3A = vector.broadcast %broadcast_in_dim3A : vector<256x1xf32> to vector<256x32xf32>
    %mul3A_15 = arith.mulf %mul3A, %slice3A_14 : vector<256x32xf32>
    %slice3A_16 = vector.extract_strided_slice %get3A_10 {offsets = [0, 1], sizes = [256, 1], strides = [1, 1]} : vector<256x81xf32> to vector<256x1xf32>
    %squeeze3A_17 = vector.shape_cast %slice3A_16 : vector<256x1xf32> to vector<256xf32>
    %broadcast_in_dim3A_18 = vector.shape_cast %squeeze3A_17 : vector<256xf32> to vector<256x1xf32>
    %slice3A_19 = vector.extract_strided_slice %get3A_1 {offsets = [0, 32], sizes = [256, 32], strides = [1, 1]} : vector<256x384xf32> to vector<256x32xf32>
    %mul3A_20 = vector.broadcast %broadcast_in_dim3A_18 : vector<256x1xf32> to vector<256x32xf32>
    %mul3A_21 = arith.mulf %mul3A_20, %slice3A_19 : vector<256x32xf32>
    %add3A = arith.addf %mul3A_15, %mul3A_21 : vector<256x32xf32>
    %slice3A_22 = vector.extract_strided_slice %get3A_10 {offsets = [0, 2], sizes = [256, 1], strides = [1, 1]} : vector<256x81xf32> to vector<256x1xf32>
    %squeeze3A_23 = vector.shape_cast %slice3A_22 : vector<256x1xf32> to vector<256xf32>
    %broadcast_in_dim3A_24 = vector.shape_cast %squeeze3A_23 : vector<256xf32> to vector<256x1xf32>
    %slice3A_25 = vector.extract_strided_slice %get3A_1 {offsets = [0, 64], sizes = [256, 32], strides = [1, 1]} : vector<256x384xf32> to vector<256x32xf32>
    %mul3A_26 = vector.broadcast %broadcast_in_dim3A_24 : vector<256x1xf32> to vector<256x32xf32>
    %mul3A_27 = arith.mulf %mul3A_26, %slice3A_25 : vector<256x32xf32>
    %add3A_28 = arith.addf %add3A, %mul3A_27 : vector<256x32xf32>
    %slice3A_29 = vector.extract_strided_slice %get3A_10 {offsets = [0, 3], sizes = [256, 1], strides = [1, 1]} : vector<256x81xf32> to vector<256x1xf32>
    %squeeze3A_30 = vector.shape_cast %slice3A_29 : vector<256x1xf32> to vector<256xf32>
    %broadcast_in_dim3A_31 = vector.shape_cast %squeeze3A_30 : vector<256xf32> to vector<256x1xf32>
    %slice3A_32 = vector.extract_strided_slice %get3A_1 {offsets = [0, 96], sizes = [256, 32], strides = [1, 1]} : vector<256x384xf32> to vector<256x32xf32>
    %mul3A_33 = vector.broadcast %broadcast_in_dim3A_31 : vector<256x1xf32> to vector<256x32xf32>
    %mul3A_34 = arith.mulf %mul3A_33, %slice3A_32 : vector<256x32xf32>
    %add3A_35 = arith.addf %add3A_28, %mul3A_34 : vector<256x32xf32>
    %slice3A_36 = vector.extract_strided_slice %get3A_10 {offsets = [0, 4], sizes = [256, 1], strides = [1, 1]} : vector<256x81xf32> to vector<256x1xf32>
    %squeeze3A_37 = vector.shape_cast %slice3A_36 : vector<256x1xf32> to vector<256xf32>
    %broadcast_in_dim3A_38 = vector.shape_cast %squeeze3A_37 : vector<256xf32> to vector<256x1xf32>
    %slice3A_39 = vector.extract_strided_slice %get3A_1 {offsets = [0, 128], sizes = [256, 32], strides = [1, 1]} : vector<256x384xf32> to vector<256x32xf32>
    %mul3A_40 = vector.broadcast %broadcast_in_dim3A_38 : vector<256x1xf32> to vector<256x32xf32>
    %mul3A_41 = arith.mulf %mul3A_40, %slice3A_39 : vector<256x32xf32>
    %add3A_42 = arith.addf %add3A_35, %mul3A_41 : vector<256x32xf32>
    %slice3A_43 = vector.extract_strided_slice %get3A_10 {offsets = [0, 5], sizes = [256, 1], strides = [1, 1]} : vector<256x81xf32> to vector<256x1xf32>
    %squeeze3A_44 = vector.shape_cast %slice3A_43 : vector<256x1xf32> to vector<256xf32>
    %broadcast_in_dim3A_45 = vector.shape_cast %squeeze3A_44 : vector<256xf32> to vector<256x1xf32>
    %slice3A_46 = vector.extract_strided_slice %get3A_1 {offsets = [0, 160], sizes = [256, 32], strides = [1, 1]} : vector<256x384xf32> to vector<256x32xf32>
    %mul3A_47 = vector.broadcast %broadcast_in_dim3A_45 : vector<256x1xf32> to vector<256x32xf32>
    %mul3A_48 = arith.mulf %mul3A_47, %slice3A_46 : vector<256x32xf32>
    %add3A_49 = arith.addf %add3A_42, %mul3A_48 : vector<256x32xf32>
    %slice3A_50 = vector.extract_strided_slice %get3A_10 {offsets = [0, 6], sizes = [256, 1], strides = [1, 1]} : vector<256x81xf32> to vector<256x1xf32>
    %squeeze3A_51 = vector.shape_cast %slice3A_50 : vector<256x1xf32> to vector<256xf32>
    %broadcast_in_dim3A_52 = vector.shape_cast %squeeze3A_51 : vector<256xf32> to vector<256x1xf32>
    %slice3A_53 = vector.extract_strided_slice %get3A_1 {offsets = [0, 192], sizes = [256, 32], strides = [1, 1]} : vector<256x384xf32> to vector<256x32xf32>
    %mul3A_54 = vector.broadcast %broadcast_in_dim3A_52 : vector<256x1xf32> to vector<256x32xf32>
    %mul3A_55 = arith.mulf %mul3A_54, %slice3A_53 : vector<256x32xf32>
    %add3A_56 = arith.addf %add3A_49, %mul3A_55 : vector<256x32xf32>
    %slice3A_57 = vector.extract_strided_slice %get3A_10 {offsets = [0, 7], sizes = [256, 1], strides = [1, 1]} : vector<256x81xf32> to vector<256x1xf32>
    %squeeze3A_58 = vector.shape_cast %slice3A_57 : vector<256x1xf32> to vector<256xf32>
    %broadcast_in_dim3A_59 = vector.shape_cast %squeeze3A_58 : vector<256xf32> to vector<256x1xf32>
    %slice3A_60 = vector.extract_strided_slice %get3A_1 {offsets = [0, 224], sizes = [256, 32], strides = [1, 1]} : vector<256x384xf32> to vector<256x32xf32>
    %mul3A_61 = vector.broadcast %broadcast_in_dim3A_59 : vector<256x1xf32> to vector<256x32xf32>
    %mul3A_62 = arith.mulf %mul3A_61, %slice3A_60 : vector<256x32xf32>
    %add3A_63 = arith.addf %add3A_56, %mul3A_62 : vector<256x32xf32>
    %slice3A_64 = vector.extract_strided_slice %get3A_10 {offsets = [0, 8], sizes = [256, 1], strides = [1, 1]} : vector<256x81xf32> to vector<256x1xf32>
    %squeeze3A_65 = vector.shape_cast %slice3A_64 : vector<256x1xf32> to vector<256xf32>
    %broadcast_in_dim3A_66 = vector.shape_cast %squeeze3A_65 : vector<256xf32> to vector<256x1xf32>
    %slice3A_67 = vector.extract_strided_slice %get3A_1 {offsets = [0, 256], sizes = [256, 32], strides = [1, 1]} : vector<256x384xf32> to vector<256x32xf32>
    %mul3A_68 = vector.broadcast %broadcast_in_dim3A_66 : vector<256x1xf32> to vector<256x32xf32>
    %mul3A_69 = arith.mulf %mul3A_68, %slice3A_67 : vector<256x32xf32>
    %add3A_70 = arith.addf %add3A_63, %mul3A_69 : vector<256x32xf32>
    %slice3A_71 = vector.extract_strided_slice %get3A_10 {offsets = [0, 18], sizes = [256, 1], strides = [1, 1]} : vector<256x81xf32> to vector<256x1xf32>
    %squeeze3A_72 = vector.shape_cast %slice3A_71 : vector<256x1xf32> to vector<256xf32>
    %broadcast_in_dim3A_73 = vector.shape_cast %squeeze3A_72 : vector<256xf32> to vector<256x1xf32>
    %slice3A_74 = vector.extract_strided_slice %get3A_1 {offsets = [0, 0], sizes = [256, 32], strides = [1, 1]} : vector<256x384xf32> to vector<256x32xf32>
    %mul3A_75 = vector.broadcast %broadcast_in_dim3A_73 : vector<256x1xf32> to vector<256x32xf32>
    %mul3A_76 = arith.mulf %mul3A_75, %slice3A_74 : vector<256x32xf32>
    %slice3A_77 = vector.extract_strided_slice %get3A_10 {offsets = [0, 19], sizes = [256, 1], strides = [1, 1]} : vector<256x81xf32> to vector<256x1xf32>
    %squeeze3A_78 = vector.shape_cast %slice3A_77 : vector<256x1xf32> to vector<256xf32>
    %broadcast_in_dim3A_79 = vector.shape_cast %squeeze3A_78 : vector<256xf32> to vector<256x1xf32>
    %slice3A_80 = vector.extract_strided_slice %get3A_1 {offsets = [0, 32], sizes = [256, 32], strides = [1, 1]} : vector<256x384xf32> to vector<256x32xf32>
    %mul3A_81 = vector.broadcast %broadcast_in_dim3A_79 : vector<256x1xf32> to vector<256x32xf32>
    %mul3A_82 = arith.mulf %mul3A_81, %slice3A_80 : vector<256x32xf32>
    %add3A_83 = arith.addf %mul3A_76, %mul3A_82 : vector<256x32xf32>
    %slice3A_84 = vector.extract_strided_slice %get3A_10 {offsets = [0, 20], sizes = [256, 1], strides = [1, 1]} : vector<256x81xf32> to vector<256x1xf32>
    %squeeze3A_85 = vector.shape_cast %slice3A_84 : vector<256x1xf32> to vector<256xf32>
    %broadcast_in_dim3A_86 = vector.shape_cast %squeeze3A_85 : vector<256xf32> to vector<256x1xf32>
    %slice3A_87 = vector.extract_strided_slice %get3A_1 {offsets = [0, 64], sizes = [256, 32], strides = [1, 1]} : vector<256x384xf32> to vector<256x32xf32>
    %mul3A_88 = vector.broadcast %broadcast_in_dim3A_86 : vector<256x1xf32> to vector<256x32xf32>
    %mul3A_89 = arith.mulf %mul3A_88, %slice3A_87 : vector<256x32xf32>
    %add3A_90 = arith.addf %add3A_83, %mul3A_89 : vector<256x32xf32>
    %slice3A_91 = vector.extract_strided_slice %get3A_10 {offsets = [0, 21], sizes = [256, 1], strides = [1, 1]} : vector<256x81xf32> to vector<256x1xf32>
    %squeeze3A_92 = vector.shape_cast %slice3A_91 : vector<256x1xf32> to vector<256xf32>
    %broadcast_in_dim3A_93 = vector.shape_cast %squeeze3A_92 : vector<256xf32> to vector<256x1xf32>
    %slice3A_94 = vector.extract_strided_slice %get3A_1 {offsets = [0, 96], sizes = [256, 32], strides = [1, 1]} : vector<256x384xf32> to vector<256x32xf32>
    %mul3A_95 = vector.broadcast %broadcast_in_dim3A_93 : vector<256x1xf32> to vector<256x32xf32>
    %mul3A_96 = arith.mulf %mul3A_95, %slice3A_94 : vector<256x32xf32>
    %add3A_97 = arith.addf %add3A_90, %mul3A_96 : vector<256x32xf32>
    %slice3A_98 = vector.extract_strided_slice %get3A_10 {offsets = [0, 22], sizes = [256, 1], strides = [1, 1]} : vector<256x81xf32> to vector<256x1xf32>
    %squeeze3A_99 = vector.shape_cast %slice3A_98 : vector<256x1xf32> to vector<256xf32>
    %broadcast_in_dim3A_100 = vector.shape_cast %squeeze3A_99 : vector<256xf32> to vector<256x1xf32>
    %slice3A_101 = vector.extract_strided_slice %get3A_1 {offsets = [0, 128], sizes = [256, 32], strides = [1, 1]} : vector<256x384xf32> to vector<256x32xf32>
    %mul3A_102 = vector.broadcast %broadcast_in_dim3A_100 : vector<256x1xf32> to vector<256x32xf32>
    %mul3A_103 = arith.mulf %mul3A_102, %slice3A_101 : vector<256x32xf32>
    %add3A_104 = arith.addf %add3A_97, %mul3A_103 : vector<256x32xf32>
    %slice3A_105 = vector.extract_strided_slice %get3A_10 {offsets = [0, 23], sizes = [256, 1], strides = [1, 1]} : vector<256x81xf32> to vector<256x1xf32>
    %squeeze3A_106 = vector.shape_cast %slice3A_105 : vector<256x1xf32> to vector<256xf32>
    %broadcast_in_dim3A_107 = vector.shape_cast %squeeze3A_106 : vector<256xf32> to vector<256x1xf32>
    %slice3A_108 = vector.extract_strided_slice %get3A_1 {offsets = [0, 160], sizes = [256, 32], strides = [1, 1]} : vector<256x384xf32> to vector<256x32xf32>
    %mul3A_109 = vector.broadcast %broadcast_in_dim3A_107 : vector<256x1xf32> to vector<256x32xf32>
    %mul3A_110 = arith.mulf %mul3A_109, %slice3A_108 : vector<256x32xf32>
    %add3A_111 = arith.addf %add3A_104, %mul3A_110 : vector<256x32xf32>
    %slice3A_112 = vector.extract_strided_slice %get3A_10 {offsets = [0, 24], sizes = [256, 1], strides = [1, 1]} : vector<256x81xf32> to vector<256x1xf32>
    %squeeze3A_113 = vector.shape_cast %slice3A_112 : vector<256x1xf32> to vector<256xf32>
    %broadcast_in_dim3A_114 = vector.shape_cast %squeeze3A_113 : vector<256xf32> to vector<256x1xf32>
    %slice3A_115 = vector.extract_strided_slice %get3A_1 {offsets = [0, 192], sizes = [256, 32], strides = [1, 1]} : vector<256x384xf32> to vector<256x32xf32>
    %mul3A_116 = vector.broadcast %broadcast_in_dim3A_114 : vector<256x1xf32> to vector<256x32xf32>
    %mul3A_117 = arith.mulf %mul3A_116, %slice3A_115 : vector<256x32xf32>
    %add3A_118 = arith.addf %add3A_111, %mul3A_117 : vector<256x32xf32>
    %slice3A_119 = vector.extract_strided_slice %get3A_10 {offsets = [0, 25], sizes = [256, 1], strides = [1, 1]} : vector<256x81xf32> to vector<256x1xf32>
    %squeeze3A_120 = vector.shape_cast %slice3A_119 : vector<256x1xf32> to vector<256xf32>
    %broadcast_in_dim3A_121 = vector.shape_cast %squeeze3A_120 : vector<256xf32> to vector<256x1xf32>
    %slice3A_122 = vector.extract_strided_slice %get3A_1 {offsets = [0, 224], sizes = [256, 32], strides = [1, 1]} : vector<256x384xf32> to vector<256x32xf32>
    %mul3A_123 = vector.broadcast %broadcast_in_dim3A_121 : vector<256x1xf32> to vector<256x32xf32>
    %mul3A_124 = arith.mulf %mul3A_123, %slice3A_122 : vector<256x32xf32>
    %add3A_125 = arith.addf %add3A_118, %mul3A_124 : vector<256x32xf32>
    %slice3A_126 = vector.extract_strided_slice %get3A_10 {offsets = [0, 26], sizes = [256, 1], strides = [1, 1]} : vector<256x81xf32> to vector<256x1xf32>
    %squeeze3A_127 = vector.shape_cast %slice3A_126 : vector<256x1xf32> to vector<256xf32>
    %broadcast_in_dim3A_128 = vector.shape_cast %squeeze3A_127 : vector<256xf32> to vector<256x1xf32>
    %slice3A_129 = vector.extract_strided_slice %get3A_1 {offsets = [0, 256], sizes = [256, 32], strides = [1, 1]} : vector<256x384xf32> to vector<256x32xf32>
    %mul3A_130 = vector.broadcast %broadcast_in_dim3A_128 : vector<256x1xf32> to vector<256x32xf32>
    %mul3A_131 = arith.mulf %mul3A_130, %slice3A_129 : vector<256x32xf32>
    %add3A_132 = arith.addf %add3A_125, %mul3A_131 : vector<256x32xf32>
    %slice3A_133 = vector.extract_strided_slice %get3A_10 {offsets = [0, 54], sizes = [256, 1], strides = [1, 1]} : vector<256x81xf32> to vector<256x1xf32>
    %squeeze3A_134 = vector.shape_cast %slice3A_133 : vector<256x1xf32> to vector<256xf32>
    %broadcast_in_dim3A_135 = vector.shape_cast %squeeze3A_134 : vector<256xf32> to vector<256x1xf32>
    %slice3A_136 = vector.extract_strided_slice %get3A_1 {offsets = [0, 0], sizes = [256, 32], strides = [1, 1]} : vector<256x384xf32> to vector<256x32xf32>
    %mul3A_137 = vector.broadcast %broadcast_in_dim3A_135 : vector<256x1xf32> to vector<256x32xf32>
    %mul3A_138 = arith.mulf %mul3A_137, %slice3A_136 : vector<256x32xf32>
    %slice3A_139 = vector.extract_strided_slice %get3A_10 {offsets = [0, 55], sizes = [256, 1], strides = [1, 1]} : vector<256x81xf32> to vector<256x1xf32>
    %squeeze3A_140 = vector.shape_cast %slice3A_139 : vector<256x1xf32> to vector<256xf32>
    %broadcast_in_dim3A_141 = vector.shape_cast %squeeze3A_140 : vector<256xf32> to vector<256x1xf32>
    %slice3A_142 = vector.extract_strided_slice %get3A_1 {offsets = [0, 32], sizes = [256, 32], strides = [1, 1]} : vector<256x384xf32> to vector<256x32xf32>
    %mul3A_143 = vector.broadcast %broadcast_in_dim3A_141 : vector<256x1xf32> to vector<256x32xf32>
    %mul3A_144 = arith.mulf %mul3A_143, %slice3A_142 : vector<256x32xf32>
    %add3A_145 = arith.addf %mul3A_138, %mul3A_144 : vector<256x32xf32>
    %slice3A_146 = vector.extract_strided_slice %get3A_10 {offsets = [0, 56], sizes = [256, 1], strides = [1, 1]} : vector<256x81xf32> to vector<256x1xf32>
    %squeeze3A_147 = vector.shape_cast %slice3A_146 : vector<256x1xf32> to vector<256xf32>
    %broadcast_in_dim3A_148 = vector.shape_cast %squeeze3A_147 : vector<256xf32> to vector<256x1xf32>
    %slice3A_149 = vector.extract_strided_slice %get3A_1 {offsets = [0, 64], sizes = [256, 32], strides = [1, 1]} : vector<256x384xf32> to vector<256x32xf32>
    %mul3A_150 = vector.broadcast %broadcast_in_dim3A_148 : vector<256x1xf32> to vector<256x32xf32>
    %mul3A_151 = arith.mulf %mul3A_150, %slice3A_149 : vector<256x32xf32>
    %add3A_152 = arith.addf %add3A_145, %mul3A_151 : vector<256x32xf32>
    %slice3A_153 = vector.extract_strided_slice %get3A_10 {offsets = [0, 57], sizes = [256, 1], strides = [1, 1]} : vector<256x81xf32> to vector<256x1xf32>
    %squeeze3A_154 = vector.shape_cast %slice3A_153 : vector<256x1xf32> to vector<256xf32>
    %broadcast_in_dim3A_155 = vector.shape_cast %squeeze3A_154 : vector<256xf32> to vector<256x1xf32>
    %slice3A_156 = vector.extract_strided_slice %get3A_1 {offsets = [0, 96], sizes = [256, 32], strides = [1, 1]} : vector<256x384xf32> to vector<256x32xf32>
    %mul3A_157 = vector.broadcast %broadcast_in_dim3A_155 : vector<256x1xf32> to vector<256x32xf32>
    %mul3A_158 = arith.mulf %mul3A_157, %slice3A_156 : vector<256x32xf32>
    %add3A_159 = arith.addf %add3A_152, %mul3A_158 : vector<256x32xf32>
    %slice3A_160 = vector.extract_strided_slice %get3A_10 {offsets = [0, 58], sizes = [256, 1], strides = [1, 1]} : vector<256x81xf32> to vector<256x1xf32>
    %squeeze3A_161 = vector.shape_cast %slice3A_160 : vector<256x1xf32> to vector<256xf32>
    %broadcast_in_dim3A_162 = vector.shape_cast %squeeze3A_161 : vector<256xf32> to vector<256x1xf32>
    %slice3A_163 = vector.extract_strided_slice %get3A_1 {offsets = [0, 128], sizes = [256, 32], strides = [1, 1]} : vector<256x384xf32> to vector<256x32xf32>
    %mul3A_164 = vector.broadcast %broadcast_in_dim3A_162 : vector<256x1xf32> to vector<256x32xf32>
    %mul3A_165 = arith.mulf %mul3A_164, %slice3A_163 : vector<256x32xf32>
    %add3A_166 = arith.addf %add3A_159, %mul3A_165 : vector<256x32xf32>
    %slice3A_167 = vector.extract_strided_slice %get3A_10 {offsets = [0, 59], sizes = [256, 1], strides = [1, 1]} : vector<256x81xf32> to vector<256x1xf32>
    %squeeze3A_168 = vector.shape_cast %slice3A_167 : vector<256x1xf32> to vector<256xf32>
    %broadcast_in_dim3A_169 = vector.shape_cast %squeeze3A_168 : vector<256xf32> to vector<256x1xf32>
    %slice3A_170 = vector.extract_strided_slice %get3A_1 {offsets = [0, 160], sizes = [256, 32], strides = [1, 1]} : vector<256x384xf32> to vector<256x32xf32>
    %mul3A_171 = vector.broadcast %broadcast_in_dim3A_169 : vector<256x1xf32> to vector<256x32xf32>
    %mul3A_172 = arith.mulf %mul3A_171, %slice3A_170 : vector<256x32xf32>
    %add3A_173 = arith.addf %add3A_166, %mul3A_172 : vector<256x32xf32>
    %slice3A_174 = vector.extract_strided_slice %get3A_10 {offsets = [0, 60], sizes = [256, 1], strides = [1, 1]} : vector<256x81xf32> to vector<256x1xf32>
    %squeeze3A_175 = vector.shape_cast %slice3A_174 : vector<256x1xf32> to vector<256xf32>
    %broadcast_in_dim3A_176 = vector.shape_cast %squeeze3A_175 : vector<256xf32> to vector<256x1xf32>
    %slice3A_177 = vector.extract_strided_slice %get3A_1 {offsets = [0, 192], sizes = [256, 32], strides = [1, 1]} : vector<256x384xf32> to vector<256x32xf32>
    %mul3A_178 = vector.broadcast %broadcast_in_dim3A_176 : vector<256x1xf32> to vector<256x32xf32>
    %mul3A_179 = arith.mulf %mul3A_178, %slice3A_177 : vector<256x32xf32>
    %add3A_180 = arith.addf %add3A_173, %mul3A_179 : vector<256x32xf32>
    %slice3A_181 = vector.extract_strided_slice %get3A_10 {offsets = [0, 61], sizes = [256, 1], strides = [1, 1]} : vector<256x81xf32> to vector<256x1xf32>
    %squeeze3A_182 = vector.shape_cast %slice3A_181 : vector<256x1xf32> to vector<256xf32>
    %broadcast_in_dim3A_183 = vector.shape_cast %squeeze3A_182 : vector<256xf32> to vector<256x1xf32>
    %slice3A_184 = vector.extract_strided_slice %get3A_1 {offsets = [0, 224], sizes = [256, 32], strides = [1, 1]} : vector<256x384xf32> to vector<256x32xf32>
    %mul3A_185 = vector.broadcast %broadcast_in_dim3A_183 : vector<256x1xf32> to vector<256x32xf32>
    %mul3A_186 = arith.mulf %mul3A_185, %slice3A_184 : vector<256x32xf32>
    %add3A_187 = arith.addf %add3A_180, %mul3A_186 : vector<256x32xf32>
    %slice3A_188 = vector.extract_strided_slice %get3A_10 {offsets = [0, 62], sizes = [256, 1], strides = [1, 1]} : vector<256x81xf32> to vector<256x1xf32>
    %squeeze3A_189 = vector.shape_cast %slice3A_188 : vector<256x1xf32> to vector<256xf32>
    %broadcast_in_dim3A_190 = vector.shape_cast %squeeze3A_189 : vector<256xf32> to vector<256x1xf32>
    %slice3A_191 = vector.extract_strided_slice %get3A_1 {offsets = [0, 256], sizes = [256, 32], strides = [1, 1]} : vector<256x384xf32> to vector<256x32xf32>
    %mul3A_192 = vector.broadcast %broadcast_in_dim3A_190 : vector<256x1xf32> to vector<256x32xf32>
    %mul3A_193 = arith.mulf %mul3A_192, %slice3A_191 : vector<256x32xf32>
    %add3A_194 = arith.addf %add3A_187, %mul3A_193 : vector<256x32xf32>
    %slice3A_195 = vector.extract_strided_slice %get3A_10 {offsets = [0, 27], sizes = [256, 1], strides = [1, 1]} : vector<256x81xf32> to vector<256x1xf32>
    %squeeze3A_196 = vector.shape_cast %slice3A_195 : vector<256x1xf32> to vector<256xf32>
    %broadcast_in_dim3A_197 = vector.shape_cast %squeeze3A_196 : vector<256xf32> to vector<256x1xf32>
    %slice3A_198 = vector.extract_strided_slice %get3A_1 {offsets = [0, 0], sizes = [256, 32], strides = [1, 1]} : vector<256x384xf32> to vector<256x32xf32>
    %mul3A_199 = vector.broadcast %broadcast_in_dim3A_197 : vector<256x1xf32> to vector<256x32xf32>
    %mul3A_200 = arith.mulf %mul3A_199, %slice3A_198 : vector<256x32xf32>
    %slice3A_201 = vector.extract_strided_slice %get3A_10 {offsets = [0, 28], sizes = [256, 1], strides = [1, 1]} : vector<256x81xf32> to vector<256x1xf32>
    %squeeze3A_202 = vector.shape_cast %slice3A_201 : vector<256x1xf32> to vector<256xf32>
    %broadcast_in_dim3A_203 = vector.shape_cast %squeeze3A_202 : vector<256xf32> to vector<256x1xf32>
    %slice3A_204 = vector.extract_strided_slice %get3A_1 {offsets = [0, 32], sizes = [256, 32], strides = [1, 1]} : vector<256x384xf32> to vector<256x32xf32>
    %mul3A_205 = vector.broadcast %broadcast_in_dim3A_203 : vector<256x1xf32> to vector<256x32xf32>
    %mul3A_206 = arith.mulf %mul3A_205, %slice3A_204 : vector<256x32xf32>
    %add3A_207 = arith.addf %mul3A_200, %mul3A_206 : vector<256x32xf32>
    %slice3A_208 = vector.extract_strided_slice %get3A_10 {offsets = [0, 29], sizes = [256, 1], strides = [1, 1]} : vector<256x81xf32> to vector<256x1xf32>
    %squeeze3A_209 = vector.shape_cast %slice3A_208 : vector<256x1xf32> to vector<256xf32>
    %broadcast_in_dim3A_210 = vector.shape_cast %squeeze3A_209 : vector<256xf32> to vector<256x1xf32>
    %slice3A_211 = vector.extract_strided_slice %get3A_1 {offsets = [0, 64], sizes = [256, 32], strides = [1, 1]} : vector<256x384xf32> to vector<256x32xf32>
    %mul3A_212 = vector.broadcast %broadcast_in_dim3A_210 : vector<256x1xf32> to vector<256x32xf32>
    %mul3A_213 = arith.mulf %mul3A_212, %slice3A_211 : vector<256x32xf32>
    %add3A_214 = arith.addf %add3A_207, %mul3A_213 : vector<256x32xf32>
    %slice3A_215 = vector.extract_strided_slice %get3A_10 {offsets = [0, 30], sizes = [256, 1], strides = [1, 1]} : vector<256x81xf32> to vector<256x1xf32>
    %squeeze3A_216 = vector.shape_cast %slice3A_215 : vector<256x1xf32> to vector<256xf32>
    %broadcast_in_dim3A_217 = vector.shape_cast %squeeze3A_216 : vector<256xf32> to vector<256x1xf32>
    %slice3A_218 = vector.extract_strided_slice %get3A_1 {offsets = [0, 96], sizes = [256, 32], strides = [1, 1]} : vector<256x384xf32> to vector<256x32xf32>
    %mul3A_219 = vector.broadcast %broadcast_in_dim3A_217 : vector<256x1xf32> to vector<256x32xf32>
    %mul3A_220 = arith.mulf %mul3A_219, %slice3A_218 : vector<256x32xf32>
    %add3A_221 = arith.addf %add3A_214, %mul3A_220 : vector<256x32xf32>
    %slice3A_222 = vector.extract_strided_slice %get3A_10 {offsets = [0, 31], sizes = [256, 1], strides = [1, 1]} : vector<256x81xf32> to vector<256x1xf32>
    %squeeze3A_223 = vector.shape_cast %slice3A_222 : vector<256x1xf32> to vector<256xf32>
    %broadcast_in_dim3A_224 = vector.shape_cast %squeeze3A_223 : vector<256xf32> to vector<256x1xf32>
    %slice3A_225 = vector.extract_strided_slice %get3A_1 {offsets = [0, 128], sizes = [256, 32], strides = [1, 1]} : vector<256x384xf32> to vector<256x32xf32>
    %mul3A_226 = vector.broadcast %broadcast_in_dim3A_224 : vector<256x1xf32> to vector<256x32xf32>
    %mul3A_227 = arith.mulf %mul3A_226, %slice3A_225 : vector<256x32xf32>
    %add3A_228 = arith.addf %add3A_221, %mul3A_227 : vector<256x32xf32>
    %slice3A_229 = vector.extract_strided_slice %get3A_10 {offsets = [0, 32], sizes = [256, 1], strides = [1, 1]} : vector<256x81xf32> to vector<256x1xf32>
    %squeeze3A_230 = vector.shape_cast %slice3A_229 : vector<256x1xf32> to vector<256xf32>
    %broadcast_in_dim3A_231 = vector.shape_cast %squeeze3A_230 : vector<256xf32> to vector<256x1xf32>
    %slice3A_232 = vector.extract_strided_slice %get3A_1 {offsets = [0, 160], sizes = [256, 32], strides = [1, 1]} : vector<256x384xf32> to vector<256x32xf32>
    %mul3A_233 = vector.broadcast %broadcast_in_dim3A_231 : vector<256x1xf32> to vector<256x32xf32>
    %mul3A_234 = arith.mulf %mul3A_233, %slice3A_232 : vector<256x32xf32>
    %add3A_235 = arith.addf %add3A_228, %mul3A_234 : vector<256x32xf32>
    %slice3A_236 = vector.extract_strided_slice %get3A_10 {offsets = [0, 33], sizes = [256, 1], strides = [1, 1]} : vector<256x81xf32> to vector<256x1xf32>
    %squeeze3A_237 = vector.shape_cast %slice3A_236 : vector<256x1xf32> to vector<256xf32>
    %broadcast_in_dim3A_238 = vector.shape_cast %squeeze3A_237 : vector<256xf32> to vector<256x1xf32>
    %slice3A_239 = vector.extract_strided_slice %get3A_1 {offsets = [0, 192], sizes = [256, 32], strides = [1, 1]} : vector<256x384xf32> to vector<256x32xf32>
    %mul3A_240 = vector.broadcast %broadcast_in_dim3A_238 : vector<256x1xf32> to vector<256x32xf32>
    %mul3A_241 = arith.mulf %mul3A_240, %slice3A_239 : vector<256x32xf32>
    %add3A_242 = arith.addf %add3A_235, %mul3A_241 : vector<256x32xf32>
    %slice3A_243 = vector.extract_strided_slice %get3A_10 {offsets = [0, 34], sizes = [256, 1], strides = [1, 1]} : vector<256x81xf32> to vector<256x1xf32>
    %squeeze3A_244 = vector.shape_cast %slice3A_243 : vector<256x1xf32> to vector<256xf32>
    %broadcast_in_dim3A_245 = vector.shape_cast %squeeze3A_244 : vector<256xf32> to vector<256x1xf32>
    %slice3A_246 = vector.extract_strided_slice %get3A_1 {offsets = [0, 224], sizes = [256, 32], strides = [1, 1]} : vector<256x384xf32> to vector<256x32xf32>
    %mul3A_247 = vector.broadcast %broadcast_in_dim3A_245 : vector<256x1xf32> to vector<256x32xf32>
    %mul3A_248 = arith.mulf %mul3A_247, %slice3A_246 : vector<256x32xf32>
    %add3A_249 = arith.addf %add3A_242, %mul3A_248 : vector<256x32xf32>
    %slice3A_250 = vector.extract_strided_slice %get3A_10 {offsets = [0, 35], sizes = [256, 1], strides = [1, 1]} : vector<256x81xf32> to vector<256x1xf32>
    %squeeze3A_251 = vector.shape_cast %slice3A_250 : vector<256x1xf32> to vector<256xf32>
    %broadcast_in_dim3A_252 = vector.shape_cast %squeeze3A_251 : vector<256xf32> to vector<256x1xf32>
    %slice3A_253 = vector.extract_strided_slice %get3A_1 {offsets = [0, 256], sizes = [256, 32], strides = [1, 1]} : vector<256x384xf32> to vector<256x32xf32>
    %mul3A_254 = vector.broadcast %broadcast_in_dim3A_252 : vector<256x1xf32> to vector<256x32xf32>
    %mul3A_255 = arith.mulf %mul3A_254, %slice3A_253 : vector<256x32xf32>
    %add3A_256 = arith.addf %add3A_249, %mul3A_255 : vector<256x32xf32>
    %slice3A_257 = vector.extract_strided_slice %get3A_10 {offsets = [0, 63], sizes = [256, 1], strides = [1, 1]} : vector<256x81xf32> to vector<256x1xf32>
    %squeeze3A_258 = vector.shape_cast %slice3A_257 : vector<256x1xf32> to vector<256xf32>
    %broadcast_in_dim3A_259 = vector.shape_cast %squeeze3A_258 : vector<256xf32> to vector<256x1xf32>
    %slice3A_260 = vector.extract_strided_slice %get3A_1 {offsets = [0, 0], sizes = [256, 32], strides = [1, 1]} : vector<256x384xf32> to vector<256x32xf32>
    %mul3A_261 = vector.broadcast %broadcast_in_dim3A_259 : vector<256x1xf32> to vector<256x32xf32>
    %mul3A_262 = arith.mulf %mul3A_261, %slice3A_260 : vector<256x32xf32>
    %slice3A_263 = vector.extract_strided_slice %get3A_10 {offsets = [0, 64], sizes = [256, 1], strides = [1, 1]} : vector<256x81xf32> to vector<256x1xf32>
    %squeeze3A_264 = vector.shape_cast %slice3A_263 : vector<256x1xf32> to vector<256xf32>
    %broadcast_in_dim3A_265 = vector.shape_cast %squeeze3A_264 : vector<256xf32> to vector<256x1xf32>
    %slice3A_266 = vector.extract_strided_slice %get3A_1 {offsets = [0, 32], sizes = [256, 32], strides = [1, 1]} : vector<256x384xf32> to vector<256x32xf32>
    %mul3A_267 = vector.broadcast %broadcast_in_dim3A_265 : vector<256x1xf32> to vector<256x32xf32>
    %mul3A_268 = arith.mulf %mul3A_267, %slice3A_266 : vector<256x32xf32>
    %add3A_269 = arith.addf %mul3A_262, %mul3A_268 : vector<256x32xf32>
    %slice3A_270 = vector.extract_strided_slice %get3A_10 {offsets = [0, 65], sizes = [256, 1], strides = [1, 1]} : vector<256x81xf32> to vector<256x1xf32>
    %squeeze3A_271 = vector.shape_cast %slice3A_270 : vector<256x1xf32> to vector<256xf32>
    %broadcast_in_dim3A_272 = vector.shape_cast %squeeze3A_271 : vector<256xf32> to vector<256x1xf32>
    %slice3A_273 = vector.extract_strided_slice %get3A_1 {offsets = [0, 64], sizes = [256, 32], strides = [1, 1]} : vector<256x384xf32> to vector<256x32xf32>
    %mul3A_274 = vector.broadcast %broadcast_in_dim3A_272 : vector<256x1xf32> to vector<256x32xf32>
    %mul3A_275 = arith.mulf %mul3A_274, %slice3A_273 : vector<256x32xf32>
    %add3A_276 = arith.addf %add3A_269, %mul3A_275 : vector<256x32xf32>
    %slice3A_277 = vector.extract_strided_slice %get3A_10 {offsets = [0, 66], sizes = [256, 1], strides = [1, 1]} : vector<256x81xf32> to vector<256x1xf32>
    %squeeze3A_278 = vector.shape_cast %slice3A_277 : vector<256x1xf32> to vector<256xf32>
    %broadcast_in_dim3A_279 = vector.shape_cast %squeeze3A_278 : vector<256xf32> to vector<256x1xf32>
    %slice3A_280 = vector.extract_strided_slice %get3A_1 {offsets = [0, 96], sizes = [256, 32], strides = [1, 1]} : vector<256x384xf32> to vector<256x32xf32>
    %mul3A_281 = vector.broadcast %broadcast_in_dim3A_279 : vector<256x1xf32> to vector<256x32xf32>
    %mul3A_282 = arith.mulf %mul3A_281, %slice3A_280 : vector<256x32xf32>
    %add3A_283 = arith.addf %add3A_276, %mul3A_282 : vector<256x32xf32>
    %slice3A_284 = vector.extract_strided_slice %get3A_10 {offsets = [0, 67], sizes = [256, 1], strides = [1, 1]} : vector<256x81xf32> to vector<256x1xf32>
    %squeeze3A_285 = vector.shape_cast %slice3A_284 : vector<256x1xf32> to vector<256xf32>
    %broadcast_in_dim3A_286 = vector.shape_cast %squeeze3A_285 : vector<256xf32> to vector<256x1xf32>
    %slice3A_287 = vector.extract_strided_slice %get3A_1 {offsets = [0, 128], sizes = [256, 32], strides = [1, 1]} : vector<256x384xf32> to vector<256x32xf32>
    %mul3A_288 = vector.broadcast %broadcast_in_dim3A_286 : vector<256x1xf32> to vector<256x32xf32>
    %mul3A_289 = arith.mulf %mul3A_288, %slice3A_287 : vector<256x32xf32>
    %add3A_290 = arith.addf %add3A_283, %mul3A_289 : vector<256x32xf32>
    %slice3A_291 = vector.extract_strided_slice %get3A_10 {offsets = [0, 68], sizes = [256, 1], strides = [1, 1]} : vector<256x81xf32> to vector<256x1xf32>
    %squeeze3A_292 = vector.shape_cast %slice3A_291 : vector<256x1xf32> to vector<256xf32>
    %broadcast_in_dim3A_293 = vector.shape_cast %squeeze3A_292 : vector<256xf32> to vector<256x1xf32>
    %slice3A_294 = vector.extract_strided_slice %get3A_1 {offsets = [0, 160], sizes = [256, 32], strides = [1, 1]} : vector<256x384xf32> to vector<256x32xf32>
    %mul3A_295 = vector.broadcast %broadcast_in_dim3A_293 : vector<256x1xf32> to vector<256x32xf32>
    %mul3A_296 = arith.mulf %mul3A_295, %slice3A_294 : vector<256x32xf32>
    %add3A_297 = arith.addf %add3A_290, %mul3A_296 : vector<256x32xf32>
    %slice3A_298 = vector.extract_strided_slice %get3A_10 {offsets = [0, 69], sizes = [256, 1], strides = [1, 1]} : vector<256x81xf32> to vector<256x1xf32>
    %squeeze3A_299 = vector.shape_cast %slice3A_298 : vector<256x1xf32> to vector<256xf32>
    %broadcast_in_dim3A_300 = vector.shape_cast %squeeze3A_299 : vector<256xf32> to vector<256x1xf32>
    %slice3A_301 = vector.extract_strided_slice %get3A_1 {offsets = [0, 192], sizes = [256, 32], strides = [1, 1]} : vector<256x384xf32> to vector<256x32xf32>
    %mul3A_302 = vector.broadcast %broadcast_in_dim3A_300 : vector<256x1xf32> to vector<256x32xf32>
    %mul3A_303 = arith.mulf %mul3A_302, %slice3A_301 : vector<256x32xf32>
    %add3A_304 = arith.addf %add3A_297, %mul3A_303 : vector<256x32xf32>
    %slice3A_305 = vector.extract_strided_slice %get3A_10 {offsets = [0, 70], sizes = [256, 1], strides = [1, 1]} : vector<256x81xf32> to vector<256x1xf32>
    %squeeze3A_306 = vector.shape_cast %slice3A_305 : vector<256x1xf32> to vector<256xf32>
    %broadcast_in_dim3A_307 = vector.shape_cast %squeeze3A_306 : vector<256xf32> to vector<256x1xf32>
    %slice3A_308 = vector.extract_strided_slice %get3A_1 {offsets = [0, 224], sizes = [256, 32], strides = [1, 1]} : vector<256x384xf32> to vector<256x32xf32>
    %mul3A_309 = vector.broadcast %broadcast_in_dim3A_307 : vector<256x1xf32> to vector<256x32xf32>
    %mul3A_310 = arith.mulf %mul3A_309, %slice3A_308 : vector<256x32xf32>
    %add3A_311 = arith.addf %add3A_304, %mul3A_310 : vector<256x32xf32>
    %slice3A_312 = vector.extract_strided_slice %get3A_10 {offsets = [0, 71], sizes = [256, 1], strides = [1, 1]} : vector<256x81xf32> to vector<256x1xf32>
    %squeeze3A_313 = vector.shape_cast %slice3A_312 : vector<256x1xf32> to vector<256xf32>
    %broadcast_in_dim3A_314 = vector.shape_cast %squeeze3A_313 : vector<256xf32> to vector<256x1xf32>
    %slice3A_315 = vector.extract_strided_slice %get3A_1 {offsets = [0, 256], sizes = [256, 32], strides = [1, 1]} : vector<256x384xf32> to vector<256x32xf32>
    %mul3A_316 = vector.broadcast %broadcast_in_dim3A_314 : vector<256x1xf32> to vector<256x32xf32>
    %mul3A_317 = arith.mulf %mul3A_316, %slice3A_315 : vector<256x32xf32>
    %add3A_318 = arith.addf %add3A_311, %mul3A_317 : vector<256x32xf32>
    %slice3A_319 = vector.extract_strided_slice %get3A_10 {offsets = [0, 9], sizes = [256, 1], strides = [1, 1]} : vector<256x81xf32> to vector<256x1xf32>
    %squeeze3A_320 = vector.shape_cast %slice3A_319 : vector<256x1xf32> to vector<256xf32>
    %broadcast_in_dim3A_321 = vector.shape_cast %squeeze3A_320 : vector<256xf32> to vector<256x1xf32>
    %slice3A_322 = vector.extract_strided_slice %get3A_1 {offsets = [0, 0], sizes = [256, 32], strides = [1, 1]} : vector<256x384xf32> to vector<256x32xf32>
    %mul3A_323 = vector.broadcast %broadcast_in_dim3A_321 : vector<256x1xf32> to vector<256x32xf32>
    %mul3A_324 = arith.mulf %mul3A_323, %slice3A_322 : vector<256x32xf32>
    %slice3A_325 = vector.extract_strided_slice %get3A_10 {offsets = [0, 10], sizes = [256, 1], strides = [1, 1]} : vector<256x81xf32> to vector<256x1xf32>
    %squeeze3A_326 = vector.shape_cast %slice3A_325 : vector<256x1xf32> to vector<256xf32>
    %broadcast_in_dim3A_327 = vector.shape_cast %squeeze3A_326 : vector<256xf32> to vector<256x1xf32>
    %slice3A_328 = vector.extract_strided_slice %get3A_1 {offsets = [0, 32], sizes = [256, 32], strides = [1, 1]} : vector<256x384xf32> to vector<256x32xf32>
    %mul3A_329 = vector.broadcast %broadcast_in_dim3A_327 : vector<256x1xf32> to vector<256x32xf32>
    %mul3A_330 = arith.mulf %mul3A_329, %slice3A_328 : vector<256x32xf32>
    %add3A_331 = arith.addf %mul3A_324, %mul3A_330 : vector<256x32xf32>
    %slice3A_332 = vector.extract_strided_slice %get3A_10 {offsets = [0, 11], sizes = [256, 1], strides = [1, 1]} : vector<256x81xf32> to vector<256x1xf32>
    %squeeze3A_333 = vector.shape_cast %slice3A_332 : vector<256x1xf32> to vector<256xf32>
    %broadcast_in_dim3A_334 = vector.shape_cast %squeeze3A_333 : vector<256xf32> to vector<256x1xf32>
    %slice3A_335 = vector.extract_strided_slice %get3A_1 {offsets = [0, 64], sizes = [256, 32], strides = [1, 1]} : vector<256x384xf32> to vector<256x32xf32>
    %mul3A_336 = vector.broadcast %broadcast_in_dim3A_334 : vector<256x1xf32> to vector<256x32xf32>
    %mul3A_337 = arith.mulf %mul3A_336, %slice3A_335 : vector<256x32xf32>
    %add3A_338 = arith.addf %add3A_331, %mul3A_337 : vector<256x32xf32>
    %slice3A_339 = vector.extract_strided_slice %get3A_10 {offsets = [0, 12], sizes = [256, 1], strides = [1, 1]} : vector<256x81xf32> to vector<256x1xf32>
    %squeeze3A_340 = vector.shape_cast %slice3A_339 : vector<256x1xf32> to vector<256xf32>
    %broadcast_in_dim3A_341 = vector.shape_cast %squeeze3A_340 : vector<256xf32> to vector<256x1xf32>
    %slice3A_342 = vector.extract_strided_slice %get3A_1 {offsets = [0, 96], sizes = [256, 32], strides = [1, 1]} : vector<256x384xf32> to vector<256x32xf32>
    %mul3A_343 = vector.broadcast %broadcast_in_dim3A_341 : vector<256x1xf32> to vector<256x32xf32>
    %mul3A_344 = arith.mulf %mul3A_343, %slice3A_342 : vector<256x32xf32>
    %add3A_345 = arith.addf %add3A_338, %mul3A_344 : vector<256x32xf32>
    %slice3A_346 = vector.extract_strided_slice %get3A_10 {offsets = [0, 13], sizes = [256, 1], strides = [1, 1]} : vector<256x81xf32> to vector<256x1xf32>
    %squeeze3A_347 = vector.shape_cast %slice3A_346 : vector<256x1xf32> to vector<256xf32>
    %broadcast_in_dim3A_348 = vector.shape_cast %squeeze3A_347 : vector<256xf32> to vector<256x1xf32>
    %slice3A_349 = vector.extract_strided_slice %get3A_1 {offsets = [0, 128], sizes = [256, 32], strides = [1, 1]} : vector<256x384xf32> to vector<256x32xf32>
    %mul3A_350 = vector.broadcast %broadcast_in_dim3A_348 : vector<256x1xf32> to vector<256x32xf32>
    %mul3A_351 = arith.mulf %mul3A_350, %slice3A_349 : vector<256x32xf32>
    %add3A_352 = arith.addf %add3A_345, %mul3A_351 : vector<256x32xf32>
    %slice3A_353 = vector.extract_strided_slice %get3A_10 {offsets = [0, 14], sizes = [256, 1], strides = [1, 1]} : vector<256x81xf32> to vector<256x1xf32>
    %squeeze3A_354 = vector.shape_cast %slice3A_353 : vector<256x1xf32> to vector<256xf32>
    %broadcast_in_dim3A_355 = vector.shape_cast %squeeze3A_354 : vector<256xf32> to vector<256x1xf32>
    %slice3A_356 = vector.extract_strided_slice %get3A_1 {offsets = [0, 160], sizes = [256, 32], strides = [1, 1]} : vector<256x384xf32> to vector<256x32xf32>
    %mul3A_357 = vector.broadcast %broadcast_in_dim3A_355 : vector<256x1xf32> to vector<256x32xf32>
    %mul3A_358 = arith.mulf %mul3A_357, %slice3A_356 : vector<256x32xf32>
    %add3A_359 = arith.addf %add3A_352, %mul3A_358 : vector<256x32xf32>
    %slice3A_360 = vector.extract_strided_slice %get3A_10 {offsets = [0, 15], sizes = [256, 1], strides = [1, 1]} : vector<256x81xf32> to vector<256x1xf32>
    %squeeze3A_361 = vector.shape_cast %slice3A_360 : vector<256x1xf32> to vector<256xf32>
    %broadcast_in_dim3A_362 = vector.shape_cast %squeeze3A_361 : vector<256xf32> to vector<256x1xf32>
    %slice3A_363 = vector.extract_strided_slice %get3A_1 {offsets = [0, 192], sizes = [256, 32], strides = [1, 1]} : vector<256x384xf32> to vector<256x32xf32>
    %mul3A_364 = vector.broadcast %broadcast_in_dim3A_362 : vector<256x1xf32> to vector<256x32xf32>
    %mul3A_365 = arith.mulf %mul3A_364, %slice3A_363 : vector<256x32xf32>
    %add3A_366 = arith.addf %add3A_359, %mul3A_365 : vector<256x32xf32>
    %slice3A_367 = vector.extract_strided_slice %get3A_10 {offsets = [0, 16], sizes = [256, 1], strides = [1, 1]} : vector<256x81xf32> to vector<256x1xf32>
    %squeeze3A_368 = vector.shape_cast %slice3A_367 : vector<256x1xf32> to vector<256xf32>
    %broadcast_in_dim3A_369 = vector.shape_cast %squeeze3A_368 : vector<256xf32> to vector<256x1xf32>
    %slice3A_370 = vector.extract_strided_slice %get3A_1 {offsets = [0, 224], sizes = [256, 32], strides = [1, 1]} : vector<256x384xf32> to vector<256x32xf32>
    %mul3A_371 = vector.broadcast %broadcast_in_dim3A_369 : vector<256x1xf32> to vector<256x32xf32>
    %mul3A_372 = arith.mulf %mul3A_371, %slice3A_370 : vector<256x32xf32>
    %add3A_373 = arith.addf %add3A_366, %mul3A_372 : vector<256x32xf32>
    %slice3A_374 = vector.extract_strided_slice %get3A_10 {offsets = [0, 17], sizes = [256, 1], strides = [1, 1]} : vector<256x81xf32> to vector<256x1xf32>
    %squeeze3A_375 = vector.shape_cast %slice3A_374 : vector<256x1xf32> to vector<256xf32>
    %broadcast_in_dim3A_376 = vector.shape_cast %squeeze3A_375 : vector<256xf32> to vector<256x1xf32>
    %slice3A_377 = vector.extract_strided_slice %get3A_1 {offsets = [0, 256], sizes = [256, 32], strides = [1, 1]} : vector<256x384xf32> to vector<256x32xf32>
    %mul3A_378 = vector.broadcast %broadcast_in_dim3A_376 : vector<256x1xf32> to vector<256x32xf32>
    %mul3A_379 = arith.mulf %mul3A_378, %slice3A_377 : vector<256x32xf32>
    %add3A_380 = arith.addf %add3A_373, %mul3A_379 : vector<256x32xf32>
    %slice3A_381 = vector.extract_strided_slice %get3A_10 {offsets = [0, 45], sizes = [256, 1], strides = [1, 1]} : vector<256x81xf32> to vector<256x1xf32>
    %squeeze3A_382 = vector.shape_cast %slice3A_381 : vector<256x1xf32> to vector<256xf32>
    %broadcast_in_dim3A_383 = vector.shape_cast %squeeze3A_382 : vector<256xf32> to vector<256x1xf32>
    %slice3A_384 = vector.extract_strided_slice %get3A_1 {offsets = [0, 0], sizes = [256, 32], strides = [1, 1]} : vector<256x384xf32> to vector<256x32xf32>
    %mul3A_385 = vector.broadcast %broadcast_in_dim3A_383 : vector<256x1xf32> to vector<256x32xf32>
    %mul3A_386 = arith.mulf %mul3A_385, %slice3A_384 : vector<256x32xf32>
    %slice3A_387 = vector.extract_strided_slice %get3A_10 {offsets = [0, 46], sizes = [256, 1], strides = [1, 1]} : vector<256x81xf32> to vector<256x1xf32>
    %squeeze3A_388 = vector.shape_cast %slice3A_387 : vector<256x1xf32> to vector<256xf32>
    %broadcast_in_dim3A_389 = vector.shape_cast %squeeze3A_388 : vector<256xf32> to vector<256x1xf32>
    %slice3A_390 = vector.extract_strided_slice %get3A_1 {offsets = [0, 32], sizes = [256, 32], strides = [1, 1]} : vector<256x384xf32> to vector<256x32xf32>
    %mul3A_391 = vector.broadcast %broadcast_in_dim3A_389 : vector<256x1xf32> to vector<256x32xf32>
    %mul3A_392 = arith.mulf %mul3A_391, %slice3A_390 : vector<256x32xf32>
    %add3A_393 = arith.addf %mul3A_386, %mul3A_392 : vector<256x32xf32>
    %slice3A_394 = vector.extract_strided_slice %get3A_10 {offsets = [0, 47], sizes = [256, 1], strides = [1, 1]} : vector<256x81xf32> to vector<256x1xf32>
    %squeeze3A_395 = vector.shape_cast %slice3A_394 : vector<256x1xf32> to vector<256xf32>
    %broadcast_in_dim3A_396 = vector.shape_cast %squeeze3A_395 : vector<256xf32> to vector<256x1xf32>
    %slice3A_397 = vector.extract_strided_slice %get3A_1 {offsets = [0, 64], sizes = [256, 32], strides = [1, 1]} : vector<256x384xf32> to vector<256x32xf32>
    %mul3A_398 = vector.broadcast %broadcast_in_dim3A_396 : vector<256x1xf32> to vector<256x32xf32>
    %mul3A_399 = arith.mulf %mul3A_398, %slice3A_397 : vector<256x32xf32>
    %add3A_400 = arith.addf %add3A_393, %mul3A_399 : vector<256x32xf32>
    %slice3A_401 = vector.extract_strided_slice %get3A_10 {offsets = [0, 48], sizes = [256, 1], strides = [1, 1]} : vector<256x81xf32> to vector<256x1xf32>
    %squeeze3A_402 = vector.shape_cast %slice3A_401 : vector<256x1xf32> to vector<256xf32>
    %broadcast_in_dim3A_403 = vector.shape_cast %squeeze3A_402 : vector<256xf32> to vector<256x1xf32>
    %slice3A_404 = vector.extract_strided_slice %get3A_1 {offsets = [0, 96], sizes = [256, 32], strides = [1, 1]} : vector<256x384xf32> to vector<256x32xf32>
    %mul3A_405 = vector.broadcast %broadcast_in_dim3A_403 : vector<256x1xf32> to vector<256x32xf32>
    %mul3A_406 = arith.mulf %mul3A_405, %slice3A_404 : vector<256x32xf32>
    %add3A_407 = arith.addf %add3A_400, %mul3A_406 : vector<256x32xf32>
    %slice3A_408 = vector.extract_strided_slice %get3A_10 {offsets = [0, 49], sizes = [256, 1], strides = [1, 1]} : vector<256x81xf32> to vector<256x1xf32>
    %squeeze3A_409 = vector.shape_cast %slice3A_408 : vector<256x1xf32> to vector<256xf32>
    %broadcast_in_dim3A_410 = vector.shape_cast %squeeze3A_409 : vector<256xf32> to vector<256x1xf32>
    %slice3A_411 = vector.extract_strided_slice %get3A_1 {offsets = [0, 128], sizes = [256, 32], strides = [1, 1]} : vector<256x384xf32> to vector<256x32xf32>
    %mul3A_412 = vector.broadcast %broadcast_in_dim3A_410 : vector<256x1xf32> to vector<256x32xf32>
    %mul3A_413 = arith.mulf %mul3A_412, %slice3A_411 : vector<256x32xf32>
    %add3A_414 = arith.addf %add3A_407, %mul3A_413 : vector<256x32xf32>
    %slice3A_415 = vector.extract_strided_slice %get3A_10 {offsets = [0, 50], sizes = [256, 1], strides = [1, 1]} : vector<256x81xf32> to vector<256x1xf32>
    %squeeze3A_416 = vector.shape_cast %slice3A_415 : vector<256x1xf32> to vector<256xf32>
    %broadcast_in_dim3A_417 = vector.shape_cast %squeeze3A_416 : vector<256xf32> to vector<256x1xf32>
    %slice3A_418 = vector.extract_strided_slice %get3A_1 {offsets = [0, 160], sizes = [256, 32], strides = [1, 1]} : vector<256x384xf32> to vector<256x32xf32>
    %mul3A_419 = vector.broadcast %broadcast_in_dim3A_417 : vector<256x1xf32> to vector<256x32xf32>
    %mul3A_420 = arith.mulf %mul3A_419, %slice3A_418 : vector<256x32xf32>
    %add3A_421 = arith.addf %add3A_414, %mul3A_420 : vector<256x32xf32>
    %slice3A_422 = vector.extract_strided_slice %get3A_10 {offsets = [0, 51], sizes = [256, 1], strides = [1, 1]} : vector<256x81xf32> to vector<256x1xf32>
    %squeeze3A_423 = vector.shape_cast %slice3A_422 : vector<256x1xf32> to vector<256xf32>
    %broadcast_in_dim3A_424 = vector.shape_cast %squeeze3A_423 : vector<256xf32> to vector<256x1xf32>
    %slice3A_425 = vector.extract_strided_slice %get3A_1 {offsets = [0, 192], sizes = [256, 32], strides = [1, 1]} : vector<256x384xf32> to vector<256x32xf32>
    %mul3A_426 = vector.broadcast %broadcast_in_dim3A_424 : vector<256x1xf32> to vector<256x32xf32>
    %mul3A_427 = arith.mulf %mul3A_426, %slice3A_425 : vector<256x32xf32>
    %add3A_428 = arith.addf %add3A_421, %mul3A_427 : vector<256x32xf32>
    %slice3A_429 = vector.extract_strided_slice %get3A_10 {offsets = [0, 52], sizes = [256, 1], strides = [1, 1]} : vector<256x81xf32> to vector<256x1xf32>
    %squeeze3A_430 = vector.shape_cast %slice3A_429 : vector<256x1xf32> to vector<256xf32>
    %broadcast_in_dim3A_431 = vector.shape_cast %squeeze3A_430 : vector<256xf32> to vector<256x1xf32>
    %slice3A_432 = vector.extract_strided_slice %get3A_1 {offsets = [0, 224], sizes = [256, 32], strides = [1, 1]} : vector<256x384xf32> to vector<256x32xf32>
    %mul3A_433 = vector.broadcast %broadcast_in_dim3A_431 : vector<256x1xf32> to vector<256x32xf32>
    %mul3A_434 = arith.mulf %mul3A_433, %slice3A_432 : vector<256x32xf32>
    %add3A_435 = arith.addf %add3A_428, %mul3A_434 : vector<256x32xf32>
    %slice3A_436 = vector.extract_strided_slice %get3A_10 {offsets = [0, 53], sizes = [256, 1], strides = [1, 1]} : vector<256x81xf32> to vector<256x1xf32>
    %squeeze3A_437 = vector.shape_cast %slice3A_436 : vector<256x1xf32> to vector<256xf32>
    %broadcast_in_dim3A_438 = vector.shape_cast %squeeze3A_437 : vector<256xf32> to vector<256x1xf32>
    %slice3A_439 = vector.extract_strided_slice %get3A_1 {offsets = [0, 256], sizes = [256, 32], strides = [1, 1]} : vector<256x384xf32> to vector<256x32xf32>
    %mul3A_440 = vector.broadcast %broadcast_in_dim3A_438 : vector<256x1xf32> to vector<256x32xf32>
    %mul3A_441 = arith.mulf %mul3A_440, %slice3A_439 : vector<256x32xf32>
    %add3A_442 = arith.addf %add3A_435, %mul3A_441 : vector<256x32xf32>
    %slice3A_443 = vector.extract_strided_slice %get3A_10 {offsets = [0, 72], sizes = [256, 1], strides = [1, 1]} : vector<256x81xf32> to vector<256x1xf32>
    %squeeze3A_444 = vector.shape_cast %slice3A_443 : vector<256x1xf32> to vector<256xf32>
    %broadcast_in_dim3A_445 = vector.shape_cast %squeeze3A_444 : vector<256xf32> to vector<256x1xf32>
    %slice3A_446 = vector.extract_strided_slice %get3A_1 {offsets = [0, 0], sizes = [256, 32], strides = [1, 1]} : vector<256x384xf32> to vector<256x32xf32>
    %mul3A_447 = vector.broadcast %broadcast_in_dim3A_445 : vector<256x1xf32> to vector<256x32xf32>
    %mul3A_448 = arith.mulf %mul3A_447, %slice3A_446 : vector<256x32xf32>
    %slice3A_449 = vector.extract_strided_slice %get3A_10 {offsets = [0, 73], sizes = [256, 1], strides = [1, 1]} : vector<256x81xf32> to vector<256x1xf32>
    %squeeze3A_450 = vector.shape_cast %slice3A_449 : vector<256x1xf32> to vector<256xf32>
    %broadcast_in_dim3A_451 = vector.shape_cast %squeeze3A_450 : vector<256xf32> to vector<256x1xf32>
    %slice3A_452 = vector.extract_strided_slice %get3A_1 {offsets = [0, 32], sizes = [256, 32], strides = [1, 1]} : vector<256x384xf32> to vector<256x32xf32>
    %mul3A_453 = vector.broadcast %broadcast_in_dim3A_451 : vector<256x1xf32> to vector<256x32xf32>
    %mul3A_454 = arith.mulf %mul3A_453, %slice3A_452 : vector<256x32xf32>
    %add3A_455 = arith.addf %mul3A_448, %mul3A_454 : vector<256x32xf32>
    %slice3A_456 = vector.extract_strided_slice %get3A_10 {offsets = [0, 74], sizes = [256, 1], strides = [1, 1]} : vector<256x81xf32> to vector<256x1xf32>
    %squeeze3A_457 = vector.shape_cast %slice3A_456 : vector<256x1xf32> to vector<256xf32>
    %broadcast_in_dim3A_458 = vector.shape_cast %squeeze3A_457 : vector<256xf32> to vector<256x1xf32>
    %slice3A_459 = vector.extract_strided_slice %get3A_1 {offsets = [0, 64], sizes = [256, 32], strides = [1, 1]} : vector<256x384xf32> to vector<256x32xf32>
    %mul3A_460 = vector.broadcast %broadcast_in_dim3A_458 : vector<256x1xf32> to vector<256x32xf32>
    %mul3A_461 = arith.mulf %mul3A_460, %slice3A_459 : vector<256x32xf32>
    %add3A_462 = arith.addf %add3A_455, %mul3A_461 : vector<256x32xf32>
    %slice3A_463 = vector.extract_strided_slice %get3A_10 {offsets = [0, 75], sizes = [256, 1], strides = [1, 1]} : vector<256x81xf32> to vector<256x1xf32>
    %squeeze3A_464 = vector.shape_cast %slice3A_463 : vector<256x1xf32> to vector<256xf32>
    %broadcast_in_dim3A_465 = vector.shape_cast %squeeze3A_464 : vector<256xf32> to vector<256x1xf32>
    %slice3A_466 = vector.extract_strided_slice %get3A_1 {offsets = [0, 96], sizes = [256, 32], strides = [1, 1]} : vector<256x384xf32> to vector<256x32xf32>
    %mul3A_467 = vector.broadcast %broadcast_in_dim3A_465 : vector<256x1xf32> to vector<256x32xf32>
    %mul3A_468 = arith.mulf %mul3A_467, %slice3A_466 : vector<256x32xf32>
    %add3A_469 = arith.addf %add3A_462, %mul3A_468 : vector<256x32xf32>
    %slice3A_470 = vector.extract_strided_slice %get3A_10 {offsets = [0, 76], sizes = [256, 1], strides = [1, 1]} : vector<256x81xf32> to vector<256x1xf32>
    %squeeze3A_471 = vector.shape_cast %slice3A_470 : vector<256x1xf32> to vector<256xf32>
    %broadcast_in_dim3A_472 = vector.shape_cast %squeeze3A_471 : vector<256xf32> to vector<256x1xf32>
    %slice3A_473 = vector.extract_strided_slice %get3A_1 {offsets = [0, 128], sizes = [256, 32], strides = [1, 1]} : vector<256x384xf32> to vector<256x32xf32>
    %mul3A_474 = vector.broadcast %broadcast_in_dim3A_472 : vector<256x1xf32> to vector<256x32xf32>
    %mul3A_475 = arith.mulf %mul3A_474, %slice3A_473 : vector<256x32xf32>
    %add3A_476 = arith.addf %add3A_469, %mul3A_475 : vector<256x32xf32>
    %slice3A_477 = vector.extract_strided_slice %get3A_10 {offsets = [0, 77], sizes = [256, 1], strides = [1, 1]} : vector<256x81xf32> to vector<256x1xf32>
    %squeeze3A_478 = vector.shape_cast %slice3A_477 : vector<256x1xf32> to vector<256xf32>
    %broadcast_in_dim3A_479 = vector.shape_cast %squeeze3A_478 : vector<256xf32> to vector<256x1xf32>
    %slice3A_480 = vector.extract_strided_slice %get3A_1 {offsets = [0, 160], sizes = [256, 32], strides = [1, 1]} : vector<256x384xf32> to vector<256x32xf32>
    %mul3A_481 = vector.broadcast %broadcast_in_dim3A_479 : vector<256x1xf32> to vector<256x32xf32>
    %mul3A_482 = arith.mulf %mul3A_481, %slice3A_480 : vector<256x32xf32>
    %add3A_483 = arith.addf %add3A_476, %mul3A_482 : vector<256x32xf32>
    %slice3A_484 = vector.extract_strided_slice %get3A_10 {offsets = [0, 78], sizes = [256, 1], strides = [1, 1]} : vector<256x81xf32> to vector<256x1xf32>
    %squeeze3A_485 = vector.shape_cast %slice3A_484 : vector<256x1xf32> to vector<256xf32>
    %broadcast_in_dim3A_486 = vector.shape_cast %squeeze3A_485 : vector<256xf32> to vector<256x1xf32>
    %slice3A_487 = vector.extract_strided_slice %get3A_1 {offsets = [0, 192], sizes = [256, 32], strides = [1, 1]} : vector<256x384xf32> to vector<256x32xf32>
    %mul3A_488 = vector.broadcast %broadcast_in_dim3A_486 : vector<256x1xf32> to vector<256x32xf32>
    %mul3A_489 = arith.mulf %mul3A_488, %slice3A_487 : vector<256x32xf32>
    %add3A_490 = arith.addf %add3A_483, %mul3A_489 : vector<256x32xf32>
    %slice3A_491 = vector.extract_strided_slice %get3A_10 {offsets = [0, 79], sizes = [256, 1], strides = [1, 1]} : vector<256x81xf32> to vector<256x1xf32>
    %squeeze3A_492 = vector.shape_cast %slice3A_491 : vector<256x1xf32> to vector<256xf32>
    %broadcast_in_dim3A_493 = vector.shape_cast %squeeze3A_492 : vector<256xf32> to vector<256x1xf32>
    %slice3A_494 = vector.extract_strided_slice %get3A_1 {offsets = [0, 224], sizes = [256, 32], strides = [1, 1]} : vector<256x384xf32> to vector<256x32xf32>
    %mul3A_495 = vector.broadcast %broadcast_in_dim3A_493 : vector<256x1xf32> to vector<256x32xf32>
    %mul3A_496 = arith.mulf %mul3A_495, %slice3A_494 : vector<256x32xf32>
    %add3A_497 = arith.addf %add3A_490, %mul3A_496 : vector<256x32xf32>
    %slice3A_498 = vector.extract_strided_slice %get3A_10 {offsets = [0, 80], sizes = [256, 1], strides = [1, 1]} : vector<256x81xf32> to vector<256x1xf32>
    %squeeze3A_499 = vector.shape_cast %slice3A_498 : vector<256x1xf32> to vector<256xf32>
    %broadcast_in_dim3A_500 = vector.shape_cast %squeeze3A_499 : vector<256xf32> to vector<256x1xf32>
    %slice3A_501 = vector.extract_strided_slice %get3A_1 {offsets = [0, 256], sizes = [256, 32], strides = [1, 1]} : vector<256x384xf32> to vector<256x32xf32>
    %mul3A_502 = vector.broadcast %broadcast_in_dim3A_500 : vector<256x1xf32> to vector<256x32xf32>
    %mul3A_503 = arith.mulf %mul3A_502, %slice3A_501 : vector<256x32xf32>
    %add3A_504 = arith.addf %add3A_497, %mul3A_503 : vector<256x32xf32>
    %slice3A_505 = vector.extract_strided_slice %get3A_10 {offsets = [0, 36], sizes = [256, 1], strides = [1, 1]} : vector<256x81xf32> to vector<256x1xf32>
    %squeeze3A_506 = vector.shape_cast %slice3A_505 : vector<256x1xf32> to vector<256xf32>
    %broadcast_in_dim3A_507 = vector.shape_cast %squeeze3A_506 : vector<256xf32> to vector<256x1xf32>
    %slice3A_508 = vector.extract_strided_slice %get3A_1 {offsets = [0, 0], sizes = [256, 32], strides = [1, 1]} : vector<256x384xf32> to vector<256x32xf32>
    %mul3A_509 = vector.broadcast %broadcast_in_dim3A_507 : vector<256x1xf32> to vector<256x32xf32>
    %mul3A_510 = arith.mulf %mul3A_509, %slice3A_508 : vector<256x32xf32>
    %slice3A_511 = vector.extract_strided_slice %get3A_10 {offsets = [0, 37], sizes = [256, 1], strides = [1, 1]} : vector<256x81xf32> to vector<256x1xf32>
    %squeeze3A_512 = vector.shape_cast %slice3A_511 : vector<256x1xf32> to vector<256xf32>
    %broadcast_in_dim3A_513 = vector.shape_cast %squeeze3A_512 : vector<256xf32> to vector<256x1xf32>
    %slice3A_514 = vector.extract_strided_slice %get3A_1 {offsets = [0, 32], sizes = [256, 32], strides = [1, 1]} : vector<256x384xf32> to vector<256x32xf32>
    %mul3A_515 = vector.broadcast %broadcast_in_dim3A_513 : vector<256x1xf32> to vector<256x32xf32>
    %mul3A_516 = arith.mulf %mul3A_515, %slice3A_514 : vector<256x32xf32>
    %add3A_517 = arith.addf %mul3A_510, %mul3A_516 : vector<256x32xf32>
    %slice3A_518 = vector.extract_strided_slice %get3A_10 {offsets = [0, 38], sizes = [256, 1], strides = [1, 1]} : vector<256x81xf32> to vector<256x1xf32>
    %squeeze3A_519 = vector.shape_cast %slice3A_518 : vector<256x1xf32> to vector<256xf32>
    %broadcast_in_dim3A_520 = vector.shape_cast %squeeze3A_519 : vector<256xf32> to vector<256x1xf32>
    %slice3A_521 = vector.extract_strided_slice %get3A_1 {offsets = [0, 64], sizes = [256, 32], strides = [1, 1]} : vector<256x384xf32> to vector<256x32xf32>
    %mul3A_522 = vector.broadcast %broadcast_in_dim3A_520 : vector<256x1xf32> to vector<256x32xf32>
    %mul3A_523 = arith.mulf %mul3A_522, %slice3A_521 : vector<256x32xf32>
    %add3A_524 = arith.addf %add3A_517, %mul3A_523 : vector<256x32xf32>
    %slice3A_525 = vector.extract_strided_slice %get3A_10 {offsets = [0, 39], sizes = [256, 1], strides = [1, 1]} : vector<256x81xf32> to vector<256x1xf32>
    %squeeze3A_526 = vector.shape_cast %slice3A_525 : vector<256x1xf32> to vector<256xf32>
    %broadcast_in_dim3A_527 = vector.shape_cast %squeeze3A_526 : vector<256xf32> to vector<256x1xf32>
    %slice3A_528 = vector.extract_strided_slice %get3A_1 {offsets = [0, 96], sizes = [256, 32], strides = [1, 1]} : vector<256x384xf32> to vector<256x32xf32>
    %mul3A_529 = vector.broadcast %broadcast_in_dim3A_527 : vector<256x1xf32> to vector<256x32xf32>
    %mul3A_530 = arith.mulf %mul3A_529, %slice3A_528 : vector<256x32xf32>
    %add3A_531 = arith.addf %add3A_524, %mul3A_530 : vector<256x32xf32>
    %slice3A_532 = vector.extract_strided_slice %get3A_10 {offsets = [0, 40], sizes = [256, 1], strides = [1, 1]} : vector<256x81xf32> to vector<256x1xf32>
    %squeeze3A_533 = vector.shape_cast %slice3A_532 : vector<256x1xf32> to vector<256xf32>
    %broadcast_in_dim3A_534 = vector.shape_cast %squeeze3A_533 : vector<256xf32> to vector<256x1xf32>
    %slice3A_535 = vector.extract_strided_slice %get3A_1 {offsets = [0, 128], sizes = [256, 32], strides = [1, 1]} : vector<256x384xf32> to vector<256x32xf32>
    %mul3A_536 = vector.broadcast %broadcast_in_dim3A_534 : vector<256x1xf32> to vector<256x32xf32>
    %mul3A_537 = arith.mulf %mul3A_536, %slice3A_535 : vector<256x32xf32>
    %add3A_538 = arith.addf %add3A_531, %mul3A_537 : vector<256x32xf32>
    %slice3A_539 = vector.extract_strided_slice %get3A_10 {offsets = [0, 41], sizes = [256, 1], strides = [1, 1]} : vector<256x81xf32> to vector<256x1xf32>
    %squeeze3A_540 = vector.shape_cast %slice3A_539 : vector<256x1xf32> to vector<256xf32>
    %broadcast_in_dim3A_541 = vector.shape_cast %squeeze3A_540 : vector<256xf32> to vector<256x1xf32>
    %slice3A_542 = vector.extract_strided_slice %get3A_1 {offsets = [0, 160], sizes = [256, 32], strides = [1, 1]} : vector<256x384xf32> to vector<256x32xf32>
    %mul3A_543 = vector.broadcast %broadcast_in_dim3A_541 : vector<256x1xf32> to vector<256x32xf32>
    %mul3A_544 = arith.mulf %mul3A_543, %slice3A_542 : vector<256x32xf32>
    %add3A_545 = arith.addf %add3A_538, %mul3A_544 : vector<256x32xf32>
    %slice3A_546 = vector.extract_strided_slice %get3A_10 {offsets = [0, 42], sizes = [256, 1], strides = [1, 1]} : vector<256x81xf32> to vector<256x1xf32>
    %squeeze3A_547 = vector.shape_cast %slice3A_546 : vector<256x1xf32> to vector<256xf32>
    %broadcast_in_dim3A_548 = vector.shape_cast %squeeze3A_547 : vector<256xf32> to vector<256x1xf32>
    %slice3A_549 = vector.extract_strided_slice %get3A_1 {offsets = [0, 192], sizes = [256, 32], strides = [1, 1]} : vector<256x384xf32> to vector<256x32xf32>
    %mul3A_550 = vector.broadcast %broadcast_in_dim3A_548 : vector<256x1xf32> to vector<256x32xf32>
    %mul3A_551 = arith.mulf %mul3A_550, %slice3A_549 : vector<256x32xf32>
    %add3A_552 = arith.addf %add3A_545, %mul3A_551 : vector<256x32xf32>
    %slice3A_553 = vector.extract_strided_slice %get3A_10 {offsets = [0, 43], sizes = [256, 1], strides = [1, 1]} : vector<256x81xf32> to vector<256x1xf32>
    %squeeze3A_554 = vector.shape_cast %slice3A_553 : vector<256x1xf32> to vector<256xf32>
    %broadcast_in_dim3A_555 = vector.shape_cast %squeeze3A_554 : vector<256xf32> to vector<256x1xf32>
    %slice3A_556 = vector.extract_strided_slice %get3A_1 {offsets = [0, 224], sizes = [256, 32], strides = [1, 1]} : vector<256x384xf32> to vector<256x32xf32>
    %mul3A_557 = vector.broadcast %broadcast_in_dim3A_555 : vector<256x1xf32> to vector<256x32xf32>
    %mul3A_558 = arith.mulf %mul3A_557, %slice3A_556 : vector<256x32xf32>
    %add3A_559 = arith.addf %add3A_552, %mul3A_558 : vector<256x32xf32>
    %slice3A_560 = vector.extract_strided_slice %get3A_10 {offsets = [0, 44], sizes = [256, 1], strides = [1, 1]} : vector<256x81xf32> to vector<256x1xf32>
    %squeeze3A_561 = vector.shape_cast %slice3A_560 : vector<256x1xf32> to vector<256xf32>
    %broadcast_in_dim3A_562 = vector.shape_cast %squeeze3A_561 : vector<256xf32> to vector<256x1xf32>
    %slice3A_563 = vector.extract_strided_slice %get3A_1 {offsets = [0, 256], sizes = [256, 32], strides = [1, 1]} : vector<256x384xf32> to vector<256x32xf32>
    %mul3A_564 = vector.broadcast %broadcast_in_dim3A_562 : vector<256x1xf32> to vector<256x32xf32>
    %mul3A_565 = arith.mulf %mul3A_564, %slice3A_563 : vector<256x32xf32>
    %add3A_566 = arith.addf %add3A_559, %mul3A_565 : vector<256x32xf32>
    %slice3A_567 = vector.extract_strided_slice %get3A_10 {offsets = [0, 0], sizes = [256, 1], strides = [1, 1]} : vector<256x81xf32> to vector<256x1xf32>
    %squeeze3A_568 = vector.shape_cast %slice3A_567 : vector<256x1xf32> to vector<256xf32>
    %broadcast_in_dim3A_569 = vector.shape_cast %squeeze3A_568 : vector<256xf32> to vector<256x1xf32>
    %slice3A_570 = vector.extract_strided_slice %get3A_4 {offsets = [0, 0], sizes = [256, 32], strides = [1, 1]} : vector<256x384xf32> to vector<256x32xf32>
    %mul3A_571 = vector.broadcast %broadcast_in_dim3A_569 : vector<256x1xf32> to vector<256x32xf32>
    %mul3A_572 = arith.mulf %mul3A_571, %slice3A_570 : vector<256x32xf32>
    %slice3A_573 = vector.extract_strided_slice %get3A_10 {offsets = [0, 1], sizes = [256, 1], strides = [1, 1]} : vector<256x81xf32> to vector<256x1xf32>
    %squeeze3A_574 = vector.shape_cast %slice3A_573 : vector<256x1xf32> to vector<256xf32>
    %broadcast_in_dim3A_575 = vector.shape_cast %squeeze3A_574 : vector<256xf32> to vector<256x1xf32>
    %slice3A_576 = vector.extract_strided_slice %get3A_4 {offsets = [0, 32], sizes = [256, 32], strides = [1, 1]} : vector<256x384xf32> to vector<256x32xf32>
    %mul3A_577 = vector.broadcast %broadcast_in_dim3A_575 : vector<256x1xf32> to vector<256x32xf32>
    %mul3A_578 = arith.mulf %mul3A_577, %slice3A_576 : vector<256x32xf32>
    %add3A_579 = arith.addf %mul3A_572, %mul3A_578 : vector<256x32xf32>
    %slice3A_580 = vector.extract_strided_slice %get3A_10 {offsets = [0, 2], sizes = [256, 1], strides = [1, 1]} : vector<256x81xf32> to vector<256x1xf32>
    %squeeze3A_581 = vector.shape_cast %slice3A_580 : vector<256x1xf32> to vector<256xf32>
    %broadcast_in_dim3A_582 = vector.shape_cast %squeeze3A_581 : vector<256xf32> to vector<256x1xf32>
    %slice3A_583 = vector.extract_strided_slice %get3A_4 {offsets = [0, 64], sizes = [256, 32], strides = [1, 1]} : vector<256x384xf32> to vector<256x32xf32>
    %mul3A_584 = vector.broadcast %broadcast_in_dim3A_582 : vector<256x1xf32> to vector<256x32xf32>
    %mul3A_585 = arith.mulf %mul3A_584, %slice3A_583 : vector<256x32xf32>
    %add3A_586 = arith.addf %add3A_579, %mul3A_585 : vector<256x32xf32>
    %slice3A_587 = vector.extract_strided_slice %get3A_10 {offsets = [0, 3], sizes = [256, 1], strides = [1, 1]} : vector<256x81xf32> to vector<256x1xf32>
    %squeeze3A_588 = vector.shape_cast %slice3A_587 : vector<256x1xf32> to vector<256xf32>
    %broadcast_in_dim3A_589 = vector.shape_cast %squeeze3A_588 : vector<256xf32> to vector<256x1xf32>
    %slice3A_590 = vector.extract_strided_slice %get3A_4 {offsets = [0, 96], sizes = [256, 32], strides = [1, 1]} : vector<256x384xf32> to vector<256x32xf32>
    %mul3A_591 = vector.broadcast %broadcast_in_dim3A_589 : vector<256x1xf32> to vector<256x32xf32>
    %mul3A_592 = arith.mulf %mul3A_591, %slice3A_590 : vector<256x32xf32>
    %add3A_593 = arith.addf %add3A_586, %mul3A_592 : vector<256x32xf32>
    %slice3A_594 = vector.extract_strided_slice %get3A_10 {offsets = [0, 4], sizes = [256, 1], strides = [1, 1]} : vector<256x81xf32> to vector<256x1xf32>
    %squeeze3A_595 = vector.shape_cast %slice3A_594 : vector<256x1xf32> to vector<256xf32>
    %broadcast_in_dim3A_596 = vector.shape_cast %squeeze3A_595 : vector<256xf32> to vector<256x1xf32>
    %slice3A_597 = vector.extract_strided_slice %get3A_4 {offsets = [0, 128], sizes = [256, 32], strides = [1, 1]} : vector<256x384xf32> to vector<256x32xf32>
    %mul3A_598 = vector.broadcast %broadcast_in_dim3A_596 : vector<256x1xf32> to vector<256x32xf32>
    %mul3A_599 = arith.mulf %mul3A_598, %slice3A_597 : vector<256x32xf32>
    %add3A_600 = arith.addf %add3A_593, %mul3A_599 : vector<256x32xf32>
    %slice3A_601 = vector.extract_strided_slice %get3A_10 {offsets = [0, 5], sizes = [256, 1], strides = [1, 1]} : vector<256x81xf32> to vector<256x1xf32>
    %squeeze3A_602 = vector.shape_cast %slice3A_601 : vector<256x1xf32> to vector<256xf32>
    %broadcast_in_dim3A_603 = vector.shape_cast %squeeze3A_602 : vector<256xf32> to vector<256x1xf32>
    %slice3A_604 = vector.extract_strided_slice %get3A_4 {offsets = [0, 160], sizes = [256, 32], strides = [1, 1]} : vector<256x384xf32> to vector<256x32xf32>
    %mul3A_605 = vector.broadcast %broadcast_in_dim3A_603 : vector<256x1xf32> to vector<256x32xf32>
    %mul3A_606 = arith.mulf %mul3A_605, %slice3A_604 : vector<256x32xf32>
    %add3A_607 = arith.addf %add3A_600, %mul3A_606 : vector<256x32xf32>
    %slice3A_608 = vector.extract_strided_slice %get3A_10 {offsets = [0, 6], sizes = [256, 1], strides = [1, 1]} : vector<256x81xf32> to vector<256x1xf32>
    %squeeze3A_609 = vector.shape_cast %slice3A_608 : vector<256x1xf32> to vector<256xf32>
    %broadcast_in_dim3A_610 = vector.shape_cast %squeeze3A_609 : vector<256xf32> to vector<256x1xf32>
    %slice3A_611 = vector.extract_strided_slice %get3A_4 {offsets = [0, 192], sizes = [256, 32], strides = [1, 1]} : vector<256x384xf32> to vector<256x32xf32>
    %mul3A_612 = vector.broadcast %broadcast_in_dim3A_610 : vector<256x1xf32> to vector<256x32xf32>
    %mul3A_613 = arith.mulf %mul3A_612, %slice3A_611 : vector<256x32xf32>
    %add3A_614 = arith.addf %add3A_607, %mul3A_613 : vector<256x32xf32>
    %slice3A_615 = vector.extract_strided_slice %get3A_10 {offsets = [0, 7], sizes = [256, 1], strides = [1, 1]} : vector<256x81xf32> to vector<256x1xf32>
    %squeeze3A_616 = vector.shape_cast %slice3A_615 : vector<256x1xf32> to vector<256xf32>
    %broadcast_in_dim3A_617 = vector.shape_cast %squeeze3A_616 : vector<256xf32> to vector<256x1xf32>
    %slice3A_618 = vector.extract_strided_slice %get3A_4 {offsets = [0, 224], sizes = [256, 32], strides = [1, 1]} : vector<256x384xf32> to vector<256x32xf32>
    %mul3A_619 = vector.broadcast %broadcast_in_dim3A_617 : vector<256x1xf32> to vector<256x32xf32>
    %mul3A_620 = arith.mulf %mul3A_619, %slice3A_618 : vector<256x32xf32>
    %add3A_621 = arith.addf %add3A_614, %mul3A_620 : vector<256x32xf32>
    %slice3A_622 = vector.extract_strided_slice %get3A_10 {offsets = [0, 8], sizes = [256, 1], strides = [1, 1]} : vector<256x81xf32> to vector<256x1xf32>
    %squeeze3A_623 = vector.shape_cast %slice3A_622 : vector<256x1xf32> to vector<256xf32>
    %broadcast_in_dim3A_624 = vector.shape_cast %squeeze3A_623 : vector<256xf32> to vector<256x1xf32>
    %slice3A_625 = vector.extract_strided_slice %get3A_4 {offsets = [0, 256], sizes = [256, 32], strides = [1, 1]} : vector<256x384xf32> to vector<256x32xf32>
    %mul3A_626 = vector.broadcast %broadcast_in_dim3A_624 : vector<256x1xf32> to vector<256x32xf32>
    %mul3A_627 = arith.mulf %mul3A_626, %slice3A_625 : vector<256x32xf32>
    %add3A_628 = arith.addf %add3A_621, %mul3A_627 : vector<256x32xf32>
    %slice3A_629 = vector.extract_strided_slice %get3A_10 {offsets = [0, 18], sizes = [256, 1], strides = [1, 1]} : vector<256x81xf32> to vector<256x1xf32>
    %squeeze3A_630 = vector.shape_cast %slice3A_629 : vector<256x1xf32> to vector<256xf32>
    %broadcast_in_dim3A_631 = vector.shape_cast %squeeze3A_630 : vector<256xf32> to vector<256x1xf32>
    %slice3A_632 = vector.extract_strided_slice %get3A_4 {offsets = [0, 0], sizes = [256, 32], strides = [1, 1]} : vector<256x384xf32> to vector<256x32xf32>
    %mul3A_633 = vector.broadcast %broadcast_in_dim3A_631 : vector<256x1xf32> to vector<256x32xf32>
    %mul3A_634 = arith.mulf %mul3A_633, %slice3A_632 : vector<256x32xf32>
    %slice3A_635 = vector.extract_strided_slice %get3A_10 {offsets = [0, 19], sizes = [256, 1], strides = [1, 1]} : vector<256x81xf32> to vector<256x1xf32>
    %squeeze3A_636 = vector.shape_cast %slice3A_635 : vector<256x1xf32> to vector<256xf32>
    %broadcast_in_dim3A_637 = vector.shape_cast %squeeze3A_636 : vector<256xf32> to vector<256x1xf32>
    %slice3A_638 = vector.extract_strided_slice %get3A_4 {offsets = [0, 32], sizes = [256, 32], strides = [1, 1]} : vector<256x384xf32> to vector<256x32xf32>
    %mul3A_639 = vector.broadcast %broadcast_in_dim3A_637 : vector<256x1xf32> to vector<256x32xf32>
    %mul3A_640 = arith.mulf %mul3A_639, %slice3A_638 : vector<256x32xf32>
    %add3A_641 = arith.addf %mul3A_634, %mul3A_640 : vector<256x32xf32>
    %slice3A_642 = vector.extract_strided_slice %get3A_10 {offsets = [0, 20], sizes = [256, 1], strides = [1, 1]} : vector<256x81xf32> to vector<256x1xf32>
    %squeeze3A_643 = vector.shape_cast %slice3A_642 : vector<256x1xf32> to vector<256xf32>
    %broadcast_in_dim3A_644 = vector.shape_cast %squeeze3A_643 : vector<256xf32> to vector<256x1xf32>
    %slice3A_645 = vector.extract_strided_slice %get3A_4 {offsets = [0, 64], sizes = [256, 32], strides = [1, 1]} : vector<256x384xf32> to vector<256x32xf32>
    %mul3A_646 = vector.broadcast %broadcast_in_dim3A_644 : vector<256x1xf32> to vector<256x32xf32>
    %mul3A_647 = arith.mulf %mul3A_646, %slice3A_645 : vector<256x32xf32>
    %add3A_648 = arith.addf %add3A_641, %mul3A_647 : vector<256x32xf32>
    %slice3A_649 = vector.extract_strided_slice %get3A_10 {offsets = [0, 21], sizes = [256, 1], strides = [1, 1]} : vector<256x81xf32> to vector<256x1xf32>
    %squeeze3A_650 = vector.shape_cast %slice3A_649 : vector<256x1xf32> to vector<256xf32>
    %broadcast_in_dim3A_651 = vector.shape_cast %squeeze3A_650 : vector<256xf32> to vector<256x1xf32>
    %slice3A_652 = vector.extract_strided_slice %get3A_4 {offsets = [0, 96], sizes = [256, 32], strides = [1, 1]} : vector<256x384xf32> to vector<256x32xf32>
    %mul3A_653 = vector.broadcast %broadcast_in_dim3A_651 : vector<256x1xf32> to vector<256x32xf32>
    %mul3A_654 = arith.mulf %mul3A_653, %slice3A_652 : vector<256x32xf32>
    %add3A_655 = arith.addf %add3A_648, %mul3A_654 : vector<256x32xf32>
    %slice3A_656 = vector.extract_strided_slice %get3A_10 {offsets = [0, 22], sizes = [256, 1], strides = [1, 1]} : vector<256x81xf32> to vector<256x1xf32>
    %squeeze3A_657 = vector.shape_cast %slice3A_656 : vector<256x1xf32> to vector<256xf32>
    %broadcast_in_dim3A_658 = vector.shape_cast %squeeze3A_657 : vector<256xf32> to vector<256x1xf32>
    %slice3A_659 = vector.extract_strided_slice %get3A_4 {offsets = [0, 128], sizes = [256, 32], strides = [1, 1]} : vector<256x384xf32> to vector<256x32xf32>
    %mul3A_660 = vector.broadcast %broadcast_in_dim3A_658 : vector<256x1xf32> to vector<256x32xf32>
    %mul3A_661 = arith.mulf %mul3A_660, %slice3A_659 : vector<256x32xf32>
    %add3A_662 = arith.addf %add3A_655, %mul3A_661 : vector<256x32xf32>
    %slice3A_663 = vector.extract_strided_slice %get3A_10 {offsets = [0, 23], sizes = [256, 1], strides = [1, 1]} : vector<256x81xf32> to vector<256x1xf32>
    %squeeze3A_664 = vector.shape_cast %slice3A_663 : vector<256x1xf32> to vector<256xf32>
    %broadcast_in_dim3A_665 = vector.shape_cast %squeeze3A_664 : vector<256xf32> to vector<256x1xf32>
    %slice3A_666 = vector.extract_strided_slice %get3A_4 {offsets = [0, 160], sizes = [256, 32], strides = [1, 1]} : vector<256x384xf32> to vector<256x32xf32>
    %mul3A_667 = vector.broadcast %broadcast_in_dim3A_665 : vector<256x1xf32> to vector<256x32xf32>
    %mul3A_668 = arith.mulf %mul3A_667, %slice3A_666 : vector<256x32xf32>
    %add3A_669 = arith.addf %add3A_662, %mul3A_668 : vector<256x32xf32>
    %slice3A_670 = vector.extract_strided_slice %get3A_10 {offsets = [0, 24], sizes = [256, 1], strides = [1, 1]} : vector<256x81xf32> to vector<256x1xf32>
    %squeeze3A_671 = vector.shape_cast %slice3A_670 : vector<256x1xf32> to vector<256xf32>
    %broadcast_in_dim3A_672 = vector.shape_cast %squeeze3A_671 : vector<256xf32> to vector<256x1xf32>
    %slice3A_673 = vector.extract_strided_slice %get3A_4 {offsets = [0, 192], sizes = [256, 32], strides = [1, 1]} : vector<256x384xf32> to vector<256x32xf32>
    %mul3A_674 = vector.broadcast %broadcast_in_dim3A_672 : vector<256x1xf32> to vector<256x32xf32>
    %mul3A_675 = arith.mulf %mul3A_674, %slice3A_673 : vector<256x32xf32>
    %add3A_676 = arith.addf %add3A_669, %mul3A_675 : vector<256x32xf32>
    %slice3A_677 = vector.extract_strided_slice %get3A_10 {offsets = [0, 25], sizes = [256, 1], strides = [1, 1]} : vector<256x81xf32> to vector<256x1xf32>
    %squeeze3A_678 = vector.shape_cast %slice3A_677 : vector<256x1xf32> to vector<256xf32>
    %broadcast_in_dim3A_679 = vector.shape_cast %squeeze3A_678 : vector<256xf32> to vector<256x1xf32>
    %slice3A_680 = vector.extract_strided_slice %get3A_4 {offsets = [0, 224], sizes = [256, 32], strides = [1, 1]} : vector<256x384xf32> to vector<256x32xf32>
    %mul3A_681 = vector.broadcast %broadcast_in_dim3A_679 : vector<256x1xf32> to vector<256x32xf32>
    %mul3A_682 = arith.mulf %mul3A_681, %slice3A_680 : vector<256x32xf32>
    %add3A_683 = arith.addf %add3A_676, %mul3A_682 : vector<256x32xf32>
    %slice3A_684 = vector.extract_strided_slice %get3A_10 {offsets = [0, 26], sizes = [256, 1], strides = [1, 1]} : vector<256x81xf32> to vector<256x1xf32>
    %squeeze3A_685 = vector.shape_cast %slice3A_684 : vector<256x1xf32> to vector<256xf32>
    %broadcast_in_dim3A_686 = vector.shape_cast %squeeze3A_685 : vector<256xf32> to vector<256x1xf32>
    %slice3A_687 = vector.extract_strided_slice %get3A_4 {offsets = [0, 256], sizes = [256, 32], strides = [1, 1]} : vector<256x384xf32> to vector<256x32xf32>
    %mul3A_688 = vector.broadcast %broadcast_in_dim3A_686 : vector<256x1xf32> to vector<256x32xf32>
    %mul3A_689 = arith.mulf %mul3A_688, %slice3A_687 : vector<256x32xf32>
    %add3A_690 = arith.addf %add3A_683, %mul3A_689 : vector<256x32xf32>
    %slice3A_691 = vector.extract_strided_slice %get3A_10 {offsets = [0, 54], sizes = [256, 1], strides = [1, 1]} : vector<256x81xf32> to vector<256x1xf32>
    %squeeze3A_692 = vector.shape_cast %slice3A_691 : vector<256x1xf32> to vector<256xf32>
    %broadcast_in_dim3A_693 = vector.shape_cast %squeeze3A_692 : vector<256xf32> to vector<256x1xf32>
    %slice3A_694 = vector.extract_strided_slice %get3A_4 {offsets = [0, 0], sizes = [256, 32], strides = [1, 1]} : vector<256x384xf32> to vector<256x32xf32>
    %mul3A_695 = vector.broadcast %broadcast_in_dim3A_693 : vector<256x1xf32> to vector<256x32xf32>
    %mul3A_696 = arith.mulf %mul3A_695, %slice3A_694 : vector<256x32xf32>
    %slice3A_697 = vector.extract_strided_slice %get3A_10 {offsets = [0, 55], sizes = [256, 1], strides = [1, 1]} : vector<256x81xf32> to vector<256x1xf32>
    %squeeze3A_698 = vector.shape_cast %slice3A_697 : vector<256x1xf32> to vector<256xf32>
    %broadcast_in_dim3A_699 = vector.shape_cast %squeeze3A_698 : vector<256xf32> to vector<256x1xf32>
    %slice3A_700 = vector.extract_strided_slice %get3A_4 {offsets = [0, 32], sizes = [256, 32], strides = [1, 1]} : vector<256x384xf32> to vector<256x32xf32>
    %mul3A_701 = vector.broadcast %broadcast_in_dim3A_699 : vector<256x1xf32> to vector<256x32xf32>
    %mul3A_702 = arith.mulf %mul3A_701, %slice3A_700 : vector<256x32xf32>
    %add3A_703 = arith.addf %mul3A_696, %mul3A_702 : vector<256x32xf32>
    %slice3A_704 = vector.extract_strided_slice %get3A_10 {offsets = [0, 56], sizes = [256, 1], strides = [1, 1]} : vector<256x81xf32> to vector<256x1xf32>
    %squeeze3A_705 = vector.shape_cast %slice3A_704 : vector<256x1xf32> to vector<256xf32>
    %broadcast_in_dim3A_706 = vector.shape_cast %squeeze3A_705 : vector<256xf32> to vector<256x1xf32>
    %slice3A_707 = vector.extract_strided_slice %get3A_4 {offsets = [0, 64], sizes = [256, 32], strides = [1, 1]} : vector<256x384xf32> to vector<256x32xf32>
    %mul3A_708 = vector.broadcast %broadcast_in_dim3A_706 : vector<256x1xf32> to vector<256x32xf32>
    %mul3A_709 = arith.mulf %mul3A_708, %slice3A_707 : vector<256x32xf32>
    %add3A_710 = arith.addf %add3A_703, %mul3A_709 : vector<256x32xf32>
    %slice3A_711 = vector.extract_strided_slice %get3A_10 {offsets = [0, 57], sizes = [256, 1], strides = [1, 1]} : vector<256x81xf32> to vector<256x1xf32>
    %squeeze3A_712 = vector.shape_cast %slice3A_711 : vector<256x1xf32> to vector<256xf32>
    %broadcast_in_dim3A_713 = vector.shape_cast %squeeze3A_712 : vector<256xf32> to vector<256x1xf32>
    %slice3A_714 = vector.extract_strided_slice %get3A_4 {offsets = [0, 96], sizes = [256, 32], strides = [1, 1]} : vector<256x384xf32> to vector<256x32xf32>
    %mul3A_715 = vector.broadcast %broadcast_in_dim3A_713 : vector<256x1xf32> to vector<256x32xf32>
    %mul3A_716 = arith.mulf %mul3A_715, %slice3A_714 : vector<256x32xf32>
    %add3A_717 = arith.addf %add3A_710, %mul3A_716 : vector<256x32xf32>
    %slice3A_718 = vector.extract_strided_slice %get3A_10 {offsets = [0, 58], sizes = [256, 1], strides = [1, 1]} : vector<256x81xf32> to vector<256x1xf32>
    %squeeze3A_719 = vector.shape_cast %slice3A_718 : vector<256x1xf32> to vector<256xf32>
    %broadcast_in_dim3A_720 = vector.shape_cast %squeeze3A_719 : vector<256xf32> to vector<256x1xf32>
    %slice3A_721 = vector.extract_strided_slice %get3A_4 {offsets = [0, 128], sizes = [256, 32], strides = [1, 1]} : vector<256x384xf32> to vector<256x32xf32>
    %mul3A_722 = vector.broadcast %broadcast_in_dim3A_720 : vector<256x1xf32> to vector<256x32xf32>
    %mul3A_723 = arith.mulf %mul3A_722, %slice3A_721 : vector<256x32xf32>
    %add3A_724 = arith.addf %add3A_717, %mul3A_723 : vector<256x32xf32>
    %slice3A_725 = vector.extract_strided_slice %get3A_10 {offsets = [0, 59], sizes = [256, 1], strides = [1, 1]} : vector<256x81xf32> to vector<256x1xf32>
    %squeeze3A_726 = vector.shape_cast %slice3A_725 : vector<256x1xf32> to vector<256xf32>
    %broadcast_in_dim3A_727 = vector.shape_cast %squeeze3A_726 : vector<256xf32> to vector<256x1xf32>
    %slice3A_728 = vector.extract_strided_slice %get3A_4 {offsets = [0, 160], sizes = [256, 32], strides = [1, 1]} : vector<256x384xf32> to vector<256x32xf32>
    %mul3A_729 = vector.broadcast %broadcast_in_dim3A_727 : vector<256x1xf32> to vector<256x32xf32>
    %mul3A_730 = arith.mulf %mul3A_729, %slice3A_728 : vector<256x32xf32>
    %add3A_731 = arith.addf %add3A_724, %mul3A_730 : vector<256x32xf32>
    %slice3A_732 = vector.extract_strided_slice %get3A_10 {offsets = [0, 60], sizes = [256, 1], strides = [1, 1]} : vector<256x81xf32> to vector<256x1xf32>
    %squeeze3A_733 = vector.shape_cast %slice3A_732 : vector<256x1xf32> to vector<256xf32>
    %broadcast_in_dim3A_734 = vector.shape_cast %squeeze3A_733 : vector<256xf32> to vector<256x1xf32>
    %slice3A_735 = vector.extract_strided_slice %get3A_4 {offsets = [0, 192], sizes = [256, 32], strides = [1, 1]} : vector<256x384xf32> to vector<256x32xf32>
    %mul3A_736 = vector.broadcast %broadcast_in_dim3A_734 : vector<256x1xf32> to vector<256x32xf32>
    %mul3A_737 = arith.mulf %mul3A_736, %slice3A_735 : vector<256x32xf32>
    %add3A_738 = arith.addf %add3A_731, %mul3A_737 : vector<256x32xf32>
    %slice3A_739 = vector.extract_strided_slice %get3A_10 {offsets = [0, 61], sizes = [256, 1], strides = [1, 1]} : vector<256x81xf32> to vector<256x1xf32>
    %squeeze3A_740 = vector.shape_cast %slice3A_739 : vector<256x1xf32> to vector<256xf32>
    %broadcast_in_dim3A_741 = vector.shape_cast %squeeze3A_740 : vector<256xf32> to vector<256x1xf32>
    %slice3A_742 = vector.extract_strided_slice %get3A_4 {offsets = [0, 224], sizes = [256, 32], strides = [1, 1]} : vector<256x384xf32> to vector<256x32xf32>
    %mul3A_743 = vector.broadcast %broadcast_in_dim3A_741 : vector<256x1xf32> to vector<256x32xf32>
    %mul3A_744 = arith.mulf %mul3A_743, %slice3A_742 : vector<256x32xf32>
    %add3A_745 = arith.addf %add3A_738, %mul3A_744 : vector<256x32xf32>
    %slice3A_746 = vector.extract_strided_slice %get3A_10 {offsets = [0, 62], sizes = [256, 1], strides = [1, 1]} : vector<256x81xf32> to vector<256x1xf32>
    %squeeze3A_747 = vector.shape_cast %slice3A_746 : vector<256x1xf32> to vector<256xf32>
    %broadcast_in_dim3A_748 = vector.shape_cast %squeeze3A_747 : vector<256xf32> to vector<256x1xf32>
    %slice3A_749 = vector.extract_strided_slice %get3A_4 {offsets = [0, 256], sizes = [256, 32], strides = [1, 1]} : vector<256x384xf32> to vector<256x32xf32>
    %mul3A_750 = vector.broadcast %broadcast_in_dim3A_748 : vector<256x1xf32> to vector<256x32xf32>
    %mul3A_751 = arith.mulf %mul3A_750, %slice3A_749 : vector<256x32xf32>
    %add3A_752 = arith.addf %add3A_745, %mul3A_751 : vector<256x32xf32>
    %slice3A_753 = vector.extract_strided_slice %get3A_10 {offsets = [0, 27], sizes = [256, 1], strides = [1, 1]} : vector<256x81xf32> to vector<256x1xf32>
    %squeeze3A_754 = vector.shape_cast %slice3A_753 : vector<256x1xf32> to vector<256xf32>
    %broadcast_in_dim3A_755 = vector.shape_cast %squeeze3A_754 : vector<256xf32> to vector<256x1xf32>
    %slice3A_756 = vector.extract_strided_slice %get3A_4 {offsets = [0, 0], sizes = [256, 32], strides = [1, 1]} : vector<256x384xf32> to vector<256x32xf32>
    %mul3A_757 = vector.broadcast %broadcast_in_dim3A_755 : vector<256x1xf32> to vector<256x32xf32>
    %mul3A_758 = arith.mulf %mul3A_757, %slice3A_756 : vector<256x32xf32>
    %slice3A_759 = vector.extract_strided_slice %get3A_10 {offsets = [0, 28], sizes = [256, 1], strides = [1, 1]} : vector<256x81xf32> to vector<256x1xf32>
    %squeeze3A_760 = vector.shape_cast %slice3A_759 : vector<256x1xf32> to vector<256xf32>
    %broadcast_in_dim3A_761 = vector.shape_cast %squeeze3A_760 : vector<256xf32> to vector<256x1xf32>
    %slice3A_762 = vector.extract_strided_slice %get3A_4 {offsets = [0, 32], sizes = [256, 32], strides = [1, 1]} : vector<256x384xf32> to vector<256x32xf32>
    %mul3A_763 = vector.broadcast %broadcast_in_dim3A_761 : vector<256x1xf32> to vector<256x32xf32>
    %mul3A_764 = arith.mulf %mul3A_763, %slice3A_762 : vector<256x32xf32>
    %add3A_765 = arith.addf %mul3A_758, %mul3A_764 : vector<256x32xf32>
    %slice3A_766 = vector.extract_strided_slice %get3A_10 {offsets = [0, 29], sizes = [256, 1], strides = [1, 1]} : vector<256x81xf32> to vector<256x1xf32>
    %squeeze3A_767 = vector.shape_cast %slice3A_766 : vector<256x1xf32> to vector<256xf32>
    %broadcast_in_dim3A_768 = vector.shape_cast %squeeze3A_767 : vector<256xf32> to vector<256x1xf32>
    %slice3A_769 = vector.extract_strided_slice %get3A_4 {offsets = [0, 64], sizes = [256, 32], strides = [1, 1]} : vector<256x384xf32> to vector<256x32xf32>
    %mul3A_770 = vector.broadcast %broadcast_in_dim3A_768 : vector<256x1xf32> to vector<256x32xf32>
    %mul3A_771 = arith.mulf %mul3A_770, %slice3A_769 : vector<256x32xf32>
    %add3A_772 = arith.addf %add3A_765, %mul3A_771 : vector<256x32xf32>
    %slice3A_773 = vector.extract_strided_slice %get3A_10 {offsets = [0, 30], sizes = [256, 1], strides = [1, 1]} : vector<256x81xf32> to vector<256x1xf32>
    %squeeze3A_774 = vector.shape_cast %slice3A_773 : vector<256x1xf32> to vector<256xf32>
    %broadcast_in_dim3A_775 = vector.shape_cast %squeeze3A_774 : vector<256xf32> to vector<256x1xf32>
    %slice3A_776 = vector.extract_strided_slice %get3A_4 {offsets = [0, 96], sizes = [256, 32], strides = [1, 1]} : vector<256x384xf32> to vector<256x32xf32>
    %mul3A_777 = vector.broadcast %broadcast_in_dim3A_775 : vector<256x1xf32> to vector<256x32xf32>
    %mul3A_778 = arith.mulf %mul3A_777, %slice3A_776 : vector<256x32xf32>
    %add3A_779 = arith.addf %add3A_772, %mul3A_778 : vector<256x32xf32>
    %slice3A_780 = vector.extract_strided_slice %get3A_10 {offsets = [0, 31], sizes = [256, 1], strides = [1, 1]} : vector<256x81xf32> to vector<256x1xf32>
    %squeeze3A_781 = vector.shape_cast %slice3A_780 : vector<256x1xf32> to vector<256xf32>
    %broadcast_in_dim3A_782 = vector.shape_cast %squeeze3A_781 : vector<256xf32> to vector<256x1xf32>
    %slice3A_783 = vector.extract_strided_slice %get3A_4 {offsets = [0, 128], sizes = [256, 32], strides = [1, 1]} : vector<256x384xf32> to vector<256x32xf32>
    %mul3A_784 = vector.broadcast %broadcast_in_dim3A_782 : vector<256x1xf32> to vector<256x32xf32>
    %mul3A_785 = arith.mulf %mul3A_784, %slice3A_783 : vector<256x32xf32>
    %add3A_786 = arith.addf %add3A_779, %mul3A_785 : vector<256x32xf32>
    %slice3A_787 = vector.extract_strided_slice %get3A_10 {offsets = [0, 32], sizes = [256, 1], strides = [1, 1]} : vector<256x81xf32> to vector<256x1xf32>
    %squeeze3A_788 = vector.shape_cast %slice3A_787 : vector<256x1xf32> to vector<256xf32>
    %broadcast_in_dim3A_789 = vector.shape_cast %squeeze3A_788 : vector<256xf32> to vector<256x1xf32>
    %slice3A_790 = vector.extract_strided_slice %get3A_4 {offsets = [0, 160], sizes = [256, 32], strides = [1, 1]} : vector<256x384xf32> to vector<256x32xf32>
    %mul3A_791 = vector.broadcast %broadcast_in_dim3A_789 : vector<256x1xf32> to vector<256x32xf32>
    %mul3A_792 = arith.mulf %mul3A_791, %slice3A_790 : vector<256x32xf32>
    %add3A_793 = arith.addf %add3A_786, %mul3A_792 : vector<256x32xf32>
    %slice3A_794 = vector.extract_strided_slice %get3A_10 {offsets = [0, 33], sizes = [256, 1], strides = [1, 1]} : vector<256x81xf32> to vector<256x1xf32>
    %squeeze3A_795 = vector.shape_cast %slice3A_794 : vector<256x1xf32> to vector<256xf32>
    %broadcast_in_dim3A_796 = vector.shape_cast %squeeze3A_795 : vector<256xf32> to vector<256x1xf32>
    %slice3A_797 = vector.extract_strided_slice %get3A_4 {offsets = [0, 192], sizes = [256, 32], strides = [1, 1]} : vector<256x384xf32> to vector<256x32xf32>
    %mul3A_798 = vector.broadcast %broadcast_in_dim3A_796 : vector<256x1xf32> to vector<256x32xf32>
    %mul3A_799 = arith.mulf %mul3A_798, %slice3A_797 : vector<256x32xf32>
    %add3A_800 = arith.addf %add3A_793, %mul3A_799 : vector<256x32xf32>
    %slice3A_801 = vector.extract_strided_slice %get3A_10 {offsets = [0, 34], sizes = [256, 1], strides = [1, 1]} : vector<256x81xf32> to vector<256x1xf32>
    %squeeze3A_802 = vector.shape_cast %slice3A_801 : vector<256x1xf32> to vector<256xf32>
    %broadcast_in_dim3A_803 = vector.shape_cast %squeeze3A_802 : vector<256xf32> to vector<256x1xf32>
    %slice3A_804 = vector.extract_strided_slice %get3A_4 {offsets = [0, 224], sizes = [256, 32], strides = [1, 1]} : vector<256x384xf32> to vector<256x32xf32>
    %mul3A_805 = vector.broadcast %broadcast_in_dim3A_803 : vector<256x1xf32> to vector<256x32xf32>
    %mul3A_806 = arith.mulf %mul3A_805, %slice3A_804 : vector<256x32xf32>
    %add3A_807 = arith.addf %add3A_800, %mul3A_806 : vector<256x32xf32>
    %slice3A_808 = vector.extract_strided_slice %get3A_10 {offsets = [0, 35], sizes = [256, 1], strides = [1, 1]} : vector<256x81xf32> to vector<256x1xf32>
    %squeeze3A_809 = vector.shape_cast %slice3A_808 : vector<256x1xf32> to vector<256xf32>
    %broadcast_in_dim3A_810 = vector.shape_cast %squeeze3A_809 : vector<256xf32> to vector<256x1xf32>
    %slice3A_811 = vector.extract_strided_slice %get3A_4 {offsets = [0, 256], sizes = [256, 32], strides = [1, 1]} : vector<256x384xf32> to vector<256x32xf32>
    %mul3A_812 = vector.broadcast %broadcast_in_dim3A_810 : vector<256x1xf32> to vector<256x32xf32>
    %mul3A_813 = arith.mulf %mul3A_812, %slice3A_811 : vector<256x32xf32>
    %add3A_814 = arith.addf %add3A_807, %mul3A_813 : vector<256x32xf32>
    %slice3A_815 = vector.extract_strided_slice %get3A_10 {offsets = [0, 63], sizes = [256, 1], strides = [1, 1]} : vector<256x81xf32> to vector<256x1xf32>
    %squeeze3A_816 = vector.shape_cast %slice3A_815 : vector<256x1xf32> to vector<256xf32>
    %broadcast_in_dim3A_817 = vector.shape_cast %squeeze3A_816 : vector<256xf32> to vector<256x1xf32>
    %slice3A_818 = vector.extract_strided_slice %get3A_4 {offsets = [0, 0], sizes = [256, 32], strides = [1, 1]} : vector<256x384xf32> to vector<256x32xf32>
    %mul3A_819 = vector.broadcast %broadcast_in_dim3A_817 : vector<256x1xf32> to vector<256x32xf32>
    %mul3A_820 = arith.mulf %mul3A_819, %slice3A_818 : vector<256x32xf32>
    %slice3A_821 = vector.extract_strided_slice %get3A_10 {offsets = [0, 64], sizes = [256, 1], strides = [1, 1]} : vector<256x81xf32> to vector<256x1xf32>
    %squeeze3A_822 = vector.shape_cast %slice3A_821 : vector<256x1xf32> to vector<256xf32>
    %broadcast_in_dim3A_823 = vector.shape_cast %squeeze3A_822 : vector<256xf32> to vector<256x1xf32>
    %slice3A_824 = vector.extract_strided_slice %get3A_4 {offsets = [0, 32], sizes = [256, 32], strides = [1, 1]} : vector<256x384xf32> to vector<256x32xf32>
    %mul3A_825 = vector.broadcast %broadcast_in_dim3A_823 : vector<256x1xf32> to vector<256x32xf32>
    %mul3A_826 = arith.mulf %mul3A_825, %slice3A_824 : vector<256x32xf32>
    %add3A_827 = arith.addf %mul3A_820, %mul3A_826 : vector<256x32xf32>
    %slice3A_828 = vector.extract_strided_slice %get3A_10 {offsets = [0, 65], sizes = [256, 1], strides = [1, 1]} : vector<256x81xf32> to vector<256x1xf32>
    %squeeze3A_829 = vector.shape_cast %slice3A_828 : vector<256x1xf32> to vector<256xf32>
    %broadcast_in_dim3A_830 = vector.shape_cast %squeeze3A_829 : vector<256xf32> to vector<256x1xf32>
    %slice3A_831 = vector.extract_strided_slice %get3A_4 {offsets = [0, 64], sizes = [256, 32], strides = [1, 1]} : vector<256x384xf32> to vector<256x32xf32>
    %mul3A_832 = vector.broadcast %broadcast_in_dim3A_830 : vector<256x1xf32> to vector<256x32xf32>
    %mul3A_833 = arith.mulf %mul3A_832, %slice3A_831 : vector<256x32xf32>
    %add3A_834 = arith.addf %add3A_827, %mul3A_833 : vector<256x32xf32>
    %slice3A_835 = vector.extract_strided_slice %get3A_10 {offsets = [0, 66], sizes = [256, 1], strides = [1, 1]} : vector<256x81xf32> to vector<256x1xf32>
    %squeeze3A_836 = vector.shape_cast %slice3A_835 : vector<256x1xf32> to vector<256xf32>
    %broadcast_in_dim3A_837 = vector.shape_cast %squeeze3A_836 : vector<256xf32> to vector<256x1xf32>
    %slice3A_838 = vector.extract_strided_slice %get3A_4 {offsets = [0, 96], sizes = [256, 32], strides = [1, 1]} : vector<256x384xf32> to vector<256x32xf32>
    %mul3A_839 = vector.broadcast %broadcast_in_dim3A_837 : vector<256x1xf32> to vector<256x32xf32>
    %mul3A_840 = arith.mulf %mul3A_839, %slice3A_838 : vector<256x32xf32>
    %add3A_841 = arith.addf %add3A_834, %mul3A_840 : vector<256x32xf32>
    %slice3A_842 = vector.extract_strided_slice %get3A_10 {offsets = [0, 67], sizes = [256, 1], strides = [1, 1]} : vector<256x81xf32> to vector<256x1xf32>
    %squeeze3A_843 = vector.shape_cast %slice3A_842 : vector<256x1xf32> to vector<256xf32>
    %broadcast_in_dim3A_844 = vector.shape_cast %squeeze3A_843 : vector<256xf32> to vector<256x1xf32>
    %slice3A_845 = vector.extract_strided_slice %get3A_4 {offsets = [0, 128], sizes = [256, 32], strides = [1, 1]} : vector<256x384xf32> to vector<256x32xf32>
    %mul3A_846 = vector.broadcast %broadcast_in_dim3A_844 : vector<256x1xf32> to vector<256x32xf32>
    %mul3A_847 = arith.mulf %mul3A_846, %slice3A_845 : vector<256x32xf32>
    %add3A_848 = arith.addf %add3A_841, %mul3A_847 : vector<256x32xf32>
    %slice3A_849 = vector.extract_strided_slice %get3A_10 {offsets = [0, 68], sizes = [256, 1], strides = [1, 1]} : vector<256x81xf32> to vector<256x1xf32>
    %squeeze3A_850 = vector.shape_cast %slice3A_849 : vector<256x1xf32> to vector<256xf32>
    %broadcast_in_dim3A_851 = vector.shape_cast %squeeze3A_850 : vector<256xf32> to vector<256x1xf32>
    %slice3A_852 = vector.extract_strided_slice %get3A_4 {offsets = [0, 160], sizes = [256, 32], strides = [1, 1]} : vector<256x384xf32> to vector<256x32xf32>
    %mul3A_853 = vector.broadcast %broadcast_in_dim3A_851 : vector<256x1xf32> to vector<256x32xf32>
    %mul3A_854 = arith.mulf %mul3A_853, %slice3A_852 : vector<256x32xf32>
    %add3A_855 = arith.addf %add3A_848, %mul3A_854 : vector<256x32xf32>
    %slice3A_856 = vector.extract_strided_slice %get3A_10 {offsets = [0, 69], sizes = [256, 1], strides = [1, 1]} : vector<256x81xf32> to vector<256x1xf32>
    %squeeze3A_857 = vector.shape_cast %slice3A_856 : vector<256x1xf32> to vector<256xf32>
    %broadcast_in_dim3A_858 = vector.shape_cast %squeeze3A_857 : vector<256xf32> to vector<256x1xf32>
    %slice3A_859 = vector.extract_strided_slice %get3A_4 {offsets = [0, 192], sizes = [256, 32], strides = [1, 1]} : vector<256x384xf32> to vector<256x32xf32>
    %mul3A_860 = vector.broadcast %broadcast_in_dim3A_858 : vector<256x1xf32> to vector<256x32xf32>
    %mul3A_861 = arith.mulf %mul3A_860, %slice3A_859 : vector<256x32xf32>
    %add3A_862 = arith.addf %add3A_855, %mul3A_861 : vector<256x32xf32>
    %slice3A_863 = vector.extract_strided_slice %get3A_10 {offsets = [0, 70], sizes = [256, 1], strides = [1, 1]} : vector<256x81xf32> to vector<256x1xf32>
    %squeeze3A_864 = vector.shape_cast %slice3A_863 : vector<256x1xf32> to vector<256xf32>
    %broadcast_in_dim3A_865 = vector.shape_cast %squeeze3A_864 : vector<256xf32> to vector<256x1xf32>
    %slice3A_866 = vector.extract_strided_slice %get3A_4 {offsets = [0, 224], sizes = [256, 32], strides = [1, 1]} : vector<256x384xf32> to vector<256x32xf32>
    %mul3A_867 = vector.broadcast %broadcast_in_dim3A_865 : vector<256x1xf32> to vector<256x32xf32>
    %mul3A_868 = arith.mulf %mul3A_867, %slice3A_866 : vector<256x32xf32>
    %add3A_869 = arith.addf %add3A_862, %mul3A_868 : vector<256x32xf32>
    %slice3A_870 = vector.extract_strided_slice %get3A_10 {offsets = [0, 71], sizes = [256, 1], strides = [1, 1]} : vector<256x81xf32> to vector<256x1xf32>
    %squeeze3A_871 = vector.shape_cast %slice3A_870 : vector<256x1xf32> to vector<256xf32>
    %broadcast_in_dim3A_872 = vector.shape_cast %squeeze3A_871 : vector<256xf32> to vector<256x1xf32>
    %slice3A_873 = vector.extract_strided_slice %get3A_4 {offsets = [0, 256], sizes = [256, 32], strides = [1, 1]} : vector<256x384xf32> to vector<256x32xf32>
    %mul3A_874 = vector.broadcast %broadcast_in_dim3A_872 : vector<256x1xf32> to vector<256x32xf32>
    %mul3A_875 = arith.mulf %mul3A_874, %slice3A_873 : vector<256x32xf32>
    %add3A_876 = arith.addf %add3A_869, %mul3A_875 : vector<256x32xf32>
    %slice3A_877 = vector.extract_strided_slice %get3A_10 {offsets = [0, 9], sizes = [256, 1], strides = [1, 1]} : vector<256x81xf32> to vector<256x1xf32>
    %squeeze3A_878 = vector.shape_cast %slice3A_877 : vector<256x1xf32> to vector<256xf32>
    %broadcast_in_dim3A_879 = vector.shape_cast %squeeze3A_878 : vector<256xf32> to vector<256x1xf32>
    %slice3A_880 = vector.extract_strided_slice %get3A_4 {offsets = [0, 0], sizes = [256, 32], strides = [1, 1]} : vector<256x384xf32> to vector<256x32xf32>
    %mul3A_881 = vector.broadcast %broadcast_in_dim3A_879 : vector<256x1xf32> to vector<256x32xf32>
    %mul3A_882 = arith.mulf %mul3A_881, %slice3A_880 : vector<256x32xf32>
    %slice3A_883 = vector.extract_strided_slice %get3A_10 {offsets = [0, 10], sizes = [256, 1], strides = [1, 1]} : vector<256x81xf32> to vector<256x1xf32>
    %squeeze3A_884 = vector.shape_cast %slice3A_883 : vector<256x1xf32> to vector<256xf32>
    %broadcast_in_dim3A_885 = vector.shape_cast %squeeze3A_884 : vector<256xf32> to vector<256x1xf32>
    %slice3A_886 = vector.extract_strided_slice %get3A_4 {offsets = [0, 32], sizes = [256, 32], strides = [1, 1]} : vector<256x384xf32> to vector<256x32xf32>
    %mul3A_887 = vector.broadcast %broadcast_in_dim3A_885 : vector<256x1xf32> to vector<256x32xf32>
    %mul3A_888 = arith.mulf %mul3A_887, %slice3A_886 : vector<256x32xf32>
    %add3A_889 = arith.addf %mul3A_882, %mul3A_888 : vector<256x32xf32>
    %slice3A_890 = vector.extract_strided_slice %get3A_10 {offsets = [0, 11], sizes = [256, 1], strides = [1, 1]} : vector<256x81xf32> to vector<256x1xf32>
    %squeeze3A_891 = vector.shape_cast %slice3A_890 : vector<256x1xf32> to vector<256xf32>
    %broadcast_in_dim3A_892 = vector.shape_cast %squeeze3A_891 : vector<256xf32> to vector<256x1xf32>
    %slice3A_893 = vector.extract_strided_slice %get3A_4 {offsets = [0, 64], sizes = [256, 32], strides = [1, 1]} : vector<256x384xf32> to vector<256x32xf32>
    %mul3A_894 = vector.broadcast %broadcast_in_dim3A_892 : vector<256x1xf32> to vector<256x32xf32>
    %mul3A_895 = arith.mulf %mul3A_894, %slice3A_893 : vector<256x32xf32>
    %add3A_896 = arith.addf %add3A_889, %mul3A_895 : vector<256x32xf32>
    %slice3A_897 = vector.extract_strided_slice %get3A_10 {offsets = [0, 12], sizes = [256, 1], strides = [1, 1]} : vector<256x81xf32> to vector<256x1xf32>
    %squeeze3A_898 = vector.shape_cast %slice3A_897 : vector<256x1xf32> to vector<256xf32>
    %broadcast_in_dim3A_899 = vector.shape_cast %squeeze3A_898 : vector<256xf32> to vector<256x1xf32>
    %slice3A_900 = vector.extract_strided_slice %get3A_4 {offsets = [0, 96], sizes = [256, 32], strides = [1, 1]} : vector<256x384xf32> to vector<256x32xf32>
    %mul3A_901 = vector.broadcast %broadcast_in_dim3A_899 : vector<256x1xf32> to vector<256x32xf32>
    %mul3A_902 = arith.mulf %mul3A_901, %slice3A_900 : vector<256x32xf32>
    %add3A_903 = arith.addf %add3A_896, %mul3A_902 : vector<256x32xf32>
    %slice3A_904 = vector.extract_strided_slice %get3A_10 {offsets = [0, 13], sizes = [256, 1], strides = [1, 1]} : vector<256x81xf32> to vector<256x1xf32>
    %squeeze3A_905 = vector.shape_cast %slice3A_904 : vector<256x1xf32> to vector<256xf32>
    %broadcast_in_dim3A_906 = vector.shape_cast %squeeze3A_905 : vector<256xf32> to vector<256x1xf32>
    %slice3A_907 = vector.extract_strided_slice %get3A_4 {offsets = [0, 128], sizes = [256, 32], strides = [1, 1]} : vector<256x384xf32> to vector<256x32xf32>
    %mul3A_908 = vector.broadcast %broadcast_in_dim3A_906 : vector<256x1xf32> to vector<256x32xf32>
    %mul3A_909 = arith.mulf %mul3A_908, %slice3A_907 : vector<256x32xf32>
    %add3A_910 = arith.addf %add3A_903, %mul3A_909 : vector<256x32xf32>
    %slice3A_911 = vector.extract_strided_slice %get3A_10 {offsets = [0, 14], sizes = [256, 1], strides = [1, 1]} : vector<256x81xf32> to vector<256x1xf32>
    %squeeze3A_912 = vector.shape_cast %slice3A_911 : vector<256x1xf32> to vector<256xf32>
    %broadcast_in_dim3A_913 = vector.shape_cast %squeeze3A_912 : vector<256xf32> to vector<256x1xf32>
    %slice3A_914 = vector.extract_strided_slice %get3A_4 {offsets = [0, 160], sizes = [256, 32], strides = [1, 1]} : vector<256x384xf32> to vector<256x32xf32>
    %mul3A_915 = vector.broadcast %broadcast_in_dim3A_913 : vector<256x1xf32> to vector<256x32xf32>
    %mul3A_916 = arith.mulf %mul3A_915, %slice3A_914 : vector<256x32xf32>
    %add3A_917 = arith.addf %add3A_910, %mul3A_916 : vector<256x32xf32>
    %slice3A_918 = vector.extract_strided_slice %get3A_10 {offsets = [0, 15], sizes = [256, 1], strides = [1, 1]} : vector<256x81xf32> to vector<256x1xf32>
    %squeeze3A_919 = vector.shape_cast %slice3A_918 : vector<256x1xf32> to vector<256xf32>
    %broadcast_in_dim3A_920 = vector.shape_cast %squeeze3A_919 : vector<256xf32> to vector<256x1xf32>
    %slice3A_921 = vector.extract_strided_slice %get3A_4 {offsets = [0, 192], sizes = [256, 32], strides = [1, 1]} : vector<256x384xf32> to vector<256x32xf32>
    %mul3A_922 = vector.broadcast %broadcast_in_dim3A_920 : vector<256x1xf32> to vector<256x32xf32>
    %mul3A_923 = arith.mulf %mul3A_922, %slice3A_921 : vector<256x32xf32>
    %add3A_924 = arith.addf %add3A_917, %mul3A_923 : vector<256x32xf32>
    %slice3A_925 = vector.extract_strided_slice %get3A_10 {offsets = [0, 16], sizes = [256, 1], strides = [1, 1]} : vector<256x81xf32> to vector<256x1xf32>
    %squeeze3A_926 = vector.shape_cast %slice3A_925 : vector<256x1xf32> to vector<256xf32>
    %broadcast_in_dim3A_927 = vector.shape_cast %squeeze3A_926 : vector<256xf32> to vector<256x1xf32>
    %slice3A_928 = vector.extract_strided_slice %get3A_4 {offsets = [0, 224], sizes = [256, 32], strides = [1, 1]} : vector<256x384xf32> to vector<256x32xf32>
    %mul3A_929 = vector.broadcast %broadcast_in_dim3A_927 : vector<256x1xf32> to vector<256x32xf32>
    %mul3A_930 = arith.mulf %mul3A_929, %slice3A_928 : vector<256x32xf32>
    %add3A_931 = arith.addf %add3A_924, %mul3A_930 : vector<256x32xf32>
    %slice3A_932 = vector.extract_strided_slice %get3A_10 {offsets = [0, 17], sizes = [256, 1], strides = [1, 1]} : vector<256x81xf32> to vector<256x1xf32>
    %squeeze3A_933 = vector.shape_cast %slice3A_932 : vector<256x1xf32> to vector<256xf32>
    %broadcast_in_dim3A_934 = vector.shape_cast %squeeze3A_933 : vector<256xf32> to vector<256x1xf32>
    %slice3A_935 = vector.extract_strided_slice %get3A_4 {offsets = [0, 256], sizes = [256, 32], strides = [1, 1]} : vector<256x384xf32> to vector<256x32xf32>
    %mul3A_936 = vector.broadcast %broadcast_in_dim3A_934 : vector<256x1xf32> to vector<256x32xf32>
    %mul3A_937 = arith.mulf %mul3A_936, %slice3A_935 : vector<256x32xf32>
    %add3A_938 = arith.addf %add3A_931, %mul3A_937 : vector<256x32xf32>
    %slice3A_939 = vector.extract_strided_slice %get3A_10 {offsets = [0, 45], sizes = [256, 1], strides = [1, 1]} : vector<256x81xf32> to vector<256x1xf32>
    %squeeze3A_940 = vector.shape_cast %slice3A_939 : vector<256x1xf32> to vector<256xf32>
    %broadcast_in_dim3A_941 = vector.shape_cast %squeeze3A_940 : vector<256xf32> to vector<256x1xf32>
    %slice3A_942 = vector.extract_strided_slice %get3A_4 {offsets = [0, 0], sizes = [256, 32], strides = [1, 1]} : vector<256x384xf32> to vector<256x32xf32>
    %mul3A_943 = vector.broadcast %broadcast_in_dim3A_941 : vector<256x1xf32> to vector<256x32xf32>
    %mul3A_944 = arith.mulf %mul3A_943, %slice3A_942 : vector<256x32xf32>
    %slice3A_945 = vector.extract_strided_slice %get3A_10 {offsets = [0, 46], sizes = [256, 1], strides = [1, 1]} : vector<256x81xf32> to vector<256x1xf32>
    %squeeze3A_946 = vector.shape_cast %slice3A_945 : vector<256x1xf32> to vector<256xf32>
    %broadcast_in_dim3A_947 = vector.shape_cast %squeeze3A_946 : vector<256xf32> to vector<256x1xf32>
    %slice3A_948 = vector.extract_strided_slice %get3A_4 {offsets = [0, 32], sizes = [256, 32], strides = [1, 1]} : vector<256x384xf32> to vector<256x32xf32>
    %mul3A_949 = vector.broadcast %broadcast_in_dim3A_947 : vector<256x1xf32> to vector<256x32xf32>
    %mul3A_950 = arith.mulf %mul3A_949, %slice3A_948 : vector<256x32xf32>
    %add3A_951 = arith.addf %mul3A_944, %mul3A_950 : vector<256x32xf32>
    %slice3A_952 = vector.extract_strided_slice %get3A_10 {offsets = [0, 47], sizes = [256, 1], strides = [1, 1]} : vector<256x81xf32> to vector<256x1xf32>
    %squeeze3A_953 = vector.shape_cast %slice3A_952 : vector<256x1xf32> to vector<256xf32>
    %broadcast_in_dim3A_954 = vector.shape_cast %squeeze3A_953 : vector<256xf32> to vector<256x1xf32>
    %slice3A_955 = vector.extract_strided_slice %get3A_4 {offsets = [0, 64], sizes = [256, 32], strides = [1, 1]} : vector<256x384xf32> to vector<256x32xf32>
    %mul3A_956 = vector.broadcast %broadcast_in_dim3A_954 : vector<256x1xf32> to vector<256x32xf32>
    %mul3A_957 = arith.mulf %mul3A_956, %slice3A_955 : vector<256x32xf32>
    %add3A_958 = arith.addf %add3A_951, %mul3A_957 : vector<256x32xf32>
    %slice3A_959 = vector.extract_strided_slice %get3A_10 {offsets = [0, 48], sizes = [256, 1], strides = [1, 1]} : vector<256x81xf32> to vector<256x1xf32>
    %squeeze3A_960 = vector.shape_cast %slice3A_959 : vector<256x1xf32> to vector<256xf32>
    %broadcast_in_dim3A_961 = vector.shape_cast %squeeze3A_960 : vector<256xf32> to vector<256x1xf32>
    %slice3A_962 = vector.extract_strided_slice %get3A_4 {offsets = [0, 96], sizes = [256, 32], strides = [1, 1]} : vector<256x384xf32> to vector<256x32xf32>
    %mul3A_963 = vector.broadcast %broadcast_in_dim3A_961 : vector<256x1xf32> to vector<256x32xf32>
    %mul3A_964 = arith.mulf %mul3A_963, %slice3A_962 : vector<256x32xf32>
    %add3A_965 = arith.addf %add3A_958, %mul3A_964 : vector<256x32xf32>
    %slice3A_966 = vector.extract_strided_slice %get3A_10 {offsets = [0, 49], sizes = [256, 1], strides = [1, 1]} : vector<256x81xf32> to vector<256x1xf32>
    %squeeze3A_967 = vector.shape_cast %slice3A_966 : vector<256x1xf32> to vector<256xf32>
    %broadcast_in_dim3A_968 = vector.shape_cast %squeeze3A_967 : vector<256xf32> to vector<256x1xf32>
    %slice3A_969 = vector.extract_strided_slice %get3A_4 {offsets = [0, 128], sizes = [256, 32], strides = [1, 1]} : vector<256x384xf32> to vector<256x32xf32>
    %mul3A_970 = vector.broadcast %broadcast_in_dim3A_968 : vector<256x1xf32> to vector<256x32xf32>
    %mul3A_971 = arith.mulf %mul3A_970, %slice3A_969 : vector<256x32xf32>
    %add3A_972 = arith.addf %add3A_965, %mul3A_971 : vector<256x32xf32>
    %slice3A_973 = vector.extract_strided_slice %get3A_10 {offsets = [0, 50], sizes = [256, 1], strides = [1, 1]} : vector<256x81xf32> to vector<256x1xf32>
    %squeeze3A_974 = vector.shape_cast %slice3A_973 : vector<256x1xf32> to vector<256xf32>
    %broadcast_in_dim3A_975 = vector.shape_cast %squeeze3A_974 : vector<256xf32> to vector<256x1xf32>
    %slice3A_976 = vector.extract_strided_slice %get3A_4 {offsets = [0, 160], sizes = [256, 32], strides = [1, 1]} : vector<256x384xf32> to vector<256x32xf32>
    %mul3A_977 = vector.broadcast %broadcast_in_dim3A_975 : vector<256x1xf32> to vector<256x32xf32>
    %mul3A_978 = arith.mulf %mul3A_977, %slice3A_976 : vector<256x32xf32>
    %add3A_979 = arith.addf %add3A_972, %mul3A_978 : vector<256x32xf32>
    %slice3A_980 = vector.extract_strided_slice %get3A_10 {offsets = [0, 51], sizes = [256, 1], strides = [1, 1]} : vector<256x81xf32> to vector<256x1xf32>
    %squeeze3A_981 = vector.shape_cast %slice3A_980 : vector<256x1xf32> to vector<256xf32>
    %broadcast_in_dim3A_982 = vector.shape_cast %squeeze3A_981 : vector<256xf32> to vector<256x1xf32>
    %slice3A_983 = vector.extract_strided_slice %get3A_4 {offsets = [0, 192], sizes = [256, 32], strides = [1, 1]} : vector<256x384xf32> to vector<256x32xf32>
    %mul3A_984 = vector.broadcast %broadcast_in_dim3A_982 : vector<256x1xf32> to vector<256x32xf32>
    %mul3A_985 = arith.mulf %mul3A_984, %slice3A_983 : vector<256x32xf32>
    %add3A_986 = arith.addf %add3A_979, %mul3A_985 : vector<256x32xf32>
    %slice3A_987 = vector.extract_strided_slice %get3A_10 {offsets = [0, 52], sizes = [256, 1], strides = [1, 1]} : vector<256x81xf32> to vector<256x1xf32>
    %squeeze3A_988 = vector.shape_cast %slice3A_987 : vector<256x1xf32> to vector<256xf32>
    %broadcast_in_dim3A_989 = vector.shape_cast %squeeze3A_988 : vector<256xf32> to vector<256x1xf32>
    %slice3A_990 = vector.extract_strided_slice %get3A_4 {offsets = [0, 224], sizes = [256, 32], strides = [1, 1]} : vector<256x384xf32> to vector<256x32xf32>
    %mul3A_991 = vector.broadcast %broadcast_in_dim3A_989 : vector<256x1xf32> to vector<256x32xf32>
    %mul3A_992 = arith.mulf %mul3A_991, %slice3A_990 : vector<256x32xf32>
    %add3A_993 = arith.addf %add3A_986, %mul3A_992 : vector<256x32xf32>
    %slice3A_994 = vector.extract_strided_slice %get3A_10 {offsets = [0, 53], sizes = [256, 1], strides = [1, 1]} : vector<256x81xf32> to vector<256x1xf32>
    %squeeze3A_995 = vector.shape_cast %slice3A_994 : vector<256x1xf32> to vector<256xf32>
    %broadcast_in_dim3A_996 = vector.shape_cast %squeeze3A_995 : vector<256xf32> to vector<256x1xf32>
    %slice3A_997 = vector.extract_strided_slice %get3A_4 {offsets = [0, 256], sizes = [256, 32], strides = [1, 1]} : vector<256x384xf32> to vector<256x32xf32>
    %mul3A_998 = vector.broadcast %broadcast_in_dim3A_996 : vector<256x1xf32> to vector<256x32xf32>
    %mul3A_999 = arith.mulf %mul3A_998, %slice3A_997 : vector<256x32xf32>
    %add3A_1000 = arith.addf %add3A_993, %mul3A_999 : vector<256x32xf32>
    %slice3A_1001 = vector.extract_strided_slice %get3A_10 {offsets = [0, 72], sizes = [256, 1], strides = [1, 1]} : vector<256x81xf32> to vector<256x1xf32>
    %squeeze3A_1002 = vector.shape_cast %slice3A_1001 : vector<256x1xf32> to vector<256xf32>
    %broadcast_in_dim3A_1003 = vector.shape_cast %squeeze3A_1002 : vector<256xf32> to vector<256x1xf32>
    %slice3A_1004 = vector.extract_strided_slice %get3A_4 {offsets = [0, 0], sizes = [256, 32], strides = [1, 1]} : vector<256x384xf32> to vector<256x32xf32>
    %mul3A_1005 = vector.broadcast %broadcast_in_dim3A_1003 : vector<256x1xf32> to vector<256x32xf32>
    %mul3A_1006 = arith.mulf %mul3A_1005, %slice3A_1004 : vector<256x32xf32>
    %slice3A_1007 = vector.extract_strided_slice %get3A_10 {offsets = [0, 73], sizes = [256, 1], strides = [1, 1]} : vector<256x81xf32> to vector<256x1xf32>
    %squeeze3A_1008 = vector.shape_cast %slice3A_1007 : vector<256x1xf32> to vector<256xf32>
    %broadcast_in_dim3A_1009 = vector.shape_cast %squeeze3A_1008 : vector<256xf32> to vector<256x1xf32>
    %slice3A_1010 = vector.extract_strided_slice %get3A_4 {offsets = [0, 32], sizes = [256, 32], strides = [1, 1]} : vector<256x384xf32> to vector<256x32xf32>
    %mul3A_1011 = vector.broadcast %broadcast_in_dim3A_1009 : vector<256x1xf32> to vector<256x32xf32>
    %mul3A_1012 = arith.mulf %mul3A_1011, %slice3A_1010 : vector<256x32xf32>
    %add3A_1013 = arith.addf %mul3A_1006, %mul3A_1012 : vector<256x32xf32>
    %slice3A_1014 = vector.extract_strided_slice %get3A_10 {offsets = [0, 74], sizes = [256, 1], strides = [1, 1]} : vector<256x81xf32> to vector<256x1xf32>
    %squeeze3A_1015 = vector.shape_cast %slice3A_1014 : vector<256x1xf32> to vector<256xf32>
    %broadcast_in_dim3A_1016 = vector.shape_cast %squeeze3A_1015 : vector<256xf32> to vector<256x1xf32>
    %slice3A_1017 = vector.extract_strided_slice %get3A_4 {offsets = [0, 64], sizes = [256, 32], strides = [1, 1]} : vector<256x384xf32> to vector<256x32xf32>
    %mul3A_1018 = vector.broadcast %broadcast_in_dim3A_1016 : vector<256x1xf32> to vector<256x32xf32>
    %mul3A_1019 = arith.mulf %mul3A_1018, %slice3A_1017 : vector<256x32xf32>
    %add3A_1020 = arith.addf %add3A_1013, %mul3A_1019 : vector<256x32xf32>
    %slice3A_1021 = vector.extract_strided_slice %get3A_10 {offsets = [0, 75], sizes = [256, 1], strides = [1, 1]} : vector<256x81xf32> to vector<256x1xf32>
    %squeeze3A_1022 = vector.shape_cast %slice3A_1021 : vector<256x1xf32> to vector<256xf32>
    %broadcast_in_dim3A_1023 = vector.shape_cast %squeeze3A_1022 : vector<256xf32> to vector<256x1xf32>
    %slice3A_1024 = vector.extract_strided_slice %get3A_4 {offsets = [0, 96], sizes = [256, 32], strides = [1, 1]} : vector<256x384xf32> to vector<256x32xf32>
    %mul3A_1025 = vector.broadcast %broadcast_in_dim3A_1023 : vector<256x1xf32> to vector<256x32xf32>
    %mul3A_1026 = arith.mulf %mul3A_1025, %slice3A_1024 : vector<256x32xf32>
    %add3A_1027 = arith.addf %add3A_1020, %mul3A_1026 : vector<256x32xf32>
    %slice3A_1028 = vector.extract_strided_slice %get3A_10 {offsets = [0, 76], sizes = [256, 1], strides = [1, 1]} : vector<256x81xf32> to vector<256x1xf32>
    %squeeze3A_1029 = vector.shape_cast %slice3A_1028 : vector<256x1xf32> to vector<256xf32>
    %broadcast_in_dim3A_1030 = vector.shape_cast %squeeze3A_1029 : vector<256xf32> to vector<256x1xf32>
    %slice3A_1031 = vector.extract_strided_slice %get3A_4 {offsets = [0, 128], sizes = [256, 32], strides = [1, 1]} : vector<256x384xf32> to vector<256x32xf32>
    %mul3A_1032 = vector.broadcast %broadcast_in_dim3A_1030 : vector<256x1xf32> to vector<256x32xf32>
    %mul3A_1033 = arith.mulf %mul3A_1032, %slice3A_1031 : vector<256x32xf32>
    %add3A_1034 = arith.addf %add3A_1027, %mul3A_1033 : vector<256x32xf32>
    %slice3A_1035 = vector.extract_strided_slice %get3A_10 {offsets = [0, 77], sizes = [256, 1], strides = [1, 1]} : vector<256x81xf32> to vector<256x1xf32>
    %squeeze3A_1036 = vector.shape_cast %slice3A_1035 : vector<256x1xf32> to vector<256xf32>
    %broadcast_in_dim3A_1037 = vector.shape_cast %squeeze3A_1036 : vector<256xf32> to vector<256x1xf32>
    %slice3A_1038 = vector.extract_strided_slice %get3A_4 {offsets = [0, 160], sizes = [256, 32], strides = [1, 1]} : vector<256x384xf32> to vector<256x32xf32>
    %mul3A_1039 = vector.broadcast %broadcast_in_dim3A_1037 : vector<256x1xf32> to vector<256x32xf32>
    %mul3A_1040 = arith.mulf %mul3A_1039, %slice3A_1038 : vector<256x32xf32>
    %add3A_1041 = arith.addf %add3A_1034, %mul3A_1040 : vector<256x32xf32>
    %slice3A_1042 = vector.extract_strided_slice %get3A_10 {offsets = [0, 78], sizes = [256, 1], strides = [1, 1]} : vector<256x81xf32> to vector<256x1xf32>
    %squeeze3A_1043 = vector.shape_cast %slice3A_1042 : vector<256x1xf32> to vector<256xf32>
    %broadcast_in_dim3A_1044 = vector.shape_cast %squeeze3A_1043 : vector<256xf32> to vector<256x1xf32>
    %slice3A_1045 = vector.extract_strided_slice %get3A_4 {offsets = [0, 192], sizes = [256, 32], strides = [1, 1]} : vector<256x384xf32> to vector<256x32xf32>
    %mul3A_1046 = vector.broadcast %broadcast_in_dim3A_1044 : vector<256x1xf32> to vector<256x32xf32>
    %mul3A_1047 = arith.mulf %mul3A_1046, %slice3A_1045 : vector<256x32xf32>
    %add3A_1048 = arith.addf %add3A_1041, %mul3A_1047 : vector<256x32xf32>
    %slice3A_1049 = vector.extract_strided_slice %get3A_10 {offsets = [0, 79], sizes = [256, 1], strides = [1, 1]} : vector<256x81xf32> to vector<256x1xf32>
    %squeeze3A_1050 = vector.shape_cast %slice3A_1049 : vector<256x1xf32> to vector<256xf32>
    %broadcast_in_dim3A_1051 = vector.shape_cast %squeeze3A_1050 : vector<256xf32> to vector<256x1xf32>
    %slice3A_1052 = vector.extract_strided_slice %get3A_4 {offsets = [0, 224], sizes = [256, 32], strides = [1, 1]} : vector<256x384xf32> to vector<256x32xf32>
    %mul3A_1053 = vector.broadcast %broadcast_in_dim3A_1051 : vector<256x1xf32> to vector<256x32xf32>
    %mul3A_1054 = arith.mulf %mul3A_1053, %slice3A_1052 : vector<256x32xf32>
    %add3A_1055 = arith.addf %add3A_1048, %mul3A_1054 : vector<256x32xf32>
    %slice3A_1056 = vector.extract_strided_slice %get3A_10 {offsets = [0, 80], sizes = [256, 1], strides = [1, 1]} : vector<256x81xf32> to vector<256x1xf32>
    %squeeze3A_1057 = vector.shape_cast %slice3A_1056 : vector<256x1xf32> to vector<256xf32>
    %broadcast_in_dim3A_1058 = vector.shape_cast %squeeze3A_1057 : vector<256xf32> to vector<256x1xf32>
    %slice3A_1059 = vector.extract_strided_slice %get3A_4 {offsets = [0, 256], sizes = [256, 32], strides = [1, 1]} : vector<256x384xf32> to vector<256x32xf32>
    %mul3A_1060 = vector.broadcast %broadcast_in_dim3A_1058 : vector<256x1xf32> to vector<256x32xf32>
    %mul3A_1061 = arith.mulf %mul3A_1060, %slice3A_1059 : vector<256x32xf32>
    %add3A_1062 = arith.addf %add3A_1055, %mul3A_1061 : vector<256x32xf32>
    %slice3A_1063 = vector.extract_strided_slice %get3A_10 {offsets = [0, 36], sizes = [256, 1], strides = [1, 1]} : vector<256x81xf32> to vector<256x1xf32>
    %squeeze3A_1064 = vector.shape_cast %slice3A_1063 : vector<256x1xf32> to vector<256xf32>
    %broadcast_in_dim3A_1065 = vector.shape_cast %squeeze3A_1064 : vector<256xf32> to vector<256x1xf32>
    %slice3A_1066 = vector.extract_strided_slice %get3A_4 {offsets = [0, 0], sizes = [256, 32], strides = [1, 1]} : vector<256x384xf32> to vector<256x32xf32>
    %mul3A_1067 = vector.broadcast %broadcast_in_dim3A_1065 : vector<256x1xf32> to vector<256x32xf32>
    %mul3A_1068 = arith.mulf %mul3A_1067, %slice3A_1066 : vector<256x32xf32>
    %slice3A_1069 = vector.extract_strided_slice %get3A_10 {offsets = [0, 37], sizes = [256, 1], strides = [1, 1]} : vector<256x81xf32> to vector<256x1xf32>
    %squeeze3A_1070 = vector.shape_cast %slice3A_1069 : vector<256x1xf32> to vector<256xf32>
    %broadcast_in_dim3A_1071 = vector.shape_cast %squeeze3A_1070 : vector<256xf32> to vector<256x1xf32>
    %slice3A_1072 = vector.extract_strided_slice %get3A_4 {offsets = [0, 32], sizes = [256, 32], strides = [1, 1]} : vector<256x384xf32> to vector<256x32xf32>
    %mul3A_1073 = vector.broadcast %broadcast_in_dim3A_1071 : vector<256x1xf32> to vector<256x32xf32>
    %mul3A_1074 = arith.mulf %mul3A_1073, %slice3A_1072 : vector<256x32xf32>
    %add3A_1075 = arith.addf %mul3A_1068, %mul3A_1074 : vector<256x32xf32>
    %slice3A_1076 = vector.extract_strided_slice %get3A_10 {offsets = [0, 38], sizes = [256, 1], strides = [1, 1]} : vector<256x81xf32> to vector<256x1xf32>
    %squeeze3A_1077 = vector.shape_cast %slice3A_1076 : vector<256x1xf32> to vector<256xf32>
    %broadcast_in_dim3A_1078 = vector.shape_cast %squeeze3A_1077 : vector<256xf32> to vector<256x1xf32>
    %slice3A_1079 = vector.extract_strided_slice %get3A_4 {offsets = [0, 64], sizes = [256, 32], strides = [1, 1]} : vector<256x384xf32> to vector<256x32xf32>
    %mul3A_1080 = vector.broadcast %broadcast_in_dim3A_1078 : vector<256x1xf32> to vector<256x32xf32>
    %mul3A_1081 = arith.mulf %mul3A_1080, %slice3A_1079 : vector<256x32xf32>
    %add3A_1082 = arith.addf %add3A_1075, %mul3A_1081 : vector<256x32xf32>
    %slice3A_1083 = vector.extract_strided_slice %get3A_10 {offsets = [0, 39], sizes = [256, 1], strides = [1, 1]} : vector<256x81xf32> to vector<256x1xf32>
    %squeeze3A_1084 = vector.shape_cast %slice3A_1083 : vector<256x1xf32> to vector<256xf32>
    %broadcast_in_dim3A_1085 = vector.shape_cast %squeeze3A_1084 : vector<256xf32> to vector<256x1xf32>
    %slice3A_1086 = vector.extract_strided_slice %get3A_4 {offsets = [0, 96], sizes = [256, 32], strides = [1, 1]} : vector<256x384xf32> to vector<256x32xf32>
    %mul3A_1087 = vector.broadcast %broadcast_in_dim3A_1085 : vector<256x1xf32> to vector<256x32xf32>
    %mul3A_1088 = arith.mulf %mul3A_1087, %slice3A_1086 : vector<256x32xf32>
    %add3A_1089 = arith.addf %add3A_1082, %mul3A_1088 : vector<256x32xf32>
    %slice3A_1090 = vector.extract_strided_slice %get3A_10 {offsets = [0, 40], sizes = [256, 1], strides = [1, 1]} : vector<256x81xf32> to vector<256x1xf32>
    %squeeze3A_1091 = vector.shape_cast %slice3A_1090 : vector<256x1xf32> to vector<256xf32>
    %broadcast_in_dim3A_1092 = vector.shape_cast %squeeze3A_1091 : vector<256xf32> to vector<256x1xf32>
    %slice3A_1093 = vector.extract_strided_slice %get3A_4 {offsets = [0, 128], sizes = [256, 32], strides = [1, 1]} : vector<256x384xf32> to vector<256x32xf32>
    %mul3A_1094 = vector.broadcast %broadcast_in_dim3A_1092 : vector<256x1xf32> to vector<256x32xf32>
    %mul3A_1095 = arith.mulf %mul3A_1094, %slice3A_1093 : vector<256x32xf32>
    %add3A_1096 = arith.addf %add3A_1089, %mul3A_1095 : vector<256x32xf32>
    %slice3A_1097 = vector.extract_strided_slice %get3A_10 {offsets = [0, 41], sizes = [256, 1], strides = [1, 1]} : vector<256x81xf32> to vector<256x1xf32>
    %squeeze3A_1098 = vector.shape_cast %slice3A_1097 : vector<256x1xf32> to vector<256xf32>
    %broadcast_in_dim3A_1099 = vector.shape_cast %squeeze3A_1098 : vector<256xf32> to vector<256x1xf32>
    %slice3A_1100 = vector.extract_strided_slice %get3A_4 {offsets = [0, 160], sizes = [256, 32], strides = [1, 1]} : vector<256x384xf32> to vector<256x32xf32>
    %mul3A_1101 = vector.broadcast %broadcast_in_dim3A_1099 : vector<256x1xf32> to vector<256x32xf32>
    %mul3A_1102 = arith.mulf %mul3A_1101, %slice3A_1100 : vector<256x32xf32>
    %add3A_1103 = arith.addf %add3A_1096, %mul3A_1102 : vector<256x32xf32>
    %slice3A_1104 = vector.extract_strided_slice %get3A_10 {offsets = [0, 42], sizes = [256, 1], strides = [1, 1]} : vector<256x81xf32> to vector<256x1xf32>
    %squeeze3A_1105 = vector.shape_cast %slice3A_1104 : vector<256x1xf32> to vector<256xf32>
    %broadcast_in_dim3A_1106 = vector.shape_cast %squeeze3A_1105 : vector<256xf32> to vector<256x1xf32>
    %slice3A_1107 = vector.extract_strided_slice %get3A_4 {offsets = [0, 192], sizes = [256, 32], strides = [1, 1]} : vector<256x384xf32> to vector<256x32xf32>
    %mul3A_1108 = vector.broadcast %broadcast_in_dim3A_1106 : vector<256x1xf32> to vector<256x32xf32>
    %mul3A_1109 = arith.mulf %mul3A_1108, %slice3A_1107 : vector<256x32xf32>
    %add3A_1110 = arith.addf %add3A_1103, %mul3A_1109 : vector<256x32xf32>
    %slice3A_1111 = vector.extract_strided_slice %get3A_10 {offsets = [0, 43], sizes = [256, 1], strides = [1, 1]} : vector<256x81xf32> to vector<256x1xf32>
    %squeeze3A_1112 = vector.shape_cast %slice3A_1111 : vector<256x1xf32> to vector<256xf32>
    %broadcast_in_dim3A_1113 = vector.shape_cast %squeeze3A_1112 : vector<256xf32> to vector<256x1xf32>
    %slice3A_1114 = vector.extract_strided_slice %get3A_4 {offsets = [0, 224], sizes = [256, 32], strides = [1, 1]} : vector<256x384xf32> to vector<256x32xf32>
    %mul3A_1115 = vector.broadcast %broadcast_in_dim3A_1113 : vector<256x1xf32> to vector<256x32xf32>
    %mul3A_1116 = arith.mulf %mul3A_1115, %slice3A_1114 : vector<256x32xf32>
    %add3A_1117 = arith.addf %add3A_1110, %mul3A_1116 : vector<256x32xf32>
    %slice3A_1118 = vector.extract_strided_slice %get3A_10 {offsets = [0, 44], sizes = [256, 1], strides = [1, 1]} : vector<256x81xf32> to vector<256x1xf32>
    %squeeze3A_1119 = vector.shape_cast %slice3A_1118 : vector<256x1xf32> to vector<256xf32>
    %broadcast_in_dim3A_1120 = vector.shape_cast %squeeze3A_1119 : vector<256xf32> to vector<256x1xf32>
    %slice3A_1121 = vector.extract_strided_slice %get3A_4 {offsets = [0, 256], sizes = [256, 32], strides = [1, 1]} : vector<256x384xf32> to vector<256x32xf32>
    %mul3A_1122 = vector.broadcast %broadcast_in_dim3A_1120 : vector<256x1xf32> to vector<256x32xf32>
    %mul3A_1123 = arith.mulf %mul3A_1122, %slice3A_1121 : vector<256x32xf32>
    %add3A_1124 = arith.addf %add3A_1117, %mul3A_1123 : vector<256x32xf32>
    %slice3A_1125 = vector.extract_strided_slice %get3A_10 {offsets = [0, 0], sizes = [256, 1], strides = [1, 1]} : vector<256x81xf32> to vector<256x1xf32>
    %squeeze3A_1126 = vector.shape_cast %slice3A_1125 : vector<256x1xf32> to vector<256xf32>
    %broadcast_in_dim3A_1127 = vector.shape_cast %squeeze3A_1126 : vector<256xf32> to vector<256x1xf32>
    %slice3A_1128 = vector.extract_strided_slice %get3A_7 {offsets = [0, 0], sizes = [256, 32], strides = [1, 1]} : vector<256x288xf32> to vector<256x32xf32>
    %mul3A_1129 = vector.broadcast %broadcast_in_dim3A_1127 : vector<256x1xf32> to vector<256x32xf32>
    %mul3A_1130 = arith.mulf %mul3A_1129, %slice3A_1128 : vector<256x32xf32>
    %slice3A_1131 = vector.extract_strided_slice %get3A_10 {offsets = [0, 1], sizes = [256, 1], strides = [1, 1]} : vector<256x81xf32> to vector<256x1xf32>
    %squeeze3A_1132 = vector.shape_cast %slice3A_1131 : vector<256x1xf32> to vector<256xf32>
    %broadcast_in_dim3A_1133 = vector.shape_cast %squeeze3A_1132 : vector<256xf32> to vector<256x1xf32>
    %slice3A_1134 = vector.extract_strided_slice %get3A_7 {offsets = [0, 32], sizes = [256, 32], strides = [1, 1]} : vector<256x288xf32> to vector<256x32xf32>
    %mul3A_1135 = vector.broadcast %broadcast_in_dim3A_1133 : vector<256x1xf32> to vector<256x32xf32>
    %mul3A_1136 = arith.mulf %mul3A_1135, %slice3A_1134 : vector<256x32xf32>
    %add3A_1137 = arith.addf %mul3A_1130, %mul3A_1136 : vector<256x32xf32>
    %slice3A_1138 = vector.extract_strided_slice %get3A_10 {offsets = [0, 2], sizes = [256, 1], strides = [1, 1]} : vector<256x81xf32> to vector<256x1xf32>
    %squeeze3A_1139 = vector.shape_cast %slice3A_1138 : vector<256x1xf32> to vector<256xf32>
    %broadcast_in_dim3A_1140 = vector.shape_cast %squeeze3A_1139 : vector<256xf32> to vector<256x1xf32>
    %slice3A_1141 = vector.extract_strided_slice %get3A_7 {offsets = [0, 64], sizes = [256, 32], strides = [1, 1]} : vector<256x288xf32> to vector<256x32xf32>
    %mul3A_1142 = vector.broadcast %broadcast_in_dim3A_1140 : vector<256x1xf32> to vector<256x32xf32>
    %mul3A_1143 = arith.mulf %mul3A_1142, %slice3A_1141 : vector<256x32xf32>
    %add3A_1144 = arith.addf %add3A_1137, %mul3A_1143 : vector<256x32xf32>
    %slice3A_1145 = vector.extract_strided_slice %get3A_10 {offsets = [0, 3], sizes = [256, 1], strides = [1, 1]} : vector<256x81xf32> to vector<256x1xf32>
    %squeeze3A_1146 = vector.shape_cast %slice3A_1145 : vector<256x1xf32> to vector<256xf32>
    %broadcast_in_dim3A_1147 = vector.shape_cast %squeeze3A_1146 : vector<256xf32> to vector<256x1xf32>
    %slice3A_1148 = vector.extract_strided_slice %get3A_7 {offsets = [0, 96], sizes = [256, 32], strides = [1, 1]} : vector<256x288xf32> to vector<256x32xf32>
    %mul3A_1149 = vector.broadcast %broadcast_in_dim3A_1147 : vector<256x1xf32> to vector<256x32xf32>
    %mul3A_1150 = arith.mulf %mul3A_1149, %slice3A_1148 : vector<256x32xf32>
    %add3A_1151 = arith.addf %add3A_1144, %mul3A_1150 : vector<256x32xf32>
    %slice3A_1152 = vector.extract_strided_slice %get3A_10 {offsets = [0, 4], sizes = [256, 1], strides = [1, 1]} : vector<256x81xf32> to vector<256x1xf32>
    %squeeze3A_1153 = vector.shape_cast %slice3A_1152 : vector<256x1xf32> to vector<256xf32>
    %broadcast_in_dim3A_1154 = vector.shape_cast %squeeze3A_1153 : vector<256xf32> to vector<256x1xf32>
    %slice3A_1155 = vector.extract_strided_slice %get3A_7 {offsets = [0, 128], sizes = [256, 32], strides = [1, 1]} : vector<256x288xf32> to vector<256x32xf32>
    %mul3A_1156 = vector.broadcast %broadcast_in_dim3A_1154 : vector<256x1xf32> to vector<256x32xf32>
    %mul3A_1157 = arith.mulf %mul3A_1156, %slice3A_1155 : vector<256x32xf32>
    %add3A_1158 = arith.addf %add3A_1151, %mul3A_1157 : vector<256x32xf32>
    %slice3A_1159 = vector.extract_strided_slice %get3A_10 {offsets = [0, 5], sizes = [256, 1], strides = [1, 1]} : vector<256x81xf32> to vector<256x1xf32>
    %squeeze3A_1160 = vector.shape_cast %slice3A_1159 : vector<256x1xf32> to vector<256xf32>
    %broadcast_in_dim3A_1161 = vector.shape_cast %squeeze3A_1160 : vector<256xf32> to vector<256x1xf32>
    %slice3A_1162 = vector.extract_strided_slice %get3A_7 {offsets = [0, 160], sizes = [256, 32], strides = [1, 1]} : vector<256x288xf32> to vector<256x32xf32>
    %mul3A_1163 = vector.broadcast %broadcast_in_dim3A_1161 : vector<256x1xf32> to vector<256x32xf32>
    %mul3A_1164 = arith.mulf %mul3A_1163, %slice3A_1162 : vector<256x32xf32>
    %add3A_1165 = arith.addf %add3A_1158, %mul3A_1164 : vector<256x32xf32>
    %slice3A_1166 = vector.extract_strided_slice %get3A_10 {offsets = [0, 6], sizes = [256, 1], strides = [1, 1]} : vector<256x81xf32> to vector<256x1xf32>
    %squeeze3A_1167 = vector.shape_cast %slice3A_1166 : vector<256x1xf32> to vector<256xf32>
    %broadcast_in_dim3A_1168 = vector.shape_cast %squeeze3A_1167 : vector<256xf32> to vector<256x1xf32>
    %slice3A_1169 = vector.extract_strided_slice %get3A_7 {offsets = [0, 192], sizes = [256, 32], strides = [1, 1]} : vector<256x288xf32> to vector<256x32xf32>
    %mul3A_1170 = vector.broadcast %broadcast_in_dim3A_1168 : vector<256x1xf32> to vector<256x32xf32>
    %mul3A_1171 = arith.mulf %mul3A_1170, %slice3A_1169 : vector<256x32xf32>
    %add3A_1172 = arith.addf %add3A_1165, %mul3A_1171 : vector<256x32xf32>
    %slice3A_1173 = vector.extract_strided_slice %get3A_10 {offsets = [0, 7], sizes = [256, 1], strides = [1, 1]} : vector<256x81xf32> to vector<256x1xf32>
    %squeeze3A_1174 = vector.shape_cast %slice3A_1173 : vector<256x1xf32> to vector<256xf32>
    %broadcast_in_dim3A_1175 = vector.shape_cast %squeeze3A_1174 : vector<256xf32> to vector<256x1xf32>
    %slice3A_1176 = vector.extract_strided_slice %get3A_7 {offsets = [0, 224], sizes = [256, 32], strides = [1, 1]} : vector<256x288xf32> to vector<256x32xf32>
    %mul3A_1177 = vector.broadcast %broadcast_in_dim3A_1175 : vector<256x1xf32> to vector<256x32xf32>
    %mul3A_1178 = arith.mulf %mul3A_1177, %slice3A_1176 : vector<256x32xf32>
    %add3A_1179 = arith.addf %add3A_1172, %mul3A_1178 : vector<256x32xf32>
    %slice3A_1180 = vector.extract_strided_slice %get3A_10 {offsets = [0, 8], sizes = [256, 1], strides = [1, 1]} : vector<256x81xf32> to vector<256x1xf32>
    %squeeze3A_1181 = vector.shape_cast %slice3A_1180 : vector<256x1xf32> to vector<256xf32>
    %broadcast_in_dim3A_1182 = vector.shape_cast %squeeze3A_1181 : vector<256xf32> to vector<256x1xf32>
    %slice3A_1183 = vector.extract_strided_slice %get3A_7 {offsets = [0, 256], sizes = [256, 32], strides = [1, 1]} : vector<256x288xf32> to vector<256x32xf32>
    %mul3A_1184 = vector.broadcast %broadcast_in_dim3A_1182 : vector<256x1xf32> to vector<256x32xf32>
    %mul3A_1185 = arith.mulf %mul3A_1184, %slice3A_1183 : vector<256x32xf32>
    %add3A_1186 = arith.addf %add3A_1179, %mul3A_1185 : vector<256x32xf32>
    %slice3A_1187 = vector.extract_strided_slice %get3A_10 {offsets = [0, 18], sizes = [256, 1], strides = [1, 1]} : vector<256x81xf32> to vector<256x1xf32>
    %squeeze3A_1188 = vector.shape_cast %slice3A_1187 : vector<256x1xf32> to vector<256xf32>
    %broadcast_in_dim3A_1189 = vector.shape_cast %squeeze3A_1188 : vector<256xf32> to vector<256x1xf32>
    %slice3A_1190 = vector.extract_strided_slice %get3A_7 {offsets = [0, 0], sizes = [256, 32], strides = [1, 1]} : vector<256x288xf32> to vector<256x32xf32>
    %mul3A_1191 = vector.broadcast %broadcast_in_dim3A_1189 : vector<256x1xf32> to vector<256x32xf32>
    %mul3A_1192 = arith.mulf %mul3A_1191, %slice3A_1190 : vector<256x32xf32>
    %slice3A_1193 = vector.extract_strided_slice %get3A_10 {offsets = [0, 19], sizes = [256, 1], strides = [1, 1]} : vector<256x81xf32> to vector<256x1xf32>
    %squeeze3A_1194 = vector.shape_cast %slice3A_1193 : vector<256x1xf32> to vector<256xf32>
    %broadcast_in_dim3A_1195 = vector.shape_cast %squeeze3A_1194 : vector<256xf32> to vector<256x1xf32>
    %slice3A_1196 = vector.extract_strided_slice %get3A_7 {offsets = [0, 32], sizes = [256, 32], strides = [1, 1]} : vector<256x288xf32> to vector<256x32xf32>
    %mul3A_1197 = vector.broadcast %broadcast_in_dim3A_1195 : vector<256x1xf32> to vector<256x32xf32>
    %mul3A_1198 = arith.mulf %mul3A_1197, %slice3A_1196 : vector<256x32xf32>
    %add3A_1199 = arith.addf %mul3A_1192, %mul3A_1198 : vector<256x32xf32>
    %slice3A_1200 = vector.extract_strided_slice %get3A_10 {offsets = [0, 20], sizes = [256, 1], strides = [1, 1]} : vector<256x81xf32> to vector<256x1xf32>
    %squeeze3A_1201 = vector.shape_cast %slice3A_1200 : vector<256x1xf32> to vector<256xf32>
    %broadcast_in_dim3A_1202 = vector.shape_cast %squeeze3A_1201 : vector<256xf32> to vector<256x1xf32>
    %slice3A_1203 = vector.extract_strided_slice %get3A_7 {offsets = [0, 64], sizes = [256, 32], strides = [1, 1]} : vector<256x288xf32> to vector<256x32xf32>
    %mul3A_1204 = vector.broadcast %broadcast_in_dim3A_1202 : vector<256x1xf32> to vector<256x32xf32>
    %mul3A_1205 = arith.mulf %mul3A_1204, %slice3A_1203 : vector<256x32xf32>
    %add3A_1206 = arith.addf %add3A_1199, %mul3A_1205 : vector<256x32xf32>
    %slice3A_1207 = vector.extract_strided_slice %get3A_10 {offsets = [0, 21], sizes = [256, 1], strides = [1, 1]} : vector<256x81xf32> to vector<256x1xf32>
    %squeeze3A_1208 = vector.shape_cast %slice3A_1207 : vector<256x1xf32> to vector<256xf32>
    %broadcast_in_dim3A_1209 = vector.shape_cast %squeeze3A_1208 : vector<256xf32> to vector<256x1xf32>
    %slice3A_1210 = vector.extract_strided_slice %get3A_7 {offsets = [0, 96], sizes = [256, 32], strides = [1, 1]} : vector<256x288xf32> to vector<256x32xf32>
    %mul3A_1211 = vector.broadcast %broadcast_in_dim3A_1209 : vector<256x1xf32> to vector<256x32xf32>
    %mul3A_1212 = arith.mulf %mul3A_1211, %slice3A_1210 : vector<256x32xf32>
    %add3A_1213 = arith.addf %add3A_1206, %mul3A_1212 : vector<256x32xf32>
    %slice3A_1214 = vector.extract_strided_slice %get3A_10 {offsets = [0, 22], sizes = [256, 1], strides = [1, 1]} : vector<256x81xf32> to vector<256x1xf32>
    %squeeze3A_1215 = vector.shape_cast %slice3A_1214 : vector<256x1xf32> to vector<256xf32>
    %broadcast_in_dim3A_1216 = vector.shape_cast %squeeze3A_1215 : vector<256xf32> to vector<256x1xf32>
    %slice3A_1217 = vector.extract_strided_slice %get3A_7 {offsets = [0, 128], sizes = [256, 32], strides = [1, 1]} : vector<256x288xf32> to vector<256x32xf32>
    %mul3A_1218 = vector.broadcast %broadcast_in_dim3A_1216 : vector<256x1xf32> to vector<256x32xf32>
    %mul3A_1219 = arith.mulf %mul3A_1218, %slice3A_1217 : vector<256x32xf32>
    %add3A_1220 = arith.addf %add3A_1213, %mul3A_1219 : vector<256x32xf32>
    %slice3A_1221 = vector.extract_strided_slice %get3A_10 {offsets = [0, 23], sizes = [256, 1], strides = [1, 1]} : vector<256x81xf32> to vector<256x1xf32>
    %squeeze3A_1222 = vector.shape_cast %slice3A_1221 : vector<256x1xf32> to vector<256xf32>
    %broadcast_in_dim3A_1223 = vector.shape_cast %squeeze3A_1222 : vector<256xf32> to vector<256x1xf32>
    %slice3A_1224 = vector.extract_strided_slice %get3A_7 {offsets = [0, 160], sizes = [256, 32], strides = [1, 1]} : vector<256x288xf32> to vector<256x32xf32>
    %mul3A_1225 = vector.broadcast %broadcast_in_dim3A_1223 : vector<256x1xf32> to vector<256x32xf32>
    %mul3A_1226 = arith.mulf %mul3A_1225, %slice3A_1224 : vector<256x32xf32>
    %add3A_1227 = arith.addf %add3A_1220, %mul3A_1226 : vector<256x32xf32>
    %slice3A_1228 = vector.extract_strided_slice %get3A_10 {offsets = [0, 24], sizes = [256, 1], strides = [1, 1]} : vector<256x81xf32> to vector<256x1xf32>
    %squeeze3A_1229 = vector.shape_cast %slice3A_1228 : vector<256x1xf32> to vector<256xf32>
    %broadcast_in_dim3A_1230 = vector.shape_cast %squeeze3A_1229 : vector<256xf32> to vector<256x1xf32>
    %slice3A_1231 = vector.extract_strided_slice %get3A_7 {offsets = [0, 192], sizes = [256, 32], strides = [1, 1]} : vector<256x288xf32> to vector<256x32xf32>
    %mul3A_1232 = vector.broadcast %broadcast_in_dim3A_1230 : vector<256x1xf32> to vector<256x32xf32>
    %mul3A_1233 = arith.mulf %mul3A_1232, %slice3A_1231 : vector<256x32xf32>
    %add3A_1234 = arith.addf %add3A_1227, %mul3A_1233 : vector<256x32xf32>
    %slice3A_1235 = vector.extract_strided_slice %get3A_10 {offsets = [0, 25], sizes = [256, 1], strides = [1, 1]} : vector<256x81xf32> to vector<256x1xf32>
    %squeeze3A_1236 = vector.shape_cast %slice3A_1235 : vector<256x1xf32> to vector<256xf32>
    %broadcast_in_dim3A_1237 = vector.shape_cast %squeeze3A_1236 : vector<256xf32> to vector<256x1xf32>
    %slice3A_1238 = vector.extract_strided_slice %get3A_7 {offsets = [0, 224], sizes = [256, 32], strides = [1, 1]} : vector<256x288xf32> to vector<256x32xf32>
    %mul3A_1239 = vector.broadcast %broadcast_in_dim3A_1237 : vector<256x1xf32> to vector<256x32xf32>
    %mul3A_1240 = arith.mulf %mul3A_1239, %slice3A_1238 : vector<256x32xf32>
    %add3A_1241 = arith.addf %add3A_1234, %mul3A_1240 : vector<256x32xf32>
    %slice3A_1242 = vector.extract_strided_slice %get3A_10 {offsets = [0, 26], sizes = [256, 1], strides = [1, 1]} : vector<256x81xf32> to vector<256x1xf32>
    %squeeze3A_1243 = vector.shape_cast %slice3A_1242 : vector<256x1xf32> to vector<256xf32>
    %broadcast_in_dim3A_1244 = vector.shape_cast %squeeze3A_1243 : vector<256xf32> to vector<256x1xf32>
    %slice3A_1245 = vector.extract_strided_slice %get3A_7 {offsets = [0, 256], sizes = [256, 32], strides = [1, 1]} : vector<256x288xf32> to vector<256x32xf32>
    %mul3A_1246 = vector.broadcast %broadcast_in_dim3A_1244 : vector<256x1xf32> to vector<256x32xf32>
    %mul3A_1247 = arith.mulf %mul3A_1246, %slice3A_1245 : vector<256x32xf32>
    %add3A_1248 = arith.addf %add3A_1241, %mul3A_1247 : vector<256x32xf32>
    %slice3A_1249 = vector.extract_strided_slice %get3A_10 {offsets = [0, 54], sizes = [256, 1], strides = [1, 1]} : vector<256x81xf32> to vector<256x1xf32>
    %squeeze3A_1250 = vector.shape_cast %slice3A_1249 : vector<256x1xf32> to vector<256xf32>
    %broadcast_in_dim3A_1251 = vector.shape_cast %squeeze3A_1250 : vector<256xf32> to vector<256x1xf32>
    %slice3A_1252 = vector.extract_strided_slice %get3A_7 {offsets = [0, 0], sizes = [256, 32], strides = [1, 1]} : vector<256x288xf32> to vector<256x32xf32>
    %mul3A_1253 = vector.broadcast %broadcast_in_dim3A_1251 : vector<256x1xf32> to vector<256x32xf32>
    %mul3A_1254 = arith.mulf %mul3A_1253, %slice3A_1252 : vector<256x32xf32>
    %slice3A_1255 = vector.extract_strided_slice %get3A_10 {offsets = [0, 55], sizes = [256, 1], strides = [1, 1]} : vector<256x81xf32> to vector<256x1xf32>
    %squeeze3A_1256 = vector.shape_cast %slice3A_1255 : vector<256x1xf32> to vector<256xf32>
    %broadcast_in_dim3A_1257 = vector.shape_cast %squeeze3A_1256 : vector<256xf32> to vector<256x1xf32>
    %slice3A_1258 = vector.extract_strided_slice %get3A_7 {offsets = [0, 32], sizes = [256, 32], strides = [1, 1]} : vector<256x288xf32> to vector<256x32xf32>
    %mul3A_1259 = vector.broadcast %broadcast_in_dim3A_1257 : vector<256x1xf32> to vector<256x32xf32>
    %mul3A_1260 = arith.mulf %mul3A_1259, %slice3A_1258 : vector<256x32xf32>
    %add3A_1261 = arith.addf %mul3A_1254, %mul3A_1260 : vector<256x32xf32>
    %slice3A_1262 = vector.extract_strided_slice %get3A_10 {offsets = [0, 56], sizes = [256, 1], strides = [1, 1]} : vector<256x81xf32> to vector<256x1xf32>
    %squeeze3A_1263 = vector.shape_cast %slice3A_1262 : vector<256x1xf32> to vector<256xf32>
    %broadcast_in_dim3A_1264 = vector.shape_cast %squeeze3A_1263 : vector<256xf32> to vector<256x1xf32>
    %slice3A_1265 = vector.extract_strided_slice %get3A_7 {offsets = [0, 64], sizes = [256, 32], strides = [1, 1]} : vector<256x288xf32> to vector<256x32xf32>
    %mul3A_1266 = vector.broadcast %broadcast_in_dim3A_1264 : vector<256x1xf32> to vector<256x32xf32>
    %mul3A_1267 = arith.mulf %mul3A_1266, %slice3A_1265 : vector<256x32xf32>
    %add3A_1268 = arith.addf %add3A_1261, %mul3A_1267 : vector<256x32xf32>
    %slice3A_1269 = vector.extract_strided_slice %get3A_10 {offsets = [0, 57], sizes = [256, 1], strides = [1, 1]} : vector<256x81xf32> to vector<256x1xf32>
    %squeeze3A_1270 = vector.shape_cast %slice3A_1269 : vector<256x1xf32> to vector<256xf32>
    %broadcast_in_dim3A_1271 = vector.shape_cast %squeeze3A_1270 : vector<256xf32> to vector<256x1xf32>
    %slice3A_1272 = vector.extract_strided_slice %get3A_7 {offsets = [0, 96], sizes = [256, 32], strides = [1, 1]} : vector<256x288xf32> to vector<256x32xf32>
    %mul3A_1273 = vector.broadcast %broadcast_in_dim3A_1271 : vector<256x1xf32> to vector<256x32xf32>
    %mul3A_1274 = arith.mulf %mul3A_1273, %slice3A_1272 : vector<256x32xf32>
    %add3A_1275 = arith.addf %add3A_1268, %mul3A_1274 : vector<256x32xf32>
    %slice3A_1276 = vector.extract_strided_slice %get3A_10 {offsets = [0, 58], sizes = [256, 1], strides = [1, 1]} : vector<256x81xf32> to vector<256x1xf32>
    %squeeze3A_1277 = vector.shape_cast %slice3A_1276 : vector<256x1xf32> to vector<256xf32>
    %broadcast_in_dim3A_1278 = vector.shape_cast %squeeze3A_1277 : vector<256xf32> to vector<256x1xf32>
    %slice3A_1279 = vector.extract_strided_slice %get3A_7 {offsets = [0, 128], sizes = [256, 32], strides = [1, 1]} : vector<256x288xf32> to vector<256x32xf32>
    %mul3A_1280 = vector.broadcast %broadcast_in_dim3A_1278 : vector<256x1xf32> to vector<256x32xf32>
    %mul3A_1281 = arith.mulf %mul3A_1280, %slice3A_1279 : vector<256x32xf32>
    %add3A_1282 = arith.addf %add3A_1275, %mul3A_1281 : vector<256x32xf32>
    %slice3A_1283 = vector.extract_strided_slice %get3A_10 {offsets = [0, 59], sizes = [256, 1], strides = [1, 1]} : vector<256x81xf32> to vector<256x1xf32>
    %squeeze3A_1284 = vector.shape_cast %slice3A_1283 : vector<256x1xf32> to vector<256xf32>
    %broadcast_in_dim3A_1285 = vector.shape_cast %squeeze3A_1284 : vector<256xf32> to vector<256x1xf32>
    %slice3A_1286 = vector.extract_strided_slice %get3A_7 {offsets = [0, 160], sizes = [256, 32], strides = [1, 1]} : vector<256x288xf32> to vector<256x32xf32>
    %mul3A_1287 = vector.broadcast %broadcast_in_dim3A_1285 : vector<256x1xf32> to vector<256x32xf32>
    %mul3A_1288 = arith.mulf %mul3A_1287, %slice3A_1286 : vector<256x32xf32>
    %add3A_1289 = arith.addf %add3A_1282, %mul3A_1288 : vector<256x32xf32>
    %slice3A_1290 = vector.extract_strided_slice %get3A_10 {offsets = [0, 60], sizes = [256, 1], strides = [1, 1]} : vector<256x81xf32> to vector<256x1xf32>
    %squeeze3A_1291 = vector.shape_cast %slice3A_1290 : vector<256x1xf32> to vector<256xf32>
    %broadcast_in_dim3A_1292 = vector.shape_cast %squeeze3A_1291 : vector<256xf32> to vector<256x1xf32>
    %slice3A_1293 = vector.extract_strided_slice %get3A_7 {offsets = [0, 192], sizes = [256, 32], strides = [1, 1]} : vector<256x288xf32> to vector<256x32xf32>
    %mul3A_1294 = vector.broadcast %broadcast_in_dim3A_1292 : vector<256x1xf32> to vector<256x32xf32>
    %mul3A_1295 = arith.mulf %mul3A_1294, %slice3A_1293 : vector<256x32xf32>
    %add3A_1296 = arith.addf %add3A_1289, %mul3A_1295 : vector<256x32xf32>
    %slice3A_1297 = vector.extract_strided_slice %get3A_10 {offsets = [0, 61], sizes = [256, 1], strides = [1, 1]} : vector<256x81xf32> to vector<256x1xf32>
    %squeeze3A_1298 = vector.shape_cast %slice3A_1297 : vector<256x1xf32> to vector<256xf32>
    %broadcast_in_dim3A_1299 = vector.shape_cast %squeeze3A_1298 : vector<256xf32> to vector<256x1xf32>
    %slice3A_1300 = vector.extract_strided_slice %get3A_7 {offsets = [0, 224], sizes = [256, 32], strides = [1, 1]} : vector<256x288xf32> to vector<256x32xf32>
    %mul3A_1301 = vector.broadcast %broadcast_in_dim3A_1299 : vector<256x1xf32> to vector<256x32xf32>
    %mul3A_1302 = arith.mulf %mul3A_1301, %slice3A_1300 : vector<256x32xf32>
    %add3A_1303 = arith.addf %add3A_1296, %mul3A_1302 : vector<256x32xf32>
    %slice3A_1304 = vector.extract_strided_slice %get3A_10 {offsets = [0, 62], sizes = [256, 1], strides = [1, 1]} : vector<256x81xf32> to vector<256x1xf32>
    %squeeze3A_1305 = vector.shape_cast %slice3A_1304 : vector<256x1xf32> to vector<256xf32>
    %broadcast_in_dim3A_1306 = vector.shape_cast %squeeze3A_1305 : vector<256xf32> to vector<256x1xf32>
    %slice3A_1307 = vector.extract_strided_slice %get3A_7 {offsets = [0, 256], sizes = [256, 32], strides = [1, 1]} : vector<256x288xf32> to vector<256x32xf32>
    %mul3A_1308 = vector.broadcast %broadcast_in_dim3A_1306 : vector<256x1xf32> to vector<256x32xf32>
    %mul3A_1309 = arith.mulf %mul3A_1308, %slice3A_1307 : vector<256x32xf32>
    %add3A_1310 = arith.addf %add3A_1303, %mul3A_1309 : vector<256x32xf32>
    %slice3A_1311 = vector.extract_strided_slice %get3A_10 {offsets = [0, 27], sizes = [256, 1], strides = [1, 1]} : vector<256x81xf32> to vector<256x1xf32>
    %squeeze3A_1312 = vector.shape_cast %slice3A_1311 : vector<256x1xf32> to vector<256xf32>
    %broadcast_in_dim3A_1313 = vector.shape_cast %squeeze3A_1312 : vector<256xf32> to vector<256x1xf32>
    %slice3A_1314 = vector.extract_strided_slice %get3A_7 {offsets = [0, 0], sizes = [256, 32], strides = [1, 1]} : vector<256x288xf32> to vector<256x32xf32>
    %mul3A_1315 = vector.broadcast %broadcast_in_dim3A_1313 : vector<256x1xf32> to vector<256x32xf32>
    %mul3A_1316 = arith.mulf %mul3A_1315, %slice3A_1314 : vector<256x32xf32>
    %slice3A_1317 = vector.extract_strided_slice %get3A_10 {offsets = [0, 28], sizes = [256, 1], strides = [1, 1]} : vector<256x81xf32> to vector<256x1xf32>
    %squeeze3A_1318 = vector.shape_cast %slice3A_1317 : vector<256x1xf32> to vector<256xf32>
    %broadcast_in_dim3A_1319 = vector.shape_cast %squeeze3A_1318 : vector<256xf32> to vector<256x1xf32>
    %slice3A_1320 = vector.extract_strided_slice %get3A_7 {offsets = [0, 32], sizes = [256, 32], strides = [1, 1]} : vector<256x288xf32> to vector<256x32xf32>
    %mul3A_1321 = vector.broadcast %broadcast_in_dim3A_1319 : vector<256x1xf32> to vector<256x32xf32>
    %mul3A_1322 = arith.mulf %mul3A_1321, %slice3A_1320 : vector<256x32xf32>
    %add3A_1323 = arith.addf %mul3A_1316, %mul3A_1322 : vector<256x32xf32>
    %slice3A_1324 = vector.extract_strided_slice %get3A_10 {offsets = [0, 29], sizes = [256, 1], strides = [1, 1]} : vector<256x81xf32> to vector<256x1xf32>
    %squeeze3A_1325 = vector.shape_cast %slice3A_1324 : vector<256x1xf32> to vector<256xf32>
    %broadcast_in_dim3A_1326 = vector.shape_cast %squeeze3A_1325 : vector<256xf32> to vector<256x1xf32>
    %slice3A_1327 = vector.extract_strided_slice %get3A_7 {offsets = [0, 64], sizes = [256, 32], strides = [1, 1]} : vector<256x288xf32> to vector<256x32xf32>
    %mul3A_1328 = vector.broadcast %broadcast_in_dim3A_1326 : vector<256x1xf32> to vector<256x32xf32>
    %mul3A_1329 = arith.mulf %mul3A_1328, %slice3A_1327 : vector<256x32xf32>
    %add3A_1330 = arith.addf %add3A_1323, %mul3A_1329 : vector<256x32xf32>
    %slice3A_1331 = vector.extract_strided_slice %get3A_10 {offsets = [0, 30], sizes = [256, 1], strides = [1, 1]} : vector<256x81xf32> to vector<256x1xf32>
    %squeeze3A_1332 = vector.shape_cast %slice3A_1331 : vector<256x1xf32> to vector<256xf32>
    %broadcast_in_dim3A_1333 = vector.shape_cast %squeeze3A_1332 : vector<256xf32> to vector<256x1xf32>
    %slice3A_1334 = vector.extract_strided_slice %get3A_7 {offsets = [0, 96], sizes = [256, 32], strides = [1, 1]} : vector<256x288xf32> to vector<256x32xf32>
    %mul3A_1335 = vector.broadcast %broadcast_in_dim3A_1333 : vector<256x1xf32> to vector<256x32xf32>
    %mul3A_1336 = arith.mulf %mul3A_1335, %slice3A_1334 : vector<256x32xf32>
    %add3A_1337 = arith.addf %add3A_1330, %mul3A_1336 : vector<256x32xf32>
    %slice3A_1338 = vector.extract_strided_slice %get3A_10 {offsets = [0, 31], sizes = [256, 1], strides = [1, 1]} : vector<256x81xf32> to vector<256x1xf32>
    %squeeze3A_1339 = vector.shape_cast %slice3A_1338 : vector<256x1xf32> to vector<256xf32>
    %broadcast_in_dim3A_1340 = vector.shape_cast %squeeze3A_1339 : vector<256xf32> to vector<256x1xf32>
    %slice3A_1341 = vector.extract_strided_slice %get3A_7 {offsets = [0, 128], sizes = [256, 32], strides = [1, 1]} : vector<256x288xf32> to vector<256x32xf32>
    %mul3A_1342 = vector.broadcast %broadcast_in_dim3A_1340 : vector<256x1xf32> to vector<256x32xf32>
    %mul3A_1343 = arith.mulf %mul3A_1342, %slice3A_1341 : vector<256x32xf32>
    %add3A_1344 = arith.addf %add3A_1337, %mul3A_1343 : vector<256x32xf32>
    %slice3A_1345 = vector.extract_strided_slice %get3A_10 {offsets = [0, 32], sizes = [256, 1], strides = [1, 1]} : vector<256x81xf32> to vector<256x1xf32>
    %squeeze3A_1346 = vector.shape_cast %slice3A_1345 : vector<256x1xf32> to vector<256xf32>
    %broadcast_in_dim3A_1347 = vector.shape_cast %squeeze3A_1346 : vector<256xf32> to vector<256x1xf32>
    %slice3A_1348 = vector.extract_strided_slice %get3A_7 {offsets = [0, 160], sizes = [256, 32], strides = [1, 1]} : vector<256x288xf32> to vector<256x32xf32>
    %mul3A_1349 = vector.broadcast %broadcast_in_dim3A_1347 : vector<256x1xf32> to vector<256x32xf32>
    %mul3A_1350 = arith.mulf %mul3A_1349, %slice3A_1348 : vector<256x32xf32>
    %add3A_1351 = arith.addf %add3A_1344, %mul3A_1350 : vector<256x32xf32>
    %slice3A_1352 = vector.extract_strided_slice %get3A_10 {offsets = [0, 33], sizes = [256, 1], strides = [1, 1]} : vector<256x81xf32> to vector<256x1xf32>
    %squeeze3A_1353 = vector.shape_cast %slice3A_1352 : vector<256x1xf32> to vector<256xf32>
    %broadcast_in_dim3A_1354 = vector.shape_cast %squeeze3A_1353 : vector<256xf32> to vector<256x1xf32>
    %slice3A_1355 = vector.extract_strided_slice %get3A_7 {offsets = [0, 192], sizes = [256, 32], strides = [1, 1]} : vector<256x288xf32> to vector<256x32xf32>
    %mul3A_1356 = vector.broadcast %broadcast_in_dim3A_1354 : vector<256x1xf32> to vector<256x32xf32>
    %mul3A_1357 = arith.mulf %mul3A_1356, %slice3A_1355 : vector<256x32xf32>
    %add3A_1358 = arith.addf %add3A_1351, %mul3A_1357 : vector<256x32xf32>
    %slice3A_1359 = vector.extract_strided_slice %get3A_10 {offsets = [0, 34], sizes = [256, 1], strides = [1, 1]} : vector<256x81xf32> to vector<256x1xf32>
    %squeeze3A_1360 = vector.shape_cast %slice3A_1359 : vector<256x1xf32> to vector<256xf32>
    %broadcast_in_dim3A_1361 = vector.shape_cast %squeeze3A_1360 : vector<256xf32> to vector<256x1xf32>
    %slice3A_1362 = vector.extract_strided_slice %get3A_7 {offsets = [0, 224], sizes = [256, 32], strides = [1, 1]} : vector<256x288xf32> to vector<256x32xf32>
    %mul3A_1363 = vector.broadcast %broadcast_in_dim3A_1361 : vector<256x1xf32> to vector<256x32xf32>
    %mul3A_1364 = arith.mulf %mul3A_1363, %slice3A_1362 : vector<256x32xf32>
    %add3A_1365 = arith.addf %add3A_1358, %mul3A_1364 : vector<256x32xf32>
    %slice3A_1366 = vector.extract_strided_slice %get3A_10 {offsets = [0, 35], sizes = [256, 1], strides = [1, 1]} : vector<256x81xf32> to vector<256x1xf32>
    %squeeze3A_1367 = vector.shape_cast %slice3A_1366 : vector<256x1xf32> to vector<256xf32>
    %broadcast_in_dim3A_1368 = vector.shape_cast %squeeze3A_1367 : vector<256xf32> to vector<256x1xf32>
    %slice3A_1369 = vector.extract_strided_slice %get3A_7 {offsets = [0, 256], sizes = [256, 32], strides = [1, 1]} : vector<256x288xf32> to vector<256x32xf32>
    %mul3A_1370 = vector.broadcast %broadcast_in_dim3A_1368 : vector<256x1xf32> to vector<256x32xf32>
    %mul3A_1371 = arith.mulf %mul3A_1370, %slice3A_1369 : vector<256x32xf32>
    %add3A_1372 = arith.addf %add3A_1365, %mul3A_1371 : vector<256x32xf32>
    %slice3A_1373 = vector.extract_strided_slice %get3A_10 {offsets = [0, 63], sizes = [256, 1], strides = [1, 1]} : vector<256x81xf32> to vector<256x1xf32>
    %squeeze3A_1374 = vector.shape_cast %slice3A_1373 : vector<256x1xf32> to vector<256xf32>
    %broadcast_in_dim3A_1375 = vector.shape_cast %squeeze3A_1374 : vector<256xf32> to vector<256x1xf32>
    %slice3A_1376 = vector.extract_strided_slice %get3A_7 {offsets = [0, 0], sizes = [256, 32], strides = [1, 1]} : vector<256x288xf32> to vector<256x32xf32>
    %mul3A_1377 = vector.broadcast %broadcast_in_dim3A_1375 : vector<256x1xf32> to vector<256x32xf32>
    %mul3A_1378 = arith.mulf %mul3A_1377, %slice3A_1376 : vector<256x32xf32>
    %slice3A_1379 = vector.extract_strided_slice %get3A_10 {offsets = [0, 64], sizes = [256, 1], strides = [1, 1]} : vector<256x81xf32> to vector<256x1xf32>
    %squeeze3A_1380 = vector.shape_cast %slice3A_1379 : vector<256x1xf32> to vector<256xf32>
    %broadcast_in_dim3A_1381 = vector.shape_cast %squeeze3A_1380 : vector<256xf32> to vector<256x1xf32>
    %slice3A_1382 = vector.extract_strided_slice %get3A_7 {offsets = [0, 32], sizes = [256, 32], strides = [1, 1]} : vector<256x288xf32> to vector<256x32xf32>
    %mul3A_1383 = vector.broadcast %broadcast_in_dim3A_1381 : vector<256x1xf32> to vector<256x32xf32>
    %mul3A_1384 = arith.mulf %mul3A_1383, %slice3A_1382 : vector<256x32xf32>
    %add3A_1385 = arith.addf %mul3A_1378, %mul3A_1384 : vector<256x32xf32>
    %slice3A_1386 = vector.extract_strided_slice %get3A_10 {offsets = [0, 65], sizes = [256, 1], strides = [1, 1]} : vector<256x81xf32> to vector<256x1xf32>
    %squeeze3A_1387 = vector.shape_cast %slice3A_1386 : vector<256x1xf32> to vector<256xf32>
    %broadcast_in_dim3A_1388 = vector.shape_cast %squeeze3A_1387 : vector<256xf32> to vector<256x1xf32>
    %slice3A_1389 = vector.extract_strided_slice %get3A_7 {offsets = [0, 64], sizes = [256, 32], strides = [1, 1]} : vector<256x288xf32> to vector<256x32xf32>
    %mul3A_1390 = vector.broadcast %broadcast_in_dim3A_1388 : vector<256x1xf32> to vector<256x32xf32>
    %mul3A_1391 = arith.mulf %mul3A_1390, %slice3A_1389 : vector<256x32xf32>
    %add3A_1392 = arith.addf %add3A_1385, %mul3A_1391 : vector<256x32xf32>
    %slice3A_1393 = vector.extract_strided_slice %get3A_10 {offsets = [0, 66], sizes = [256, 1], strides = [1, 1]} : vector<256x81xf32> to vector<256x1xf32>
    %squeeze3A_1394 = vector.shape_cast %slice3A_1393 : vector<256x1xf32> to vector<256xf32>
    %broadcast_in_dim3A_1395 = vector.shape_cast %squeeze3A_1394 : vector<256xf32> to vector<256x1xf32>
    %slice3A_1396 = vector.extract_strided_slice %get3A_7 {offsets = [0, 96], sizes = [256, 32], strides = [1, 1]} : vector<256x288xf32> to vector<256x32xf32>
    %mul3A_1397 = vector.broadcast %broadcast_in_dim3A_1395 : vector<256x1xf32> to vector<256x32xf32>
    %mul3A_1398 = arith.mulf %mul3A_1397, %slice3A_1396 : vector<256x32xf32>
    %add3A_1399 = arith.addf %add3A_1392, %mul3A_1398 : vector<256x32xf32>
    %slice3A_1400 = vector.extract_strided_slice %get3A_10 {offsets = [0, 67], sizes = [256, 1], strides = [1, 1]} : vector<256x81xf32> to vector<256x1xf32>
    %squeeze3A_1401 = vector.shape_cast %slice3A_1400 : vector<256x1xf32> to vector<256xf32>
    %broadcast_in_dim3A_1402 = vector.shape_cast %squeeze3A_1401 : vector<256xf32> to vector<256x1xf32>
    %slice3A_1403 = vector.extract_strided_slice %get3A_7 {offsets = [0, 128], sizes = [256, 32], strides = [1, 1]} : vector<256x288xf32> to vector<256x32xf32>
    %mul3A_1404 = vector.broadcast %broadcast_in_dim3A_1402 : vector<256x1xf32> to vector<256x32xf32>
    %mul3A_1405 = arith.mulf %mul3A_1404, %slice3A_1403 : vector<256x32xf32>
    %add3A_1406 = arith.addf %add3A_1399, %mul3A_1405 : vector<256x32xf32>
    %slice3A_1407 = vector.extract_strided_slice %get3A_10 {offsets = [0, 68], sizes = [256, 1], strides = [1, 1]} : vector<256x81xf32> to vector<256x1xf32>
    %squeeze3A_1408 = vector.shape_cast %slice3A_1407 : vector<256x1xf32> to vector<256xf32>
    %broadcast_in_dim3A_1409 = vector.shape_cast %squeeze3A_1408 : vector<256xf32> to vector<256x1xf32>
    %slice3A_1410 = vector.extract_strided_slice %get3A_7 {offsets = [0, 160], sizes = [256, 32], strides = [1, 1]} : vector<256x288xf32> to vector<256x32xf32>
    %mul3A_1411 = vector.broadcast %broadcast_in_dim3A_1409 : vector<256x1xf32> to vector<256x32xf32>
    %mul3A_1412 = arith.mulf %mul3A_1411, %slice3A_1410 : vector<256x32xf32>
    %add3A_1413 = arith.addf %add3A_1406, %mul3A_1412 : vector<256x32xf32>
    %slice3A_1414 = vector.extract_strided_slice %get3A_10 {offsets = [0, 69], sizes = [256, 1], strides = [1, 1]} : vector<256x81xf32> to vector<256x1xf32>
    %squeeze3A_1415 = vector.shape_cast %slice3A_1414 : vector<256x1xf32> to vector<256xf32>
    %broadcast_in_dim3A_1416 = vector.shape_cast %squeeze3A_1415 : vector<256xf32> to vector<256x1xf32>
    %slice3A_1417 = vector.extract_strided_slice %get3A_7 {offsets = [0, 192], sizes = [256, 32], strides = [1, 1]} : vector<256x288xf32> to vector<256x32xf32>
    %mul3A_1418 = vector.broadcast %broadcast_in_dim3A_1416 : vector<256x1xf32> to vector<256x32xf32>
    %mul3A_1419 = arith.mulf %mul3A_1418, %slice3A_1417 : vector<256x32xf32>
    %add3A_1420 = arith.addf %add3A_1413, %mul3A_1419 : vector<256x32xf32>
    %slice3A_1421 = vector.extract_strided_slice %get3A_10 {offsets = [0, 70], sizes = [256, 1], strides = [1, 1]} : vector<256x81xf32> to vector<256x1xf32>
    %squeeze3A_1422 = vector.shape_cast %slice3A_1421 : vector<256x1xf32> to vector<256xf32>
    %broadcast_in_dim3A_1423 = vector.shape_cast %squeeze3A_1422 : vector<256xf32> to vector<256x1xf32>
    %slice3A_1424 = vector.extract_strided_slice %get3A_7 {offsets = [0, 224], sizes = [256, 32], strides = [1, 1]} : vector<256x288xf32> to vector<256x32xf32>
    %mul3A_1425 = vector.broadcast %broadcast_in_dim3A_1423 : vector<256x1xf32> to vector<256x32xf32>
    %mul3A_1426 = arith.mulf %mul3A_1425, %slice3A_1424 : vector<256x32xf32>
    %add3A_1427 = arith.addf %add3A_1420, %mul3A_1426 : vector<256x32xf32>
    %slice3A_1428 = vector.extract_strided_slice %get3A_10 {offsets = [0, 71], sizes = [256, 1], strides = [1, 1]} : vector<256x81xf32> to vector<256x1xf32>
    %squeeze3A_1429 = vector.shape_cast %slice3A_1428 : vector<256x1xf32> to vector<256xf32>
    %broadcast_in_dim3A_1430 = vector.shape_cast %squeeze3A_1429 : vector<256xf32> to vector<256x1xf32>
    %slice3A_1431 = vector.extract_strided_slice %get3A_7 {offsets = [0, 256], sizes = [256, 32], strides = [1, 1]} : vector<256x288xf32> to vector<256x32xf32>
    %mul3A_1432 = vector.broadcast %broadcast_in_dim3A_1430 : vector<256x1xf32> to vector<256x32xf32>
    %mul3A_1433 = arith.mulf %mul3A_1432, %slice3A_1431 : vector<256x32xf32>
    %add3A_1434 = arith.addf %add3A_1427, %mul3A_1433 : vector<256x32xf32>
    %slice3A_1435 = vector.extract_strided_slice %get3A_10 {offsets = [0, 9], sizes = [256, 1], strides = [1, 1]} : vector<256x81xf32> to vector<256x1xf32>
    %squeeze3A_1436 = vector.shape_cast %slice3A_1435 : vector<256x1xf32> to vector<256xf32>
    %broadcast_in_dim3A_1437 = vector.shape_cast %squeeze3A_1436 : vector<256xf32> to vector<256x1xf32>
    %slice3A_1438 = vector.extract_strided_slice %get3A_7 {offsets = [0, 0], sizes = [256, 32], strides = [1, 1]} : vector<256x288xf32> to vector<256x32xf32>
    %mul3A_1439 = vector.broadcast %broadcast_in_dim3A_1437 : vector<256x1xf32> to vector<256x32xf32>
    %mul3A_1440 = arith.mulf %mul3A_1439, %slice3A_1438 : vector<256x32xf32>
    %slice3A_1441 = vector.extract_strided_slice %get3A_10 {offsets = [0, 10], sizes = [256, 1], strides = [1, 1]} : vector<256x81xf32> to vector<256x1xf32>
    %squeeze3A_1442 = vector.shape_cast %slice3A_1441 : vector<256x1xf32> to vector<256xf32>
    %broadcast_in_dim3A_1443 = vector.shape_cast %squeeze3A_1442 : vector<256xf32> to vector<256x1xf32>
    %slice3A_1444 = vector.extract_strided_slice %get3A_7 {offsets = [0, 32], sizes = [256, 32], strides = [1, 1]} : vector<256x288xf32> to vector<256x32xf32>
    %mul3A_1445 = vector.broadcast %broadcast_in_dim3A_1443 : vector<256x1xf32> to vector<256x32xf32>
    %mul3A_1446 = arith.mulf %mul3A_1445, %slice3A_1444 : vector<256x32xf32>
    %add3A_1447 = arith.addf %mul3A_1440, %mul3A_1446 : vector<256x32xf32>
    %slice3A_1448 = vector.extract_strided_slice %get3A_10 {offsets = [0, 11], sizes = [256, 1], strides = [1, 1]} : vector<256x81xf32> to vector<256x1xf32>
    %squeeze3A_1449 = vector.shape_cast %slice3A_1448 : vector<256x1xf32> to vector<256xf32>
    %broadcast_in_dim3A_1450 = vector.shape_cast %squeeze3A_1449 : vector<256xf32> to vector<256x1xf32>
    %slice3A_1451 = vector.extract_strided_slice %get3A_7 {offsets = [0, 64], sizes = [256, 32], strides = [1, 1]} : vector<256x288xf32> to vector<256x32xf32>
    %mul3A_1452 = vector.broadcast %broadcast_in_dim3A_1450 : vector<256x1xf32> to vector<256x32xf32>
    %mul3A_1453 = arith.mulf %mul3A_1452, %slice3A_1451 : vector<256x32xf32>
    %add3A_1454 = arith.addf %add3A_1447, %mul3A_1453 : vector<256x32xf32>
    %slice3A_1455 = vector.extract_strided_slice %get3A_10 {offsets = [0, 12], sizes = [256, 1], strides = [1, 1]} : vector<256x81xf32> to vector<256x1xf32>
    %squeeze3A_1456 = vector.shape_cast %slice3A_1455 : vector<256x1xf32> to vector<256xf32>
    %broadcast_in_dim3A_1457 = vector.shape_cast %squeeze3A_1456 : vector<256xf32> to vector<256x1xf32>
    %slice3A_1458 = vector.extract_strided_slice %get3A_7 {offsets = [0, 96], sizes = [256, 32], strides = [1, 1]} : vector<256x288xf32> to vector<256x32xf32>
    %mul3A_1459 = vector.broadcast %broadcast_in_dim3A_1457 : vector<256x1xf32> to vector<256x32xf32>
    %mul3A_1460 = arith.mulf %mul3A_1459, %slice3A_1458 : vector<256x32xf32>
    %add3A_1461 = arith.addf %add3A_1454, %mul3A_1460 : vector<256x32xf32>
    %slice3A_1462 = vector.extract_strided_slice %get3A_10 {offsets = [0, 13], sizes = [256, 1], strides = [1, 1]} : vector<256x81xf32> to vector<256x1xf32>
    %squeeze3A_1463 = vector.shape_cast %slice3A_1462 : vector<256x1xf32> to vector<256xf32>
    %broadcast_in_dim3A_1464 = vector.shape_cast %squeeze3A_1463 : vector<256xf32> to vector<256x1xf32>
    %slice3A_1465 = vector.extract_strided_slice %get3A_7 {offsets = [0, 128], sizes = [256, 32], strides = [1, 1]} : vector<256x288xf32> to vector<256x32xf32>
    %mul3A_1466 = vector.broadcast %broadcast_in_dim3A_1464 : vector<256x1xf32> to vector<256x32xf32>
    %mul3A_1467 = arith.mulf %mul3A_1466, %slice3A_1465 : vector<256x32xf32>
    %add3A_1468 = arith.addf %add3A_1461, %mul3A_1467 : vector<256x32xf32>
    %slice3A_1469 = vector.extract_strided_slice %get3A_10 {offsets = [0, 14], sizes = [256, 1], strides = [1, 1]} : vector<256x81xf32> to vector<256x1xf32>
    %squeeze3A_1470 = vector.shape_cast %slice3A_1469 : vector<256x1xf32> to vector<256xf32>
    %broadcast_in_dim3A_1471 = vector.shape_cast %squeeze3A_1470 : vector<256xf32> to vector<256x1xf32>
    %slice3A_1472 = vector.extract_strided_slice %get3A_7 {offsets = [0, 160], sizes = [256, 32], strides = [1, 1]} : vector<256x288xf32> to vector<256x32xf32>
    %mul3A_1473 = vector.broadcast %broadcast_in_dim3A_1471 : vector<256x1xf32> to vector<256x32xf32>
    %mul3A_1474 = arith.mulf %mul3A_1473, %slice3A_1472 : vector<256x32xf32>
    %add3A_1475 = arith.addf %add3A_1468, %mul3A_1474 : vector<256x32xf32>
    %slice3A_1476 = vector.extract_strided_slice %get3A_10 {offsets = [0, 15], sizes = [256, 1], strides = [1, 1]} : vector<256x81xf32> to vector<256x1xf32>
    %squeeze3A_1477 = vector.shape_cast %slice3A_1476 : vector<256x1xf32> to vector<256xf32>
    %broadcast_in_dim3A_1478 = vector.shape_cast %squeeze3A_1477 : vector<256xf32> to vector<256x1xf32>
    %slice3A_1479 = vector.extract_strided_slice %get3A_7 {offsets = [0, 192], sizes = [256, 32], strides = [1, 1]} : vector<256x288xf32> to vector<256x32xf32>
    %mul3A_1480 = vector.broadcast %broadcast_in_dim3A_1478 : vector<256x1xf32> to vector<256x32xf32>
    %mul3A_1481 = arith.mulf %mul3A_1480, %slice3A_1479 : vector<256x32xf32>
    %add3A_1482 = arith.addf %add3A_1475, %mul3A_1481 : vector<256x32xf32>
    %slice3A_1483 = vector.extract_strided_slice %get3A_10 {offsets = [0, 16], sizes = [256, 1], strides = [1, 1]} : vector<256x81xf32> to vector<256x1xf32>
    %squeeze3A_1484 = vector.shape_cast %slice3A_1483 : vector<256x1xf32> to vector<256xf32>
    %broadcast_in_dim3A_1485 = vector.shape_cast %squeeze3A_1484 : vector<256xf32> to vector<256x1xf32>
    %slice3A_1486 = vector.extract_strided_slice %get3A_7 {offsets = [0, 224], sizes = [256, 32], strides = [1, 1]} : vector<256x288xf32> to vector<256x32xf32>
    %mul3A_1487 = vector.broadcast %broadcast_in_dim3A_1485 : vector<256x1xf32> to vector<256x32xf32>
    %mul3A_1488 = arith.mulf %mul3A_1487, %slice3A_1486 : vector<256x32xf32>
    %add3A_1489 = arith.addf %add3A_1482, %mul3A_1488 : vector<256x32xf32>
    %slice3A_1490 = vector.extract_strided_slice %get3A_10 {offsets = [0, 17], sizes = [256, 1], strides = [1, 1]} : vector<256x81xf32> to vector<256x1xf32>
    %squeeze3A_1491 = vector.shape_cast %slice3A_1490 : vector<256x1xf32> to vector<256xf32>
    %broadcast_in_dim3A_1492 = vector.shape_cast %squeeze3A_1491 : vector<256xf32> to vector<256x1xf32>
    %slice3A_1493 = vector.extract_strided_slice %get3A_7 {offsets = [0, 256], sizes = [256, 32], strides = [1, 1]} : vector<256x288xf32> to vector<256x32xf32>
    %mul3A_1494 = vector.broadcast %broadcast_in_dim3A_1492 : vector<256x1xf32> to vector<256x32xf32>
    %mul3A_1495 = arith.mulf %mul3A_1494, %slice3A_1493 : vector<256x32xf32>
    %add3A_1496 = arith.addf %add3A_1489, %mul3A_1495 : vector<256x32xf32>
    %slice3A_1497 = vector.extract_strided_slice %get3A_10 {offsets = [0, 45], sizes = [256, 1], strides = [1, 1]} : vector<256x81xf32> to vector<256x1xf32>
    %squeeze3A_1498 = vector.shape_cast %slice3A_1497 : vector<256x1xf32> to vector<256xf32>
    %broadcast_in_dim3A_1499 = vector.shape_cast %squeeze3A_1498 : vector<256xf32> to vector<256x1xf32>
    %slice3A_1500 = vector.extract_strided_slice %get3A_7 {offsets = [0, 0], sizes = [256, 32], strides = [1, 1]} : vector<256x288xf32> to vector<256x32xf32>
    %mul3A_1501 = vector.broadcast %broadcast_in_dim3A_1499 : vector<256x1xf32> to vector<256x32xf32>
    %mul3A_1502 = arith.mulf %mul3A_1501, %slice3A_1500 : vector<256x32xf32>
    %slice3A_1503 = vector.extract_strided_slice %get3A_10 {offsets = [0, 46], sizes = [256, 1], strides = [1, 1]} : vector<256x81xf32> to vector<256x1xf32>
    %squeeze3A_1504 = vector.shape_cast %slice3A_1503 : vector<256x1xf32> to vector<256xf32>
    %broadcast_in_dim3A_1505 = vector.shape_cast %squeeze3A_1504 : vector<256xf32> to vector<256x1xf32>
    %slice3A_1506 = vector.extract_strided_slice %get3A_7 {offsets = [0, 32], sizes = [256, 32], strides = [1, 1]} : vector<256x288xf32> to vector<256x32xf32>
    %mul3A_1507 = vector.broadcast %broadcast_in_dim3A_1505 : vector<256x1xf32> to vector<256x32xf32>
    %mul3A_1508 = arith.mulf %mul3A_1507, %slice3A_1506 : vector<256x32xf32>
    %add3A_1509 = arith.addf %mul3A_1502, %mul3A_1508 : vector<256x32xf32>
    %slice3A_1510 = vector.extract_strided_slice %get3A_10 {offsets = [0, 47], sizes = [256, 1], strides = [1, 1]} : vector<256x81xf32> to vector<256x1xf32>
    %squeeze3A_1511 = vector.shape_cast %slice3A_1510 : vector<256x1xf32> to vector<256xf32>
    %broadcast_in_dim3A_1512 = vector.shape_cast %squeeze3A_1511 : vector<256xf32> to vector<256x1xf32>
    %slice3A_1513 = vector.extract_strided_slice %get3A_7 {offsets = [0, 64], sizes = [256, 32], strides = [1, 1]} : vector<256x288xf32> to vector<256x32xf32>
    %mul3A_1514 = vector.broadcast %broadcast_in_dim3A_1512 : vector<256x1xf32> to vector<256x32xf32>
    %mul3A_1515 = arith.mulf %mul3A_1514, %slice3A_1513 : vector<256x32xf32>
    %add3A_1516 = arith.addf %add3A_1509, %mul3A_1515 : vector<256x32xf32>
    %slice3A_1517 = vector.extract_strided_slice %get3A_10 {offsets = [0, 48], sizes = [256, 1], strides = [1, 1]} : vector<256x81xf32> to vector<256x1xf32>
    %squeeze3A_1518 = vector.shape_cast %slice3A_1517 : vector<256x1xf32> to vector<256xf32>
    %broadcast_in_dim3A_1519 = vector.shape_cast %squeeze3A_1518 : vector<256xf32> to vector<256x1xf32>
    %slice3A_1520 = vector.extract_strided_slice %get3A_7 {offsets = [0, 96], sizes = [256, 32], strides = [1, 1]} : vector<256x288xf32> to vector<256x32xf32>
    %mul3A_1521 = vector.broadcast %broadcast_in_dim3A_1519 : vector<256x1xf32> to vector<256x32xf32>
    %mul3A_1522 = arith.mulf %mul3A_1521, %slice3A_1520 : vector<256x32xf32>
    %add3A_1523 = arith.addf %add3A_1516, %mul3A_1522 : vector<256x32xf32>
    %slice3A_1524 = vector.extract_strided_slice %get3A_10 {offsets = [0, 49], sizes = [256, 1], strides = [1, 1]} : vector<256x81xf32> to vector<256x1xf32>
    %squeeze3A_1525 = vector.shape_cast %slice3A_1524 : vector<256x1xf32> to vector<256xf32>
    %broadcast_in_dim3A_1526 = vector.shape_cast %squeeze3A_1525 : vector<256xf32> to vector<256x1xf32>
    %slice3A_1527 = vector.extract_strided_slice %get3A_7 {offsets = [0, 128], sizes = [256, 32], strides = [1, 1]} : vector<256x288xf32> to vector<256x32xf32>
    %mul3A_1528 = vector.broadcast %broadcast_in_dim3A_1526 : vector<256x1xf32> to vector<256x32xf32>
    %mul3A_1529 = arith.mulf %mul3A_1528, %slice3A_1527 : vector<256x32xf32>
    %add3A_1530 = arith.addf %add3A_1523, %mul3A_1529 : vector<256x32xf32>
    %slice3A_1531 = vector.extract_strided_slice %get3A_10 {offsets = [0, 50], sizes = [256, 1], strides = [1, 1]} : vector<256x81xf32> to vector<256x1xf32>
    %squeeze3A_1532 = vector.shape_cast %slice3A_1531 : vector<256x1xf32> to vector<256xf32>
    %broadcast_in_dim3A_1533 = vector.shape_cast %squeeze3A_1532 : vector<256xf32> to vector<256x1xf32>
    %slice3A_1534 = vector.extract_strided_slice %get3A_7 {offsets = [0, 160], sizes = [256, 32], strides = [1, 1]} : vector<256x288xf32> to vector<256x32xf32>
    %mul3A_1535 = vector.broadcast %broadcast_in_dim3A_1533 : vector<256x1xf32> to vector<256x32xf32>
    %mul3A_1536 = arith.mulf %mul3A_1535, %slice3A_1534 : vector<256x32xf32>
    %add3A_1537 = arith.addf %add3A_1530, %mul3A_1536 : vector<256x32xf32>
    %slice3A_1538 = vector.extract_strided_slice %get3A_10 {offsets = [0, 51], sizes = [256, 1], strides = [1, 1]} : vector<256x81xf32> to vector<256x1xf32>
    %squeeze3A_1539 = vector.shape_cast %slice3A_1538 : vector<256x1xf32> to vector<256xf32>
    %broadcast_in_dim3A_1540 = vector.shape_cast %squeeze3A_1539 : vector<256xf32> to vector<256x1xf32>
    %slice3A_1541 = vector.extract_strided_slice %get3A_7 {offsets = [0, 192], sizes = [256, 32], strides = [1, 1]} : vector<256x288xf32> to vector<256x32xf32>
    %mul3A_1542 = vector.broadcast %broadcast_in_dim3A_1540 : vector<256x1xf32> to vector<256x32xf32>
    %mul3A_1543 = arith.mulf %mul3A_1542, %slice3A_1541 : vector<256x32xf32>
    %add3A_1544 = arith.addf %add3A_1537, %mul3A_1543 : vector<256x32xf32>
    %slice3A_1545 = vector.extract_strided_slice %get3A_10 {offsets = [0, 52], sizes = [256, 1], strides = [1, 1]} : vector<256x81xf32> to vector<256x1xf32>
    %squeeze3A_1546 = vector.shape_cast %slice3A_1545 : vector<256x1xf32> to vector<256xf32>
    %broadcast_in_dim3A_1547 = vector.shape_cast %squeeze3A_1546 : vector<256xf32> to vector<256x1xf32>
    %slice3A_1548 = vector.extract_strided_slice %get3A_7 {offsets = [0, 224], sizes = [256, 32], strides = [1, 1]} : vector<256x288xf32> to vector<256x32xf32>
    %mul3A_1549 = vector.broadcast %broadcast_in_dim3A_1547 : vector<256x1xf32> to vector<256x32xf32>
    %mul3A_1550 = arith.mulf %mul3A_1549, %slice3A_1548 : vector<256x32xf32>
    %add3A_1551 = arith.addf %add3A_1544, %mul3A_1550 : vector<256x32xf32>
    %slice3A_1552 = vector.extract_strided_slice %get3A_10 {offsets = [0, 53], sizes = [256, 1], strides = [1, 1]} : vector<256x81xf32> to vector<256x1xf32>
    %squeeze3A_1553 = vector.shape_cast %slice3A_1552 : vector<256x1xf32> to vector<256xf32>
    %broadcast_in_dim3A_1554 = vector.shape_cast %squeeze3A_1553 : vector<256xf32> to vector<256x1xf32>
    %slice3A_1555 = vector.extract_strided_slice %get3A_7 {offsets = [0, 256], sizes = [256, 32], strides = [1, 1]} : vector<256x288xf32> to vector<256x32xf32>
    %mul3A_1556 = vector.broadcast %broadcast_in_dim3A_1554 : vector<256x1xf32> to vector<256x32xf32>
    %mul3A_1557 = arith.mulf %mul3A_1556, %slice3A_1555 : vector<256x32xf32>
    %add3A_1558 = arith.addf %add3A_1551, %mul3A_1557 : vector<256x32xf32>
    %slice3A_1559 = vector.extract_strided_slice %get3A_10 {offsets = [0, 72], sizes = [256, 1], strides = [1, 1]} : vector<256x81xf32> to vector<256x1xf32>
    %squeeze3A_1560 = vector.shape_cast %slice3A_1559 : vector<256x1xf32> to vector<256xf32>
    %broadcast_in_dim3A_1561 = vector.shape_cast %squeeze3A_1560 : vector<256xf32> to vector<256x1xf32>
    %slice3A_1562 = vector.extract_strided_slice %get3A_7 {offsets = [0, 0], sizes = [256, 32], strides = [1, 1]} : vector<256x288xf32> to vector<256x32xf32>
    %mul3A_1563 = vector.broadcast %broadcast_in_dim3A_1561 : vector<256x1xf32> to vector<256x32xf32>
    %mul3A_1564 = arith.mulf %mul3A_1563, %slice3A_1562 : vector<256x32xf32>
    %slice3A_1565 = vector.extract_strided_slice %get3A_10 {offsets = [0, 73], sizes = [256, 1], strides = [1, 1]} : vector<256x81xf32> to vector<256x1xf32>
    %squeeze3A_1566 = vector.shape_cast %slice3A_1565 : vector<256x1xf32> to vector<256xf32>
    %broadcast_in_dim3A_1567 = vector.shape_cast %squeeze3A_1566 : vector<256xf32> to vector<256x1xf32>
    %slice3A_1568 = vector.extract_strided_slice %get3A_7 {offsets = [0, 32], sizes = [256, 32], strides = [1, 1]} : vector<256x288xf32> to vector<256x32xf32>
    %mul3A_1569 = vector.broadcast %broadcast_in_dim3A_1567 : vector<256x1xf32> to vector<256x32xf32>
    %mul3A_1570 = arith.mulf %mul3A_1569, %slice3A_1568 : vector<256x32xf32>
    %add3A_1571 = arith.addf %mul3A_1564, %mul3A_1570 : vector<256x32xf32>
    %slice3A_1572 = vector.extract_strided_slice %get3A_10 {offsets = [0, 74], sizes = [256, 1], strides = [1, 1]} : vector<256x81xf32> to vector<256x1xf32>
    %squeeze3A_1573 = vector.shape_cast %slice3A_1572 : vector<256x1xf32> to vector<256xf32>
    %broadcast_in_dim3A_1574 = vector.shape_cast %squeeze3A_1573 : vector<256xf32> to vector<256x1xf32>
    %slice3A_1575 = vector.extract_strided_slice %get3A_7 {offsets = [0, 64], sizes = [256, 32], strides = [1, 1]} : vector<256x288xf32> to vector<256x32xf32>
    %mul3A_1576 = vector.broadcast %broadcast_in_dim3A_1574 : vector<256x1xf32> to vector<256x32xf32>
    %mul3A_1577 = arith.mulf %mul3A_1576, %slice3A_1575 : vector<256x32xf32>
    %add3A_1578 = arith.addf %add3A_1571, %mul3A_1577 : vector<256x32xf32>
    %slice3A_1579 = vector.extract_strided_slice %get3A_10 {offsets = [0, 75], sizes = [256, 1], strides = [1, 1]} : vector<256x81xf32> to vector<256x1xf32>
    %squeeze3A_1580 = vector.shape_cast %slice3A_1579 : vector<256x1xf32> to vector<256xf32>
    %broadcast_in_dim3A_1581 = vector.shape_cast %squeeze3A_1580 : vector<256xf32> to vector<256x1xf32>
    %slice3A_1582 = vector.extract_strided_slice %get3A_7 {offsets = [0, 96], sizes = [256, 32], strides = [1, 1]} : vector<256x288xf32> to vector<256x32xf32>
    %mul3A_1583 = vector.broadcast %broadcast_in_dim3A_1581 : vector<256x1xf32> to vector<256x32xf32>
    %mul3A_1584 = arith.mulf %mul3A_1583, %slice3A_1582 : vector<256x32xf32>
    %add3A_1585 = arith.addf %add3A_1578, %mul3A_1584 : vector<256x32xf32>
    %slice3A_1586 = vector.extract_strided_slice %get3A_10 {offsets = [0, 76], sizes = [256, 1], strides = [1, 1]} : vector<256x81xf32> to vector<256x1xf32>
    %squeeze3A_1587 = vector.shape_cast %slice3A_1586 : vector<256x1xf32> to vector<256xf32>
    %broadcast_in_dim3A_1588 = vector.shape_cast %squeeze3A_1587 : vector<256xf32> to vector<256x1xf32>
    %slice3A_1589 = vector.extract_strided_slice %get3A_7 {offsets = [0, 128], sizes = [256, 32], strides = [1, 1]} : vector<256x288xf32> to vector<256x32xf32>
    %mul3A_1590 = vector.broadcast %broadcast_in_dim3A_1588 : vector<256x1xf32> to vector<256x32xf32>
    %mul3A_1591 = arith.mulf %mul3A_1590, %slice3A_1589 : vector<256x32xf32>
    %add3A_1592 = arith.addf %add3A_1585, %mul3A_1591 : vector<256x32xf32>
    %slice3A_1593 = vector.extract_strided_slice %get3A_10 {offsets = [0, 77], sizes = [256, 1], strides = [1, 1]} : vector<256x81xf32> to vector<256x1xf32>
    %squeeze3A_1594 = vector.shape_cast %slice3A_1593 : vector<256x1xf32> to vector<256xf32>
    %broadcast_in_dim3A_1595 = vector.shape_cast %squeeze3A_1594 : vector<256xf32> to vector<256x1xf32>
    %slice3A_1596 = vector.extract_strided_slice %get3A_7 {offsets = [0, 160], sizes = [256, 32], strides = [1, 1]} : vector<256x288xf32> to vector<256x32xf32>
    %mul3A_1597 = vector.broadcast %broadcast_in_dim3A_1595 : vector<256x1xf32> to vector<256x32xf32>
    %mul3A_1598 = arith.mulf %mul3A_1597, %slice3A_1596 : vector<256x32xf32>
    %add3A_1599 = arith.addf %add3A_1592, %mul3A_1598 : vector<256x32xf32>
    %slice3A_1600 = vector.extract_strided_slice %get3A_10 {offsets = [0, 78], sizes = [256, 1], strides = [1, 1]} : vector<256x81xf32> to vector<256x1xf32>
    %squeeze3A_1601 = vector.shape_cast %slice3A_1600 : vector<256x1xf32> to vector<256xf32>
    %broadcast_in_dim3A_1602 = vector.shape_cast %squeeze3A_1601 : vector<256xf32> to vector<256x1xf32>
    %slice3A_1603 = vector.extract_strided_slice %get3A_7 {offsets = [0, 192], sizes = [256, 32], strides = [1, 1]} : vector<256x288xf32> to vector<256x32xf32>
    %mul3A_1604 = vector.broadcast %broadcast_in_dim3A_1602 : vector<256x1xf32> to vector<256x32xf32>
    %mul3A_1605 = arith.mulf %mul3A_1604, %slice3A_1603 : vector<256x32xf32>
    %add3A_1606 = arith.addf %add3A_1599, %mul3A_1605 : vector<256x32xf32>
    %slice3A_1607 = vector.extract_strided_slice %get3A_10 {offsets = [0, 79], sizes = [256, 1], strides = [1, 1]} : vector<256x81xf32> to vector<256x1xf32>
    %squeeze3A_1608 = vector.shape_cast %slice3A_1607 : vector<256x1xf32> to vector<256xf32>
    %broadcast_in_dim3A_1609 = vector.shape_cast %squeeze3A_1608 : vector<256xf32> to vector<256x1xf32>
    %slice3A_1610 = vector.extract_strided_slice %get3A_7 {offsets = [0, 224], sizes = [256, 32], strides = [1, 1]} : vector<256x288xf32> to vector<256x32xf32>
    %mul3A_1611 = vector.broadcast %broadcast_in_dim3A_1609 : vector<256x1xf32> to vector<256x32xf32>
    %mul3A_1612 = arith.mulf %mul3A_1611, %slice3A_1610 : vector<256x32xf32>
    %add3A_1613 = arith.addf %add3A_1606, %mul3A_1612 : vector<256x32xf32>
    %slice3A_1614 = vector.extract_strided_slice %get3A_10 {offsets = [0, 80], sizes = [256, 1], strides = [1, 1]} : vector<256x81xf32> to vector<256x1xf32>
    %squeeze3A_1615 = vector.shape_cast %slice3A_1614 : vector<256x1xf32> to vector<256xf32>
    %broadcast_in_dim3A_1616 = vector.shape_cast %squeeze3A_1615 : vector<256xf32> to vector<256x1xf32>
    %slice3A_1617 = vector.extract_strided_slice %get3A_7 {offsets = [0, 256], sizes = [256, 32], strides = [1, 1]} : vector<256x288xf32> to vector<256x32xf32>
    %mul3A_1618 = vector.broadcast %broadcast_in_dim3A_1616 : vector<256x1xf32> to vector<256x32xf32>
    %mul3A_1619 = arith.mulf %mul3A_1618, %slice3A_1617 : vector<256x32xf32>
    %add3A_1620 = arith.addf %add3A_1613, %mul3A_1619 : vector<256x32xf32>
    %slice3A_1621 = vector.extract_strided_slice %get3A_10 {offsets = [0, 36], sizes = [256, 1], strides = [1, 1]} : vector<256x81xf32> to vector<256x1xf32>
    %squeeze3A_1622 = vector.shape_cast %slice3A_1621 : vector<256x1xf32> to vector<256xf32>
    %broadcast_in_dim3A_1623 = vector.shape_cast %squeeze3A_1622 : vector<256xf32> to vector<256x1xf32>
    %slice3A_1624 = vector.extract_strided_slice %get3A_7 {offsets = [0, 0], sizes = [256, 32], strides = [1, 1]} : vector<256x288xf32> to vector<256x32xf32>
    %mul3A_1625 = vector.broadcast %broadcast_in_dim3A_1623 : vector<256x1xf32> to vector<256x32xf32>
    %mul3A_1626 = arith.mulf %mul3A_1625, %slice3A_1624 : vector<256x32xf32>
    %slice3A_1627 = vector.extract_strided_slice %get3A_10 {offsets = [0, 37], sizes = [256, 1], strides = [1, 1]} : vector<256x81xf32> to vector<256x1xf32>
    %squeeze3A_1628 = vector.shape_cast %slice3A_1627 : vector<256x1xf32> to vector<256xf32>
    %broadcast_in_dim3A_1629 = vector.shape_cast %squeeze3A_1628 : vector<256xf32> to vector<256x1xf32>
    %slice3A_1630 = vector.extract_strided_slice %get3A_7 {offsets = [0, 32], sizes = [256, 32], strides = [1, 1]} : vector<256x288xf32> to vector<256x32xf32>
    %mul3A_1631 = vector.broadcast %broadcast_in_dim3A_1629 : vector<256x1xf32> to vector<256x32xf32>
    %mul3A_1632 = arith.mulf %mul3A_1631, %slice3A_1630 : vector<256x32xf32>
    %add3A_1633 = arith.addf %mul3A_1626, %mul3A_1632 : vector<256x32xf32>
    %slice3A_1634 = vector.extract_strided_slice %get3A_10 {offsets = [0, 38], sizes = [256, 1], strides = [1, 1]} : vector<256x81xf32> to vector<256x1xf32>
    %squeeze3A_1635 = vector.shape_cast %slice3A_1634 : vector<256x1xf32> to vector<256xf32>
    %broadcast_in_dim3A_1636 = vector.shape_cast %squeeze3A_1635 : vector<256xf32> to vector<256x1xf32>
    %slice3A_1637 = vector.extract_strided_slice %get3A_7 {offsets = [0, 64], sizes = [256, 32], strides = [1, 1]} : vector<256x288xf32> to vector<256x32xf32>
    %mul3A_1638 = vector.broadcast %broadcast_in_dim3A_1636 : vector<256x1xf32> to vector<256x32xf32>
    %mul3A_1639 = arith.mulf %mul3A_1638, %slice3A_1637 : vector<256x32xf32>
    %add3A_1640 = arith.addf %add3A_1633, %mul3A_1639 : vector<256x32xf32>
    %slice3A_1641 = vector.extract_strided_slice %get3A_10 {offsets = [0, 39], sizes = [256, 1], strides = [1, 1]} : vector<256x81xf32> to vector<256x1xf32>
    %squeeze3A_1642 = vector.shape_cast %slice3A_1641 : vector<256x1xf32> to vector<256xf32>
    %broadcast_in_dim3A_1643 = vector.shape_cast %squeeze3A_1642 : vector<256xf32> to vector<256x1xf32>
    %slice3A_1644 = vector.extract_strided_slice %get3A_7 {offsets = [0, 96], sizes = [256, 32], strides = [1, 1]} : vector<256x288xf32> to vector<256x32xf32>
    %mul3A_1645 = vector.broadcast %broadcast_in_dim3A_1643 : vector<256x1xf32> to vector<256x32xf32>
    %mul3A_1646 = arith.mulf %mul3A_1645, %slice3A_1644 : vector<256x32xf32>
    %add3A_1647 = arith.addf %add3A_1640, %mul3A_1646 : vector<256x32xf32>
    %slice3A_1648 = vector.extract_strided_slice %get3A_10 {offsets = [0, 40], sizes = [256, 1], strides = [1, 1]} : vector<256x81xf32> to vector<256x1xf32>
    %squeeze3A_1649 = vector.shape_cast %slice3A_1648 : vector<256x1xf32> to vector<256xf32>
    %broadcast_in_dim3A_1650 = vector.shape_cast %squeeze3A_1649 : vector<256xf32> to vector<256x1xf32>
    %slice3A_1651 = vector.extract_strided_slice %get3A_7 {offsets = [0, 128], sizes = [256, 32], strides = [1, 1]} : vector<256x288xf32> to vector<256x32xf32>
    %mul3A_1652 = vector.broadcast %broadcast_in_dim3A_1650 : vector<256x1xf32> to vector<256x32xf32>
    %mul3A_1653 = arith.mulf %mul3A_1652, %slice3A_1651 : vector<256x32xf32>
    %add3A_1654 = arith.addf %add3A_1647, %mul3A_1653 : vector<256x32xf32>
    %slice3A_1655 = vector.extract_strided_slice %get3A_10 {offsets = [0, 41], sizes = [256, 1], strides = [1, 1]} : vector<256x81xf32> to vector<256x1xf32>
    %squeeze3A_1656 = vector.shape_cast %slice3A_1655 : vector<256x1xf32> to vector<256xf32>
    %broadcast_in_dim3A_1657 = vector.shape_cast %squeeze3A_1656 : vector<256xf32> to vector<256x1xf32>
    %slice3A_1658 = vector.extract_strided_slice %get3A_7 {offsets = [0, 160], sizes = [256, 32], strides = [1, 1]} : vector<256x288xf32> to vector<256x32xf32>
    %mul3A_1659 = vector.broadcast %broadcast_in_dim3A_1657 : vector<256x1xf32> to vector<256x32xf32>
    %mul3A_1660 = arith.mulf %mul3A_1659, %slice3A_1658 : vector<256x32xf32>
    %add3A_1661 = arith.addf %add3A_1654, %mul3A_1660 : vector<256x32xf32>
    %slice3A_1662 = vector.extract_strided_slice %get3A_10 {offsets = [0, 42], sizes = [256, 1], strides = [1, 1]} : vector<256x81xf32> to vector<256x1xf32>
    %squeeze3A_1663 = vector.shape_cast %slice3A_1662 : vector<256x1xf32> to vector<256xf32>
    %broadcast_in_dim3A_1664 = vector.shape_cast %squeeze3A_1663 : vector<256xf32> to vector<256x1xf32>
    %slice3A_1665 = vector.extract_strided_slice %get3A_7 {offsets = [0, 192], sizes = [256, 32], strides = [1, 1]} : vector<256x288xf32> to vector<256x32xf32>
    %mul3A_1666 = vector.broadcast %broadcast_in_dim3A_1664 : vector<256x1xf32> to vector<256x32xf32>
    %mul3A_1667 = arith.mulf %mul3A_1666, %slice3A_1665 : vector<256x32xf32>
    %add3A_1668 = arith.addf %add3A_1661, %mul3A_1667 : vector<256x32xf32>
    %slice3A_1669 = vector.extract_strided_slice %get3A_10 {offsets = [0, 43], sizes = [256, 1], strides = [1, 1]} : vector<256x81xf32> to vector<256x1xf32>
    %squeeze3A_1670 = vector.shape_cast %slice3A_1669 : vector<256x1xf32> to vector<256xf32>
    %broadcast_in_dim3A_1671 = vector.shape_cast %squeeze3A_1670 : vector<256xf32> to vector<256x1xf32>
    %slice3A_1672 = vector.extract_strided_slice %get3A_7 {offsets = [0, 224], sizes = [256, 32], strides = [1, 1]} : vector<256x288xf32> to vector<256x32xf32>
    %mul3A_1673 = vector.broadcast %broadcast_in_dim3A_1671 : vector<256x1xf32> to vector<256x32xf32>
    %mul3A_1674 = arith.mulf %mul3A_1673, %slice3A_1672 : vector<256x32xf32>
    %add3A_1675 = arith.addf %add3A_1668, %mul3A_1674 : vector<256x32xf32>
    %slice3A_1676 = vector.extract_strided_slice %get3A_10 {offsets = [0, 44], sizes = [256, 1], strides = [1, 1]} : vector<256x81xf32> to vector<256x1xf32>
    %squeeze3A_1677 = vector.shape_cast %slice3A_1676 : vector<256x1xf32> to vector<256xf32>
    %broadcast_in_dim3A_1678 = vector.shape_cast %squeeze3A_1677 : vector<256xf32> to vector<256x1xf32>
    %slice3A_1679 = vector.extract_strided_slice %get3A_7 {offsets = [0, 256], sizes = [256, 32], strides = [1, 1]} : vector<256x288xf32> to vector<256x32xf32>
    %mul3A_1680 = vector.broadcast %broadcast_in_dim3A_1678 : vector<256x1xf32> to vector<256x32xf32>
    %mul3A_1681 = arith.mulf %mul3A_1680, %slice3A_1679 : vector<256x32xf32>
    %add3A_1682 = arith.addf %add3A_1675, %mul3A_1681 : vector<256x32xf32>
    %concatenate3A = tpu.concatenate %add3A_70, %add3A_132, %add3A_194 in 1 : vector<256x32xf32>, vector<256x32xf32>, vector<256x32xf32> -> vector<256x96xf32>
    %get3A_1683 = arith.constant 0 : index
    %get3A_1684 = arith.constant 0 : index
    %get3A_1685 = vector.load %arg6[%get3A_1683, %get3A_1684] : memref<96x224xf32, #tpu.memory_space<vmem>>, vector<96x224xf32>
    %dot_general3A = arith.constant dense<0.000000e+00> : vector<256x224xf32>
    %dot_general3A_1686 = tpu.matmul %concatenate3A, %get3A_1685, %dot_general3A {dimension_numbers = #tpu.dot_dimension_numbers<[1], [0], [0], [1], [0, 0, 1, 1], [], []>, transpose_lhs_hint = false} : vector<256x96xf32>, vector<96x224xf32>, vector<256x224xf32> -> vector<256x224xf32>
    %concatenate3A_1687 = tpu.concatenate %add3A_628, %add3A_690, %add3A_752 in 1 : vector<256x32xf32>, vector<256x32xf32>, vector<256x32xf32> -> vector<256x96xf32>
    %get3A_1688 = arith.constant 0 : index
    %get3A_1689 = arith.constant 0 : index
    %get3A_1690 = vector.load %arg7[%get3A_1688, %get3A_1689] : memref<96x224xf32, #tpu.memory_space<vmem>>, vector<96x224xf32>
    %dot_general3A_1691 = arith.constant dense<0.000000e+00> : vector<256x224xf32>
    %dot_general3A_1692 = tpu.matmul %concatenate3A_1687, %get3A_1690, %dot_general3A_1691 {dimension_numbers = #tpu.dot_dimension_numbers<[1], [0], [0], [1], [0, 0, 1, 1], [], []>, transpose_lhs_hint = false} : vector<256x96xf32>, vector<96x224xf32>, vector<256x224xf32> -> vector<256x224xf32>
    %add3A_1693 = arith.addf %dot_general3A_1686, %dot_general3A_1692 : vector<256x224xf32>
    %concatenate3A_1694 = tpu.concatenate %add3A_1186, %add3A_1248, %add3A_1310 in 1 : vector<256x32xf32>, vector<256x32xf32>, vector<256x32xf32> -> vector<256x96xf32>
    %get3A_1695 = arith.constant 0 : index
    %get3A_1696 = arith.constant 0 : index
    %get3A_1697 = vector.load %arg8[%get3A_1695, %get3A_1696] : memref<96x224xf32, #tpu.memory_space<vmem>>, vector<96x224xf32>
    %dot_general3A_1698 = arith.constant dense<0.000000e+00> : vector<256x224xf32>
    %dot_general3A_1699 = tpu.matmul %concatenate3A_1694, %get3A_1697, %dot_general3A_1698 {dimension_numbers = #tpu.dot_dimension_numbers<[1], [0], [0], [1], [0, 0, 1, 1], [], []>, transpose_lhs_hint = false} : vector<256x96xf32>, vector<96x224xf32>, vector<256x224xf32> -> vector<256x224xf32>
    %add3A_1700 = arith.addf %add3A_1693, %dot_general3A_1699 : vector<256x224xf32>
    %get3A_1701 = arith.constant 0 : index
    %get3A_1702 = arith.constant 0 : index
    %get3A_1703 = vector.load %arg9[%get3A_1701, %get3A_1702] : memref<1x224xf32, #tpu.memory_space<vmem>>, vector<1x224xf32>
    %add3A_1704 = vector.broadcast %get3A_1703 : vector<1x224xf32> to vector<256x224xf32>
    %add3A_1705 = arith.addf %add3A_1700, %add3A_1704 : vector<256x224xf32>
    %concatenate3A_1706 = tpu.concatenate %add3A_256, %add3A_318 in 1 : vector<256x32xf32>, vector<256x32xf32> -> vector<256x64xf32>
    %get3A_1707 = arith.constant 0 : index
    %get3A_1708 = arith.constant 0 : index
    %get3A_1709 = vector.load %arg10[%get3A_1707, %get3A_1708] : memref<64x128xf32, #tpu.memory_space<vmem>>, vector<64x128xf32>
    %dot_general3A_1710 = arith.constant dense<0.000000e+00> : vector<256x128xf32>
    %dot_general3A_1711 = tpu.matmul %concatenate3A_1706, %get3A_1709, %dot_general3A_1710 {dimension_numbers = #tpu.dot_dimension_numbers<[1], [0], [0], [1], [0, 0, 1, 1], [], []>, transpose_lhs_hint = false} : vector<256x64xf32>, vector<64x128xf32>, vector<256x128xf32> -> vector<256x128xf32>
    %concatenate3A_1712 = tpu.concatenate %add3A_814, %add3A_876 in 1 : vector<256x32xf32>, vector<256x32xf32> -> vector<256x64xf32>
    %get3A_1713 = arith.constant 0 : index
    %get3A_1714 = arith.constant 0 : index
    %get3A_1715 = vector.load %arg11[%get3A_1713, %get3A_1714] : memref<64x128xf32, #tpu.memory_space<vmem>>, vector<64x128xf32>
    %dot_general3A_1716 = arith.constant dense<0.000000e+00> : vector<256x128xf32>
    %dot_general3A_1717 = tpu.matmul %concatenate3A_1712, %get3A_1715, %dot_general3A_1716 {dimension_numbers = #tpu.dot_dimension_numbers<[1], [0], [0], [1], [0, 0, 1, 1], [], []>, transpose_lhs_hint = false} : vector<256x64xf32>, vector<64x128xf32>, vector<256x128xf32> -> vector<256x128xf32>
    %add3A_1718 = arith.addf %dot_general3A_1711, %dot_general3A_1717 : vector<256x128xf32>
    %concatenate3A_1719 = tpu.concatenate %add3A_1372, %add3A_1434 in 1 : vector<256x32xf32>, vector<256x32xf32> -> vector<256x64xf32>
    %get3A_1720 = arith.constant 0 : index
    %get3A_1721 = arith.constant 0 : index
    %get3A_1722 = vector.load %arg12[%get3A_1720, %get3A_1721] : memref<64x128xf32, #tpu.memory_space<vmem>>, vector<64x128xf32>
    %dot_general3A_1723 = arith.constant dense<0.000000e+00> : vector<256x128xf32>
    %dot_general3A_1724 = tpu.matmul %concatenate3A_1719, %get3A_1722, %dot_general3A_1723 {dimension_numbers = #tpu.dot_dimension_numbers<[1], [0], [0], [1], [0, 0, 1, 1], [], []>, transpose_lhs_hint = false} : vector<256x64xf32>, vector<64x128xf32>, vector<256x128xf32> -> vector<256x128xf32>
    %add3A_1725 = arith.addf %add3A_1718, %dot_general3A_1724 : vector<256x128xf32>
    %concatenate3A_1726 = tpu.concatenate %add3A_380, %add3A_442 in 1 : vector<256x32xf32>, vector<256x32xf32> -> vector<256x64xf32>
    %get3A_1727 = arith.constant 0 : index
    %get3A_1728 = arith.constant 0 : index
    %get3A_1729 = vector.load %arg10[%get3A_1727, %get3A_1728] : memref<64x128xf32, #tpu.memory_space<vmem>>, vector<64x128xf32>
    %dot_general3A_1730 = arith.constant dense<0.000000e+00> : vector<256x128xf32>
    %dot_general3A_1731 = tpu.matmul %concatenate3A_1726, %get3A_1729, %dot_general3A_1730 {dimension_numbers = #tpu.dot_dimension_numbers<[1], [0], [0], [1], [0, 0, 1, 1], [], []>, transpose_lhs_hint = false} : vector<256x64xf32>, vector<64x128xf32>, vector<256x128xf32> -> vector<256x128xf32>
    %concatenate3A_1732 = tpu.concatenate %add3A_938, %add3A_1000 in 1 : vector<256x32xf32>, vector<256x32xf32> -> vector<256x64xf32>
    %get3A_1733 = arith.constant 0 : index
    %get3A_1734 = arith.constant 0 : index
    %get3A_1735 = vector.load %arg11[%get3A_1733, %get3A_1734] : memref<64x128xf32, #tpu.memory_space<vmem>>, vector<64x128xf32>
    %dot_general3A_1736 = arith.constant dense<0.000000e+00> : vector<256x128xf32>
    %dot_general3A_1737 = tpu.matmul %concatenate3A_1732, %get3A_1735, %dot_general3A_1736 {dimension_numbers = #tpu.dot_dimension_numbers<[1], [0], [0], [1], [0, 0, 1, 1], [], []>, transpose_lhs_hint = false} : vector<256x64xf32>, vector<64x128xf32>, vector<256x128xf32> -> vector<256x128xf32>
    %add3A_1738 = arith.addf %dot_general3A_1731, %dot_general3A_1737 : vector<256x128xf32>
    %concatenate3A_1739 = tpu.concatenate %add3A_1496, %add3A_1558 in 1 : vector<256x32xf32>, vector<256x32xf32> -> vector<256x64xf32>
    %get3A_1740 = arith.constant 0 : index
    %get3A_1741 = arith.constant 0 : index
    %get3A_1742 = vector.load %arg12[%get3A_1740, %get3A_1741] : memref<64x128xf32, #tpu.memory_space<vmem>>, vector<64x128xf32>
    %dot_general3A_1743 = arith.constant dense<0.000000e+00> : vector<256x128xf32>
    %dot_general3A_1744 = tpu.matmul %concatenate3A_1739, %get3A_1742, %dot_general3A_1743 {dimension_numbers = #tpu.dot_dimension_numbers<[1], [0], [0], [1], [0, 0, 1, 1], [], []>, transpose_lhs_hint = false} : vector<256x64xf32>, vector<64x128xf32>, vector<256x128xf32> -> vector<256x128xf32>
    %add3A_1745 = arith.addf %add3A_1738, %dot_general3A_1744 : vector<256x128xf32>
    %slice3A_1746 = vector.extract_strided_slice %add3A_1725 {offsets = [0, 0], sizes = [256, 64], strides = [1, 1]} : vector<256x128xf32> to vector<256x64xf32>
    %slice3A_1747 = vector.extract_strided_slice %add3A_1745 {offsets = [0, 64], sizes = [256, 64], strides = [1, 1]} : vector<256x128xf32> to vector<256x64xf32>
    %sub3A = arith.subf %slice3A_1746, %slice3A_1747 : vector<256x64xf32>
    %slice3A_1748 = vector.extract_strided_slice %add3A_1745 {offsets = [0, 0], sizes = [256, 64], strides = [1, 1]} : vector<256x128xf32> to vector<256x64xf32>
    %slice3A_1749 = vector.extract_strided_slice %add3A_1725 {offsets = [0, 64], sizes = [256, 64], strides = [1, 1]} : vector<256x128xf32> to vector<256x64xf32>
    %add3A_1750 = arith.addf %slice3A_1748, %slice3A_1749 : vector<256x64xf32>
    %get3A_1751 = arith.constant 0 : index
    %get3A_1752 = arith.constant 0 : index
    %get3A_1753 = vector.load %arg13[%get3A_1751, %get3A_1752] : memref<32x64xf32, #tpu.memory_space<vmem>>, vector<32x64xf32>
    %dot_general3A_1754 = arith.constant dense<0.000000e+00> : vector<256x64xf32>
    %dot_general3A_1755 = tpu.matmul %add3A_504, %get3A_1753, %dot_general3A_1754 {dimension_numbers = #tpu.dot_dimension_numbers<[1], [0], [0], [1], [0, 0, 1, 1], [], []>, transpose_lhs_hint = false} : vector<256x32xf32>, vector<32x64xf32>, vector<256x64xf32> -> vector<256x64xf32>
    %get3A_1756 = arith.constant 0 : index
    %get3A_1757 = arith.constant 0 : index
    %get3A_1758 = vector.load %arg14[%get3A_1756, %get3A_1757] : memref<32x64xf32, #tpu.memory_space<vmem>>, vector<32x64xf32>
    %dot_general3A_1759 = arith.constant dense<0.000000e+00> : vector<256x64xf32>
    %dot_general3A_1760 = tpu.matmul %add3A_1062, %get3A_1758, %dot_general3A_1759 {dimension_numbers = #tpu.dot_dimension_numbers<[1], [0], [0], [1], [0, 0, 1, 1], [], []>, transpose_lhs_hint = false} : vector<256x32xf32>, vector<32x64xf32>, vector<256x64xf32> -> vector<256x64xf32>
    %add3A_1761 = arith.addf %dot_general3A_1755, %dot_general3A_1760 : vector<256x64xf32>
    %get3A_1762 = arith.constant 0 : index
    %get3A_1763 = arith.constant 0 : index
    %get3A_1764 = vector.load %arg15[%get3A_1762, %get3A_1763] : memref<32x64xf32, #tpu.memory_space<vmem>>, vector<32x64xf32>
    %dot_general3A_1765 = arith.constant dense<0.000000e+00> : vector<256x64xf32>
    %dot_general3A_1766 = tpu.matmul %add3A_1620, %get3A_1764, %dot_general3A_1765 {dimension_numbers = #tpu.dot_dimension_numbers<[1], [0], [0], [1], [0, 0, 1, 1], [], []>, transpose_lhs_hint = false} : vector<256x32xf32>, vector<32x64xf32>, vector<256x64xf32> -> vector<256x64xf32>
    %add3A_1767 = arith.addf %add3A_1761, %dot_general3A_1766 : vector<256x64xf32>
    %get3A_1768 = arith.constant 0 : index
    %get3A_1769 = arith.constant 0 : index
    %get3A_1770 = vector.load %arg13[%get3A_1768, %get3A_1769] : memref<32x64xf32, #tpu.memory_space<vmem>>, vector<32x64xf32>
    %dot_general3A_1771 = arith.constant dense<0.000000e+00> : vector<256x64xf32>
    %dot_general3A_1772 = tpu.matmul %add3A_566, %get3A_1770, %dot_general3A_1771 {dimension_numbers = #tpu.dot_dimension_numbers<[1], [0], [0], [1], [0, 0, 1, 1], [], []>, transpose_lhs_hint = false} : vector<256x32xf32>, vector<32x64xf32>, vector<256x64xf32> -> vector<256x64xf32>
    %get3A_1773 = arith.constant 0 : index
    %get3A_1774 = arith.constant 0 : index
    %get3A_1775 = vector.load %arg14[%get3A_1773, %get3A_1774] : memref<32x64xf32, #tpu.memory_space<vmem>>, vector<32x64xf32>
    %dot_general3A_1776 = arith.constant dense<0.000000e+00> : vector<256x64xf32>
    %dot_general3A_1777 = tpu.matmul %add3A_1124, %get3A_1775, %dot_general3A_1776 {dimension_numbers = #tpu.dot_dimension_numbers<[1], [0], [0], [1], [0, 0, 1, 1], [], []>, transpose_lhs_hint = false} : vector<256x32xf32>, vector<32x64xf32>, vector<256x64xf32> -> vector<256x64xf32>
    %add3A_1778 = arith.addf %dot_general3A_1772, %dot_general3A_1777 : vector<256x64xf32>
    %get3A_1779 = arith.constant 0 : index
    %get3A_1780 = arith.constant 0 : index
    %get3A_1781 = vector.load %arg15[%get3A_1779, %get3A_1780] : memref<32x64xf32, #tpu.memory_space<vmem>>, vector<32x64xf32>
    %dot_general3A_1782 = arith.constant dense<0.000000e+00> : vector<256x64xf32>
    %dot_general3A_1783 = tpu.matmul %add3A_1682, %get3A_1781, %dot_general3A_1782 {dimension_numbers = #tpu.dot_dimension_numbers<[1], [0], [0], [1], [0, 0, 1, 1], [], []>, transpose_lhs_hint = false} : vector<256x32xf32>, vector<32x64xf32>, vector<256x64xf32> -> vector<256x64xf32>
    %add3A_1784 = arith.addf %add3A_1778, %dot_general3A_1783 : vector<256x64xf32>
    %slice3A_1785 = vector.extract_strided_slice %add3A_1767 {offsets = [0, 0], sizes = [256, 32], strides = [1, 1]} : vector<256x64xf32> to vector<256x32xf32>
    %slice3A_1786 = vector.extract_strided_slice %add3A_1784 {offsets = [0, 32], sizes = [256, 32], strides = [1, 1]} : vector<256x64xf32> to vector<256x32xf32>
    %sub3A_1787 = arith.subf %slice3A_1785, %slice3A_1786 : vector<256x32xf32>
    %slice3A_1788 = vector.extract_strided_slice %add3A_1784 {offsets = [0, 0], sizes = [256, 32], strides = [1, 1]} : vector<256x64xf32> to vector<256x32xf32>
    %slice3A_1789 = vector.extract_strided_slice %add3A_1767 {offsets = [0, 32], sizes = [256, 32], strides = [1, 1]} : vector<256x64xf32> to vector<256x32xf32>
    %add3A_1790 = arith.addf %slice3A_1788, %slice3A_1789 : vector<256x32xf32>
    %slice3A_1791 = vector.extract_strided_slice %add3A_1705 {offsets = [0, 0], sizes = [256, 64], strides = [1, 1]} : vector<256x224xf32> to vector<256x64xf32>
    %slice3A_1792 = vector.extract_strided_slice %add3A_1705 {offsets = [0, 64], sizes = [256, 32], strides = [1, 1]} : vector<256x224xf32> to vector<256x32xf32>
    %logistic3A = arith.negf %slice3A_1792 : vector<256x32xf32>
    %logistic3A_1793 = math.exp %logistic3A : vector<256x32xf32>
    %logistic3A_1794 = arith.constant 1.000000e+00 : f32
    %logistic3A_1795 = vector.broadcast %logistic3A_1794 : f32 to vector<256x32xf32>
    %logistic3A_1796 = arith.addf %logistic3A_1795, %logistic3A_1793 : vector<256x32xf32>
    %logistic3A_1797 = arith.divf %logistic3A_1795, %logistic3A_1796 : vector<256x32xf32>
    %slice3A_1798 = vector.extract_strided_slice %add3A_1705 {offsets = [0, 96], sizes = [256, 32], strides = [1, 1]} : vector<256x224xf32> to vector<256x32xf32>
    %logistic3A_1799 = arith.negf %slice3A_1798 : vector<256x32xf32>
    %logistic3A_1800 = math.exp %logistic3A_1799 : vector<256x32xf32>
    %logistic3A_1801 = arith.constant 1.000000e+00 : f32
    %logistic3A_1802 = vector.broadcast %logistic3A_1801 : f32 to vector<256x32xf32>
    %logistic3A_1803 = arith.addf %logistic3A_1802, %logistic3A_1800 : vector<256x32xf32>
    %logistic3A_1804 = arith.divf %logistic3A_1802, %logistic3A_1803 : vector<256x32xf32>
    %slice3A_1805 = vector.extract_strided_slice %add3A_1705 {offsets = [0, 128], sizes = [256, 96], strides = [1, 1]} : vector<256x224xf32> to vector<256x96xf32>
    %slice3A_1806 = vector.extract_strided_slice %slice3A_1805 {offsets = [0, 0], sizes = [256, 32], strides = [1, 1]} : vector<256x96xf32> to vector<256x32xf32>
    %slice3A_1807 = vector.extract_strided_slice %slice3A_1805 {offsets = [0, 32], sizes = [256, 32], strides = [1, 1]} : vector<256x96xf32> to vector<256x32xf32>
    %slice3A_1808 = vector.extract_strided_slice %slice3A_1805 {offsets = [0, 64], sizes = [256, 32], strides = [1, 1]} : vector<256x96xf32> to vector<256x32xf32>
    %slice3A_1809 = vector.extract_strided_slice %sub3A {offsets = [0, 0], sizes = [256, 32], strides = [1, 1]} : vector<256x64xf32> to vector<256x32xf32>
    %slice3A_1810 = vector.extract_strided_slice %sub3A {offsets = [0, 32], sizes = [256, 32], strides = [1, 1]} : vector<256x64xf32> to vector<256x32xf32>
    %slice3A_1811 = vector.extract_strided_slice %add3A_1750 {offsets = [0, 0], sizes = [256, 32], strides = [1, 1]} : vector<256x64xf32> to vector<256x32xf32>
    %slice3A_1812 = vector.extract_strided_slice %add3A_1750 {offsets = [0, 32], sizes = [256, 32], strides = [1, 1]} : vector<256x64xf32> to vector<256x32xf32>
    %logistic3A_1813 = arith.negf %slice3A_1806 : vector<256x32xf32>
    %logistic3A_1814 = math.exp %logistic3A_1813 : vector<256x32xf32>
    %logistic3A_1815 = arith.constant 1.000000e+00 : f32
    %logistic3A_1816 = vector.broadcast %logistic3A_1815 : f32 to vector<256x32xf32>
    %logistic3A_1817 = arith.addf %logistic3A_1816, %logistic3A_1814 : vector<256x32xf32>
    %logistic3A_1818 = arith.divf %logistic3A_1816, %logistic3A_1817 : vector<256x32xf32>
    %mul3A_1819 = arith.mulf %slice3A_1806, %logistic3A_1818 : vector<256x32xf32>
    %mul3A_1820 = arith.mulf %slice3A_1807, %logistic3A_1797 : vector<256x32xf32>
    %mul3A_1821 = arith.mulf %slice3A_1808, %logistic3A_1804 : vector<256x32xf32>
    %mul3A_1822 = arith.mulf %slice3A_1809, %logistic3A_1797 : vector<256x32xf32>
    %mul3A_1823 = arith.mulf %slice3A_1810, %logistic3A_1804 : vector<256x32xf32>
    %mul3A_1824 = arith.mulf %slice3A_1811, %logistic3A_1797 : vector<256x32xf32>
    %mul3A_1825 = arith.mulf %slice3A_1812, %logistic3A_1804 : vector<256x32xf32>
    %mul3A_1826 = arith.mulf %sub3A_1787, %logistic3A_1804 : vector<256x32xf32>
    %mul3A_1827 = arith.mulf %add3A_1790, %logistic3A_1804 : vector<256x32xf32>
    %concatenate3A_1828 = tpu.concatenate %mul3A_1819, %mul3A_1820, %mul3A_1821 in 1 : vector<256x32xf32>, vector<256x32xf32>, vector<256x32xf32> -> vector<256x96xf32>
    %get3A_1829 = arith.constant 0 : index
    %get3A_1830 = arith.constant 0 : index
    %get3A_1831 = vector.load %arg19[%get3A_1829, %get3A_1830] : memref<96x96xf32, #tpu.memory_space<vmem>>, vector<96x96xf32>
    %dot_general3A_1832 = arith.constant dense<0.000000e+00> : vector<256x96xf32>
    %dot_general3A_1833 = tpu.matmul %concatenate3A_1828, %get3A_1831, %dot_general3A_1832 {dimension_numbers = #tpu.dot_dimension_numbers<[1], [0], [0], [1], [0, 0, 1, 1], [], []>, transpose_lhs_hint = false} : vector<256x96xf32>, vector<96x96xf32>, vector<256x96xf32> -> vector<256x96xf32>
    %get3A_1834 = arith.constant 0 : index
    %get3A_1835 = arith.constant 0 : index
    %get3A_1836 = vector.load %arg20[%get3A_1834, %get3A_1835] : memref<1x96xf32, #tpu.memory_space<vmem>>, vector<1x96xf32>
    %add3A_1837 = vector.broadcast %get3A_1836 : vector<1x96xf32> to vector<256x96xf32>
    %add3A_1838 = arith.addf %dot_general3A_1833, %add3A_1837 : vector<256x96xf32>
    %concatenate3A_1839 = tpu.concatenate %mul3A_1822, %mul3A_1823 in 1 : vector<256x32xf32>, vector<256x32xf32> -> vector<256x64xf32>
    %get3A_1840 = arith.constant 0 : index
    %get3A_1841 = arith.constant 0 : index
    %get3A_1842 = vector.load %arg21[%get3A_1840, %get3A_1841] : memref<64x128xf32, #tpu.memory_space<vmem>>, vector<64x128xf32>
    %dot_general3A_1843 = arith.constant dense<0.000000e+00> : vector<256x128xf32>
    %dot_general3A_1844 = tpu.matmul %concatenate3A_1839, %get3A_1842, %dot_general3A_1843 {dimension_numbers = #tpu.dot_dimension_numbers<[1], [0], [0], [1], [0, 0, 1, 1], [], []>, transpose_lhs_hint = false} : vector<256x64xf32>, vector<64x128xf32>, vector<256x128xf32> -> vector<256x128xf32>
    %concatenate3A_1845 = tpu.concatenate %mul3A_1824, %mul3A_1825 in 1 : vector<256x32xf32>, vector<256x32xf32> -> vector<256x64xf32>
    %get3A_1846 = arith.constant 0 : index
    %get3A_1847 = arith.constant 0 : index
    %get3A_1848 = vector.load %arg21[%get3A_1846, %get3A_1847] : memref<64x128xf32, #tpu.memory_space<vmem>>, vector<64x128xf32>
    %dot_general3A_1849 = arith.constant dense<0.000000e+00> : vector<256x128xf32>
    %dot_general3A_1850 = tpu.matmul %concatenate3A_1845, %get3A_1848, %dot_general3A_1849 {dimension_numbers = #tpu.dot_dimension_numbers<[1], [0], [0], [1], [0, 0, 1, 1], [], []>, transpose_lhs_hint = false} : vector<256x64xf32>, vector<64x128xf32>, vector<256x128xf32> -> vector<256x128xf32>
    %slice3A_1851 = vector.extract_strided_slice %dot_general3A_1844 {offsets = [0, 0], sizes = [256, 64], strides = [1, 1]} : vector<256x128xf32> to vector<256x64xf32>
    %slice3A_1852 = vector.extract_strided_slice %dot_general3A_1850 {offsets = [0, 64], sizes = [256, 64], strides = [1, 1]} : vector<256x128xf32> to vector<256x64xf32>
    %sub3A_1853 = arith.subf %slice3A_1851, %slice3A_1852 : vector<256x64xf32>
    %slice3A_1854 = vector.extract_strided_slice %dot_general3A_1850 {offsets = [0, 0], sizes = [256, 64], strides = [1, 1]} : vector<256x128xf32> to vector<256x64xf32>
    %slice3A_1855 = vector.extract_strided_slice %dot_general3A_1844 {offsets = [0, 64], sizes = [256, 64], strides = [1, 1]} : vector<256x128xf32> to vector<256x64xf32>
    %add3A_1856 = arith.addf %slice3A_1854, %slice3A_1855 : vector<256x64xf32>
    %get3A_1857 = arith.constant 0 : index
    %get3A_1858 = arith.constant 0 : index
    %get3A_1859 = vector.load %arg22[%get3A_1857, %get3A_1858] : memref<32x64xf32, #tpu.memory_space<vmem>>, vector<32x64xf32>
    %dot_general3A_1860 = arith.constant dense<0.000000e+00> : vector<256x64xf32>
    %dot_general3A_1861 = tpu.matmul %mul3A_1826, %get3A_1859, %dot_general3A_1860 {dimension_numbers = #tpu.dot_dimension_numbers<[1], [0], [0], [1], [0, 0, 1, 1], [], []>, transpose_lhs_hint = false} : vector<256x32xf32>, vector<32x64xf32>, vector<256x64xf32> -> vector<256x64xf32>
    %get3A_1862 = arith.constant 0 : index
    %get3A_1863 = arith.constant 0 : index
    %get3A_1864 = vector.load %arg22[%get3A_1862, %get3A_1863] : memref<32x64xf32, #tpu.memory_space<vmem>>, vector<32x64xf32>
    %dot_general3A_1865 = arith.constant dense<0.000000e+00> : vector<256x64xf32>
    %dot_general3A_1866 = tpu.matmul %mul3A_1827, %get3A_1864, %dot_general3A_1865 {dimension_numbers = #tpu.dot_dimension_numbers<[1], [0], [0], [1], [0, 0, 1, 1], [], []>, transpose_lhs_hint = false} : vector<256x32xf32>, vector<32x64xf32>, vector<256x64xf32> -> vector<256x64xf32>
    %slice3A_1867 = vector.extract_strided_slice %dot_general3A_1861 {offsets = [0, 0], sizes = [256, 32], strides = [1, 1]} : vector<256x64xf32> to vector<256x32xf32>
    %slice3A_1868 = vector.extract_strided_slice %dot_general3A_1866 {offsets = [0, 32], sizes = [256, 32], strides = [1, 1]} : vector<256x64xf32> to vector<256x32xf32>
    %sub3A_1869 = arith.subf %slice3A_1867, %slice3A_1868 : vector<256x32xf32>
    %slice3A_1870 = vector.extract_strided_slice %dot_general3A_1866 {offsets = [0, 0], sizes = [256, 32], strides = [1, 1]} : vector<256x64xf32> to vector<256x32xf32>
    %slice3A_1871 = vector.extract_strided_slice %dot_general3A_1861 {offsets = [0, 32], sizes = [256, 32], strides = [1, 1]} : vector<256x64xf32> to vector<256x32xf32>
    %add3A_1872 = arith.addf %slice3A_1870, %slice3A_1871 : vector<256x32xf32>
    %slice3A_1873 = vector.extract_strided_slice %add3A_1838 {offsets = [0, 0], sizes = [256, 32], strides = [1, 1]} : vector<256x96xf32> to vector<256x32xf32>
    %slice3A_1874 = vector.extract_strided_slice %add3A_1838 {offsets = [0, 32], sizes = [256, 32], strides = [1, 1]} : vector<256x96xf32> to vector<256x32xf32>
    %slice3A_1875 = vector.extract_strided_slice %add3A_1838 {offsets = [0, 64], sizes = [256, 32], strides = [1, 1]} : vector<256x96xf32> to vector<256x32xf32>
    %slice3A_1876 = vector.extract_strided_slice %sub3A_1853 {offsets = [0, 0], sizes = [256, 32], strides = [1, 1]} : vector<256x64xf32> to vector<256x32xf32>
    %slice3A_1877 = vector.extract_strided_slice %sub3A_1853 {offsets = [0, 32], sizes = [256, 32], strides = [1, 1]} : vector<256x64xf32> to vector<256x32xf32>
    %slice3A_1878 = vector.extract_strided_slice %add3A_1856 {offsets = [0, 0], sizes = [256, 32], strides = [1, 1]} : vector<256x64xf32> to vector<256x32xf32>
    %slice3A_1879 = vector.extract_strided_slice %add3A_1856 {offsets = [0, 32], sizes = [256, 32], strides = [1, 1]} : vector<256x64xf32> to vector<256x32xf32>
    %get3A_1880 = arith.constant 0 : index
    %get3A_1881 = arith.constant 0 : index
    %get3A_1882 = vector.load %arg16[%get3A_1880, %get3A_1881] : memref<1x16xf32, #tpu.memory_space<vmem>>, vector<1x16xf32>
    %get3A_1883 = arith.constant 0 : index
    %get3A_1884 = arith.constant 0 : index
    %get3A_1885 = vector.load %arg17[%get3A_1883, %get3A_1884] : memref<1x16xf32, #tpu.memory_space<vmem>>, vector<1x16xf32>
    %slice3A_1886 = vector.extract_strided_slice %slice3A_1791 {offsets = [0, 0], sizes = [256, 16], strides = [1, 1]} : vector<256x64xf32> to vector<256x16xf32>
    %reduce_sum3A = arith.constant dense<0.000000e+00> : vector<256xf32>
    %reduce_sum3A_1887 = vector.multi_reduction <add>, %slice3A_1886, %reduce_sum3A [1] : vector<256x16xf32> to vector<256xf32>
    %broadcast_in_dim3A_1888 = vector.shape_cast %reduce_sum3A_1887 : vector<256xf32> to vector<256x1xf32>
    %div3A = arith.constant 1.600000e+01 : f32
    %div3A_1889 = vector.broadcast %div3A : f32 to vector<256x1xf32>
    %div3A_1890 = arith.divf %broadcast_in_dim3A_1888, %div3A_1889 : vector<256x1xf32>
    %sub3A_1891 = vector.broadcast %div3A_1890 : vector<256x1xf32> to vector<256x16xf32>
    %sub3A_1892 = arith.subf %slice3A_1886, %sub3A_1891 : vector<256x16xf32>
    %mul3A_1893 = arith.mulf %sub3A_1892, %sub3A_1892 : vector<256x16xf32>
    %reduce_sum3A_1894 = arith.constant dense<0.000000e+00> : vector<256xf32>
    %reduce_sum3A_1895 = vector.multi_reduction <add>, %mul3A_1893, %reduce_sum3A_1894 [1] : vector<256x16xf32> to vector<256xf32>
    %broadcast_in_dim3A_1896 = vector.shape_cast %reduce_sum3A_1895 : vector<256xf32> to vector<256x1xf32>
    %div3A_1897 = arith.constant 1.600000e+01 : f32
    %div3A_1898 = vector.broadcast %div3A_1897 : f32 to vector<256x1xf32>
    %div3A_1899 = arith.divf %broadcast_in_dim3A_1896, %div3A_1898 : vector<256x1xf32>
    %add3A_1900 = arith.constant 9.99999974E-6 : f32
    %add3A_1901 = vector.broadcast %add3A_1900 : f32 to vector<256x1xf32>
    %add3A_1902 = arith.addf %div3A_1899, %add3A_1901 : vector<256x1xf32>
    %rsqrt3A = math.rsqrt %add3A_1902 : vector<256x1xf32>
    %mul3A_1903 = vector.broadcast %rsqrt3A : vector<256x1xf32> to vector<256x16xf32>
    %mul3A_1904 = arith.mulf %sub3A_1892, %mul3A_1903 : vector<256x16xf32>
    %mul3A_1905 = vector.broadcast %get3A_1882 : vector<1x16xf32> to vector<256x16xf32>
    %mul3A_1906 = arith.mulf %mul3A_1904, %mul3A_1905 : vector<256x16xf32>
    %add3A_1907 = vector.broadcast %get3A_1885 : vector<1x16xf32> to vector<256x16xf32>
    %add3A_1908 = arith.addf %mul3A_1906, %add3A_1907 : vector<256x16xf32>
    %mul3A_1909 = arith.constant 6.000000e-01 : f32
    %mul3A_1910 = vector.broadcast %mul3A_1909 : f32 to vector<256x16xf32>
    %mul3A_1911 = arith.mulf %mul3A_1910, %add3A_1908 : vector<256x16xf32>
    %mul3A_1912 = arith.constant 4.000000e-01 : f32
    %mul3A_1913 = vector.broadcast %mul3A_1912 : f32 to vector<256x16xf32>
    %mul3A_1914 = arith.mulf %mul3A_1913, %add3A_1908 : vector<256x16xf32>
    %logistic3A_1915 = arith.negf %add3A_1908 : vector<256x16xf32>
    %logistic3A_1916 = math.exp %logistic3A_1915 : vector<256x16xf32>
    %logistic3A_1917 = arith.constant 1.000000e+00 : f32
    %logistic3A_1918 = vector.broadcast %logistic3A_1917 : f32 to vector<256x16xf32>
    %logistic3A_1919 = arith.addf %logistic3A_1918, %logistic3A_1916 : vector<256x16xf32>
    %logistic3A_1920 = arith.divf %logistic3A_1918, %logistic3A_1919 : vector<256x16xf32>
    %mul3A_1921 = arith.constant 2.000000e+00 : f32
    %mul3A_1922 = vector.broadcast %mul3A_1921 : f32 to vector<256x16xf32>
    %mul3A_1923 = arith.mulf %mul3A_1922, %logistic3A_1920 : vector<256x16xf32>
    %sub3A_1924 = arith.constant 1.000000e+00 : f32
    %sub3A_1925 = vector.broadcast %sub3A_1924 : f32 to vector<256x16xf32>
    %sub3A_1926 = arith.subf %mul3A_1923, %sub3A_1925 : vector<256x16xf32>
    %mul3A_1927 = arith.mulf %mul3A_1914, %sub3A_1926 : vector<256x16xf32>
    %add3A_1928 = arith.addf %mul3A_1911, %mul3A_1927 : vector<256x16xf32>
    %get3A_1929 = arith.constant 0 : index
    %get3A_1930 = arith.constant 0 : index
    %get3A_1931 = vector.load %arg18[%get3A_1929, %get3A_1930] : memref<4x16xf32, #tpu.memory_space<vmem>>, vector<1x16xf32>
    %get3A_1932 = vector.shape_cast %get3A_1931 : vector<1x16xf32> to vector<16xf32>
    %broadcast_in_dim3A_1933 = vector.shape_cast %get3A_1932 : vector<16xf32> to vector<1x16xf32>
    %mul3A_1934 = vector.broadcast %broadcast_in_dim3A_1933 : vector<1x16xf32> to vector<256x16xf32>
    %mul3A_1935 = arith.mulf %add3A_1928, %mul3A_1934 : vector<256x16xf32>
    %reduce_sum3A_1936 = arith.constant dense<0.000000e+00> : vector<256xf32>
    %reduce_sum3A_1937 = vector.multi_reduction <add>, %mul3A_1935, %reduce_sum3A_1936 [1] : vector<256x16xf32> to vector<256xf32>
    %broadcast_in_dim3A_1938 = vector.shape_cast %reduce_sum3A_1937 : vector<256xf32> to vector<256x1xf32>
    %exp3A = math.exp %broadcast_in_dim3A_1938 : vector<256x1xf32>
    %slice3A_1939 = vector.extract_strided_slice %slice3A_1791 {offsets = [0, 16], sizes = [256, 16], strides = [1, 1]} : vector<256x64xf32> to vector<256x16xf32>
    %reduce_sum3A_1940 = arith.constant dense<0.000000e+00> : vector<256xf32>
    %reduce_sum3A_1941 = vector.multi_reduction <add>, %slice3A_1939, %reduce_sum3A_1940 [1] : vector<256x16xf32> to vector<256xf32>
    %broadcast_in_dim3A_1942 = vector.shape_cast %reduce_sum3A_1941 : vector<256xf32> to vector<256x1xf32>
    %div3A_1943 = arith.constant 1.600000e+01 : f32
    %div3A_1944 = vector.broadcast %div3A_1943 : f32 to vector<256x1xf32>
    %div3A_1945 = arith.divf %broadcast_in_dim3A_1942, %div3A_1944 : vector<256x1xf32>
    %sub3A_1946 = vector.broadcast %div3A_1945 : vector<256x1xf32> to vector<256x16xf32>
    %sub3A_1947 = arith.subf %slice3A_1939, %sub3A_1946 : vector<256x16xf32>
    %mul3A_1948 = arith.mulf %sub3A_1947, %sub3A_1947 : vector<256x16xf32>
    %reduce_sum3A_1949 = arith.constant dense<0.000000e+00> : vector<256xf32>
    %reduce_sum3A_1950 = vector.multi_reduction <add>, %mul3A_1948, %reduce_sum3A_1949 [1] : vector<256x16xf32> to vector<256xf32>
    %broadcast_in_dim3A_1951 = vector.shape_cast %reduce_sum3A_1950 : vector<256xf32> to vector<256x1xf32>
    %div3A_1952 = arith.constant 1.600000e+01 : f32
    %div3A_1953 = vector.broadcast %div3A_1952 : f32 to vector<256x1xf32>
    %div3A_1954 = arith.divf %broadcast_in_dim3A_1951, %div3A_1953 : vector<256x1xf32>
    %add3A_1955 = arith.constant 9.99999974E-6 : f32
    %add3A_1956 = vector.broadcast %add3A_1955 : f32 to vector<256x1xf32>
    %add3A_1957 = arith.addf %div3A_1954, %add3A_1956 : vector<256x1xf32>
    %rsqrt3A_1958 = math.rsqrt %add3A_1957 : vector<256x1xf32>
    %mul3A_1959 = vector.broadcast %rsqrt3A_1958 : vector<256x1xf32> to vector<256x16xf32>
    %mul3A_1960 = arith.mulf %sub3A_1947, %mul3A_1959 : vector<256x16xf32>
    %mul3A_1961 = vector.broadcast %get3A_1882 : vector<1x16xf32> to vector<256x16xf32>
    %mul3A_1962 = arith.mulf %mul3A_1960, %mul3A_1961 : vector<256x16xf32>
    %add3A_1963 = vector.broadcast %get3A_1885 : vector<1x16xf32> to vector<256x16xf32>
    %add3A_1964 = arith.addf %mul3A_1962, %add3A_1963 : vector<256x16xf32>
    %mul3A_1965 = arith.constant 6.000000e-01 : f32
    %mul3A_1966 = vector.broadcast %mul3A_1965 : f32 to vector<256x16xf32>
    %mul3A_1967 = arith.mulf %mul3A_1966, %add3A_1964 : vector<256x16xf32>
    %mul3A_1968 = arith.constant 4.000000e-01 : f32
    %mul3A_1969 = vector.broadcast %mul3A_1968 : f32 to vector<256x16xf32>
    %mul3A_1970 = arith.mulf %mul3A_1969, %add3A_1964 : vector<256x16xf32>
    %logistic3A_1971 = arith.negf %add3A_1964 : vector<256x16xf32>
    %logistic3A_1972 = math.exp %logistic3A_1971 : vector<256x16xf32>
    %logistic3A_1973 = arith.constant 1.000000e+00 : f32
    %logistic3A_1974 = vector.broadcast %logistic3A_1973 : f32 to vector<256x16xf32>
    %logistic3A_1975 = arith.addf %logistic3A_1974, %logistic3A_1972 : vector<256x16xf32>
    %logistic3A_1976 = arith.divf %logistic3A_1974, %logistic3A_1975 : vector<256x16xf32>
    %mul3A_1977 = arith.constant 2.000000e+00 : f32
    %mul3A_1978 = vector.broadcast %mul3A_1977 : f32 to vector<256x16xf32>
    %mul3A_1979 = arith.mulf %mul3A_1978, %logistic3A_1976 : vector<256x16xf32>
    %sub3A_1980 = arith.constant 1.000000e+00 : f32
    %sub3A_1981 = vector.broadcast %sub3A_1980 : f32 to vector<256x16xf32>
    %sub3A_1982 = arith.subf %mul3A_1979, %sub3A_1981 : vector<256x16xf32>
    %mul3A_1983 = arith.mulf %mul3A_1970, %sub3A_1982 : vector<256x16xf32>
    %add3A_1984 = arith.addf %mul3A_1967, %mul3A_1983 : vector<256x16xf32>
    %get3A_1985 = arith.constant 1 : index
    %get3A_1986 = arith.constant 0 : index
    %get3A_1987 = vector.load %arg18[%get3A_1985, %get3A_1986] : memref<4x16xf32, #tpu.memory_space<vmem>>, vector<1x16xf32>
    %get3A_1988 = vector.shape_cast %get3A_1987 : vector<1x16xf32> to vector<16xf32>
    %broadcast_in_dim3A_1989 = vector.shape_cast %get3A_1988 : vector<16xf32> to vector<1x16xf32>
    %mul3A_1990 = vector.broadcast %broadcast_in_dim3A_1989 : vector<1x16xf32> to vector<256x16xf32>
    %mul3A_1991 = arith.mulf %add3A_1984, %mul3A_1990 : vector<256x16xf32>
    %reduce_sum3A_1992 = arith.constant dense<0.000000e+00> : vector<256xf32>
    %reduce_sum3A_1993 = vector.multi_reduction <add>, %mul3A_1991, %reduce_sum3A_1992 [1] : vector<256x16xf32> to vector<256xf32>
    %broadcast_in_dim3A_1994 = vector.shape_cast %reduce_sum3A_1993 : vector<256xf32> to vector<256x1xf32>
    %exp3A_1995 = math.exp %broadcast_in_dim3A_1994 : vector<256x1xf32>
    %slice3A_1996 = vector.extract_strided_slice %slice3A_1791 {offsets = [0, 32], sizes = [256, 16], strides = [1, 1]} : vector<256x64xf32> to vector<256x16xf32>
    %reduce_sum3A_1997 = arith.constant dense<0.000000e+00> : vector<256xf32>
    %reduce_sum3A_1998 = vector.multi_reduction <add>, %slice3A_1996, %reduce_sum3A_1997 [1] : vector<256x16xf32> to vector<256xf32>
    %broadcast_in_dim3A_1999 = vector.shape_cast %reduce_sum3A_1998 : vector<256xf32> to vector<256x1xf32>
    %div3A_2000 = arith.constant 1.600000e+01 : f32
    %div3A_2001 = vector.broadcast %div3A_2000 : f32 to vector<256x1xf32>
    %div3A_2002 = arith.divf %broadcast_in_dim3A_1999, %div3A_2001 : vector<256x1xf32>
    %sub3A_2003 = vector.broadcast %div3A_2002 : vector<256x1xf32> to vector<256x16xf32>
    %sub3A_2004 = arith.subf %slice3A_1996, %sub3A_2003 : vector<256x16xf32>
    %mul3A_2005 = arith.mulf %sub3A_2004, %sub3A_2004 : vector<256x16xf32>
    %reduce_sum3A_2006 = arith.constant dense<0.000000e+00> : vector<256xf32>
    %reduce_sum3A_2007 = vector.multi_reduction <add>, %mul3A_2005, %reduce_sum3A_2006 [1] : vector<256x16xf32> to vector<256xf32>
    %broadcast_in_dim3A_2008 = vector.shape_cast %reduce_sum3A_2007 : vector<256xf32> to vector<256x1xf32>
    %div3A_2009 = arith.constant 1.600000e+01 : f32
    %div3A_2010 = vector.broadcast %div3A_2009 : f32 to vector<256x1xf32>
    %div3A_2011 = arith.divf %broadcast_in_dim3A_2008, %div3A_2010 : vector<256x1xf32>
    %add3A_2012 = arith.constant 9.99999974E-6 : f32
    %add3A_2013 = vector.broadcast %add3A_2012 : f32 to vector<256x1xf32>
    %add3A_2014 = arith.addf %div3A_2011, %add3A_2013 : vector<256x1xf32>
    %rsqrt3A_2015 = math.rsqrt %add3A_2014 : vector<256x1xf32>
    %mul3A_2016 = vector.broadcast %rsqrt3A_2015 : vector<256x1xf32> to vector<256x16xf32>
    %mul3A_2017 = arith.mulf %sub3A_2004, %mul3A_2016 : vector<256x16xf32>
    %mul3A_2018 = vector.broadcast %get3A_1882 : vector<1x16xf32> to vector<256x16xf32>
    %mul3A_2019 = arith.mulf %mul3A_2017, %mul3A_2018 : vector<256x16xf32>
    %add3A_2020 = vector.broadcast %get3A_1885 : vector<1x16xf32> to vector<256x16xf32>
    %add3A_2021 = arith.addf %mul3A_2019, %add3A_2020 : vector<256x16xf32>
    %mul3A_2022 = arith.constant 6.000000e-01 : f32
    %mul3A_2023 = vector.broadcast %mul3A_2022 : f32 to vector<256x16xf32>
    %mul3A_2024 = arith.mulf %mul3A_2023, %add3A_2021 : vector<256x16xf32>
    %mul3A_2025 = arith.constant 4.000000e-01 : f32
    %mul3A_2026 = vector.broadcast %mul3A_2025 : f32 to vector<256x16xf32>
    %mul3A_2027 = arith.mulf %mul3A_2026, %add3A_2021 : vector<256x16xf32>
    %logistic3A_2028 = arith.negf %add3A_2021 : vector<256x16xf32>
    %logistic3A_2029 = math.exp %logistic3A_2028 : vector<256x16xf32>
    %logistic3A_2030 = arith.constant 1.000000e+00 : f32
    %logistic3A_2031 = vector.broadcast %logistic3A_2030 : f32 to vector<256x16xf32>
    %logistic3A_2032 = arith.addf %logistic3A_2031, %logistic3A_2029 : vector<256x16xf32>
    %logistic3A_2033 = arith.divf %logistic3A_2031, %logistic3A_2032 : vector<256x16xf32>
    %mul3A_2034 = arith.constant 2.000000e+00 : f32
    %mul3A_2035 = vector.broadcast %mul3A_2034 : f32 to vector<256x16xf32>
    %mul3A_2036 = arith.mulf %mul3A_2035, %logistic3A_2033 : vector<256x16xf32>
    %sub3A_2037 = arith.constant 1.000000e+00 : f32
    %sub3A_2038 = vector.broadcast %sub3A_2037 : f32 to vector<256x16xf32>
    %sub3A_2039 = arith.subf %mul3A_2036, %sub3A_2038 : vector<256x16xf32>
    %mul3A_2040 = arith.mulf %mul3A_2027, %sub3A_2039 : vector<256x16xf32>
    %add3A_2041 = arith.addf %mul3A_2024, %mul3A_2040 : vector<256x16xf32>
    %get3A_2042 = arith.constant 2 : index
    %get3A_2043 = arith.constant 0 : index
    %get3A_2044 = vector.load %arg18[%get3A_2042, %get3A_2043] : memref<4x16xf32, #tpu.memory_space<vmem>>, vector<1x16xf32>
    %get3A_2045 = vector.shape_cast %get3A_2044 : vector<1x16xf32> to vector<16xf32>
    %broadcast_in_dim3A_2046 = vector.shape_cast %get3A_2045 : vector<16xf32> to vector<1x16xf32>
    %mul3A_2047 = vector.broadcast %broadcast_in_dim3A_2046 : vector<1x16xf32> to vector<256x16xf32>
    %mul3A_2048 = arith.mulf %add3A_2041, %mul3A_2047 : vector<256x16xf32>
    %reduce_sum3A_2049 = arith.constant dense<0.000000e+00> : vector<256xf32>
    %reduce_sum3A_2050 = vector.multi_reduction <add>, %mul3A_2048, %reduce_sum3A_2049 [1] : vector<256x16xf32> to vector<256xf32>
    %broadcast_in_dim3A_2051 = vector.shape_cast %reduce_sum3A_2050 : vector<256xf32> to vector<256x1xf32>
    %exp3A_2052 = math.exp %broadcast_in_dim3A_2051 : vector<256x1xf32>
    %slice3A_2053 = vector.extract_strided_slice %slice3A_1791 {offsets = [0, 48], sizes = [256, 16], strides = [1, 1]} : vector<256x64xf32> to vector<256x16xf32>
    %reduce_sum3A_2054 = arith.constant dense<0.000000e+00> : vector<256xf32>
    %reduce_sum3A_2055 = vector.multi_reduction <add>, %slice3A_2053, %reduce_sum3A_2054 [1] : vector<256x16xf32> to vector<256xf32>
    %broadcast_in_dim3A_2056 = vector.shape_cast %reduce_sum3A_2055 : vector<256xf32> to vector<256x1xf32>
    %div3A_2057 = arith.constant 1.600000e+01 : f32
    %div3A_2058 = vector.broadcast %div3A_2057 : f32 to vector<256x1xf32>
    %div3A_2059 = arith.divf %broadcast_in_dim3A_2056, %div3A_2058 : vector<256x1xf32>
    %sub3A_2060 = vector.broadcast %div3A_2059 : vector<256x1xf32> to vector<256x16xf32>
    %sub3A_2061 = arith.subf %slice3A_2053, %sub3A_2060 : vector<256x16xf32>
    %mul3A_2062 = arith.mulf %sub3A_2061, %sub3A_2061 : vector<256x16xf32>
    %reduce_sum3A_2063 = arith.constant dense<0.000000e+00> : vector<256xf32>
    %reduce_sum3A_2064 = vector.multi_reduction <add>, %mul3A_2062, %reduce_sum3A_2063 [1] : vector<256x16xf32> to vector<256xf32>
    %broadcast_in_dim3A_2065 = vector.shape_cast %reduce_sum3A_2064 : vector<256xf32> to vector<256x1xf32>
    %div3A_2066 = arith.constant 1.600000e+01 : f32
    %div3A_2067 = vector.broadcast %div3A_2066 : f32 to vector<256x1xf32>
    %div3A_2068 = arith.divf %broadcast_in_dim3A_2065, %div3A_2067 : vector<256x1xf32>
    %add3A_2069 = arith.constant 9.99999974E-6 : f32
    %add3A_2070 = vector.broadcast %add3A_2069 : f32 to vector<256x1xf32>
    %add3A_2071 = arith.addf %div3A_2068, %add3A_2070 : vector<256x1xf32>
    %rsqrt3A_2072 = math.rsqrt %add3A_2071 : vector<256x1xf32>
    %mul3A_2073 = vector.broadcast %rsqrt3A_2072 : vector<256x1xf32> to vector<256x16xf32>
    %mul3A_2074 = arith.mulf %sub3A_2061, %mul3A_2073 : vector<256x16xf32>
    %mul3A_2075 = vector.broadcast %get3A_1882 : vector<1x16xf32> to vector<256x16xf32>
    %mul3A_2076 = arith.mulf %mul3A_2074, %mul3A_2075 : vector<256x16xf32>
    %add3A_2077 = vector.broadcast %get3A_1885 : vector<1x16xf32> to vector<256x16xf32>
    %add3A_2078 = arith.addf %mul3A_2076, %add3A_2077 : vector<256x16xf32>
    %mul3A_2079 = arith.constant 6.000000e-01 : f32
    %mul3A_2080 = vector.broadcast %mul3A_2079 : f32 to vector<256x16xf32>
    %mul3A_2081 = arith.mulf %mul3A_2080, %add3A_2078 : vector<256x16xf32>
    %mul3A_2082 = arith.constant 4.000000e-01 : f32
    %mul3A_2083 = vector.broadcast %mul3A_2082 : f32 to vector<256x16xf32>
    %mul3A_2084 = arith.mulf %mul3A_2083, %add3A_2078 : vector<256x16xf32>
    %logistic3A_2085 = arith.negf %add3A_2078 : vector<256x16xf32>
    %logistic3A_2086 = math.exp %logistic3A_2085 : vector<256x16xf32>
    %logistic3A_2087 = arith.constant 1.000000e+00 : f32
    %logistic3A_2088 = vector.broadcast %logistic3A_2087 : f32 to vector<256x16xf32>
    %logistic3A_2089 = arith.addf %logistic3A_2088, %logistic3A_2086 : vector<256x16xf32>
    %logistic3A_2090 = arith.divf %logistic3A_2088, %logistic3A_2089 : vector<256x16xf32>
    %mul3A_2091 = arith.constant 2.000000e+00 : f32
    %mul3A_2092 = vector.broadcast %mul3A_2091 : f32 to vector<256x16xf32>
    %mul3A_2093 = arith.mulf %mul3A_2092, %logistic3A_2090 : vector<256x16xf32>
    %sub3A_2094 = arith.constant 1.000000e+00 : f32
    %sub3A_2095 = vector.broadcast %sub3A_2094 : f32 to vector<256x16xf32>
    %sub3A_2096 = arith.subf %mul3A_2093, %sub3A_2095 : vector<256x16xf32>
    %mul3A_2097 = arith.mulf %mul3A_2084, %sub3A_2096 : vector<256x16xf32>
    %add3A_2098 = arith.addf %mul3A_2081, %mul3A_2097 : vector<256x16xf32>
    %get3A_2099 = arith.constant 3 : index
    %get3A_2100 = arith.constant 0 : index
    %get3A_2101 = vector.load %arg18[%get3A_2099, %get3A_2100] : memref<4x16xf32, #tpu.memory_space<vmem>>, vector<1x16xf32>
    %get3A_2102 = vector.shape_cast %get3A_2101 : vector<1x16xf32> to vector<16xf32>
    %broadcast_in_dim3A_2103 = vector.shape_cast %get3A_2102 : vector<16xf32> to vector<1x16xf32>
    %mul3A_2104 = vector.broadcast %broadcast_in_dim3A_2103 : vector<1x16xf32> to vector<256x16xf32>
    %mul3A_2105 = arith.mulf %add3A_2098, %mul3A_2104 : vector<256x16xf32>
    %reduce_sum3A_2106 = arith.constant dense<0.000000e+00> : vector<256xf32>
    %reduce_sum3A_2107 = vector.multi_reduction <add>, %mul3A_2105, %reduce_sum3A_2106 [1] : vector<256x16xf32> to vector<256xf32>
    %broadcast_in_dim3A_2108 = vector.shape_cast %reduce_sum3A_2107 : vector<256xf32> to vector<256x1xf32>
    %exp3A_2109 = math.exp %broadcast_in_dim3A_2108 : vector<256x1xf32>
    %concatenate3A_2110 = tpu.concatenate %exp3A, %exp3A_1995, %exp3A_2052, %exp3A_2109 in 1 : vector<256x1xf32>, vector<256x1xf32>, vector<256x1xf32>, vector<256x1xf32> -> vector<256x4xf32>
    %swap3A = arith.constant 0 : index
    %swap3A_2111 = arith.constant 0 : index
    %swap3A_2112 = vector.load %arg24[%swap3A, %swap3A_2111] : memref<256x4xf32, #tpu.memory_space<vmem>>, vector<256x4xf32>
    tpu.vector_store %arg24[%swap3A, %swap3A_2111], %concatenate3A_2110 {strides = array<i32>} : memref<256x4xf32, #tpu.memory_space<vmem>>, vector<256x4xf32>,
    %slice3A_2113 = vector.extract_strided_slice %get3A_13 {offsets = [0, 0], sizes = [256, 1], strides = [1, 1]} : vector<256x81xf32> to vector<256x1xf32>
    %squeeze3A_2114 = vector.shape_cast %slice3A_2113 : vector<256x1xf32> to vector<256xf32>
    %broadcast_in_dim3A_2115 = vector.shape_cast %squeeze3A_2114 : vector<256xf32> to vector<256x1xf32>
    %mul3A_2116 = vector.broadcast %broadcast_in_dim3A_2115 : vector<256x1xf32> to vector<256x32xf32>
    %mul3A_2117 = arith.mulf %mul3A_2116, %slice3A_1873 : vector<256x32xf32>
    %slice3A_2118 = vector.extract_strided_slice %get3A_13 {offsets = [0, 1], sizes = [256, 1], strides = [1, 1]} : vector<256x81xf32> to vector<256x1xf32>
    %squeeze3A_2119 = vector.shape_cast %slice3A_2118 : vector<256x1xf32> to vector<256xf32>
    %broadcast_in_dim3A_2120 = vector.shape_cast %squeeze3A_2119 : vector<256xf32> to vector<256x1xf32>
    %mul3A_2121 = vector.broadcast %broadcast_in_dim3A_2120 : vector<256x1xf32> to vector<256x32xf32>
    %mul3A_2122 = arith.mulf %mul3A_2121, %slice3A_1878 : vector<256x32xf32>
    %add3A_2123 = arith.addf %mul3A_2117, %mul3A_2122 : vector<256x32xf32>
    %slice3A_2124 = vector.extract_strided_slice %get3A_13 {offsets = [0, 2], sizes = [256, 1], strides = [1, 1]} : vector<256x81xf32> to vector<256x1xf32>
    %squeeze3A_2125 = vector.shape_cast %slice3A_2124 : vector<256x1xf32> to vector<256xf32>
    %broadcast_in_dim3A_2126 = vector.shape_cast %squeeze3A_2125 : vector<256xf32> to vector<256x1xf32>
    %mul3A_2127 = vector.broadcast %broadcast_in_dim3A_2126 : vector<256x1xf32> to vector<256x32xf32>
    %mul3A_2128 = arith.mulf %mul3A_2127, %slice3A_1874 : vector<256x32xf32>
    %add3A_2129 = arith.addf %add3A_2123, %mul3A_2128 : vector<256x32xf32>
    %slice3A_2130 = vector.extract_strided_slice %get3A_13 {offsets = [0, 3], sizes = [256, 1], strides = [1, 1]} : vector<256x81xf32> to vector<256x1xf32>
    %squeeze3A_2131 = vector.shape_cast %slice3A_2130 : vector<256x1xf32> to vector<256xf32>
    %broadcast_in_dim3A_2132 = vector.shape_cast %squeeze3A_2131 : vector<256xf32> to vector<256x1xf32>
    %mul3A_2133 = vector.broadcast %broadcast_in_dim3A_2132 : vector<256x1xf32> to vector<256x32xf32>
    %mul3A_2134 = arith.mulf %mul3A_2133, %slice3A_1876 : vector<256x32xf32>
    %add3A_2135 = arith.addf %add3A_2129, %mul3A_2134 : vector<256x32xf32>
    %slice3A_2136 = vector.extract_strided_slice %get3A_13 {offsets = [0, 4], sizes = [256, 1], strides = [1, 1]} : vector<256x81xf32> to vector<256x1xf32>
    %squeeze3A_2137 = vector.shape_cast %slice3A_2136 : vector<256x1xf32> to vector<256xf32>
    %broadcast_in_dim3A_2138 = vector.shape_cast %squeeze3A_2137 : vector<256xf32> to vector<256x1xf32>
    %mul3A_2139 = vector.broadcast %broadcast_in_dim3A_2138 : vector<256x1xf32> to vector<256x32xf32>
    %mul3A_2140 = arith.mulf %mul3A_2139, %add3A_1872 : vector<256x32xf32>
    %add3A_2141 = arith.addf %add3A_2135, %mul3A_2140 : vector<256x32xf32>
    %slice3A_2142 = vector.extract_strided_slice %get3A_13 {offsets = [0, 5], sizes = [256, 1], strides = [1, 1]} : vector<256x81xf32> to vector<256x1xf32>
    %squeeze3A_2143 = vector.shape_cast %slice3A_2142 : vector<256x1xf32> to vector<256xf32>
    %broadcast_in_dim3A_2144 = vector.shape_cast %squeeze3A_2143 : vector<256xf32> to vector<256x1xf32>
    %mul3A_2145 = vector.broadcast %broadcast_in_dim3A_2144 : vector<256x1xf32> to vector<256x32xf32>
    %mul3A_2146 = arith.mulf %mul3A_2145, %slice3A_1879 : vector<256x32xf32>
    %add3A_2147 = arith.addf %add3A_2141, %mul3A_2146 : vector<256x32xf32>
    %slice3A_2148 = vector.extract_strided_slice %get3A_13 {offsets = [0, 6], sizes = [256, 1], strides = [1, 1]} : vector<256x81xf32> to vector<256x1xf32>
    %squeeze3A_2149 = vector.shape_cast %slice3A_2148 : vector<256x1xf32> to vector<256xf32>
    %broadcast_in_dim3A_2150 = vector.shape_cast %squeeze3A_2149 : vector<256xf32> to vector<256x1xf32>
    %mul3A_2151 = vector.broadcast %broadcast_in_dim3A_2150 : vector<256x1xf32> to vector<256x32xf32>
    %mul3A_2152 = arith.mulf %mul3A_2151, %slice3A_1875 : vector<256x32xf32>
    %add3A_2153 = arith.addf %add3A_2147, %mul3A_2152 : vector<256x32xf32>
    %slice3A_2154 = vector.extract_strided_slice %get3A_13 {offsets = [0, 7], sizes = [256, 1], strides = [1, 1]} : vector<256x81xf32> to vector<256x1xf32>
    %squeeze3A_2155 = vector.shape_cast %slice3A_2154 : vector<256x1xf32> to vector<256xf32>
    %broadcast_in_dim3A_2156 = vector.shape_cast %squeeze3A_2155 : vector<256xf32> to vector<256x1xf32>
    %mul3A_2157 = vector.broadcast %broadcast_in_dim3A_2156 : vector<256x1xf32> to vector<256x32xf32>
    %mul3A_2158 = arith.mulf %mul3A_2157, %slice3A_1877 : vector<256x32xf32>
    %add3A_2159 = arith.addf %add3A_2153, %mul3A_2158 : vector<256x32xf32>
    %slice3A_2160 = vector.extract_strided_slice %get3A_13 {offsets = [0, 8], sizes = [256, 1], strides = [1, 1]} : vector<256x81xf32> to vector<256x1xf32>
    %squeeze3A_2161 = vector.shape_cast %slice3A_2160 : vector<256x1xf32> to vector<256xf32>
    %broadcast_in_dim3A_2162 = vector.shape_cast %squeeze3A_2161 : vector<256xf32> to vector<256x1xf32>
    %mul3A_2163 = vector.broadcast %broadcast_in_dim3A_2162 : vector<256x1xf32> to vector<256x32xf32>
    %mul3A_2164 = arith.mulf %mul3A_2163, %sub3A_1869 : vector<256x32xf32>
    %add3A_2165 = arith.addf %add3A_2159, %mul3A_2164 : vector<256x32xf32>
    %slice3A_2166 = vector.extract_strided_slice %get3A_13 {offsets = [0, 9], sizes = [256, 1], strides = [1, 1]} : vector<256x81xf32> to vector<256x1xf32>
    %squeeze3A_2167 = vector.shape_cast %slice3A_2166 : vector<256x1xf32> to vector<256xf32>
    %broadcast_in_dim3A_2168 = vector.shape_cast %squeeze3A_2167 : vector<256xf32> to vector<256x1xf32>
    %mul3A_2169 = vector.broadcast %broadcast_in_dim3A_2168 : vector<256x1xf32> to vector<256x32xf32>
    %mul3A_2170 = arith.mulf %mul3A_2169, %slice3A_1873 : vector<256x32xf32>
    %slice3A_2171 = vector.extract_strided_slice %get3A_13 {offsets = [0, 10], sizes = [256, 1], strides = [1, 1]} : vector<256x81xf32> to vector<256x1xf32>
    %squeeze3A_2172 = vector.shape_cast %slice3A_2171 : vector<256x1xf32> to vector<256xf32>
    %broadcast_in_dim3A_2173 = vector.shape_cast %squeeze3A_2172 : vector<256xf32> to vector<256x1xf32>
    %mul3A_2174 = vector.broadcast %broadcast_in_dim3A_2173 : vector<256x1xf32> to vector<256x32xf32>
    %mul3A_2175 = arith.mulf %mul3A_2174, %slice3A_1878 : vector<256x32xf32>
    %add3A_2176 = arith.addf %mul3A_2170, %mul3A_2175 : vector<256x32xf32>
    %slice3A_2177 = vector.extract_strided_slice %get3A_13 {offsets = [0, 11], sizes = [256, 1], strides = [1, 1]} : vector<256x81xf32> to vector<256x1xf32>
    %squeeze3A_2178 = vector.shape_cast %slice3A_2177 : vector<256x1xf32> to vector<256xf32>
    %broadcast_in_dim3A_2179 = vector.shape_cast %squeeze3A_2178 : vector<256xf32> to vector<256x1xf32>
    %mul3A_2180 = vector.broadcast %broadcast_in_dim3A_2179 : vector<256x1xf32> to vector<256x32xf32>
    %mul3A_2181 = arith.mulf %mul3A_2180, %slice3A_1874 : vector<256x32xf32>
    %add3A_2182 = arith.addf %add3A_2176, %mul3A_2181 : vector<256x32xf32>
    %slice3A_2183 = vector.extract_strided_slice %get3A_13 {offsets = [0, 12], sizes = [256, 1], strides = [1, 1]} : vector<256x81xf32> to vector<256x1xf32>
    %squeeze3A_2184 = vector.shape_cast %slice3A_2183 : vector<256x1xf32> to vector<256xf32>
    %broadcast_in_dim3A_2185 = vector.shape_cast %squeeze3A_2184 : vector<256xf32> to vector<256x1xf32>
    %mul3A_2186 = vector.broadcast %broadcast_in_dim3A_2185 : vector<256x1xf32> to vector<256x32xf32>
    %mul3A_2187 = arith.mulf %mul3A_2186, %slice3A_1876 : vector<256x32xf32>
    %add3A_2188 = arith.addf %add3A_2182, %mul3A_2187 : vector<256x32xf32>
    %slice3A_2189 = vector.extract_strided_slice %get3A_13 {offsets = [0, 13], sizes = [256, 1], strides = [1, 1]} : vector<256x81xf32> to vector<256x1xf32>
    %squeeze3A_2190 = vector.shape_cast %slice3A_2189 : vector<256x1xf32> to vector<256xf32>
    %broadcast_in_dim3A_2191 = vector.shape_cast %squeeze3A_2190 : vector<256xf32> to vector<256x1xf32>
    %mul3A_2192 = vector.broadcast %broadcast_in_dim3A_2191 : vector<256x1xf32> to vector<256x32xf32>
    %mul3A_2193 = arith.mulf %mul3A_2192, %add3A_1872 : vector<256x32xf32>
    %add3A_2194 = arith.addf %add3A_2188, %mul3A_2193 : vector<256x32xf32>
    %slice3A_2195 = vector.extract_strided_slice %get3A_13 {offsets = [0, 14], sizes = [256, 1], strides = [1, 1]} : vector<256x81xf32> to vector<256x1xf32>
    %squeeze3A_2196 = vector.shape_cast %slice3A_2195 : vector<256x1xf32> to vector<256xf32>
    %broadcast_in_dim3A_2197 = vector.shape_cast %squeeze3A_2196 : vector<256xf32> to vector<256x1xf32>
    %mul3A_2198 = vector.broadcast %broadcast_in_dim3A_2197 : vector<256x1xf32> to vector<256x32xf32>
    %mul3A_2199 = arith.mulf %mul3A_2198, %slice3A_1879 : vector<256x32xf32>
    %add3A_2200 = arith.addf %add3A_2194, %mul3A_2199 : vector<256x32xf32>
    %slice3A_2201 = vector.extract_strided_slice %get3A_13 {offsets = [0, 15], sizes = [256, 1], strides = [1, 1]} : vector<256x81xf32> to vector<256x1xf32>
    %squeeze3A_2202 = vector.shape_cast %slice3A_2201 : vector<256x1xf32> to vector<256xf32>
    %broadcast_in_dim3A_2203 = vector.shape_cast %squeeze3A_2202 : vector<256xf32> to vector<256x1xf32>
    %mul3A_2204 = vector.broadcast %broadcast_in_dim3A_2203 : vector<256x1xf32> to vector<256x32xf32>
    %mul3A_2205 = arith.mulf %mul3A_2204, %slice3A_1875 : vector<256x32xf32>
    %add3A_2206 = arith.addf %add3A_2200, %mul3A_2205 : vector<256x32xf32>
    %slice3A_2207 = vector.extract_strided_slice %get3A_13 {offsets = [0, 16], sizes = [256, 1], strides = [1, 1]} : vector<256x81xf32> to vector<256x1xf32>
    %squeeze3A_2208 = vector.shape_cast %slice3A_2207 : vector<256x1xf32> to vector<256xf32>
    %broadcast_in_dim3A_2209 = vector.shape_cast %squeeze3A_2208 : vector<256xf32> to vector<256x1xf32>
    %mul3A_2210 = vector.broadcast %broadcast_in_dim3A_2209 : vector<256x1xf32> to vector<256x32xf32>
    %mul3A_2211 = arith.mulf %mul3A_2210, %slice3A_1877 : vector<256x32xf32>
    %add3A_2212 = arith.addf %add3A_2206, %mul3A_2211 : vector<256x32xf32>
    %slice3A_2213 = vector.extract_strided_slice %get3A_13 {offsets = [0, 17], sizes = [256, 1], strides = [1, 1]} : vector<256x81xf32> to vector<256x1xf32>
    %squeeze3A_2214 = vector.shape_cast %slice3A_2213 : vector<256x1xf32> to vector<256xf32>
    %broadcast_in_dim3A_2215 = vector.shape_cast %squeeze3A_2214 : vector<256xf32> to vector<256x1xf32>
    %mul3A_2216 = vector.broadcast %broadcast_in_dim3A_2215 : vector<256x1xf32> to vector<256x32xf32>
    %mul3A_2217 = arith.mulf %mul3A_2216, %sub3A_1869 : vector<256x32xf32>
    %add3A_2218 = arith.addf %add3A_2212, %mul3A_2217 : vector<256x32xf32>
    %slice3A_2219 = vector.extract_strided_slice %get3A_13 {offsets = [0, 18], sizes = [256, 1], strides = [1, 1]} : vector<256x81xf32> to vector<256x1xf32>
    %squeeze3A_2220 = vector.shape_cast %slice3A_2219 : vector<256x1xf32> to vector<256xf32>
    %broadcast_in_dim3A_2221 = vector.shape_cast %squeeze3A_2220 : vector<256xf32> to vector<256x1xf32>
    %mul3A_2222 = vector.broadcast %broadcast_in_dim3A_2221 : vector<256x1xf32> to vector<256x32xf32>
    %mul3A_2223 = arith.mulf %mul3A_2222, %slice3A_1873 : vector<256x32xf32>
    %slice3A_2224 = vector.extract_strided_slice %get3A_13 {offsets = [0, 19], sizes = [256, 1], strides = [1, 1]} : vector<256x81xf32> to vector<256x1xf32>
    %squeeze3A_2225 = vector.shape_cast %slice3A_2224 : vector<256x1xf32> to vector<256xf32>
    %broadcast_in_dim3A_2226 = vector.shape_cast %squeeze3A_2225 : vector<256xf32> to vector<256x1xf32>
    %mul3A_2227 = vector.broadcast %broadcast_in_dim3A_2226 : vector<256x1xf32> to vector<256x32xf32>
    %mul3A_2228 = arith.mulf %mul3A_2227, %slice3A_1878 : vector<256x32xf32>
    %add3A_2229 = arith.addf %mul3A_2223, %mul3A_2228 : vector<256x32xf32>
    %slice3A_2230 = vector.extract_strided_slice %get3A_13 {offsets = [0, 20], sizes = [256, 1], strides = [1, 1]} : vector<256x81xf32> to vector<256x1xf32>
    %squeeze3A_2231 = vector.shape_cast %slice3A_2230 : vector<256x1xf32> to vector<256xf32>
    %broadcast_in_dim3A_2232 = vector.shape_cast %squeeze3A_2231 : vector<256xf32> to vector<256x1xf32>
    %mul3A_2233 = vector.broadcast %broadcast_in_dim3A_2232 : vector<256x1xf32> to vector<256x32xf32>
    %mul3A_2234 = arith.mulf %mul3A_2233, %slice3A_1874 : vector<256x32xf32>
    %add3A_2235 = arith.addf %add3A_2229, %mul3A_2234 : vector<256x32xf32>
    %slice3A_2236 = vector.extract_strided_slice %get3A_13 {offsets = [0, 21], sizes = [256, 1], strides = [1, 1]} : vector<256x81xf32> to vector<256x1xf32>
    %squeeze3A_2237 = vector.shape_cast %slice3A_2236 : vector<256x1xf32> to vector<256xf32>
    %broadcast_in_dim3A_2238 = vector.shape_cast %squeeze3A_2237 : vector<256xf32> to vector<256x1xf32>
    %mul3A_2239 = vector.broadcast %broadcast_in_dim3A_2238 : vector<256x1xf32> to vector<256x32xf32>
    %mul3A_2240 = arith.mulf %mul3A_2239, %slice3A_1876 : vector<256x32xf32>
    %add3A_2241 = arith.addf %add3A_2235, %mul3A_2240 : vector<256x32xf32>
    %slice3A_2242 = vector.extract_strided_slice %get3A_13 {offsets = [0, 22], sizes = [256, 1], strides = [1, 1]} : vector<256x81xf32> to vector<256x1xf32>
    %squeeze3A_2243 = vector.shape_cast %slice3A_2242 : vector<256x1xf32> to vector<256xf32>
    %broadcast_in_dim3A_2244 = vector.shape_cast %squeeze3A_2243 : vector<256xf32> to vector<256x1xf32>
    %mul3A_2245 = vector.broadcast %broadcast_in_dim3A_2244 : vector<256x1xf32> to vector<256x32xf32>
    %mul3A_2246 = arith.mulf %mul3A_2245, %add3A_1872 : vector<256x32xf32>
    %add3A_2247 = arith.addf %add3A_2241, %mul3A_2246 : vector<256x32xf32>
    %slice3A_2248 = vector.extract_strided_slice %get3A_13 {offsets = [0, 23], sizes = [256, 1], strides = [1, 1]} : vector<256x81xf32> to vector<256x1xf32>
    %squeeze3A_2249 = vector.shape_cast %slice3A_2248 : vector<256x1xf32> to vector<256xf32>
    %broadcast_in_dim3A_2250 = vector.shape_cast %squeeze3A_2249 : vector<256xf32> to vector<256x1xf32>
    %mul3A_2251 = vector.broadcast %broadcast_in_dim3A_2250 : vector<256x1xf32> to vector<256x32xf32>
    %mul3A_2252 = arith.mulf %mul3A_2251, %slice3A_1879 : vector<256x32xf32>
    %add3A_2253 = arith.addf %add3A_2247, %mul3A_2252 : vector<256x32xf32>
    %slice3A_2254 = vector.extract_strided_slice %get3A_13 {offsets = [0, 24], sizes = [256, 1], strides = [1, 1]} : vector<256x81xf32> to vector<256x1xf32>
    %squeeze3A_2255 = vector.shape_cast %slice3A_2254 : vector<256x1xf32> to vector<256xf32>
    %broadcast_in_dim3A_2256 = vector.shape_cast %squeeze3A_2255 : vector<256xf32> to vector<256x1xf32>
    %mul3A_2257 = vector.broadcast %broadcast_in_dim3A_2256 : vector<256x1xf32> to vector<256x32xf32>
    %mul3A_2258 = arith.mulf %mul3A_2257, %slice3A_1875 : vector<256x32xf32>
    %add3A_2259 = arith.addf %add3A_2253, %mul3A_2258 : vector<256x32xf32>
    %slice3A_2260 = vector.extract_strided_slice %get3A_13 {offsets = [0, 25], sizes = [256, 1], strides = [1, 1]} : vector<256x81xf32> to vector<256x1xf32>
    %squeeze3A_2261 = vector.shape_cast %slice3A_2260 : vector<256x1xf32> to vector<256xf32>
    %broadcast_in_dim3A_2262 = vector.shape_cast %squeeze3A_2261 : vector<256xf32> to vector<256x1xf32>
    %mul3A_2263 = vector.broadcast %broadcast_in_dim3A_2262 : vector<256x1xf32> to vector<256x32xf32>
    %mul3A_2264 = arith.mulf %mul3A_2263, %slice3A_1877 : vector<256x32xf32>
    %add3A_2265 = arith.addf %add3A_2259, %mul3A_2264 : vector<256x32xf32>
    %slice3A_2266 = vector.extract_strided_slice %get3A_13 {offsets = [0, 26], sizes = [256, 1], strides = [1, 1]} : vector<256x81xf32> to vector<256x1xf32>
    %squeeze3A_2267 = vector.shape_cast %slice3A_2266 : vector<256x1xf32> to vector<256xf32>
    %broadcast_in_dim3A_2268 = vector.shape_cast %squeeze3A_2267 : vector<256xf32> to vector<256x1xf32>
    %mul3A_2269 = vector.broadcast %broadcast_in_dim3A_2268 : vector<256x1xf32> to vector<256x32xf32>
    %mul3A_2270 = arith.mulf %mul3A_2269, %sub3A_1869 : vector<256x32xf32>
    %add3A_2271 = arith.addf %add3A_2265, %mul3A_2270 : vector<256x32xf32>
    %slice3A_2272 = vector.extract_strided_slice %get3A_13 {offsets = [0, 27], sizes = [256, 1], strides = [1, 1]} : vector<256x81xf32> to vector<256x1xf32>
    %squeeze3A_2273 = vector.shape_cast %slice3A_2272 : vector<256x1xf32> to vector<256xf32>
    %broadcast_in_dim3A_2274 = vector.shape_cast %squeeze3A_2273 : vector<256xf32> to vector<256x1xf32>
    %mul3A_2275 = vector.broadcast %broadcast_in_dim3A_2274 : vector<256x1xf32> to vector<256x32xf32>
    %mul3A_2276 = arith.mulf %mul3A_2275, %slice3A_1873 : vector<256x32xf32>
    %slice3A_2277 = vector.extract_strided_slice %get3A_13 {offsets = [0, 28], sizes = [256, 1], strides = [1, 1]} : vector<256x81xf32> to vector<256x1xf32>
    %squeeze3A_2278 = vector.shape_cast %slice3A_2277 : vector<256x1xf32> to vector<256xf32>
    %broadcast_in_dim3A_2279 = vector.shape_cast %squeeze3A_2278 : vector<256xf32> to vector<256x1xf32>
    %mul3A_2280 = vector.broadcast %broadcast_in_dim3A_2279 : vector<256x1xf32> to vector<256x32xf32>
    %mul3A_2281 = arith.mulf %mul3A_2280, %slice3A_1878 : vector<256x32xf32>
    %add3A_2282 = arith.addf %mul3A_2276, %mul3A_2281 : vector<256x32xf32>
    %slice3A_2283 = vector.extract_strided_slice %get3A_13 {offsets = [0, 29], sizes = [256, 1], strides = [1, 1]} : vector<256x81xf32> to vector<256x1xf32>
    %squeeze3A_2284 = vector.shape_cast %slice3A_2283 : vector<256x1xf32> to vector<256xf32>
    %broadcast_in_dim3A_2285 = vector.shape_cast %squeeze3A_2284 : vector<256xf32> to vector<256x1xf32>
    %mul3A_2286 = vector.broadcast %broadcast_in_dim3A_2285 : vector<256x1xf32> to vector<256x32xf32>
    %mul3A_2287 = arith.mulf %mul3A_2286, %slice3A_1874 : vector<256x32xf32>
    %add3A_2288 = arith.addf %add3A_2282, %mul3A_2287 : vector<256x32xf32>
    %slice3A_2289 = vector.extract_strided_slice %get3A_13 {offsets = [0, 30], sizes = [256, 1], strides = [1, 1]} : vector<256x81xf32> to vector<256x1xf32>
    %squeeze3A_2290 = vector.shape_cast %slice3A_2289 : vector<256x1xf32> to vector<256xf32>
    %broadcast_in_dim3A_2291 = vector.shape_cast %squeeze3A_2290 : vector<256xf32> to vector<256x1xf32>
    %mul3A_2292 = vector.broadcast %broadcast_in_dim3A_2291 : vector<256x1xf32> to vector<256x32xf32>
    %mul3A_2293 = arith.mulf %mul3A_2292, %slice3A_1876 : vector<256x32xf32>
    %add3A_2294 = arith.addf %add3A_2288, %mul3A_2293 : vector<256x32xf32>
    %slice3A_2295 = vector.extract_strided_slice %get3A_13 {offsets = [0, 31], sizes = [256, 1], strides = [1, 1]} : vector<256x81xf32> to vector<256x1xf32>
    %squeeze3A_2296 = vector.shape_cast %slice3A_2295 : vector<256x1xf32> to vector<256xf32>
    %broadcast_in_dim3A_2297 = vector.shape_cast %squeeze3A_2296 : vector<256xf32> to vector<256x1xf32>
    %mul3A_2298 = vector.broadcast %broadcast_in_dim3A_2297 : vector<256x1xf32> to vector<256x32xf32>
    %mul3A_2299 = arith.mulf %mul3A_2298, %add3A_1872 : vector<256x32xf32>
    %add3A_2300 = arith.addf %add3A_2294, %mul3A_2299 : vector<256x32xf32>
    %slice3A_2301 = vector.extract_strided_slice %get3A_13 {offsets = [0, 32], sizes = [256, 1], strides = [1, 1]} : vector<256x81xf32> to vector<256x1xf32>
    %squeeze3A_2302 = vector.shape_cast %slice3A_2301 : vector<256x1xf32> to vector<256xf32>
    %broadcast_in_dim3A_2303 = vector.shape_cast %squeeze3A_2302 : vector<256xf32> to vector<256x1xf32>
    %mul3A_2304 = vector.broadcast %broadcast_in_dim3A_2303 : vector<256x1xf32> to vector<256x32xf32>
    %mul3A_2305 = arith.mulf %mul3A_2304, %slice3A_1879 : vector<256x32xf32>
    %add3A_2306 = arith.addf %add3A_2300, %mul3A_2305 : vector<256x32xf32>
    %slice3A_2307 = vector.extract_strided_slice %get3A_13 {offsets = [0, 33], sizes = [256, 1], strides = [1, 1]} : vector<256x81xf32> to vector<256x1xf32>
    %squeeze3A_2308 = vector.shape_cast %slice3A_2307 : vector<256x1xf32> to vector<256xf32>
    %broadcast_in_dim3A_2309 = vector.shape_cast %squeeze3A_2308 : vector<256xf32> to vector<256x1xf32>
    %mul3A_2310 = vector.broadcast %broadcast_in_dim3A_2309 : vector<256x1xf32> to vector<256x32xf32>
    %mul3A_2311 = arith.mulf %mul3A_2310, %slice3A_1875 : vector<256x32xf32>
    %add3A_2312 = arith.addf %add3A_2306, %mul3A_2311 : vector<256x32xf32>
    %slice3A_2313 = vector.extract_strided_slice %get3A_13 {offsets = [0, 34], sizes = [256, 1], strides = [1, 1]} : vector<256x81xf32> to vector<256x1xf32>
    %squeeze3A_2314 = vector.shape_cast %slice3A_2313 : vector<256x1xf32> to vector<256xf32>
    %broadcast_in_dim3A_2315 = vector.shape_cast %squeeze3A_2314 : vector<256xf32> to vector<256x1xf32>
    %mul3A_2316 = vector.broadcast %broadcast_in_dim3A_2315 : vector<256x1xf32> to vector<256x32xf32>
    %mul3A_2317 = arith.mulf %mul3A_2316, %slice3A_1877 : vector<256x32xf32>
    %add3A_2318 = arith.addf %add3A_2312, %mul3A_2317 : vector<256x32xf32>
    %slice3A_2319 = vector.extract_strided_slice %get3A_13 {offsets = [0, 35], sizes = [256, 1], strides = [1, 1]} : vector<256x81xf32> to vector<256x1xf32>
    %squeeze3A_2320 = vector.shape_cast %slice3A_2319 : vector<256x1xf32> to vector<256xf32>
    %broadcast_in_dim3A_2321 = vector.shape_cast %squeeze3A_2320 : vector<256xf32> to vector<256x1xf32>
    %mul3A_2322 = vector.broadcast %broadcast_in_dim3A_2321 : vector<256x1xf32> to vector<256x32xf32>
    %mul3A_2323 = arith.mulf %mul3A_2322, %sub3A_1869 : vector<256x32xf32>
    %add3A_2324 = arith.addf %add3A_2318, %mul3A_2323 : vector<256x32xf32>
    %slice3A_2325 = vector.extract_strided_slice %get3A_13 {offsets = [0, 36], sizes = [256, 1], strides = [1, 1]} : vector<256x81xf32> to vector<256x1xf32>
    %squeeze3A_2326 = vector.shape_cast %slice3A_2325 : vector<256x1xf32> to vector<256xf32>
    %broadcast_in_dim3A_2327 = vector.shape_cast %squeeze3A_2326 : vector<256xf32> to vector<256x1xf32>
    %mul3A_2328 = vector.broadcast %broadcast_in_dim3A_2327 : vector<256x1xf32> to vector<256x32xf32>
    %mul3A_2329 = arith.mulf %mul3A_2328, %slice3A_1873 : vector<256x32xf32>
    %slice3A_2330 = vector.extract_strided_slice %get3A_13 {offsets = [0, 37], sizes = [256, 1], strides = [1, 1]} : vector<256x81xf32> to vector<256x1xf32>
    %squeeze3A_2331 = vector.shape_cast %slice3A_2330 : vector<256x1xf32> to vector<256xf32>
    %broadcast_in_dim3A_2332 = vector.shape_cast %squeeze3A_2331 : vector<256xf32> to vector<256x1xf32>
    %mul3A_2333 = vector.broadcast %broadcast_in_dim3A_2332 : vector<256x1xf32> to vector<256x32xf32>
    %mul3A_2334 = arith.mulf %mul3A_2333, %slice3A_1878 : vector<256x32xf32>
    %add3A_2335 = arith.addf %mul3A_2329, %mul3A_2334 : vector<256x32xf32>
    %slice3A_2336 = vector.extract_strided_slice %get3A_13 {offsets = [0, 38], sizes = [256, 1], strides = [1, 1]} : vector<256x81xf32> to vector<256x1xf32>
    %squeeze3A_2337 = vector.shape_cast %slice3A_2336 : vector<256x1xf32> to vector<256xf32>
    %broadcast_in_dim3A_2338 = vector.shape_cast %squeeze3A_2337 : vector<256xf32> to vector<256x1xf32>
    %mul3A_2339 = vector.broadcast %broadcast_in_dim3A_2338 : vector<256x1xf32> to vector<256x32xf32>
    %mul3A_2340 = arith.mulf %mul3A_2339, %slice3A_1874 : vector<256x32xf32>
    %add3A_2341 = arith.addf %add3A_2335, %mul3A_2340 : vector<256x32xf32>
    %slice3A_2342 = vector.extract_strided_slice %get3A_13 {offsets = [0, 39], sizes = [256, 1], strides = [1, 1]} : vector<256x81xf32> to vector<256x1xf32>
    %squeeze3A_2343 = vector.shape_cast %slice3A_2342 : vector<256x1xf32> to vector<256xf32>
    %broadcast_in_dim3A_2344 = vector.shape_cast %squeeze3A_2343 : vector<256xf32> to vector<256x1xf32>
    %mul3A_2345 = vector.broadcast %broadcast_in_dim3A_2344 : vector<256x1xf32> to vector<256x32xf32>
    %mul3A_2346 = arith.mulf %mul3A_2345, %slice3A_1876 : vector<256x32xf32>
    %add3A_2347 = arith.addf %add3A_2341, %mul3A_2346 : vector<256x32xf32>
    %slice3A_2348 = vector.extract_strided_slice %get3A_13 {offsets = [0, 40], sizes = [256, 1], strides = [1, 1]} : vector<256x81xf32> to vector<256x1xf32>
    %squeeze3A_2349 = vector.shape_cast %slice3A_2348 : vector<256x1xf32> to vector<256xf32>
    %broadcast_in_dim3A_2350 = vector.shape_cast %squeeze3A_2349 : vector<256xf32> to vector<256x1xf32>
    %mul3A_2351 = vector.broadcast %broadcast_in_dim3A_2350 : vector<256x1xf32> to vector<256x32xf32>
    %mul3A_2352 = arith.mulf %mul3A_2351, %add3A_1872 : vector<256x32xf32>
    %add3A_2353 = arith.addf %add3A_2347, %mul3A_2352 : vector<256x32xf32>
    %slice3A_2354 = vector.extract_strided_slice %get3A_13 {offsets = [0, 41], sizes = [256, 1], strides = [1, 1]} : vector<256x81xf32> to vector<256x1xf32>
    %squeeze3A_2355 = vector.shape_cast %slice3A_2354 : vector<256x1xf32> to vector<256xf32>
    %broadcast_in_dim3A_2356 = vector.shape_cast %squeeze3A_2355 : vector<256xf32> to vector<256x1xf32>
    %mul3A_2357 = vector.broadcast %broadcast_in_dim3A_2356 : vector<256x1xf32> to vector<256x32xf32>
    %mul3A_2358 = arith.mulf %mul3A_2357, %slice3A_1879 : vector<256x32xf32>
    %add3A_2359 = arith.addf %add3A_2353, %mul3A_2358 : vector<256x32xf32>
    %slice3A_2360 = vector.extract_strided_slice %get3A_13 {offsets = [0, 42], sizes = [256, 1], strides = [1, 1]} : vector<256x81xf32> to vector<256x1xf32>
    %squeeze3A_2361 = vector.shape_cast %slice3A_2360 : vector<256x1xf32> to vector<256xf32>
    %broadcast_in_dim3A_2362 = vector.shape_cast %squeeze3A_2361 : vector<256xf32> to vector<256x1xf32>
    %mul3A_2363 = vector.broadcast %broadcast_in_dim3A_2362 : vector<256x1xf32> to vector<256x32xf32>
    %mul3A_2364 = arith.mulf %mul3A_2363, %slice3A_1875 : vector<256x32xf32>
    %add3A_2365 = arith.addf %add3A_2359, %mul3A_2364 : vector<256x32xf32>
    %slice3A_2366 = vector.extract_strided_slice %get3A_13 {offsets = [0, 43], sizes = [256, 1], strides = [1, 1]} : vector<256x81xf32> to vector<256x1xf32>
    %squeeze3A_2367 = vector.shape_cast %slice3A_2366 : vector<256x1xf32> to vector<256xf32>
    %broadcast_in_dim3A_2368 = vector.shape_cast %squeeze3A_2367 : vector<256xf32> to vector<256x1xf32>
    %mul3A_2369 = vector.broadcast %broadcast_in_dim3A_2368 : vector<256x1xf32> to vector<256x32xf32>
    %mul3A_2370 = arith.mulf %mul3A_2369, %slice3A_1877 : vector<256x32xf32>
    %add3A_2371 = arith.addf %add3A_2365, %mul3A_2370 : vector<256x32xf32>
    %slice3A_2372 = vector.extract_strided_slice %get3A_13 {offsets = [0, 44], sizes = [256, 1], strides = [1, 1]} : vector<256x81xf32> to vector<256x1xf32>
    %squeeze3A_2373 = vector.shape_cast %slice3A_2372 : vector<256x1xf32> to vector<256xf32>
    %broadcast_in_dim3A_2374 = vector.shape_cast %squeeze3A_2373 : vector<256xf32> to vector<256x1xf32>
    %mul3A_2375 = vector.broadcast %broadcast_in_dim3A_2374 : vector<256x1xf32> to vector<256x32xf32>
    %mul3A_2376 = arith.mulf %mul3A_2375, %sub3A_1869 : vector<256x32xf32>
    %add3A_2377 = arith.addf %add3A_2371, %mul3A_2376 : vector<256x32xf32>
    %slice3A_2378 = vector.extract_strided_slice %get3A_13 {offsets = [0, 45], sizes = [256, 1], strides = [1, 1]} : vector<256x81xf32> to vector<256x1xf32>
    %squeeze3A_2379 = vector.shape_cast %slice3A_2378 : vector<256x1xf32> to vector<256xf32>
    %broadcast_in_dim3A_2380 = vector.shape_cast %squeeze3A_2379 : vector<256xf32> to vector<256x1xf32>
    %mul3A_2381 = vector.broadcast %broadcast_in_dim3A_2380 : vector<256x1xf32> to vector<256x32xf32>
    %mul3A_2382 = arith.mulf %mul3A_2381, %slice3A_1873 : vector<256x32xf32>
    %slice3A_2383 = vector.extract_strided_slice %get3A_13 {offsets = [0, 46], sizes = [256, 1], strides = [1, 1]} : vector<256x81xf32> to vector<256x1xf32>
    %squeeze3A_2384 = vector.shape_cast %slice3A_2383 : vector<256x1xf32> to vector<256xf32>
    %broadcast_in_dim3A_2385 = vector.shape_cast %squeeze3A_2384 : vector<256xf32> to vector<256x1xf32>
    %mul3A_2386 = vector.broadcast %broadcast_in_dim3A_2385 : vector<256x1xf32> to vector<256x32xf32>
    %mul3A_2387 = arith.mulf %mul3A_2386, %slice3A_1878 : vector<256x32xf32>
    %add3A_2388 = arith.addf %mul3A_2382, %mul3A_2387 : vector<256x32xf32>
    %slice3A_2389 = vector.extract_strided_slice %get3A_13 {offsets = [0, 47], sizes = [256, 1], strides = [1, 1]} : vector<256x81xf32> to vector<256x1xf32>
    %squeeze3A_2390 = vector.shape_cast %slice3A_2389 : vector<256x1xf32> to vector<256xf32>
    %broadcast_in_dim3A_2391 = vector.shape_cast %squeeze3A_2390 : vector<256xf32> to vector<256x1xf32>
    %mul3A_2392 = vector.broadcast %broadcast_in_dim3A_2391 : vector<256x1xf32> to vector<256x32xf32>
    %mul3A_2393 = arith.mulf %mul3A_2392, %slice3A_1874 : vector<256x32xf32>
    %add3A_2394 = arith.addf %add3A_2388, %mul3A_2393 : vector<256x32xf32>
    %slice3A_2395 = vector.extract_strided_slice %get3A_13 {offsets = [0, 48], sizes = [256, 1], strides = [1, 1]} : vector<256x81xf32> to vector<256x1xf32>
    %squeeze3A_2396 = vector.shape_cast %slice3A_2395 : vector<256x1xf32> to vector<256xf32>
    %broadcast_in_dim3A_2397 = vector.shape_cast %squeeze3A_2396 : vector<256xf32> to vector<256x1xf32>
    %mul3A_2398 = vector.broadcast %broadcast_in_dim3A_2397 : vector<256x1xf32> to vector<256x32xf32>
    %mul3A_2399 = arith.mulf %mul3A_2398, %slice3A_1876 : vector<256x32xf32>
    %add3A_2400 = arith.addf %add3A_2394, %mul3A_2399 : vector<256x32xf32>
    %slice3A_2401 = vector.extract_strided_slice %get3A_13 {offsets = [0, 49], sizes = [256, 1], strides = [1, 1]} : vector<256x81xf32> to vector<256x1xf32>
    %squeeze3A_2402 = vector.shape_cast %slice3A_2401 : vector<256x1xf32> to vector<256xf32>
    %broadcast_in_dim3A_2403 = vector.shape_cast %squeeze3A_2402 : vector<256xf32> to vector<256x1xf32>
    %mul3A_2404 = vector.broadcast %broadcast_in_dim3A_2403 : vector<256x1xf32> to vector<256x32xf32>
    %mul3A_2405 = arith.mulf %mul3A_2404, %add3A_1872 : vector<256x32xf32>
    %add3A_2406 = arith.addf %add3A_2400, %mul3A_2405 : vector<256x32xf32>
    %slice3A_2407 = vector.extract_strided_slice %get3A_13 {offsets = [0, 50], sizes = [256, 1], strides = [1, 1]} : vector<256x81xf32> to vector<256x1xf32>
    %squeeze3A_2408 = vector.shape_cast %slice3A_2407 : vector<256x1xf32> to vector<256xf32>
    %broadcast_in_dim3A_2409 = vector.shape_cast %squeeze3A_2408 : vector<256xf32> to vector<256x1xf32>
    %mul3A_2410 = vector.broadcast %broadcast_in_dim3A_2409 : vector<256x1xf32> to vector<256x32xf32>
    %mul3A_2411 = arith.mulf %mul3A_2410, %slice3A_1879 : vector<256x32xf32>
    %add3A_2412 = arith.addf %add3A_2406, %mul3A_2411 : vector<256x32xf32>
    %slice3A_2413 = vector.extract_strided_slice %get3A_13 {offsets = [0, 51], sizes = [256, 1], strides = [1, 1]} : vector<256x81xf32> to vector<256x1xf32>
    %squeeze3A_2414 = vector.shape_cast %slice3A_2413 : vector<256x1xf32> to vector<256xf32>
    %broadcast_in_dim3A_2415 = vector.shape_cast %squeeze3A_2414 : vector<256xf32> to vector<256x1xf32>
    %mul3A_2416 = vector.broadcast %broadcast_in_dim3A_2415 : vector<256x1xf32> to vector<256x32xf32>
    %mul3A_2417 = arith.mulf %mul3A_2416, %slice3A_1875 : vector<256x32xf32>
    %add3A_2418 = arith.addf %add3A_2412, %mul3A_2417 : vector<256x32xf32>
    %slice3A_2419 = vector.extract_strided_slice %get3A_13 {offsets = [0, 52], sizes = [256, 1], strides = [1, 1]} : vector<256x81xf32> to vector<256x1xf32>
    %squeeze3A_2420 = vector.shape_cast %slice3A_2419 : vector<256x1xf32> to vector<256xf32>
    %broadcast_in_dim3A_2421 = vector.shape_cast %squeeze3A_2420 : vector<256xf32> to vector<256x1xf32>
    %mul3A_2422 = vector.broadcast %broadcast_in_dim3A_2421 : vector<256x1xf32> to vector<256x32xf32>
    %mul3A_2423 = arith.mulf %mul3A_2422, %slice3A_1877 : vector<256x32xf32>
    %add3A_2424 = arith.addf %add3A_2418, %mul3A_2423 : vector<256x32xf32>
    %slice3A_2425 = vector.extract_strided_slice %get3A_13 {offsets = [0, 53], sizes = [256, 1], strides = [1, 1]} : vector<256x81xf32> to vector<256x1xf32>
    %squeeze3A_2426 = vector.shape_cast %slice3A_2425 : vector<256x1xf32> to vector<256xf32>
    %broadcast_in_dim3A_2427 = vector.shape_cast %squeeze3A_2426 : vector<256xf32> to vector<256x1xf32>
    %mul3A_2428 = vector.broadcast %broadcast_in_dim3A_2427 : vector<256x1xf32> to vector<256x32xf32>
    %mul3A_2429 = arith.mulf %mul3A_2428, %sub3A_1869 : vector<256x32xf32>
    %add3A_2430 = arith.addf %add3A_2424, %mul3A_2429 : vector<256x32xf32>
    %slice3A_2431 = vector.extract_strided_slice %get3A_13 {offsets = [0, 54], sizes = [256, 1], strides = [1, 1]} : vector<256x81xf32> to vector<256x1xf32>
    %squeeze3A_2432 = vector.shape_cast %slice3A_2431 : vector<256x1xf32> to vector<256xf32>
    %broadcast_in_dim3A_2433 = vector.shape_cast %squeeze3A_2432 : vector<256xf32> to vector<256x1xf32>
    %mul3A_2434 = vector.broadcast %broadcast_in_dim3A_2433 : vector<256x1xf32> to vector<256x32xf32>
    %mul3A_2435 = arith.mulf %mul3A_2434, %slice3A_1873 : vector<256x32xf32>
    %slice3A_2436 = vector.extract_strided_slice %get3A_13 {offsets = [0, 55], sizes = [256, 1], strides = [1, 1]} : vector<256x81xf32> to vector<256x1xf32>
    %squeeze3A_2437 = vector.shape_cast %slice3A_2436 : vector<256x1xf32> to vector<256xf32>
    %broadcast_in_dim3A_2438 = vector.shape_cast %squeeze3A_2437 : vector<256xf32> to vector<256x1xf32>
    %mul3A_2439 = vector.broadcast %broadcast_in_dim3A_2438 : vector<256x1xf32> to vector<256x32xf32>
    %mul3A_2440 = arith.mulf %mul3A_2439, %slice3A_1878 : vector<256x32xf32>
    %add3A_2441 = arith.addf %mul3A_2435, %mul3A_2440 : vector<256x32xf32>
    %slice3A_2442 = vector.extract_strided_slice %get3A_13 {offsets = [0, 56], sizes = [256, 1], strides = [1, 1]} : vector<256x81xf32> to vector<256x1xf32>
    %squeeze3A_2443 = vector.shape_cast %slice3A_2442 : vector<256x1xf32> to vector<256xf32>
    %broadcast_in_dim3A_2444 = vector.shape_cast %squeeze3A_2443 : vector<256xf32> to vector<256x1xf32>
    %mul3A_2445 = vector.broadcast %broadcast_in_dim3A_2444 : vector<256x1xf32> to vector<256x32xf32>
    %mul3A_2446 = arith.mulf %mul3A_2445, %slice3A_1874 : vector<256x32xf32>
    %add3A_2447 = arith.addf %add3A_2441, %mul3A_2446 : vector<256x32xf32>
    %slice3A_2448 = vector.extract_strided_slice %get3A_13 {offsets = [0, 57], sizes = [256, 1], strides = [1, 1]} : vector<256x81xf32> to vector<256x1xf32>
    %squeeze3A_2449 = vector.shape_cast %slice3A_2448 : vector<256x1xf32> to vector<256xf32>
    %broadcast_in_dim3A_2450 = vector.shape_cast %squeeze3A_2449 : vector<256xf32> to vector<256x1xf32>
    %mul3A_2451 = vector.broadcast %broadcast_in_dim3A_2450 : vector<256x1xf32> to vector<256x32xf32>
    %mul3A_2452 = arith.mulf %mul3A_2451, %slice3A_1876 : vector<256x32xf32>
    %add3A_2453 = arith.addf %add3A_2447, %mul3A_2452 : vector<256x32xf32>
    %slice3A_2454 = vector.extract_strided_slice %get3A_13 {offsets = [0, 58], sizes = [256, 1], strides = [1, 1]} : vector<256x81xf32> to vector<256x1xf32>
    %squeeze3A_2455 = vector.shape_cast %slice3A_2454 : vector<256x1xf32> to vector<256xf32>
    %broadcast_in_dim3A_2456 = vector.shape_cast %squeeze3A_2455 : vector<256xf32> to vector<256x1xf32>
    %mul3A_2457 = vector.broadcast %broadcast_in_dim3A_2456 : vector<256x1xf32> to vector<256x32xf32>
    %mul3A_2458 = arith.mulf %mul3A_2457, %add3A_1872 : vector<256x32xf32>
    %add3A_2459 = arith.addf %add3A_2453, %mul3A_2458 : vector<256x32xf32>
    %slice3A_2460 = vector.extract_strided_slice %get3A_13 {offsets = [0, 59], sizes = [256, 1], strides = [1, 1]} : vector<256x81xf32> to vector<256x1xf32>
    %squeeze3A_2461 = vector.shape_cast %slice3A_2460 : vector<256x1xf32> to vector<256xf32>
    %broadcast_in_dim3A_2462 = vector.shape_cast %squeeze3A_2461 : vector<256xf32> to vector<256x1xf32>
    %mul3A_2463 = vector.broadcast %broadcast_in_dim3A_2462 : vector<256x1xf32> to vector<256x32xf32>
    %mul3A_2464 = arith.mulf %mul3A_2463, %slice3A_1879 : vector<256x32xf32>
    %add3A_2465 = arith.addf %add3A_2459, %mul3A_2464 : vector<256x32xf32>
    %slice3A_2466 = vector.extract_strided_slice %get3A_13 {offsets = [0, 60], sizes = [256, 1], strides = [1, 1]} : vector<256x81xf32> to vector<256x1xf32>
    %squeeze3A_2467 = vector.shape_cast %slice3A_2466 : vector<256x1xf32> to vector<256xf32>
    %broadcast_in_dim3A_2468 = vector.shape_cast %squeeze3A_2467 : vector<256xf32> to vector<256x1xf32>
    %mul3A_2469 = vector.broadcast %broadcast_in_dim3A_2468 : vector<256x1xf32> to vector<256x32xf32>
    %mul3A_2470 = arith.mulf %mul3A_2469, %slice3A_1875 : vector<256x32xf32>
    %add3A_2471 = arith.addf %add3A_2465, %mul3A_2470 : vector<256x32xf32>
    %slice3A_2472 = vector.extract_strided_slice %get3A_13 {offsets = [0, 61], sizes = [256, 1], strides = [1, 1]} : vector<256x81xf32> to vector<256x1xf32>
    %squeeze3A_2473 = vector.shape_cast %slice3A_2472 : vector<256x1xf32> to vector<256xf32>
    %broadcast_in_dim3A_2474 = vector.shape_cast %squeeze3A_2473 : vector<256xf32> to vector<256x1xf32>
    %mul3A_2475 = vector.broadcast %broadcast_in_dim3A_2474 : vector<256x1xf32> to vector<256x32xf32>
    %mul3A_2476 = arith.mulf %mul3A_2475, %slice3A_1877 : vector<256x32xf32>
    %add3A_2477 = arith.addf %add3A_2471, %mul3A_2476 : vector<256x32xf32>
    %slice3A_2478 = vector.extract_strided_slice %get3A_13 {offsets = [0, 62], sizes = [256, 1], strides = [1, 1]} : vector<256x81xf32> to vector<256x1xf32>
    %squeeze3A_2479 = vector.shape_cast %slice3A_2478 : vector<256x1xf32> to vector<256xf32>
    %broadcast_in_dim3A_2480 = vector.shape_cast %squeeze3A_2479 : vector<256xf32> to vector<256x1xf32>
    %mul3A_2481 = vector.broadcast %broadcast_in_dim3A_2480 : vector<256x1xf32> to vector<256x32xf32>
    %mul3A_2482 = arith.mulf %mul3A_2481, %sub3A_1869 : vector<256x32xf32>
    %add3A_2483 = arith.addf %add3A_2477, %mul3A_2482 : vector<256x32xf32>
    %slice3A_2484 = vector.extract_strided_slice %get3A_13 {offsets = [0, 63], sizes = [256, 1], strides = [1, 1]} : vector<256x81xf32> to vector<256x1xf32>
    %squeeze3A_2485 = vector.shape_cast %slice3A_2484 : vector<256x1xf32> to vector<256xf32>
    %broadcast_in_dim3A_2486 = vector.shape_cast %squeeze3A_2485 : vector<256xf32> to vector<256x1xf32>
    %mul3A_2487 = vector.broadcast %broadcast_in_dim3A_2486 : vector<256x1xf32> to vector<256x32xf32>
    %mul3A_2488 = arith.mulf %mul3A_2487, %slice3A_1873 : vector<256x32xf32>
    %slice3A_2489 = vector.extract_strided_slice %get3A_13 {offsets = [0, 64], sizes = [256, 1], strides = [1, 1]} : vector<256x81xf32> to vector<256x1xf32>
    %squeeze3A_2490 = vector.shape_cast %slice3A_2489 : vector<256x1xf32> to vector<256xf32>
    %broadcast_in_dim3A_2491 = vector.shape_cast %squeeze3A_2490 : vector<256xf32> to vector<256x1xf32>
    %mul3A_2492 = vector.broadcast %broadcast_in_dim3A_2491 : vector<256x1xf32> to vector<256x32xf32>
    %mul3A_2493 = arith.mulf %mul3A_2492, %slice3A_1878 : vector<256x32xf32>
    %add3A_2494 = arith.addf %mul3A_2488, %mul3A_2493 : vector<256x32xf32>
    %slice3A_2495 = vector.extract_strided_slice %get3A_13 {offsets = [0, 65], sizes = [256, 1], strides = [1, 1]} : vector<256x81xf32> to vector<256x1xf32>
    %squeeze3A_2496 = vector.shape_cast %slice3A_2495 : vector<256x1xf32> to vector<256xf32>
    %broadcast_in_dim3A_2497 = vector.shape_cast %squeeze3A_2496 : vector<256xf32> to vector<256x1xf32>
    %mul3A_2498 = vector.broadcast %broadcast_in_dim3A_2497 : vector<256x1xf32> to vector<256x32xf32>
    %mul3A_2499 = arith.mulf %mul3A_2498, %slice3A_1874 : vector<256x32xf32>
    %add3A_2500 = arith.addf %add3A_2494, %mul3A_2499 : vector<256x32xf32>
    %slice3A_2501 = vector.extract_strided_slice %get3A_13 {offsets = [0, 66], sizes = [256, 1], strides = [1, 1]} : vector<256x81xf32> to vector<256x1xf32>
    %squeeze3A_2502 = vector.shape_cast %slice3A_2501 : vector<256x1xf32> to vector<256xf32>
    %broadcast_in_dim3A_2503 = vector.shape_cast %squeeze3A_2502 : vector<256xf32> to vector<256x1xf32>
    %mul3A_2504 = vector.broadcast %broadcast_in_dim3A_2503 : vector<256x1xf32> to vector<256x32xf32>
    %mul3A_2505 = arith.mulf %mul3A_2504, %slice3A_1876 : vector<256x32xf32>
    %add3A_2506 = arith.addf %add3A_2500, %mul3A_2505 : vector<256x32xf32>
    %slice3A_2507 = vector.extract_strided_slice %get3A_13 {offsets = [0, 67], sizes = [256, 1], strides = [1, 1]} : vector<256x81xf32> to vector<256x1xf32>
    %squeeze3A_2508 = vector.shape_cast %slice3A_2507 : vector<256x1xf32> to vector<256xf32>
    %broadcast_in_dim3A_2509 = vector.shape_cast %squeeze3A_2508 : vector<256xf32> to vector<256x1xf32>
    %mul3A_2510 = vector.broadcast %broadcast_in_dim3A_2509 : vector<256x1xf32> to vector<256x32xf32>
    %mul3A_2511 = arith.mulf %mul3A_2510, %add3A_1872 : vector<256x32xf32>
    %add3A_2512 = arith.addf %add3A_2506, %mul3A_2511 : vector<256x32xf32>
    %slice3A_2513 = vector.extract_strided_slice %get3A_13 {offsets = [0, 68], sizes = [256, 1], strides = [1, 1]} : vector<256x81xf32> to vector<256x1xf32>
    %squeeze3A_2514 = vector.shape_cast %slice3A_2513 : vector<256x1xf32> to vector<256xf32>
    %broadcast_in_dim3A_2515 = vector.shape_cast %squeeze3A_2514 : vector<256xf32> to vector<256x1xf32>
    %mul3A_2516 = vector.broadcast %broadcast_in_dim3A_2515 : vector<256x1xf32> to vector<256x32xf32>
    %mul3A_2517 = arith.mulf %mul3A_2516, %slice3A_1879 : vector<256x32xf32>
    %add3A_2518 = arith.addf %add3A_2512, %mul3A_2517 : vector<256x32xf32>
    %slice3A_2519 = vector.extract_strided_slice %get3A_13 {offsets = [0, 69], sizes = [256, 1], strides = [1, 1]} : vector<256x81xf32> to vector<256x1xf32>
    %squeeze3A_2520 = vector.shape_cast %slice3A_2519 : vector<256x1xf32> to vector<256xf32>
    %broadcast_in_dim3A_2521 = vector.shape_cast %squeeze3A_2520 : vector<256xf32> to vector<256x1xf32>
    %mul3A_2522 = vector.broadcast %broadcast_in_dim3A_2521 : vector<256x1xf32> to vector<256x32xf32>
    %mul3A_2523 = arith.mulf %mul3A_2522, %slice3A_1875 : vector<256x32xf32>
    %add3A_2524 = arith.addf %add3A_2518, %mul3A_2523 : vector<256x32xf32>
    %slice3A_2525 = vector.extract_strided_slice %get3A_13 {offsets = [0, 70], sizes = [256, 1], strides = [1, 1]} : vector<256x81xf32> to vector<256x1xf32>
    %squeeze3A_2526 = vector.shape_cast %slice3A_2525 : vector<256x1xf32> to vector<256xf32>
    %broadcast_in_dim3A_2527 = vector.shape_cast %squeeze3A_2526 : vector<256xf32> to vector<256x1xf32>
    %mul3A_2528 = vector.broadcast %broadcast_in_dim3A_2527 : vector<256x1xf32> to vector<256x32xf32>
    %mul3A_2529 = arith.mulf %mul3A_2528, %slice3A_1877 : vector<256x32xf32>
    %add3A_2530 = arith.addf %add3A_2524, %mul3A_2529 : vector<256x32xf32>
    %slice3A_2531 = vector.extract_strided_slice %get3A_13 {offsets = [0, 71], sizes = [256, 1], strides = [1, 1]} : vector<256x81xf32> to vector<256x1xf32>
    %squeeze3A_2532 = vector.shape_cast %slice3A_2531 : vector<256x1xf32> to vector<256xf32>
    %broadcast_in_dim3A_2533 = vector.shape_cast %squeeze3A_2532 : vector<256xf32> to vector<256x1xf32>
    %mul3A_2534 = vector.broadcast %broadcast_in_dim3A_2533 : vector<256x1xf32> to vector<256x32xf32>
    %mul3A_2535 = arith.mulf %mul3A_2534, %sub3A_1869 : vector<256x32xf32>
    %add3A_2536 = arith.addf %add3A_2530, %mul3A_2535 : vector<256x32xf32>
    %slice3A_2537 = vector.extract_strided_slice %get3A_13 {offsets = [0, 72], sizes = [256, 1], strides = [1, 1]} : vector<256x81xf32> to vector<256x1xf32>
    %squeeze3A_2538 = vector.shape_cast %slice3A_2537 : vector<256x1xf32> to vector<256xf32>
    %broadcast_in_dim3A_2539 = vector.shape_cast %squeeze3A_2538 : vector<256xf32> to vector<256x1xf32>
    %mul3A_2540 = vector.broadcast %broadcast_in_dim3A_2539 : vector<256x1xf32> to vector<256x32xf32>
    %mul3A_2541 = arith.mulf %mul3A_2540, %slice3A_1873 : vector<256x32xf32>
    %slice3A_2542 = vector.extract_strided_slice %get3A_13 {offsets = [0, 73], sizes = [256, 1], strides = [1, 1]} : vector<256x81xf32> to vector<256x1xf32>
    %squeeze3A_2543 = vector.shape_cast %slice3A_2542 : vector<256x1xf32> to vector<256xf32>
    %broadcast_in_dim3A_2544 = vector.shape_cast %squeeze3A_2543 : vector<256xf32> to vector<256x1xf32>
    %mul3A_2545 = vector.broadcast %broadcast_in_dim3A_2544 : vector<256x1xf32> to vector<256x32xf32>
    %mul3A_2546 = arith.mulf %mul3A_2545, %slice3A_1878 : vector<256x32xf32>
    %add3A_2547 = arith.addf %mul3A_2541, %mul3A_2546 : vector<256x32xf32>
    %slice3A_2548 = vector.extract_strided_slice %get3A_13 {offsets = [0, 74], sizes = [256, 1], strides = [1, 1]} : vector<256x81xf32> to vector<256x1xf32>
    %squeeze3A_2549 = vector.shape_cast %slice3A_2548 : vector<256x1xf32> to vector<256xf32>
    %broadcast_in_dim3A_2550 = vector.shape_cast %squeeze3A_2549 : vector<256xf32> to vector<256x1xf32>
    %mul3A_2551 = vector.broadcast %broadcast_in_dim3A_2550 : vector<256x1xf32> to vector<256x32xf32>
    %mul3A_2552 = arith.mulf %mul3A_2551, %slice3A_1874 : vector<256x32xf32>
    %add3A_2553 = arith.addf %add3A_2547, %mul3A_2552 : vector<256x32xf32>
    %slice3A_2554 = vector.extract_strided_slice %get3A_13 {offsets = [0, 75], sizes = [256, 1], strides = [1, 1]} : vector<256x81xf32> to vector<256x1xf32>
    %squeeze3A_2555 = vector.shape_cast %slice3A_2554 : vector<256x1xf32> to vector<256xf32>
    %broadcast_in_dim3A_2556 = vector.shape_cast %squeeze3A_2555 : vector<256xf32> to vector<256x1xf32>
    %mul3A_2557 = vector.broadcast %broadcast_in_dim3A_2556 : vector<256x1xf32> to vector<256x32xf32>
    %mul3A_2558 = arith.mulf %mul3A_2557, %slice3A_1876 : vector<256x32xf32>
    %add3A_2559 = arith.addf %add3A_2553, %mul3A_2558 : vector<256x32xf32>
    %slice3A_2560 = vector.extract_strided_slice %get3A_13 {offsets = [0, 76], sizes = [256, 1], strides = [1, 1]} : vector<256x81xf32> to vector<256x1xf32>
    %squeeze3A_2561 = vector.shape_cast %slice3A_2560 : vector<256x1xf32> to vector<256xf32>
    %broadcast_in_dim3A_2562 = vector.shape_cast %squeeze3A_2561 : vector<256xf32> to vector<256x1xf32>
    %mul3A_2563 = vector.broadcast %broadcast_in_dim3A_2562 : vector<256x1xf32> to vector<256x32xf32>
    %mul3A_2564 = arith.mulf %mul3A_2563, %add3A_1872 : vector<256x32xf32>
    %add3A_2565 = arith.addf %add3A_2559, %mul3A_2564 : vector<256x32xf32>
    %slice3A_2566 = vector.extract_strided_slice %get3A_13 {offsets = [0, 77], sizes = [256, 1], strides = [1, 1]} : vector<256x81xf32> to vector<256x1xf32>
    %squeeze3A_2567 = vector.shape_cast %slice3A_2566 : vector<256x1xf32> to vector<256xf32>
    %broadcast_in_dim3A_2568 = vector.shape_cast %squeeze3A_2567 : vector<256xf32> to vector<256x1xf32>
    %mul3A_2569 = vector.broadcast %broadcast_in_dim3A_2568 : vector<256x1xf32> to vector<256x32xf32>
    %mul3A_2570 = arith.mulf %mul3A_2569, %slice3A_1879 : vector<256x32xf32>
    %add3A_2571 = arith.addf %add3A_2565, %mul3A_2570 : vector<256x32xf32>
    %slice3A_2572 = vector.extract_strided_slice %get3A_13 {offsets = [0, 78], sizes = [256, 1], strides = [1, 1]} : vector<256x81xf32> to vector<256x1xf32>
    %squeeze3A_2573 = vector.shape_cast %slice3A_2572 : vector<256x1xf32> to vector<256xf32>
    %broadcast_in_dim3A_2574 = vector.shape_cast %squeeze3A_2573 : vector<256xf32> to vector<256x1xf32>
    %mul3A_2575 = vector.broadcast %broadcast_in_dim3A_2574 : vector<256x1xf32> to vector<256x32xf32>
    %mul3A_2576 = arith.mulf %mul3A_2575, %slice3A_1875 : vector<256x32xf32>
    %add3A_2577 = arith.addf %add3A_2571, %mul3A_2576 : vector<256x32xf32>
    %slice3A_2578 = vector.extract_strided_slice %get3A_13 {offsets = [0, 79], sizes = [256, 1], strides = [1, 1]} : vector<256x81xf32> to vector<256x1xf32>
    %squeeze3A_2579 = vector.shape_cast %slice3A_2578 : vector<256x1xf32> to vector<256xf32>
    %broadcast_in_dim3A_2580 = vector.shape_cast %squeeze3A_2579 : vector<256xf32> to vector<256x1xf32>
    %mul3A_2581 = vector.broadcast %broadcast_in_dim3A_2580 : vector<256x1xf32> to vector<256x32xf32>
    %mul3A_2582 = arith.mulf %mul3A_2581, %slice3A_1877 : vector<256x32xf32>
    %add3A_2583 = arith.addf %add3A_2577, %mul3A_2582 : vector<256x32xf32>
    %slice3A_2584 = vector.extract_strided_slice %get3A_13 {offsets = [0, 80], sizes = [256, 1], strides = [1, 1]} : vector<256x81xf32> to vector<256x1xf32>
    %squeeze3A_2585 = vector.shape_cast %slice3A_2584 : vector<256x1xf32> to vector<256xf32>
    %broadcast_in_dim3A_2586 = vector.shape_cast %squeeze3A_2585 : vector<256xf32> to vector<256x1xf32>
    %mul3A_2587 = vector.broadcast %broadcast_in_dim3A_2586 : vector<256x1xf32> to vector<256x32xf32>
    %mul3A_2588 = arith.mulf %mul3A_2587, %sub3A_1869 : vector<256x32xf32>
    %add3A_2589 = arith.addf %add3A_2583, %mul3A_2588 : vector<256x32xf32>
    %concatenate3A_2590 = tpu.concatenate %add3A_2165, %add3A_2218, %add3A_2271, %add3A_2324, %add3A_2377, %add3A_2430, %add3A_2483, %add3A_2536, %add3A_2589 in 1 : vector<256x32xf32>, vector<256x32xf32>, vector<256x32xf32>, vector<256x32xf32>, vector<256x32xf32>, vector<256x32xf32>, vector<256x32xf32>, vector<256x32xf32>, vector<256x32xf32> -> vector<256x288xf32>
    %swap3A_2591 = arith.constant 0 : index
    %swap3A_2592 = arith.constant 0 : index
    %swap3A_2593 = vector.load %arg23[%swap3A_2591, %swap3A_2592] : memref<256x288xf32, #tpu.memory_space<vmem>>, vector<256x288xf32>
    tpu.vector_store %arg23[%swap3A_2591, %swap3A_2592], %concatenate3A_2590 {strides = array<i32>} : memref<256x288xf32, #tpu.memory_space<vmem>>, vector<256x288xf32>,
    return
  }
  func.func @transform_0(%arg0: i32) -> (i32, i32) {
    %c0_i32 = arith.constant 0 : i32
    %c0_i32_0 = arith.constant 0 : i32
    return %arg0, %c0_i32 : i32, i32
  }
  func.func @transform_1(%arg0: i32) -> (i32, i32) {
    %c0_i32 = arith.constant 0 : i32
    %c0_i32_0 = arith.constant 0 : i32
    return %arg0, %c0_i32 : i32, i32
  }
  func.func @transform_2(%arg0: i32) -> (i32, i32) {
    %c0_i32 = arith.constant 0 : i32
    %c0_i32_0 = arith.constant 0 : i32
    return %arg0, %c0_i32 : i32, i32
  }
  func.func @transform_3(%arg0: i32) -> (i32, i32) {
    %c0_i32 = arith.constant 0 : i32
    %c0_i32_0 = arith.constant 0 : i32
    return %arg0, %c0_i32 : i32, i32
  }
  func.func @transform_4(%arg0: i32) -> (i32, i32) {
    %c0_i32 = arith.constant 0 : i32
    %c0_i32_0 = arith.constant 0 : i32
    return %arg0, %c0_i32 : i32, i32
  }
  func.func @transform_5(%arg0: i32) -> (i32, i32) {
    %c0_i32 = arith.constant 0 : i32
    %c0_i32_0 = arith.constant 0 : i32
    %c0_i32_1 = arith.constant 0 : i32
    return %c0_i32, %c0_i32_0 : i32, i32
  }
  func.func @transform_6(%arg0: i32) -> (i32, i32) {
    %c0_i32 = arith.constant 0 : i32
    %c0_i32_0 = arith.constant 0 : i32
    %c0_i32_1 = arith.constant 0 : i32
    return %c0_i32, %c0_i32_0 : i32, i32
  }
  func.func @transform_7(%arg0: i32) -> (i32, i32) {
    %c0_i32 = arith.constant 0 : i32
    %c0_i32_0 = arith.constant 0 : i32
    %c0_i32_1 = arith.constant 0 : i32
    return %c0_i32, %c0_i32_0 : i32, i32
  }
  func.func @transform_8(%arg0: i32) -> (i32, i32) {
    %c0_i32 = arith.constant 0 : i32
    %c0_i32_0 = arith.constant 0 : i32
    %c0_i32_1 = arith.constant 0 : i32
    return %c0_i32, %c0_i32_0 : i32, i32
  }
  func.func @transform_9(%arg0: i32) -> (i32, i32) {
    %c0_i32 = arith.constant 0 : i32
    %c0_i32_0 = arith.constant 0 : i32
    %c0_i32_1 = arith.constant 0 : i32
    return %c0_i32, %c0_i32_0 : i32, i32
  }
  func.func @transform_10(%arg0: i32) -> (i32, i32) {
    %c0_i32 = arith.constant 0 : i32
    %c0_i32_0 = arith.constant 0 : i32
    %c0_i32_1 = arith.constant 0 : i32
    return %c0_i32, %c0_i32_0 : i32, i32
  }
  func.func @transform_11(%arg0: i32) -> (i32, i32) {
    %c0_i32 = arith.constant 0 : i32
    %c0_i32_0 = arith.constant 0 : i32
    %c0_i32_1 = arith.constant 0 : i32
    return %c0_i32, %c0_i32_0 : i32, i32
  }
  func.func @transform_12(%arg0: i32) -> (i32, i32) {
    %c0_i32 = arith.constant 0 : i32
    %c0_i32_0 = arith.constant 0 : i32
    %c0_i32_1 = arith.constant 0 : i32
    return %c0_i32, %c0_i32_0 : i32, i32
  }
  func.func @transform_13(%arg0: i32) -> (i32, i32) {
    %c0_i32 = arith.constant 0 : i32
    %c0_i32_0 = arith.constant 0 : i32
    %c0_i32_1 = arith.constant 0 : i32
    return %c0_i32, %c0_i32_0 : i32, i32
  }
  func.func @transform_14(%arg0: i32) -> (i32, i32) {
    %c0_i32 = arith.constant 0 : i32
    %c0_i32_0 = arith.constant 0 : i32
    %c0_i32_1 = arith.constant 0 : i32
    return %c0_i32, %c0_i32_0 : i32, i32
  }
  func.func @transform_15(%arg0: i32) -> (i32, i32) {
    %c0_i32 = arith.constant 0 : i32
    %c0_i32_0 = arith.constant 0 : i32
    %c0_i32_1 = arith.constant 0 : i32
    return %c0_i32, %c0_i32_0 : i32, i32
  }
  func.func @transform_16(%arg0: i32) -> (i32, i32) {
    %c0_i32 = arith.constant 0 : i32
    %c0_i32_0 = arith.constant 0 : i32
    %c0_i32_1 = arith.constant 0 : i32
    return %c0_i32, %c0_i32_0 : i32, i32
  }
  func.func @transform_17(%arg0: i32) -> (i32, i32) {
    %c0_i32 = arith.constant 0 : i32
    %c0_i32_0 = arith.constant 0 : i32
    %c0_i32_1 = arith.constant 0 : i32
    return %c0_i32, %c0_i32_0 : i32, i32
  }
  func.func @transform_18(%arg0: i32) -> (i32, i32) {
    %c0_i32 = arith.constant 0 : i32
    %c0_i32_0 = arith.constant 0 : i32
    %c0_i32_1 = arith.constant 0 : i32
    return %c0_i32, %c0_i32_0 : i32, i32
  }
  func.func @transform_19(%arg0: i32) -> (i32, i32) {
    %c0_i32 = arith.constant 0 : i32
    %c0_i32_0 = arith.constant 0 : i32
    %c0_i32_1 = arith.constant 0 : i32
    return %c0_i32, %c0_i32_0 : i32, i32
  }
  func.func @transform_20(%arg0: i32) -> (i32, i32) {
    %c0_i32 = arith.constant 0 : i32
    %c0_i32_0 = arith.constant 0 : i32
    %c0_i32_1 = arith.constant 0 : i32
    return %c0_i32, %c0_i32_0 : i32, i32
  }
  func.func @transform_21(%arg0: i32) -> (i32, i32) {
    %c0_i32 = arith.constant 0 : i32
    %c0_i32_0 = arith.constant 0 : i32
    %c0_i32_1 = arith.constant 0 : i32
    return %c0_i32, %c0_i32_0 : i32, i32
  }
  func.func @transform_22(%arg0: i32) -> (i32, i32) {
    %c0_i32 = arith.constant 0 : i32
    %c0_i32_0 = arith.constant 0 : i32
    return %arg0, %c0_i32 : i32, i32
  }
  func.func @transform_23(%arg0: i32) -> (i32, i32) {
    %c0_i32 = arith.constant 0 : i32
    %c0_i32_0 = arith.constant 0 : i32
    return %arg0, %c0_i32 : i32, i32
  }
}

module attributes {stable_mosaic.version = 14 : i64} {
  func.func @_proj_body(%arg0: i32, %arg1: memref<1x10000x32xf32, #tpu.memory_space<vmem>>, %arg2: memref<1x32x32xf32, #tpu.memory_space<vmem>>, %arg3: memref<1x32xf32, #tpu.memory_space<vmem>>, %arg4: memref<1x10000x32xf32, #tpu.memory_space<vmem>>) attributes {dimension_semantics = [#tpu.dimension_semantics<arbitrary>], iteration_bounds = array<i64: 9>, scalar_prefetch = 0 : i64, scratch_operands = 0 : i64, tpu.core_type = #tpu.core_type<tc>, window_params = [{transform_indices = @transform_0, window_bounds = array<i64: 1, 10000, 32>}, {transform_indices = @transform_1, window_bounds = array<i64: 1, 32, 32>}, {pipeline_mode = #tpu.pipeline_mode<synchronous>, transform_indices = @transform_2, window_bounds = array<i64: 1, 32>}, {transform_indices = @transform_3, window_bounds = array<i64: 1, 10000, 32>}]} {
    %get3A = arith.constant 0 : index
    %get3A_0 = arith.constant 0 : index
    %get3A_1 = arith.constant 0 : index
    %get3A_2 = vector.load %arg1[%get3A, %get3A_0, %get3A_1] : memref<1x10000x32xf32, #tpu.memory_space<vmem>>, vector<1x10000x32xf32>
    %get3A_3 = vector.shape_cast %get3A_2 : vector<1x10000x32xf32> to vector<10000x32xf32>
    %get3A_4 = arith.constant 0 : index
    %get3A_5 = arith.constant 0 : index
    %get3A_6 = arith.constant 0 : index
    %get3A_7 = vector.load %arg2[%get3A_4, %get3A_5, %get3A_6] : memref<1x32x32xf32, #tpu.memory_space<vmem>>, vector<1x32x32xf32>
    %get3A_8 = vector.shape_cast %get3A_7 : vector<1x32x32xf32> to vector<32x32xf32>
    %dot_general3A = arith.constant dense<0.000000e+00> : vector<10000x32xf32>
    %dot_general3A_9 = tpu.matmul %get3A_3, %get3A_8, %dot_general3A {dimension_numbers = #tpu.dot_dimension_numbers<[1], [1], [0], [0], [0, 0, 1, 0], [], []>, transpose_lhs_hint = false} : vector<10000x32xf32>, vector<32x32xf32>, vector<10000x32xf32> -> vector<10000x32xf32>
    %eq3A = arith.constant 0 : i32
    %eq3A_10 = arith.cmpi eq, %arg0, %eq3A : i32
    %convert_element_type3A = arith.extui %eq3A_10 : i1 to i32
    %cond3A = arith.constant 0 : i32
    %cond3A_11 = arith.cmpi ne, %convert_element_type3A, %cond3A : i32
    scf.if %cond3A_11 {
      %get3A_16 = arith.constant 0 : index
      %get3A_17 = arith.constant 0 : index
      %get3A_18 = vector.load %arg3[%get3A_16, %get3A_17] : memref<1x32xf32, #tpu.memory_space<vmem>>, vector<1x32xf32>
      %squeeze3A = vector.shape_cast %get3A_18 : vector<1x32xf32> to vector<32xf32>
      %broadcast_in_dim3A = vector.shape_cast %squeeze3A : vector<32xf32> to vector<1x32xf32>
      %add3A = vector.broadcast %broadcast_in_dim3A : vector<1x32xf32> to vector<10000x32xf32>
      %add3A_19 = arith.addf %dot_general3A_9, %add3A : vector<10000x32xf32>
      %swap3A = arith.constant 0 : index
      %swap3A_20 = arith.constant 0 : index
      %swap3A_21 = arith.constant 0 : index
      %swap3A_22 = vector.load %arg4[%swap3A, %swap3A_20, %swap3A_21] : memref<1x10000x32xf32, #tpu.memory_space<vmem>>, vector<1x10000x32xf32>
      %swap3A_23 = vector.shape_cast %swap3A_22 : vector<1x10000x32xf32> to vector<10000x32xf32>
      %swap3A_24 = vector.shape_cast %add3A_19 : vector<10000x32xf32> to vector<1x10000x32xf32>
      tpu.vector_store %arg4[%swap3A, %swap3A_20, %swap3A_21], %swap3A_24 {strides = array<i32>} : memref<1x10000x32xf32, #tpu.memory_space<vmem>>, vector<1x10000x32xf32>,
    } else {
    }
    %ne3A = arith.constant 0 : i32
    %ne3A_12 = arith.cmpi ne, %arg0, %ne3A : i32
    %convert_element_type3A_13 = arith.extui %ne3A_12 : i1 to i32
    %cond3A_14 = arith.constant 0 : i32
    %cond3A_15 = arith.cmpi ne, %convert_element_type3A_13, %cond3A_14 : i32
    scf.if %cond3A_15 {
      %swap3A = arith.constant 0 : index
      %swap3A_16 = arith.constant 0 : index
      %swap3A_17 = arith.constant 0 : index
      %swap3A_18 = vector.load %arg4[%swap3A, %swap3A_16, %swap3A_17] : memref<1x10000x32xf32, #tpu.memory_space<vmem>>, vector<1x10000x32xf32>
      %swap3A_19 = vector.shape_cast %swap3A_18 : vector<1x10000x32xf32> to vector<10000x32xf32>
      %swap3A_20 = vector.shape_cast %dot_general3A_9 : vector<10000x32xf32> to vector<1x10000x32xf32>
      tpu.vector_store %arg4[%swap3A, %swap3A_16, %swap3A_17], %swap3A_20 {strides = array<i32>} : memref<1x10000x32xf32, #tpu.memory_space<vmem>>, vector<1x10000x32xf32>,
    } else {
    }
    return
  }
  func.func @transform_0(%arg0: i32) -> (i32, i32, i32) {
    %c0_i32 = arith.constant 0 : i32
    %c0_i32_0 = arith.constant 0 : i32
    %c0_i32_1 = arith.constant 0 : i32
    return %arg0, %c0_i32, %c0_i32_0 : i32, i32, i32
  }
  func.func @transform_1(%arg0: i32) -> (i32, i32, i32) {
    %c0_i32 = arith.constant 0 : i32
    %c0_i32_0 = arith.constant 0 : i32
    %c0_i32_1 = arith.constant 0 : i32
    return %arg0, %c0_i32, %c0_i32_0 : i32, i32, i32
  }
  func.func @transform_2(%arg0: i32) -> (i32, i32) {
    %c0_i32 = arith.constant 0 : i32
    %c0_i32_0 = arith.constant 0 : i32
    %c0_i32_1 = arith.constant 0 : i32
    return %c0_i32, %c0_i32_0 : i32, i32
  }
  func.func @transform_3(%arg0: i32) -> (i32, i32, i32) {
    %c0_i32 = arith.constant 0 : i32
    %c0_i32_0 = arith.constant 0 : i32
    %c0_i32_1 = arith.constant 0 : i32
    return %arg0, %c0_i32, %c0_i32_0 : i32, i32, i32
  }
}

</mosaic_0001>

<sc_bundles>
// kernel: kernel.5.cloned.1.call-start
scs
__scs_entry_jumppad:
0x0: {  	(pc) =	sbr.rel $0x88, $3  }
0x1: {  	(tag) =	ssettag $0x0;
	lr =	simm.s32 $0x1  }
0x2: {  	[smem:$0x3F8F] =	sst lr;
	_ =	strace $0xD0000000  }
0x3: {  	_ = 	snop  }
0x4: {  	_ = 	snop  }
0x5: {  	_ = 	snop  }
0x6: {  	_ = 	snop  }
0x7: {  	_ = 	snop  }
__scs_overlays_trampoline_lowered:
0x8: {  	[smem:$0x3F9E] =	sst s0  }
0x9: {  	[smem:$0x3F9F] =	sst s1  }
0xa: {  	[smem:$0x3FA0] =	sst s2  }
0xb: {  	[smem:$0x3FA1] =	sst s3  }
0xc: {  	[smem:$0x3FA2] =	sst s4  }
0xd: {  	[smem:$0x3FA3] =	sst s5  }
0xe: {  	[smem:$0x3FA4] =	sst s6  }
0xf: {  	[smem:$0x3FA5] =	sst s7  }
0x10: {  	[smem:$0x3FA6] =	sst s8  }
0x11: {  	[smem:$0x3FA7] =	sst s9;
	s0 =	simm.s32 @!p0 $0x0  }
0x12: {  	s1 =	sld [smem:$0x3F8D];
	s0 =	simm.s32 @p0 $0x1  }
0x13: {  	[smem:$0x3FA8] =	sst s0;
	s0 =	simm.s32 @!p1 $0x0  }
0x14: {  	s2 =	sld [smem:$0x3F8C];
	s0 =	simm.s32 @p1 $0x1  }
0x15: {  	[smem:$0x3FA9] =	sst s0;
	s0 =	simm.s32 @!p2 $0x0  }
0x16: {  	s3 =	sld [smem:$0x3FDB];
	s0 =	simm.s32 @p2 $0x1  }
0x17: {  	s4 =	simm.s32 $0x1BF5;
	[smem:$0x3FAB] =	sst s0  }
0x18: {  	s0 =	sld [smem:$0x3F8E];
	_ =	swait.ge [sflag:s4], $0x0  }
0x19: {  	s7 =	sld [smem:$0x3F8F]  }
0x1a: {  	s8 =	sadd.s32 $0xFFFFE003, lr  }
0x1b: {  	s9 =	sadd.s32 $0xFFFFFEF7, lr;
	s5 =	simm.s32 $0xFFFFFFFF;
	p2 =	slt.u32 s8, $0xFFFFF086  }
0x1c: {  	p1 =	slt.u32 s9, $0xF7A;
	s5 =	simm.s32 @!p2 $0x0  }
0x1d: {  	s5 =	simm.s32 @p1 $0x1;
	p0 =	seq.s32 s7, s2  }
0x1e: {  	s7 =	smul.u32 @!p0 $0xF7A, s2;
	p2 =	seq.s32 @!p0 s5, $0x0  }
0x1f: {  	s9 =	smul.u32 $0xF7A, s1;
	s8 =	simm.s32 @!p0 $0x1BF5;
	p2 =	por !p2, p0  }
0x20: {  	[sflag:s8] =	ssyncset.s32 @!p0 $0xFFFFF086;
	s6 =	sadd.s32 @!p0 s3, s7;
	s7 =	simm.s32 @!p0 $0x108  }
0x21: {  	s3 =	sadd.s32 s3, s9;
	s6 =	sadd.s32 @!p0 $0x88, s6;
	s7 =	simm.s32 @p2 $0x1082  }
0x22: {  	[simem:s7], [sflag:s8] =	dma.local @!p0 [hbm:s6], $0xF7A  }
0x23: {  	s9 =	sor.u32 $0xD0000000, s2;
	s6 =	simm.s32 $0x108;
	_ =	swait.ge @!p0 [sflag:s8], $0x0  }
0x24: {  	s3 =	sadd.s32 $0x88, s3;
	s6 =	simm.s32 @!p1 $0x1082;
	[sflag:s4] =	ssyncset.s32 $0xFFFFF086  }
0x25: {  	[simem:s6], [sflag:s4] =	dma.local [hbm:s3], $0xF7A  }
0x26: {  	[smem:$0x3F8F] =	sst s1;
	(tag) =	ssettag s2;
	_ =	strace s9  }
0x27: {  	s1 =	sld [smem:$0x3F9F]  }
0x28: {  	s2 =	sld [smem:$0x3FA0]  }
0x29: {  	s4 =	sld [smem:$0x3FA2]  }
0x2a: {  	p0 =	seq.s32 s5, $0x0;
	s5 =	sld [smem:$0x3FA3]  }
0x2b: {  	s6 =	sld [smem:$0x3FA4]  }
0x2c: {  	s7 =	sld [smem:$0x3FA5]  }
0x2d: {  	s3 =	simm.s32 $0x108;
	s8 =	sld [smem:$0x3FA6]  }
0x2e: {  	s3 =	simm.s32 @!p0 $0x1082;
	s9 =	sld [smem:$0x3FA7]  }
0x2f: {  	lr =	sadd.s32 s0, s3;
	s0 =	sld [smem:$0x3F9E]  }
0x30: {  	s3 =	sld [smem:$0x3FA1]  }
0x31: {  	[smem:$0x3FAA] =	sst s10  }
0x32: {  	s10 =	sld [smem:$0x3FA8];
	_ =	sdelay $0x3  }
0x33: {  	p0 =	seq.s32 s10, $0x1;
	s10 =	sld [smem:$0x3FAA];
	_ =	sdelay $0x3  }
0x34: {  	[smem:$0x3FAA] =	sst s10  }
0x35: {  	s10 =	sld [smem:$0x3FA9];
	_ =	sdelay $0x3  }
0x36: {  	p1 =	seq.s32 s10, $0x1;
	s10 =	sld [smem:$0x3FAA];
	_ =	sdelay $0x3  }
0x37: {  	[smem:$0x3FAA] =	sst s10  }
0x38: {  	s10 =	sld [smem:$0x3FAB]  }
0x39: {  	_ = 	snop;
	(pc) =	sbr.ind lr, $3  }
0x3a: {  	_ = 	snop  }
0x3b: {  	_ = 	snop  }
0x3c: {  	p2 =	seq.s32 s10, $0x1;
	s10 =	sld [smem:$0x3FAA]  }
0x3d: {  	_ =	shalt  }
0x3e: {  	_ =	shalt  }
0x3f: {  	_ =	shalt  }
0x40: {  	_ =	shalt  }
0x41: {  	_ =	shalt  }
0x42: {  	_ =	shalt  }
0x43: {  	_ =	shalt  }
0x44: {  	_ =	shalt  }
0x45: {  	_ =	shalt  }
0x46: {  	_ =	shalt  }
0x47: {  	_ =	shalt  }
0x48: {  	_ =	shalt  }
0x49: {  	_ =	shalt  }
0x4a: {  	_ =	shalt  }
0x4b: {  	_ =	shalt  }
0x4c: {  	_ =	shalt  }
0x4d: {  	_ =	shalt  }
0x4e: {  	_ =	shalt  }
0x4f: {  	_ =	shalt  }
0x50: {  	_ =	shalt  }
0x51: {  	_ =	shalt  }
0x52: {  	_ =	shalt  }
0x53: {  	_ =	shalt  }
0x54: {  	_ =	shalt  }
0x55: {  	_ =	shalt  }
0x56: {  	_ =	shalt  }
0x57: {  	_ =	shalt  }
0x58: {  	_ =	shalt  }
0x59: {  	_ =	shalt  }
0x5a: {  	_ =	shalt  }
0x5b: {  	_ =	shalt  }
0x5c: {  	_ =	shalt  }
0x5d: {  	_ =	shalt  }
0x5e: {  	_ =	shalt  }
0x5f: {  	_ =	shalt  }
0x60: {  	_ =	shalt  }
0x61: {  	_ =	shalt  }
0x62: {  	_ =	shalt  }
0x63: {  	_ =	shalt  }
0x64: {  	_ =	shalt  }
0x65: {  	_ =	shalt  }
0x66: {  	_ =	shalt  }
0x67: {  	_ =	shalt  }
0x68: {  	_ =	shalt  }
0x69: {  	_ =	shalt  }
0x6a: {  	_ =	shalt  }
0x6b: {  	_ =	shalt  }
0x6c: {  	_ =	shalt  }
0x6d: {  	_ =	shalt  }
0x6e: {  	_ =	shalt  }
0x6f: {  	_ =	shalt  }
0x70: {  	_ =	shalt  }
0x71: {  	_ =	shalt  }
0x72: {  	_ =	shalt  }
0x73: {  	_ =	shalt  }
0x74: {  	_ =	shalt  }
0x75: {  	_ =	shalt  }
0x76: {  	_ =	shalt  }
0x77: {  	_ =	shalt  }
0x78: {  	_ =	shalt  }
0x79: {  	_ =	shalt  }
0x7a: {  	_ =	shalt  }
0x7b: {  	_ =	shalt  }
0x7c: {  	_ =	shalt  }
0x7d: {  	_ =	shalt  }
0x7e: {  	_ =	shalt  }
0x7f: {  	_ =	shalt  }
0x80: {  	_ =	shalt  }
0x81: {  	_ =	shalt  }
0x82: {  	_ =	shalt  }
0x83: {  	_ =	shalt  }
0x84: {  	_ =	shalt  }
0x85: {  	_ =	shalt  }
0x86: {  	_ =	shalt  }
0x87: {  	_ =	shalt  }
.Lfunc_end0:
.L_simem_size_0:
called_computation.2_lowered:
.L_overlay_start_0:
0x88: {  	s2 =	sld [smem:$0x3FD9]  }
0x89: {  	s3 =	sld [smem:$0x3FFE];
	_ =	sdelay $0x1  }
0x8a: {  	s1 =	srdreg.scid  }
0x8b: {  	s0 =	sand.u32 $0x1, s1  }
0x8c: {  	s17 =	sshll.u32 s0, $0xA;
	s2 =	sadd.s32 s3, s2  }
0x8d: {  	s2 =	sadd.s32 s2, s17  }
0x8e: {  	[smem:$0x3FB6] =	sst s2  }
0x8f: {  	_ = 	snop  }
0x90: {  	s2 =	sld [smem:$0x3FD0];
	(tm) =	ssettm $0x1  }
0x91: {  	s18 =	sld [smem:$0x3FFB];
	_ =	sdelay $0x3  }
0x92: {  	_ =	strace s18  }
0x93: {  	s3 =	sld [smem:$0x3FFC];
	_ =	sdelay $0x3  }
0x94: {  	_ =	strace s3  }
0x95: {  	s3 =	sld [smem:$0x3FFD];
	_ =	sdelay $0x3  }
0x96: {  	_ =	strace s3  }
0x97: {  	_ =	strace $0x8FFFFFFF  }
0x98: {  	s19 =	sld [smem:$0x3FDB];
	_ =	sdelay $0x1  }
0x99: {  	s4 =	simm.s32 $_scs_section_size  }
0x9a: {  	s5 =	simm.s32 $_size__tile_overlayer_lowered;
	s6 =	simm.s32 $_tile_overlayer_lowered  }
0x9b: {  	s22 =	simm.s32 $0x1BFF;
	s21 =	sshll.u32 s6, $0x1;
	s3 =	sadd.s32 s4, s19  }
0x9c: {  	s7 =	simm.s32 $0x0;
	s20 =	sshll.u32 s5, $0x1;
	s5 =	sadd.s32 s21, s3  }
0x9d: {  	[timem:s7], [sflag:s22] =	dma.local [hbm:s5], s20  }
0x9e: {  	_ =	swait.ge [sflag:s22], s20  }
0x9f: {  	s4 =	ssub.s32 $0x0, s20;
	[sflag:s22] =	ssyncset.done $0x0  }
0xa0: {  	[sflag:s22] =	ssyncadd.s32 s4;
	_ =	sdelay $0x1  }
0xa1: {  	s23 =	simm.s32 $0x1B8B  }
0xa2: {  	_ =	swait.ge [sflag:s23], $0x1  }
0xa3: {  	[sflag:s23] =	ssyncset.done $0x0  }
0xa4: {  	s25 =	simm.s32 $0x1B8E;
	s24 =	sld [smem:$0x3FFE];
	[sflag:s23] =	ssyncadd.s32 $0xFFFFFFFF  }
0xa5: {  	s26 =	simm.s32 $execute0_lowered;
	[smem:$0x3FD2] =	sst s25  }
0xa6: {  	s5 =	sshll.u32 s26, $0x1;
	_ =	strace $0x80000046;
	[dreg:$0x1] =	wrdreg $0xFFFFFFFF  }
0xa7: {  	s28 =	simm.s32 $_size_execute0_lowered;
	s3 =	sadd.s32 s3, s5;
	[dreg:$0x0] =	wrdreg $0x0  }
0xa8: {  	s5 =	sshll.u32 s28, $0x1;
	[dreg:$0x2] =	wrdreg s3  }
0xa9: {  	[dreg:$0x3] =	wrdreg s5  }
0xaa: {  	[dreg:$0x4] =	wrdreg $0xC0  }
0xab: {  	_ =	task [dreg:s7], $0x5FFFF  }
0xac: {  	[dreg:$0x1] =	wrdreg $0xFFFFFFFF  }
0xad: {  	[dreg:$0x0] =	wrdreg $0x60  }
0xae: {  	[dreg:$0x2] =	wrdreg s24  }
0xaf: {  	[dreg:$0x3] =	wrdreg s2  }
0xb0: {  	[dreg:$0x4] =	wrdreg $0x9  }
0xb1: {  	_ =	task.clear_ibuf [dreg:s7], $0x5FFFF;
	_ =	strace $0x90000046  }
0xb2: {  	s29 =	simm.s32 $0x9;
	_ =	strace $0x80000048  }
0xb3: {  	_ =	swait.ge [sflag:s29], $0x1  }
0xb4: {  	[sflag:s29] =	ssyncadd.s32 $0xFFFFFFFF  }
0xb5: {  	_ =	strace $0x90000048  }
0xb6: {  	_ =	sfence  }
0xb7: {  	s30 =	sld [smem:$0x0];
	_ =	sdelay $0x2  }
0xb8: {  	s31 =	sshll.u32 s1, $0xD;
	s1 =	sshrl.u32 s1, $0x2  }
0xb9: {  	s3 =	sand.u32 $0x4000, s31;
	s1 =	sadd.s32 s1, s30  }
0xba: {  	s0 =	sor.u32 s3, s0;
	s1 =	sshll.u32 s1, $0x11  }
0xbb: {  	s0 =	sor.u32 s1, s0  }
0xbc: {  	s0 =	sadd.s32 $0x8F2B, s0  }
0xbd: {  	[sflag:s0] =	ssyncadd.remote.s32 $0x1  }
0xbe: {  	_ =	sfence.sel $0xFFFF  }
0xbf: {  	[dreg:$0x0] =	wrdreg $0xFFFFFFFF;
	(pc) =	sbr.abs _section_cstart, $3  }
0xc0: {  	[dreg:$0x1] =	wrdreg $0xFFFFFFFF  }
0xc1: {  	_ =	task.clear_ibuf [dreg:s7], $0x2FFFF;
	_ =	strace $0x9FFFFFFF  }
0xc2: {  	(tm) =	ssettm $0x7FFFFFFF  }
0xc3: {  	_ =	shalt  }
tec
execute0_lowered:
.L_overlay_start_1:
0x0: {  	(tag) =	ssettag $0x1  }
0x1: {  	s0 =	srdreg.scid;
	s1 =	stileid.u32  }
0x2: {  	s0 =	sand.u32 $0x1, s0;
	s1 =	smul.u32 $0x2710, s1  }
0x3: {  	s4 =	rddreg [dreg:$0x0];
	s3 =	smul.u32 $0x1388, s0  }
0x4: {  	s5 =	rddreg [dreg:$0x1];
	s2 =	simm.s32 $0x0;
	s0 =	ssub.s32 $0x2, s0  }
0x5: {  	[smem:$0x7FF] =	sst s2;
	s8 =	sshrl.u32 s0, $0x1;
	s1 =	sadd.s32 s3, s1  }
0x6: {  	_ =	strace $0x80000047;
	s0 =	ssub.s32 s0, s8;
	s1 =	sshrl.u32 s1, $0x3  }
0x7: {  	s3 =	sadd.s32 $0x6600, s4;
	s0 =	smax.u32 s0, $0x1;
	s6 =	smul.u32 $0x180, s1  }
0x8: {  	s7 =	sadd.s32 s1, s4;
	[dreg:$0x5] =	wrdreg s0;
	s31 =	sadd.s32 s1, s5  }
0x9: {  	s30 =	sadd.s32 $0x1600, s7;
	[dreg:$0x4] =	wrdreg s31;
	s6 =	sadd.s32 s6, s4  }
0xa: {  	v2 =	vlaneseq.u32;
	s8 =	simm.s32 $0x2;
	[dreg:$0x3] =	wrdreg s30;
	s29 =	sadd.s32 $0x7BA00, s6  }
0xb: {  	vm0 =	vmmov $0xffff;
	vm1 =	vmmov $0xff;
	v1 =	vshrl.u32 v2, $0x3;
	s5 =	simm.s32 $0x1;
	s6 =	sadd.s32 $0x7CEA00, s6;
	[dreg:$0x6] =	wrdreg s29  }
0xc: {  	v0 =	vand.u32 $0x7, v2;
	v2 =	vor.u32 $0x8, v2;
	v1 =	vmul.u32 $0x8, v1;
	s0 =	simm.s32 $0x0;
	s4 =	sadd.s32 $0x6700, s4;
	[dreg:$0x7] =	wrdreg s6  }
.LBB2_1:
0xd: {  	[dreg:$0x8] =	wrdreg s0  }
0xe: {  	s6 =	rddreg [dreg:$0x7]  }
0xf: {  	s7 =	rddreg [dreg:$0x6];
	s10 =	simm.s32 $0x0  }
.LBB2_2:
0x10: {  	s11 =	rddreg [dreg:$0x4]  }
0x11: {  	s11 =	sadd.s32 s10, s11  }
0x12: {  	[tilespmem:s2], [sflag:$0x2] =	stream.linear.gather [hbm4b:s11+s2], $0xC8, $0x38;
	[tilespmem:$0x12D00] =	vst v63  }
0x13: {  	_ =	swait.ge [sflag:s8], $0xC8  }
0x14: {  	[sflag:s8] =	ssyncset.done $0x0  }
0x15: {  	[sflag:s8] =	ssyncadd.s32 $0xFFFFFF38  }
0x16: {  	v3 =	vld [tilespmem:$0x0];
	_ =	sdelay $0x4  }
0x17: {  	v4 =	vshrl.u32 v3, $0x3  }
0x18: {  	v4 =	vmul.u32 $0x18, v4  }
0x19: {  	v3 =	vand.u32 $0x7, v3  }
0x1a: {  	v3 =	vor.u32 v3, v4  }
0x1b: {  	v4 =	vperm.xlane v3, v0;
	_ =	sdelay $0x1  }
0x1c: {  	v4 =	vadd.s32 v1, v4;
	_ =	sdelay $0x1  }
0x1d: {  	v3 =	vperm.xlane v3, v2;
	_ =	sdelay $0x1  }
0x1e: {  	s0 =	simm.s32 $0x100;
	v3 =	vadd.s32 v1, v3  }
0x1f: {  	[tilespmem:s0], [sflag:$0x1] =	stream.indirect_vreg.gather [hbm4b:s3+s2], $0x80, v4, vm0, $0xb8;
	[tilespmem:$0x12D00] =	vst v63  }
0x20: {  	s12 =	simm.s32 $0x900  }
0x21: {  	[tilespmem:s12], [sflag:$0x1] =	stream.indirect_vreg.gather [hbm4b:s4+s2], $0x80, v4, vm1, $0xb8;
	[tilespmem:$0x12D00] =	vst v63  }
0x22: {  	s12 =	simm.s32 $0xD00  }
0x23: {  	[tilespmem:s12], [sflag:$0x1] =	stream.indirect_vreg.gather [hbm4b:s3+s2], $0x80, v3, vm0, $0xb8;
	[tilespmem:$0x12D00] =	vst v63  }
0x24: {  	s13 =	simm.s32 $0x1500  }
0x25: {  	[tilespmem:s13], [sflag:$0x1] =	stream.indirect_vreg.gather [hbm4b:s4+s2], $0x80, v3, vm1, $0xb8;
	[tilespmem:$0x12D00] =	vst v63  }
0x26: {  	v3 =	vld [tilespmem:$0x10];
	_ =	sdelay $0x4  }
0x27: {  	v39 =	vshrl.u32 v3, $0x3  }
0x28: {  	v4 =	vmul.u32 $0x18, v39  }
0x29: {  	v3 =	vand.u32 $0x7, v3  }
0x2a: {  	v3 =	vor.u32 v3, v4  }
0x2b: {  	v4 =	vperm.xlane v3, v0;
	_ =	sdelay $0x1  }
0x2c: {  	v4 =	vadd.s32 v1, v4;
	_ =	sdelay $0x1  }
0x2d: {  	v3 =	vperm.xlane v3, v2;
	_ =	sdelay $0x1  }
0x2e: {  	s13 =	simm.s32 $0x1900;
	v3 =	vadd.s32 v1, v3  }
0x2f: {  	[tilespmem:s13], [sflag:$0x1] =	stream.indirect_vreg.gather [hbm4b:s3+s2], $0x80, v4, vm0, $0xb8;
	[tilespmem:$0x12D00] =	vst v63  }
0x30: {  	s14 =	simm.s32 $0x2100  }
0x31: {  	[tilespmem:s14], [sflag:$0x1] =	stream.indirect_vreg.gather [hbm4b:s4+s2], $0x80, v4, vm1, $0xb8;
	[tilespmem:$0x12D00] =	vst v63  }
0x32: {  	s14 =	simm.s32 $0x2500  }
0x33: {  	[tilespmem:s14], [sflag:$0x1] =	stream.indirect_vreg.gather [hbm4b:s3+s2], $0x80, v3, vm0, $0xb8;
	[tilespmem:$0x12D00] =	vst v63  }
0x34: {  	s15 =	simm.s32 $0x2D00  }
0x35: {  	[tilespmem:s15], [sflag:$0x1] =	stream.indirect_vreg.gather [hbm4b:s4+s2], $0x80, v3, vm1, $0xb8;
	[tilespmem:$0x12D00] =	vst v63  }
0x36: {  	v3 =	vld [tilespmem:$0x20];
	_ =	sdelay $0x4  }
0x37: {  	v40 =	vshrl.u32 v3, $0x3  }
0x38: {  	v4 =	vmul.u32 $0x18, v40  }
0x39: {  	v3 =	vand.u32 $0x7, v3  }
0x3a: {  	v3 =	vor.u32 v3, v4  }
0x3b: {  	v4 =	vperm.xlane v3, v0;
	_ =	sdelay $0x1  }
0x3c: {  	v4 =	vadd.s32 v1, v4;
	_ =	sdelay $0x1  }
0x3d: {  	v3 =	vperm.xlane v3, v2;
	_ =	sdelay $0x1  }
0x3e: {  	s15 =	simm.s32 $0x3100;
	v3 =	vadd.s32 v1, v3  }
0x3f: {  	[tilespmem:s15], [sflag:$0x1] =	stream.indirect_vreg.gather [hbm4b:s3+s2], $0x80, v4, vm0, $0xb8;
	[tilespmem:$0x12D00] =	vst v63  }
0x40: {  	s16 =	simm.s32 $0x3900  }
0x41: {  	[tilespmem:s16], [sflag:$0x1] =	stream.indirect_vreg.gather [hbm4b:s4+s2], $0x80, v4, vm1, $0xb8;
	[tilespmem:$0x12D00] =	vst v63  }
0x42: {  	s16 =	simm.s32 $0x3D00  }
0x43: {  	[tilespmem:s16], [sflag:$0x1] =	stream.indirect_vreg.gather [hbm4b:s3+s2], $0x80, v3, vm0, $0xb8;
	[tilespmem:$0x12D00] =	vst v63  }
0x44: {  	s17 =	simm.s32 $0x4500  }
0x45: {  	[tilespmem:s17], [sflag:$0x1] =	stream.indirect_vreg.gather [hbm4b:s4+s2], $0x80, v3, vm1, $0xb8;
	[tilespmem:$0x12D00] =	vst v63  }
0x46: {  	v3 =	vld [tilespmem:$0x30];
	_ =	sdelay $0x4  }
0x47: {  	v41 =	vshrl.u32 v3, $0x3  }
0x48: {  	v4 =	vmul.u32 $0x18, v41  }
0x49: {  	v3 =	vand.u32 $0x7, v3  }
0x4a: {  	v3 =	vor.u32 v3, v4  }
0x4b: {  	v4 =	vperm.xlane v3, v0;
	_ =	sdelay $0x1  }
0x4c: {  	v4 =	vadd.s32 v1, v4;
	_ =	sdelay $0x1  }
0x4d: {  	v3 =	vperm.xlane v3, v2;
	_ =	sdelay $0x1  }
0x4e: {  	s17 =	simm.s32 $0x4900;
	v3 =	vadd.s32 v1, v3  }
0x4f: {  	[tilespmem:s17], [sflag:$0x1] =	stream.indirect_vreg.gather [hbm4b:s3+s2], $0x80, v4, vm0, $0xb8;
	[tilespmem:$0x12D00] =	vst v63  }
0x50: {  	s18 =	simm.s32 $0x5100  }
0x51: {  	[tilespmem:s18], [sflag:$0x1] =	stream.indirect_vreg.gather [hbm4b:s4+s2], $0x80, v4, vm1, $0xb8;
	[tilespmem:$0x12D00] =	vst v63  }
0x52: {  	s18 =	simm.s32 $0x5500  }
0x53: {  	[tilespmem:s18], [sflag:$0x1] =	stream.indirect_vreg.gather [hbm4b:s3+s2], $0x80, v3, vm0, $0xb8;
	[tilespmem:$0x12D00] =	vst v63  }
0x54: {  	s19 =	simm.s32 $0x5D00  }
0x55: {  	[tilespmem:s19], [sflag:$0x1] =	stream.indirect_vreg.gather [hbm4b:s4+s2], $0x80, v3, vm1, $0xb8;
	[tilespmem:$0x12D00] =	vst v63  }
0x56: {  	v3 =	vld [tilespmem:$0x40];
	_ =	sdelay $0x4  }
0x57: {  	v42 =	vshrl.u32 v3, $0x3  }
0x58: {  	v4 =	vmul.u32 $0x18, v42  }
0x59: {  	v3 =	vand.u32 $0x7, v3  }
0x5a: {  	v3 =	vor.u32 v3, v4  }
0x5b: {  	v4 =	vperm.xlane v3, v0;
	_ =	sdelay $0x1  }
0x5c: {  	v4 =	vadd.s32 v1, v4;
	_ =	sdelay $0x1  }
0x5d: {  	v3 =	vperm.xlane v3, v2;
	_ =	sdelay $0x1  }
0x5e: {  	s19 =	simm.s32 $0x6100;
	v3 =	vadd.s32 v1, v3  }
0x5f: {  	[tilespmem:s19], [sflag:$0x1] =	stream.indirect_vreg.gather [hbm4b:s3+s2], $0x80, v4, vm0, $0xb8;
	[tilespmem:$0x12D00] =	vst v63  }
0x60: {  	s20 =	simm.s32 $0x6900  }
0x61: {  	[tilespmem:s20], [sflag:$0x1] =	stream.indirect_vreg.gather [hbm4b:s4+s2], $0x80, v4, vm1, $0xb8;
	[tilespmem:$0x12D00] =	vst v63  }
0x62: {  	s20 =	simm.s32 $0x6D00  }
0x63: {  	[tilespmem:s20], [sflag:$0x1] =	stream.indirect_vreg.gather [hbm4b:s3+s2], $0x80, v3, vm0, $0xb8;
	[tilespmem:$0x12D00] =	vst v63  }
0x64: {  	s21 =	simm.s32 $0x7500  }
0x65: {  	[tilespmem:s21], [sflag:$0x1] =	stream.indirect_vreg.gather [hbm4b:s4+s2], $0x80, v3, vm1, $0xb8;
	[tilespmem:$0x12D00] =	vst v63  }
0x66: {  	v3 =	vld [tilespmem:$0x50];
	_ =	sdelay $0x4  }
0x67: {  	v43 =	vshrl.u32 v3, $0x3  }
0x68: {  	v4 =	vmul.u32 $0x18, v43  }
0x69: {  	v3 =	vand.u32 $0x7, v3  }
0x6a: {  	v3 =	vor.u32 v3, v4  }
0x6b: {  	v4 =	vperm.xlane v3, v0;
	_ =	sdelay $0x1  }
0x6c: {  	v4 =	vadd.s32 v1, v4;
	_ =	sdelay $0x1  }
0x6d: {  	v3 =	vperm.xlane v3, v2;
	_ =	sdelay $0x1  }
0x6e: {  	s21 =	simm.s32 $0x7900;
	v3 =	vadd.s32 v1, v3  }
0x6f: {  	[tilespmem:s21], [sflag:$0x1] =	stream.indirect_vreg.gather [hbm4b:s3+s2], $0x80, v4, vm0, $0xb8;
	[tilespmem:$0x12D00] =	vst v63  }
0x70: {  	s22 =	simm.s32 $0x8100  }
0x71: {  	[tilespmem:s22], [sflag:$0x1] =	stream.indirect_vreg.gather [hbm4b:s4+s2], $0x80, v4, vm1, $0xb8;
	[tilespmem:$0x12D00] =	vst v63  }
0x72: {  	s22 =	simm.s32 $0x8500  }
0x73: {  	[tilespmem:s22], [sflag:$0x1] =	stream.indirect_vreg.gather [hbm4b:s3+s2], $0x80, v3, vm0, $0xb8;
	[tilespmem:$0x12D00] =	vst v63  }
0x74: {  	s23 =	simm.s32 $0x8D00  }
0x75: {  	[tilespmem:s23], [sflag:$0x1] =	stream.indirect_vreg.gather [hbm4b:s4+s2], $0x80, v3, vm1, $0xb8;
	[tilespmem:$0x12D00] =	vst v63  }
0x76: {  	v3 =	vld [tilespmem:$0x60];
	_ =	sdelay $0x4  }
0x77: {  	v44 =	vshrl.u32 v3, $0x3  }
0x78: {  	v4 =	vmul.u32 $0x18, v44  }
0x79: {  	v3 =	vand.u32 $0x7, v3  }
0x7a: {  	v3 =	vor.u32 v3, v4  }
0x7b: {  	v4 =	vperm.xlane v3, v0;
	_ =	sdelay $0x1  }
0x7c: {  	v4 =	vadd.s32 v1, v4;
	_ =	sdelay $0x1  }
0x7d: {  	v3 =	vperm.xlane v3, v2;
	_ =	sdelay $0x1  }
0x7e: {  	s23 =	simm.s32 $0x9100;
	v3 =	vadd.s32 v1, v3  }
0x7f: {  	[tilespmem:s23], [sflag:$0x1] =	stream.indirect_vreg.gather [hbm4b:s3+s2], $0x80, v4, vm0, $0xb8;
	[tilespmem:$0x12D00] =	vst v63  }
0x80: {  	s24 =	simm.s32 $0x9900  }
0x81: {  	[tilespmem:s24], [sflag:$0x1] =	stream.indirect_vreg.gather [hbm4b:s4+s2], $0x80, v4, vm1, $0xb8;
	[tilespmem:$0x12D00] =	vst v63  }
0x82: {  	s24 =	simm.s32 $0x9D00  }
0x83: {  	[tilespmem:s24], [sflag:$0x1] =	stream.indirect_vreg.gather [hbm4b:s3+s2], $0x80, v3, vm0, $0xb8;
	[tilespmem:$0x12D00] =	vst v63  }
0x84: {  	s25 =	simm.s32 $0xA500  }
0x85: {  	[tilespmem:s25], [sflag:$0x1] =	stream.indirect_vreg.gather [hbm4b:s4+s2], $0x80, v3, vm1, $0xb8;
	[tilespmem:$0x12D00] =	vst v63  }
0x86: {  	v3 =	vld [tilespmem:$0x70];
	_ =	sdelay $0x4  }
0x87: {  	v45 =	vshrl.u32 v3, $0x3  }
0x88: {  	v4 =	vmul.u32 $0x18, v45  }
0x89: {  	v3 =	vand.u32 $0x7, v3  }
0x8a: {  	v3 =	vor.u32 v3, v4  }
0x8b: {  	v4 =	vperm.xlane v3, v0;
	_ =	sdelay $0x1  }
0x8c: {  	v4 =	vadd.s32 v1, v4;
	_ =	sdelay $0x1  }
0x8d: {  	v3 =	vperm.xlane v3, v2;
	_ =	sdelay $0x1  }
0x8e: {  	s25 =	simm.s32 $0xA900;
	v3 =	vadd.s32 v1, v3  }
0x8f: {  	[tilespmem:s25], [sflag:$0x1] =	stream.indirect_vreg.gather [hbm4b:s3+s2], $0x80, v4, vm0, $0xb8;
	[tilespmem:$0x12D00] =	vst v63  }
0x90: {  	s26 =	simm.s32 $0xB100  }
0x91: {  	[tilespmem:s26], [sflag:$0x1] =	stream.indirect_vreg.gather [hbm4b:s4+s2], $0x80, v4, vm1, $0xb8;
	[tilespmem:$0x12D00] =	vst v63  }
0x92: {  	s26 =	simm.s32 $0xB500  }
0x93: {  	[tilespmem:s26], [sflag:$0x1] =	stream.indirect_vreg.gather [hbm4b:s3+s2], $0x80, v3, vm0, $0xb8;
	[tilespmem:$0x12D00] =	vst v63  }
0x94: {  	s28 =	simm.s32 $0xBD00  }
0x95: {  	[tilespmem:s28], [sflag:$0x1] =	stream.indirect_vreg.gather [hbm4b:s4+s2], $0x80, v3, vm1, $0xb8;
	[tilespmem:$0x12D00] =	vst v63  }
0x96: {  	v3 =	vld [tilespmem:$0x80];
	_ =	sdelay $0x4  }
0x97: {  	v46 =	vshrl.u32 v3, $0x3  }
0x98: {  	v4 =	vmul.u32 $0x18, v46  }
0x99: {  	v3 =	vand.u32 $0x7, v3  }
0x9a: {  	v3 =	vor.u32 v3, v4  }
0x9b: {  	v4 =	vperm.xlane v3, v0;
	_ =	sdelay $0x1  }
0x9c: {  	v4 =	vadd.s32 v1, v4;
	_ =	sdelay $0x1  }
0x9d: {  	v3 =	vperm.xlane v3, v2;
	_ =	sdelay $0x1  }
0x9e: {  	s28 =	simm.s32 $0xC100;
	v3 =	vadd.s32 v1, v3  }
0x9f: {  	[tilespmem:s28], [sflag:$0x1] =	stream.indirect_vreg.gather [hbm4b:s3+s2], $0x80, v4, vm0, $0xb8;
	[tilespmem:$0x12D00] =	vst v63  }
0xa0: {  	s29 =	simm.s32 $0xC900  }
0xa1: {  	[tilespmem:s29], [sflag:$0x1] =	stream.indirect_vreg.gather [hbm4b:s4+s2], $0x80, v4, vm1, $0xb8;
	[tilespmem:$0x12D00] =	vst v63  }
0xa2: {  	s29 =	simm.s32 $0xCD00  }
0xa3: {  	[tilespmem:s29], [sflag:$0x1] =	stream.indirect_vreg.gather [hbm4b:s3+s2], $0x80, v3, vm0, $0xb8;
	[tilespmem:$0x12D00] =	vst v63  }
0xa4: {  	s30 =	simm.s32 $0xD500  }
0xa5: {  	[tilespmem:s30], [sflag:$0x1] =	stream.indirect_vreg.gather [hbm4b:s4+s2], $0x80, v3, vm1, $0xb8;
	[tilespmem:$0x12D00] =	vst v63  }
0xa6: {  	v3 =	vld [tilespmem:$0x90];
	_ =	sdelay $0x4  }
0xa7: {  	v47 =	vshrl.u32 v3, $0x3  }
0xa8: {  	v4 =	vmul.u32 $0x18, v47  }
0xa9: {  	v3 =	vand.u32 $0x7, v3  }
0xaa: {  	v3 =	vor.u32 v3, v4  }
0xab: {  	v4 =	vperm.xlane v3, v0;
	_ =	sdelay $0x1  }
0xac: {  	v4 =	vadd.s32 v1, v4;
	_ =	sdelay $0x1  }
0xad: {  	v3 =	vperm.xlane v3, v2;
	_ =	sdelay $0x1  }
0xae: {  	s30 =	simm.s32 $0xD900;
	v3 =	vadd.s32 v1, v3  }
0xaf: {  	[tilespmem:s30], [sflag:$0x1] =	stream.indirect_vreg.gather [hbm4b:s3+s2], $0x80, v4, vm0, $0xb8;
	[tilespmem:$0x12D00] =	vst v63  }
0xb0: {  	s31 =	simm.s32 $0xE100  }
0xb1: {  	[tilespmem:s31], [sflag:$0x1] =	stream.indirect_vreg.gather [hbm4b:s4+s2], $0x80, v4, vm1, $0xb8;
	[tilespmem:$0x12D00] =	vst v63  }
0xb2: {  	s31 =	simm.s32 $0xE500  }
0xb3: {  	[tilespmem:s31], [sflag:$0x1] =	stream.indirect_vreg.gather [hbm4b:s3+s2], $0x80, v3, vm0, $0xb8;
	[tilespmem:$0x12D00] =	vst v63  }
0xb4: {  	s1 =	simm.s32 $0xED00  }
0xb5: {  	[tilespmem:s1], [sflag:$0x1] =	stream.indirect_vreg.gather [hbm4b:s4+s2], $0x80, v3, vm1, $0xb8;
	[tilespmem:$0x12D00] =	vst v63  }
0xb6: {  	v3 =	vld [tilespmem:$0xA0];
	_ =	sdelay $0x4  }
0xb7: {  	v48 =	vshrl.u32 v3, $0x3  }
0xb8: {  	v4 =	vmul.u32 $0x18, v48  }
0xb9: {  	v3 =	vand.u32 $0x7, v3  }
0xba: {  	v3 =	vor.u32 v3, v4  }
0xbb: {  	v4 =	vperm.xlane v3, v0;
	_ =	sdelay $0x1  }
0xbc: {  	v4 =	vadd.s32 v1, v4;
	_ =	sdelay $0x1  }
0xbd: {  	v3 =	vperm.xlane v3, v2;
	_ =	sdelay $0x1  }
0xbe: {  	s9 =	simm.s32 $0xF100;
	v3 =	vadd.s32 v1, v3  }
0xbf: {  	[tilespmem:s9], [sflag:$0x1] =	stream.indirect_vreg.gather [hbm4b:s3+s2], $0x80, v4, vm0, $0xb8;
	[tilespmem:$0x12D00] =	vst v63  }
0xc0: {  	s11 =	simm.s32 $0xF900  }
0xc1: {  	[tilespmem:s11], [sflag:$0x1] =	stream.indirect_vreg.gather [hbm4b:s4+s2], $0x80, v4, vm1, $0xb8;
	[tilespmem:$0x12D00] =	vst v63  }
0xc2: {  	s9 =	simm.s32 $0xFD00  }
0xc3: {  	[tilespmem:s9], [sflag:$0x1] =	stream.indirect_vreg.gather [hbm4b:s3+s2], $0x80, v3, vm0, $0xb8;
	[tilespmem:$0x12D00] =	vst v63  }
0xc4: {  	s11 =	simm.s32 $0x10500  }
0xc5: {  	[tilespmem:s11], [sflag:$0x1] =	stream.indirect_vreg.gather [hbm4b:s4+s2], $0x80, v3, vm1, $0xb8;
	[tilespmem:$0x12D00] =	vst v63  }
0xc6: {  	v3 =	vld [tilespmem:$0xB0];
	_ =	sdelay $0x4  }
0xc7: {  	v49 =	vshrl.u32 v3, $0x3  }
0xc8: {  	v4 =	vmul.u32 $0x18, v49  }
0xc9: {  	v3 =	vand.u32 $0x7, v3  }
0xca: {  	v3 =	vor.u32 v3, v4  }
0xcb: {  	v4 =	vperm.xlane v3, v0;
	_ =	sdelay $0x1  }
0xcc: {  	v4 =	vadd.s32 v1, v4;
	_ =	sdelay $0x1  }
0xcd: {  	v3 =	vperm.xlane v3, v2;
	_ =	sdelay $0x1  }
0xce: {  	s11 =	simm.s32 $0x10900;
	v3 =	vadd.s32 v1, v3  }
0xcf: {  	[tilespmem:s11], [sflag:$0x1] =	stream.indirect_vreg.gather [hbm4b:s3+s2], $0x80, v4, vm0, $0xb8;
	[tilespmem:$0x12D00] =	vst v63  }
0xd0: {  	s11 =	simm.s32 $0x11100  }
0xd1: {  	[tilespmem:s11], [sflag:$0x1] =	stream.indirect_vreg.gather [hbm4b:s4+s2], $0x80, v4, vm1, $0xb8;
	[tilespmem:$0x12D00] =	vst v63  }
0xd2: {  	s11 =	simm.s32 $0x11500  }
0xd3: {  	[tilespmem:s11], [sflag:$0x1] =	stream.indirect_vreg.gather [hbm4b:s3+s2], $0x80, v3, vm0, $0xb8;
	[tilespmem:$0x12D00] =	vst v63  }
0xd4: {  	s11 =	simm.s32 $0x11D00  }
0xd5: {  	[tilespmem:s11], [sflag:$0x1] =	stream.indirect_vreg.gather [hbm4b:s4+s2], $0x80, v3, vm1, $0xb8;
	[tilespmem:$0x12D00] =	vst v63  }
0xd6: {  	v3 =	vld.msk [tilespmem:$0xC0], $0xff;
	_ =	sdelay $0x4  }
0xd7: {  	v50 =	vshrl.u32 v3, $0x3  }
0xd8: {  	v4 =	vmul.u32 $0x18, v50  }
0xd9: {  	v3 =	vand.u32 $0x7, v3  }
0xda: {  	v3 =	vor.u32 v3, v4  }
0xdb: {  	v3 =	vperm.xlane v3, v0;
	_ =	sdelay $0x1  }
0xdc: {  	v3 =	vadd.s32 v1, v3;
	_ =	sdelay $0x3  }
0xdd: {  	s11 =	simm.s32 $0x12100  }
0xde: {  	[tilespmem:s11], [sflag:$0x1] =	stream.indirect_vreg.gather [hbm4b:s3+s2], $0x80, v3, vm0, $0xb8;
	[tilespmem:$0x12D00] =	vst v63  }
0xdf: {  	s11 =	simm.s32 $0x12900  }
0xe0: {  	[tilespmem:s11], [sflag:$0x1] =	stream.indirect_vreg.gather [hbm4b:s4+s2], $0x80, v3, vm1, $0xb8;
	[tilespmem:$0x12D00] =	vst v63  }
0xe1: {  	_ =	swait.ge [sflag:s5], $0x12C00  }
0xe2: {  	[sflag:s5] =	ssyncset.done $0x0  }
0xe3: {  	[sflag:s5] =	ssyncadd.s32 $0xFFFED400  }
0xe4: {  	[hbm4b:s7+s2] =	stream.linear.scatter [tilespmem:s0], [sflag:$0x2], $0x12C00, $0x38;
	[tilespmem:$0x12D00] =	vst v63  }
0xe5: {  	_ =	swait.ge [sflag:s8], $0x12C00  }
0xe6: {  	s1 =	rddreg [dreg:$0x3];
	[sflag:s8] =	ssyncset.done $0x0  }
0xe7: {  	[sflag:s8] =	ssyncadd.s32 $0xFFFED400;
	s11 =	sadd.s32 s10, s1  }
0xe8: {  	[tilespmem:s2], [sflag:$0x2] =	stream.linear.gather [hbm4b:s11+s2], $0xC8, $0x38;
	[tilespmem:$0x12D00] =	vst v63  }
0xe9: {  	_ =	swait.ge [sflag:s8], $0xC8  }
0xea: {  	[sflag:s8] =	ssyncset.done $0x0  }
0xeb: {  	[sflag:s8] =	ssyncadd.s32 $0xFFFFFF38  }
0xec: {  	v3 =	vld [tilespmem:$0x0];
	_ =	sdelay $0x4  }
0xed: {  	v51 =	vshrl.u32 v3, $0x3  }
0xee: {  	v4 =	vmul.u32 $0x18, v51  }
0xef: {  	v3 =	vand.u32 $0x7, v3  }
0xf0: {  	v3 =	vor.u32 v3, v4  }
0xf1: {  	v4 =	vperm.xlane v3, v0;
	_ =	sdelay $0x1  }
0xf2: {  	v4 =	vadd.s32 v1, v4;
	_ =	sdelay $0x1  }
0xf3: {  	v3 =	vperm.xlane v3, v2;
	_ =	sdelay $0x1  }
0xf4: {  	v3 =	vadd.s32 v1, v3  }
0xf5: {  	[tilespmem:s0], [sflag:$0x1] =	stream.indirect_vreg.gather [hbm4b:s3+s2], $0x80, v4, vm0, $0xb8;
	[tilespmem:$0x12D00] =	vst v63  }
0xf6: {  	s1 =	simm.s32 $0x900  }
0xf7: {  	[tilespmem:s1], [sflag:$0x1] =	stream.indirect_vreg.gather [hbm4b:s4+s2], $0x80, v4, vm1, $0xb8;
	[tilespmem:$0x12D00] =	vst v63  }
0xf8: {  	_ = 	snop  }
0xf9: {  	[tilespmem:s12], [sflag:$0x1] =	stream.indirect_vreg.gather [hbm4b:s3+s2], $0x80, v3, vm0, $0xb8;
	[tilespmem:$0x12D00] =	vst v63  }
0xfa: {  	s1 =	simm.s32 $0x1500  }
0xfb: {  	[tilespmem:s1], [sflag:$0x1] =	stream.indirect_vreg.gather [hbm4b:s4+s2], $0x80, v3, vm1, $0xb8;
	[tilespmem:$0x12D00] =	vst v63  }
0xfc: {  	v3 =	vld [tilespmem:$0x10];
	_ =	sdelay $0x4  }
0xfd: {  	v52 =	vshrl.u32 v3, $0x3  }
0xfe: {  	v4 =	vmul.u32 $0x18, v52  }
0xff: {  	v3 =	vand.u32 $0x7, v3  }
0x100: {  	v3 =	vor.u32 v3, v4  }
0x101: {  	v4 =	vperm.xlane v3, v0;
	_ =	sdelay $0x1  }
0x102: {  	v4 =	vadd.s32 v1, v4;
	_ =	sdelay $0x1  }
0x103: {  	v3 =	vperm.xlane v3, v2;
	_ =	sdelay $0x1  }
0x104: {  	v3 =	vadd.s32 v1, v3  }
0x105: {  	[tilespmem:s13], [sflag:$0x1] =	stream.indirect_vreg.gather [hbm4b:s3+s2], $0x80, v4, vm0, $0xb8;
	[tilespmem:$0x12D00] =	vst v63  }
0x106: {  	s12 =	simm.s32 $0x2100  }
0x107: {  	[tilespmem:s12], [sflag:$0x1] =	stream.indirect_vreg.gather [hbm4b:s4+s2], $0x80, v4, vm1, $0xb8;
	[tilespmem:$0x12D00] =	vst v63  }
0x108: {  	_ = 	snop  }
0x109: {  	[tilespmem:s14], [sflag:$0x1] =	stream.indirect_vreg.gather [hbm4b:s3+s2], $0x80, v3, vm0, $0xb8;
	[tilespmem:$0x12D00] =	vst v63  }
0x10a: {  	s13 =	simm.s32 $0x2D00  }
0x10b: {  	[tilespmem:s13], [sflag:$0x1] =	stream.indirect_vreg.gather [hbm4b:s4+s2], $0x80, v3, vm1, $0xb8;
	[tilespmem:$0x12D00] =	vst v63  }
0x10c: {  	v3 =	vld [tilespmem:$0x20];
	_ =	sdelay $0x4  }
0x10d: {  	v53 =	vshrl.u32 v3, $0x3  }
0x10e: {  	v4 =	vmul.u32 $0x18, v53  }
0x10f: {  	v3 =	vand.u32 $0x7, v3  }
0x110: {  	v3 =	vor.u32 v3, v4  }
0x111: {  	v4 =	vperm.xlane v3, v0;
	_ =	sdelay $0x1  }
0x112: {  	v4 =	vadd.s32 v1, v4;
	_ =	sdelay $0x1  }
0x113: {  	v3 =	vperm.xlane v3, v2;
	_ =	sdelay $0x1  }
0x114: {  	v3 =	vadd.s32 v1, v3  }
0x115: {  	[tilespmem:s15], [sflag:$0x1] =	stream.indirect_vreg.gather [hbm4b:s3+s2], $0x80, v4, vm0, $0xb8;
	[tilespmem:$0x12D00] =	vst v63  }
0x116: {  	s14 =	simm.s32 $0x3900  }
0x117: {  	[tilespmem:s14], [sflag:$0x1] =	stream.indirect_vreg.gather [hbm4b:s4+s2], $0x80, v4, vm1, $0xb8;
	[tilespmem:$0x12D00] =	vst v63  }
0x118: {  	_ = 	snop  }
0x119: {  	[tilespmem:s16], [sflag:$0x1] =	stream.indirect_vreg.gather [hbm4b:s3+s2], $0x80, v3, vm0, $0xb8;
	[tilespmem:$0x12D00] =	vst v63  }
0x11a: {  	s15 =	simm.s32 $0x4500  }
0x11b: {  	[tilespmem:s15], [sflag:$0x1] =	stream.indirect_vreg.gather [hbm4b:s4+s2], $0x80, v3, vm1, $0xb8;
	[tilespmem:$0x12D00] =	vst v63  }
0x11c: {  	v3 =	vld [tilespmem:$0x30];
	_ =	sdelay $0x4  }
0x11d: {  	v54 =	vshrl.u32 v3, $0x3  }
0x11e: {  	v4 =	vmul.u32 $0x18, v54  }
0x11f: {  	v3 =	vand.u32 $0x7, v3  }
0x120: {  	v3 =	vor.u32 v3, v4  }
0x121: {  	v4 =	vperm.xlane v3, v0;
	_ =	sdelay $0x1  }
0x122: {  	v4 =	vadd.s32 v1, v4;
	_ =	sdelay $0x1  }
0x123: {  	v3 =	vperm.xlane v3, v2;
	_ =	sdelay $0x1  }
0x124: {  	v3 =	vadd.s32 v1, v3  }
0x125: {  	[tilespmem:s17], [sflag:$0x1] =	stream.indirect_vreg.gather [hbm4b:s3+s2], $0x80, v4, vm0, $0xb8;
	[tilespmem:$0x12D00] =	vst v63  }
0x126: {  	s16 =	simm.s32 $0x5100  }
0x127: {  	[tilespmem:s16], [sflag:$0x1] =	stream.indirect_vreg.gather [hbm4b:s4+s2], $0x80, v4, vm1, $0xb8;
	[tilespmem:$0x12D00] =	vst v63  }
0x128: {  	_ = 	snop  }
0x129: {  	[tilespmem:s18], [sflag:$0x1] =	stream.indirect_vreg.gather [hbm4b:s3+s2], $0x80, v3, vm0, $0xb8;
	[tilespmem:$0x12D00] =	vst v63  }
0x12a: {  	s17 =	simm.s32 $0x5D00  }
0x12b: {  	[tilespmem:s17], [sflag:$0x1] =	stream.indirect_vreg.gather [hbm4b:s4+s2], $0x80, v3, vm1, $0xb8;
	[tilespmem:$0x12D00] =	vst v63  }
0x12c: {  	v3 =	vld [tilespmem:$0x40];
	_ =	sdelay $0x4  }
0x12d: {  	v55 =	vshrl.u32 v3, $0x3  }
0x12e: {  	v4 =	vmul.u32 $0x18, v55  }
0x12f: {  	v3 =	vand.u32 $0x7, v3  }
0x130: {  	v3 =	vor.u32 v3, v4  }
0x131: {  	v4 =	vperm.xlane v3, v0;
	_ =	sdelay $0x1  }
0x132: {  	v4 =	vadd.s32 v1, v4;
	_ =	sdelay $0x1  }
0x133: {  	v3 =	vperm.xlane v3, v2;
	_ =	sdelay $0x1  }
0x134: {  	v3 =	vadd.s32 v1, v3  }
0x135: {  	[tilespmem:s19], [sflag:$0x1] =	stream.indirect_vreg.gather [hbm4b:s3+s2], $0x80, v4, vm0, $0xb8;
	[tilespmem:$0x12D00] =	vst v63  }
0x136: {  	s18 =	simm.s32 $0x6900  }
0x137: {  	[tilespmem:s18], [sflag:$0x1] =	stream.indirect_vreg.gather [hbm4b:s4+s2], $0x80, v4, vm1, $0xb8;
	[tilespmem:$0x12D00] =	vst v63  }
0x138: {  	_ = 	snop  }
0x139: {  	[tilespmem:s20], [sflag:$0x1] =	stream.indirect_vreg.gather [hbm4b:s3+s2], $0x80, v3, vm0, $0xb8;
	[tilespmem:$0x12D00] =	vst v63  }
0x13a: {  	s0 =	simm.s32 $0x7500  }
0x13b: {  	[tilespmem:s0], [sflag:$0x1] =	stream.indirect_vreg.gather [hbm4b:s4+s2], $0x80, v3, vm1, $0xb8;
	[tilespmem:$0x12D00] =	vst v63  }
0x13c: {  	v3 =	vld [tilespmem:$0x50];
	_ =	sdelay $0x4  }
0x13d: {  	v56 =	vshrl.u32 v3, $0x3  }
0x13e: {  	v4 =	vmul.u32 $0x18, v56  }
0x13f: {  	v3 =	vand.u32 $0x7, v3  }
0x140: {  	v3 =	vor.u32 v3, v4  }
0x141: {  	v4 =	vperm.xlane v3, v0;
	_ =	sdelay $0x1  }
0x142: {  	v4 =	vadd.s32 v1, v4;
	_ =	sdelay $0x1  }
0x143: {  	v3 =	vperm.xlane v3, v2;
	_ =	sdelay $0x1  }
0x144: {  	v3 =	vadd.s32 v1, v3  }
0x145: {  	[tilespmem:s21], [sflag:$0x1] =	stream.indirect_vreg.gather [hbm4b:s3+s2], $0x80, v4, vm0, $0xb8;
	[tilespmem:$0x12D00] =	vst v63  }
0x146: {  	s1 =	simm.s32 $0x8100  }
0x147: {  	[tilespmem:s1], [sflag:$0x1] =	stream.indirect_vreg.gather [hbm4b:s4+s2], $0x80, v4, vm1, $0xb8;
	[tilespmem:$0x12D00] =	vst v63  }
0x148: {  	_ = 	snop  }
0x149: {  	[tilespmem:s22], [sflag:$0x1] =	stream.indirect_vreg.gather [hbm4b:s3+s2], $0x80, v3, vm0, $0xb8;
	[tilespmem:$0x12D00] =	vst v63  }
0x14a: {  	s12 =	simm.s32 $0x8D00  }
0x14b: {  	[tilespmem:s12], [sflag:$0x1] =	stream.indirect_vreg.gather [hbm4b:s4+s2], $0x80, v3, vm1, $0xb8;
	[tilespmem:$0x12D00] =	vst v63  }
0x14c: {  	v3 =	vld [tilespmem:$0x60];
	_ =	sdelay $0x4  }
0x14d: {  	v57 =	vshrl.u32 v3, $0x3  }
0x14e: {  	v4 =	vmul.u32 $0x18, v57  }
0x14f: {  	v3 =	vand.u32 $0x7, v3  }
0x150: {  	v3 =	vor.u32 v3, v4  }
0x151: {  	v4 =	vperm.xlane v3, v0;
	_ =	sdelay $0x1  }
0x152: {  	v4 =	vadd.s32 v1, v4;
	_ =	sdelay $0x1  }
0x153: {  	v3 =	vperm.xlane v3, v2;
	_ =	sdelay $0x1  }
0x154: {  	v3 =	vadd.s32 v1, v3  }
0x155: {  	[tilespmem:s23], [sflag:$0x1] =	stream.indirect_vreg.gather [hbm4b:s3+s2], $0x80, v4, vm0, $0xb8;
	[tilespmem:$0x12D00] =	vst v63  }
0x156: {  	s13 =	simm.s32 $0x9900  }
0x157: {  	[tilespmem:s13], [sflag:$0x1] =	stream.indirect_vreg.gather [hbm4b:s4+s2], $0x80, v4, vm1, $0xb8;
	[tilespmem:$0x12D00] =	vst v63  }
0x158: {  	_ = 	snop  }
0x159: {  	[tilespmem:s24], [sflag:$0x1] =	stream.indirect_vreg.gather [hbm4b:s3+s2], $0x80, v3, vm0, $0xb8;
	[tilespmem:$0x12D00] =	vst v63  }
0x15a: {  	s14 =	simm.s32 $0xA500  }
0x15b: {  	[tilespmem:s14], [sflag:$0x1] =	stream.indirect_vreg.gather [hbm4b:s4+s2], $0x80, v3, vm1, $0xb8;
	[tilespmem:$0x12D00] =	vst v63  }
0x15c: {  	v3 =	vld [tilespmem:$0x70];
	_ =	sdelay $0x4  }
0x15d: {  	v58 =	vshrl.u32 v3, $0x3  }
0x15e: {  	v4 =	vmul.u32 $0x18, v58  }
0x15f: {  	v3 =	vand.u32 $0x7, v3  }
0x160: {  	v3 =	vor.u32 v3, v4  }
0x161: {  	v4 =	vperm.xlane v3, v0;
	_ =	sdelay $0x1  }
0x162: {  	v4 =	vadd.s32 v1, v4;
	_ =	sdelay $0x1  }
0x163: {  	v3 =	vperm.xlane v3, v2;
	_ =	sdelay $0x1  }
0x164: {  	v3 =	vadd.s32 v1, v3  }
0x165: {  	[tilespmem:s25], [sflag:$0x1] =	stream.indirect_vreg.gather [hbm4b:s3+s2], $0x80, v4, vm0, $0xb8;
	[tilespmem:$0x12D00] =	vst v63  }
0x166: {  	s15 =	simm.s32 $0xB100  }
0x167: {  	[tilespmem:s15], [sflag:$0x1] =	stream.indirect_vreg.gather [hbm4b:s4+s2], $0x80, v4, vm1, $0xb8;
	[tilespmem:$0x12D00] =	vst v63  }
0x168: {  	_ = 	snop  }
0x169: {  	[tilespmem:s26], [sflag:$0x1] =	stream.indirect_vreg.gather [hbm4b:s3+s2], $0x80, v3, vm0, $0xb8;
	[tilespmem:$0x12D00] =	vst v63  }
0x16a: {  	s16 =	simm.s32 $0xBD00  }
0x16b: {  	[tilespmem:s16], [sflag:$0x1] =	stream.indirect_vreg.gather [hbm4b:s4+s2], $0x80, v3, vm1, $0xb8;
	[tilespmem:$0x12D00] =	vst v63  }
0x16c: {  	v3 =	vld [tilespmem:$0x80];
	_ =	sdelay $0x4  }
0x16d: {  	v59 =	vshrl.u32 v3, $0x3  }
0x16e: {  	v4 =	vmul.u32 $0x18, v59  }
0x16f: {  	v3 =	vand.u32 $0x7, v3  }
0x170: {  	v3 =	vor.u32 v3, v4  }
0x171: {  	v4 =	vperm.xlane v3, v0;
	_ =	sdelay $0x1  }
0x172: {  	v4 =	vadd.s32 v1, v4;
	_ =	sdelay $0x1  }
0x173: {  	v3 =	vperm.xlane v3, v2;
	_ =	sdelay $0x1  }
0x174: {  	v3 =	vadd.s32 v1, v3  }
0x175: {  	[tilespmem:s28], [sflag:$0x1] =	stream.indirect_vreg.gather [hbm4b:s3+s2], $0x80, v4, vm0, $0xb8;
	[tilespmem:$0x12D00] =	vst v63  }
0x176: {  	s17 =	simm.s32 $0xC900  }
0x177: {  	[tilespmem:s17], [sflag:$0x1] =	stream.indirect_vreg.gather [hbm4b:s4+s2], $0x80, v4, vm1, $0xb8;
	[tilespmem:$0x12D00] =	vst v63  }
0x178: {  	_ = 	snop  }
0x179: {  	[tilespmem:s29], [sflag:$0x1] =	stream.indirect_vreg.gather [hbm4b:s3+s2], $0x80, v3, vm0, $0xb8;
	[tilespmem:$0x12D00] =	vst v63  }
0x17a: {  	s18 =	simm.s32 $0xD500  }
0x17b: {  	[tilespmem:s18], [sflag:$0x1] =	stream.indirect_vreg.gather [hbm4b:s4+s2], $0x80, v3, vm1, $0xb8;
	[tilespmem:$0x12D00] =	vst v63  }
0x17c: {  	v3 =	vld [tilespmem:$0x90];
	_ =	sdelay $0x4  }
0x17d: {  	v60 =	vshrl.u32 v3, $0x3  }
0x17e: {  	v4 =	vmul.u32 $0x18, v60  }
0x17f: {  	v3 =	vand.u32 $0x7, v3  }
0x180: {  	v3 =	vor.u32 v3, v4  }
0x181: {  	v4 =	vperm.xlane v3, v0;
	_ =	sdelay $0x1  }
0x182: {  	v4 =	vadd.s32 v1, v4;
	_ =	sdelay $0x1  }
0x183: {  	v3 =	vperm.xlane v3, v2;
	_ =	sdelay $0x1  }
0x184: {  	v3 =	vadd.s32 v1, v3  }
0x185: {  	[tilespmem:s30], [sflag:$0x1] =	stream.indirect_vreg.gather [hbm4b:s3+s2], $0x80, v4, vm0, $0xb8;
	[tilespmem:$0x12D00] =	vst v63  }
0x186: {  	s19 =	simm.s32 $0xE100  }
0x187: {  	[tilespmem:s19], [sflag:$0x1] =	stream.indirect_vreg.gather [hbm4b:s4+s2], $0x80, v4, vm1, $0xb8;
	[tilespmem:$0x12D00] =	vst v63  }
0x188: {  	_ = 	snop  }
0x189: {  	[tilespmem:s31], [sflag:$0x1] =	stream.indirect_vreg.gather [hbm4b:s3+s2], $0x80, v3, vm0, $0xb8;
	[tilespmem:$0x12D00] =	vst v63  }
0x18a: {  	s20 =	simm.s32 $0xED00  }
0x18b: {  	[tilespmem:s20], [sflag:$0x1] =	stream.indirect_vreg.gather [hbm4b:s4+s2], $0x80, v3, vm1, $0xb8;
	[tilespmem:$0x12D00] =	vst v63  }
0x18c: {  	v3 =	vld [tilespmem:$0xA0];
	_ =	sdelay $0x4  }
0x18d: {  	v61 =	vshrl.u32 v3, $0x3  }
0x18e: {  	v4 =	vmul.u32 $0x18, v61  }
0x18f: {  	v3 =	vand.u32 $0x7, v3  }
0x190: {  	v3 =	vor.u32 v3, v4  }
0x191: {  	v4 =	vperm.xlane v3, v0;
	_ =	sdelay $0x1  }
0x192: {  	v4 =	vadd.s32 v1, v4;
	_ =	sdelay $0x1  }
0x193: {  	v3 =	vperm.xlane v3, v2;
	_ =	sdelay $0x1  }
0x194: {  	s22 =	simm.s32 $0xF100;
	v3 =	vadd.s32 v1, v3  }
0x195: {  	[tilespmem:s22], [sflag:$0x1] =	stream.indirect_vreg.gather [hbm4b:s3+s2], $0x80, v4, vm0, $0xb8;
	[tilespmem:$0x12D00] =	vst v63  }
0x196: {  	s23 =	simm.s32 $0xF900  }
0x197: {  	[tilespmem:s23], [sflag:$0x1] =	stream.indirect_vreg.gather [hbm4b:s4+s2], $0x80, v4, vm1, $0xb8;
	[tilespmem:$0x12D00] =	vst v63  }
0x198: {  	_ = 	snop  }
0x199: {  	[tilespmem:s9], [sflag:$0x1] =	stream.indirect_vreg.gather [hbm4b:s3+s2], $0x80, v3, vm0, $0xb8;
	[tilespmem:$0x12D00] =	vst v63  }
0x19a: {  	s21 =	simm.s32 $0x10500  }
0x19b: {  	[tilespmem:s21], [sflag:$0x1] =	stream.indirect_vreg.gather [hbm4b:s4+s2], $0x80, v3, vm1, $0xb8;
	[tilespmem:$0x12D00] =	vst v63  }
0x19c: {  	v3 =	vld [tilespmem:$0xB0];
	_ =	sdelay $0x4  }
0x19d: {  	v62 =	vshrl.u32 v3, $0x3  }
0x19e: {  	v4 =	vmul.u32 $0x18, v62  }
0x19f: {  	v3 =	vand.u32 $0x7, v3  }
0x1a0: {  	v3 =	vor.u32 v3, v4  }
0x1a1: {  	v4 =	vperm.xlane v3, v0;
	_ =	sdelay $0x1  }
0x1a2: {  	v4 =	vadd.s32 v1, v4;
	_ =	sdelay $0x1  }
0x1a3: {  	v3 =	vperm.xlane v3, v2;
	_ =	sdelay $0x1  }
0x1a4: {  	s25 =	simm.s32 $0x10900;
	v3 =	vadd.s32 v1, v3  }
0x1a5: {  	[tilespmem:s25], [sflag:$0x1] =	stream.indirect_vreg.gather [hbm4b:s3+s2], $0x80, v4, vm0, $0xb8;
	[tilespmem:$0x12D00] =	vst v63  }
0x1a6: {  	s26 =	simm.s32 $0x11100  }
0x1a7: {  	[tilespmem:s26], [sflag:$0x1] =	stream.indirect_vreg.gather [hbm4b:s4+s2], $0x80, v4, vm1, $0xb8;
	[tilespmem:$0x12D00] =	vst v63  }
0x1a8: {  	s28 =	simm.s32 $0x11500  }
0x1a9: {  	[tilespmem:s28], [sflag:$0x1] =	stream.indirect_vreg.gather [hbm4b:s3+s2], $0x80, v3, vm0, $0xb8;
	[tilespmem:$0x12D00] =	vst v63  }
0x1aa: {  	s29 =	simm.s32 $0x11D00  }
0x1ab: {  	[tilespmem:s29], [sflag:$0x1] =	stream.indirect_vreg.gather [hbm4b:s4+s2], $0x80, v3, vm1, $0xb8;
	[tilespmem:$0x12D00] =	vst v63  }
0x1ac: {  	v3 =	vld.msk [tilespmem:$0xC0], $0xff;
	_ =	sdelay $0x4  }
0x1ad: {  	v63 =	vshrl.u32 v3, $0x3  }
0x1ae: {  	v4 =	vmul.u32 $0x18, v63  }
0x1af: {  	v3 =	vand.u32 $0x7, v3  }
0x1b0: {  	v3 =	vor.u32 v3, v4  }
0x1b1: {  	v3 =	vperm.xlane v3, v0;
	_ =	sdelay $0x1  }
0x1b2: {  	v3 =	vadd.s32 v1, v3;
	_ =	sdelay $0x3  }
0x1b3: {  	s30 =	simm.s32 $0x12100  }
0x1b4: {  	[tilespmem:s30], [sflag:$0x1] =	stream.indirect_vreg.gather [hbm4b:s3+s2], $0x80, v3, vm0, $0xb8;
	[tilespmem:$0x12D00] =	vst v63  }
0x1b5: {  	s31 =	simm.s32 $0x12900  }
0x1b6: {  	[tilespmem:s31], [sflag:$0x1] =	stream.indirect_vreg.gather [hbm4b:s4+s2], $0x80, v3, vm1, $0xb8;
	[tilespmem:$0x12D00] =	vst v63  }
0x1b7: {  	_ =	swait.ge [sflag:s5], $0x12C00  }
0x1b8: {  	p0 =	sne.s32 s10, $0x258;
	[sflag:s5] =	ssyncset.done $0x0  }
.Ltmp0:
0x1b9: {  	s24 =	simm.s32 $0x100;
	[sflag:s5] =	ssyncadd.s32 $0xFFFED400;
	(pc) =	sbr.rel @p0 .LBB2_2-.Ltmp0, $4  }
0x1ba: {  	[hbm4b:s6+s2] =	stream.linear.scatter [tilespmem:s24], [sflag:$0x2], $0x12C00, $0x38;
	[tilespmem:$0x12D00] =	vst v63  }
0x1bb: {  	_ =	swait.ge [sflag:s8], $0x12C00  }
0x1bc: {  	s7 =	sadd.s32 $0x2580, s7;
	[sflag:s8] =	ssyncset.done $0x0  }
0x1bd: {  	s10 =	sadd.s32 $0x19, s10;
	s6 =	sadd.s32 $0x2580, s6;
	[sflag:s8] =	ssyncadd.s32 $0xFFFED400  }
0x1be: {  	s0 =	rddreg [dreg:$0x8]  }
0x1bf: {  	s6 =	rddreg [dreg:$0x5];
	s0 =	sadd.s32 $0x1, s0  }
0x1c0: {  	p0 =	sne.s32 s0, s6  }
.Ltmp1:
0x1c1: {  	_ = 	snop;
	(pc) =	sbr.rel @p0 .LBB2_1-.Ltmp1, $1  }
0x1c2: {  	_ =	sdelay $0x3  }
0x1c3: {  	_ =	sfence.sel $0x180000  }
0x1c4: {  	[bflag:$0x0] =	sbarrier.arrive $0xFFFF  }
0x1c5: {  	_ =	strace $0x90000047  }
0x1c6: {  	s0 =	stileid.u32;
	[bflag:$0x2] =	sbarrier.arrive $0xFFFF  }
0x1c7: {  	p0 =	sne.s32 s0, $0x0;
	s0 =	rddreg [dreg:$0x2]  }
0x1c8: {  	s0 =	sadd.s32 @!p0 $0x100000, s0  }
0x1c9: {  	[sflag:s0] =	ssyncadd.tile.s32 @!p0 $0x1;
	_ =	shalt  }
.Lfunc_end2:
_tile_overlayer_lowered:
.L_overlay_start_2:
0x1ca: {  	(tag) =	ssettag $0x2  }
0x1cb: {  	s0 =	rddreg [dreg:$0x0];
	s2 =	stileid.u32  }
0x1cc: {  	s1 =	rddreg [dreg:$0x1];
	p0 =	sne.s32 s2, $0x0  }
0x1cd: {  	s3 =	rddreg [dreg:$0x2];
	[bflag:$0x3] =	sbarrier.arrive $0xFFFF;
	s2 =	simm.s32 @!p0 $0x1C02  }
0x1ce: {  	[timem:s3], [sflag:s2] =	dma.local @!p0 [hbm:s0], s1  }
0x1cf: {  	s0 =	simm.s32 @!p0 $0x2  }
0x1d0: {  	_ =	swait.ge @!p0 [sflag:s0], s1  }
0x1d1: {  	s1 =	ssub.s32 @!p0 $0x0, s1;
	[sflag:s0] =	ssyncset.done @!p0 $0x0  }
0x1d2: {  	[sflag:s0] =	ssyncadd.s32 @!p0 s1  }
0x1d3: {  	[bflag:$0x3] =	sbarrier.arrive $0xFFFF  }
0x1d4: {  	_ =	shalt  }

// kernel: scatter_offload_async_start
scs
__scs_entry_jumppad:
0x0: {  	(pc) =	sbr.rel $0x88, $3  }
0x1: {  	(tag) =	ssettag $0x0;
	lr =	simm.s32 $0x1  }
0x2: {  	[smem:$0x3F8F] =	sst lr;
	_ =	strace $0xD0000000  }
0x3: {  	_ = 	snop  }
0x4: {  	_ = 	snop  }
0x5: {  	_ = 	snop  }
0x6: {  	_ = 	snop  }
0x7: {  	_ = 	snop  }
__scs_overlays_trampoline_lowered:
0x8: {  	[smem:$0x3F9E] =	sst s0  }
0x9: {  	[smem:$0x3F9F] =	sst s1  }
0xa: {  	[smem:$0x3FA0] =	sst s2  }
0xb: {  	[smem:$0x3FA1] =	sst s3  }
0xc: {  	[smem:$0x3FA2] =	sst s4  }
0xd: {  	[smem:$0x3FA3] =	sst s5  }
0xe: {  	[smem:$0x3FA4] =	sst s6  }
0xf: {  	[smem:$0x3FA5] =	sst s7  }
0x10: {  	[smem:$0x3FA6] =	sst s8  }
0x11: {  	[smem:$0x3FA7] =	sst s9;
	s0 =	simm.s32 @!p0 $0x0  }
0x12: {  	s1 =	sld [smem:$0x3F8D];
	s0 =	simm.s32 @p0 $0x1  }
0x13: {  	[smem:$0x3FA8] =	sst s0;
	s0 =	simm.s32 @!p1 $0x0  }
0x14: {  	s2 =	sld [smem:$0x3F8C];
	s0 =	simm.s32 @p1 $0x1  }
0x15: {  	[smem:$0x3FA9] =	sst s0;
	s0 =	simm.s32 @!p2 $0x0  }
0x16: {  	s3 =	sld [smem:$0x3FDB];
	s0 =	simm.s32 @p2 $0x1  }
0x17: {  	s4 =	simm.s32 $0x1BF5;
	[smem:$0x3FAB] =	sst s0  }
0x18: {  	s0 =	sld [smem:$0x3F8E];
	_ =	swait.ge [sflag:s4], $0x0  }
0x19: {  	s7 =	sld [smem:$0x3F8F]  }
0x1a: {  	s8 =	sadd.s32 $0xFFFFE003, lr  }
0x1b: {  	s9 =	sadd.s32 $0xFFFFFEF7, lr;
	s5 =	simm.s32 $0xFFFFFFFF;
	p2 =	slt.u32 s8, $0xFFFFF086  }
0x1c: {  	p1 =	slt.u32 s9, $0xF7A;
	s5 =	simm.s32 @!p2 $0x0  }
0x1d: {  	s5 =	simm.s32 @p1 $0x1;
	p0 =	seq.s32 s7, s2  }
0x1e: {  	s7 =	smul.u32 @!p0 $0xF7A, s2;
	p2 =	seq.s32 @!p0 s5, $0x0  }
0x1f: {  	s9 =	smul.u32 $0xF7A, s1;
	s8 =	simm.s32 @!p0 $0x1BF5;
	p2 =	por !p2, p0  }
0x20: {  	[sflag:s8] =	ssyncset.s32 @!p0 $0xFFFFF086;
	s6 =	sadd.s32 @!p0 s3, s7;
	s7 =	simm.s32 @!p0 $0x108  }
0x21: {  	s3 =	sadd.s32 s3, s9;
	s6 =	sadd.s32 @!p0 $0x88, s6;
	s7 =	simm.s32 @p2 $0x1082  }
0x22: {  	[simem:s7], [sflag:s8] =	dma.local @!p0 [hbm:s6], $0xF7A  }
0x23: {  	s9 =	sor.u32 $0xD0000000, s2;
	s6 =	simm.s32 $0x108;
	_ =	swait.ge @!p0 [sflag:s8], $0x0  }
0x24: {  	s3 =	sadd.s32 $0x88, s3;
	s6 =	simm.s32 @!p1 $0x1082;
	[sflag:s4] =	ssyncset.s32 $0xFFFFF086  }
0x25: {  	[simem:s6], [sflag:s4] =	dma.local [hbm:s3], $0xF7A  }
0x26: {  	[smem:$0x3F8F] =	sst s1;
	(tag) =	ssettag s2;
	_ =	strace s9  }
0x27: {  	s1 =	sld [smem:$0x3F9F]  }
0x28: {  	s2 =	sld [smem:$0x3FA0]  }
0x29: {  	s4 =	sld [smem:$0x3FA2]  }
0x2a: {  	p0 =	seq.s32 s5, $0x0;
	s5 =	sld [smem:$0x3FA3]  }
0x2b: {  	s6 =	sld [smem:$0x3FA4]  }
0x2c: {  	s7 =	sld [smem:$0x3FA5]  }
0x2d: {  	s3 =	simm.s32 $0x108;
	s8 =	sld [smem:$0x3FA6]  }
0x2e: {  	s3 =	simm.s32 @!p0 $0x1082;
	s9 =	sld [smem:$0x3FA7]  }
0x2f: {  	lr =	sadd.s32 s0, s3;
	s0 =	sld [smem:$0x3F9E]  }
0x30: {  	s3 =	sld [smem:$0x3FA1]  }
0x31: {  	[smem:$0x3FAA] =	sst s10  }
0x32: {  	s10 =	sld [smem:$0x3FA8];
	_ =	sdelay $0x3  }
0x33: {  	p0 =	seq.s32 s10, $0x1;
	s10 =	sld [smem:$0x3FAA];
	_ =	sdelay $0x3  }
0x34: {  	[smem:$0x3FAA] =	sst s10  }
0x35: {  	s10 =	sld [smem:$0x3FA9];
	_ =	sdelay $0x3  }
0x36: {  	p1 =	seq.s32 s10, $0x1;
	s10 =	sld [smem:$0x3FAA];
	_ =	sdelay $0x3  }
0x37: {  	[smem:$0x3FAA] =	sst s10  }
0x38: {  	s10 =	sld [smem:$0x3FAB]  }
0x39: {  	_ = 	snop;
	(pc) =	sbr.ind lr, $3  }
0x3a: {  	_ = 	snop  }
0x3b: {  	_ = 	snop  }
0x3c: {  	p2 =	seq.s32 s10, $0x1;
	s10 =	sld [smem:$0x3FAA]  }
0x3d: {  	_ =	shalt  }
0x3e: {  	_ =	shalt  }
0x3f: {  	_ =	shalt  }
0x40: {  	_ =	shalt  }
0x41: {  	_ =	shalt  }
0x42: {  	_ =	shalt  }
0x43: {  	_ =	shalt  }
0x44: {  	_ =	shalt  }
0x45: {  	_ =	shalt  }
0x46: {  	_ =	shalt  }
0x47: {  	_ =	shalt  }
0x48: {  	_ =	shalt  }
0x49: {  	_ =	shalt  }
0x4a: {  	_ =	shalt  }
0x4b: {  	_ =	shalt  }
0x4c: {  	_ =	shalt  }
0x4d: {  	_ =	shalt  }
0x4e: {  	_ =	shalt  }
0x4f: {  	_ =	shalt  }
0x50: {  	_ =	shalt  }
0x51: {  	_ =	shalt  }
0x52: {  	_ =	shalt  }
0x53: {  	_ =	shalt  }
0x54: {  	_ =	shalt  }
0x55: {  	_ =	shalt  }
0x56: {  	_ =	shalt  }
0x57: {  	_ =	shalt  }
0x58: {  	_ =	shalt  }
0x59: {  	_ =	shalt  }
0x5a: {  	_ =	shalt  }
0x5b: {  	_ =	shalt  }
0x5c: {  	_ =	shalt  }
0x5d: {  	_ =	shalt  }
0x5e: {  	_ =	shalt  }
0x5f: {  	_ =	shalt  }
0x60: {  	_ =	shalt  }
0x61: {  	_ =	shalt  }
0x62: {  	_ =	shalt  }
0x63: {  	_ =	shalt  }
0x64: {  	_ =	shalt  }
0x65: {  	_ =	shalt  }
0x66: {  	_ =	shalt  }
0x67: {  	_ =	shalt  }
0x68: {  	_ =	shalt  }
0x69: {  	_ =	shalt  }
0x6a: {  	_ =	shalt  }
0x6b: {  	_ =	shalt  }
0x6c: {  	_ =	shalt  }
0x6d: {  	_ =	shalt  }
0x6e: {  	_ =	shalt  }
0x6f: {  	_ =	shalt  }
0x70: {  	_ =	shalt  }
0x71: {  	_ =	shalt  }
0x72: {  	_ =	shalt  }
0x73: {  	_ =	shalt  }
0x74: {  	_ =	shalt  }
0x75: {  	_ =	shalt  }
0x76: {  	_ =	shalt  }
0x77: {  	_ =	shalt  }
0x78: {  	_ =	shalt  }
0x79: {  	_ =	shalt  }
0x7a: {  	_ =	shalt  }
0x7b: {  	_ =	shalt  }
0x7c: {  	_ =	shalt  }
0x7d: {  	_ =	shalt  }
0x7e: {  	_ =	shalt  }
0x7f: {  	_ =	shalt  }
0x80: {  	_ =	shalt  }
0x81: {  	_ =	shalt  }
0x82: {  	_ =	shalt  }
0x83: {  	_ =	shalt  }
0x84: {  	_ =	shalt  }
0x85: {  	_ =	shalt  }
0x86: {  	_ =	shalt  }
0x87: {  	_ =	shalt  }
.Lfunc_end0:
.L_simem_size_0:
called_computation_lowered:
.L_overlay_start_0:
0x88: {  	s2 =	sld [smem:$0x3FD9]  }
0x89: {  	s3 =	sld [smem:$0x3FFE];
	_ =	sdelay $0x1  }
0x8a: {  	s1 =	srdreg.scid  }
0x8b: {  	s0 =	sand.u32 $0x1, s1  }
0x8c: {  	s16 =	sshll.u32 s0, $0xA;
	s2 =	sadd.s32 s3, s2  }
0x8d: {  	s2 =	sadd.s32 s2, s16  }
0x8e: {  	[smem:$0x3FB6] =	sst s2  }
0x8f: {  	_ = 	snop  }
0x90: {  	s2 =	sld [smem:$0x3FD0];
	(tm) =	ssettm $0x1  }
0x91: {  	s17 =	sld [smem:$0x3FFB];
	_ =	sdelay $0x3  }
0x92: {  	_ =	strace s17  }
0x93: {  	s3 =	sld [smem:$0x3FFC];
	_ =	sdelay $0x3  }
0x94: {  	_ =	strace s3  }
0x95: {  	s3 =	sld [smem:$0x3FFD];
	_ =	sdelay $0x3  }
0x96: {  	_ =	strace s3  }
0x97: {  	_ =	strace $0x8FFFFFFF  }
0x98: {  	s18 =	sld [smem:$0x3FDB];
	_ =	sdelay $0x1  }
0x99: {  	s4 =	simm.s32 $_scs_section_size  }
0x9a: {  	s5 =	simm.s32 $_size__tile_overlayer_lowered;
	s6 =	simm.s32 $_tile_overlayer_lowered  }
0x9b: {  	s21 =	simm.s32 $0x1BFF;
	s20 =	sshll.u32 s6, $0x1;
	s3 =	sadd.s32 s4, s18  }
0x9c: {  	s7 =	simm.s32 $0x0;
	s19 =	sshll.u32 s5, $0x1;
	s5 =	sadd.s32 s20, s3  }
0x9d: {  	[timem:s7], [sflag:s21] =	dma.local [hbm:s5], s19  }
0x9e: {  	_ =	swait.ge [sflag:s21], s19  }
0x9f: {  	s4 =	ssub.s32 $0x0, s19;
	[sflag:s21] =	ssyncset.done $0x0  }
0xa0: {  	[sflag:s21] =	ssyncadd.s32 s4;
	_ =	sdelay $0x1  }
0xa1: {  	s22 =	simm.s32 $0x1B8B  }
0xa2: {  	_ =	swait.ge [sflag:s22], $0x1  }
0xa3: {  	[sflag:s22] =	ssyncset.done $0x0  }
0xa4: {  	s23 =	sld [smem:$0x3FFE];
	[sflag:s22] =	ssyncadd.s32 $0xFFFFFFFF  }
0xa5: {  	s25 =	simm.s32 $0x1B8E;
	s24 =	sld [smem:$0x0]  }
0xa6: {  	s26 =	simm.s32 $execute0_lowered;
	[smem:$0x3FD2] =	sst s25  }
0xa7: {  	s6 =	sshll.u32 s26, $0x1;
	_ =	strace $0x80000049;
	[dreg:$0x1] =	wrdreg $0xFFFFFFFF  }
0xa8: {  	s28 =	simm.s32 $_size_execute0_lowered;
	s3 =	sadd.s32 s3, s6;
	[dreg:$0x0] =	wrdreg $0x0  }
0xa9: {  	s6 =	sshll.u32 s28, $0x1;
	[dreg:$0x2] =	wrdreg s3  }
0xaa: {  	[dreg:$0x3] =	wrdreg s6  }
0xab: {  	[dreg:$0x4] =	wrdreg $0xC0  }
0xac: {  	_ =	task [dreg:s7], $0x5FFFF  }
0xad: {  	[dreg:$0x1] =	wrdreg $0xFFFFFFFF  }
0xae: {  	[dreg:$0x0] =	wrdreg $0x60  }
0xaf: {  	[dreg:$0x2] =	wrdreg s2  }
0xb0: {  	[dreg:$0x3] =	wrdreg s23  }
0xb1: {  	[dreg:$0x4] =	wrdreg s1  }
0xb2: {  	[dreg:$0x5] =	wrdreg s24  }
0xb3: {  	[dreg:$0x6] =	wrdreg $0x9  }
0xb4: {  	_ =	task.clear_ibuf [dreg:s7], $0x7FFFF;
	_ =	strace $0x90000049  }
0xb5: {  	s29 =	simm.s32 $0x9;
	_ =	strace $0x8000004B  }
0xb6: {  	_ =	swait.ge [sflag:s29], $0x1  }
0xb7: {  	[sflag:s29] =	ssyncadd.s32 $0xFFFFFFFF  }
0xb8: {  	_ =	strace $0x9000004B  }
0xb9: {  	_ =	sfence  }
0xba: {  	s30 =	sld [smem:$0x0];
	_ =	sdelay $0x2  }
0xbb: {  	s31 =	sshll.u32 s1, $0xD;
	s1 =	sshrl.u32 s1, $0x2  }
0xbc: {  	s3 =	sand.u32 $0x4000, s31;
	s1 =	sadd.s32 s1, s30  }
0xbd: {  	s0 =	sor.u32 s3, s0;
	s1 =	sshll.u32 s1, $0x11  }
0xbe: {  	s0 =	sor.u32 s1, s0  }
0xbf: {  	s0 =	sadd.s32 $0x8F2B, s0  }
0xc0: {  	[sflag:s0] =	ssyncadd.remote.s32 $0x1  }
0xc1: {  	_ =	sfence.sel $0xFFFF  }
0xc2: {  	[dreg:$0x0] =	wrdreg $0xFFFFFFFF;
	(pc) =	sbr.abs _section_cstart, $3  }
0xc3: {  	[dreg:$0x1] =	wrdreg $0xFFFFFFFF  }
0xc4: {  	_ =	task.clear_ibuf [dreg:s7], $0x2FFFF;
	_ =	strace $0x9FFFFFFF  }
0xc5: {  	(tm) =	ssettm $0x7FFFFFFF  }
tec
execute0_lowered:
.L_overlay_start_1:
0x0: {  	(tag) =	ssettag $0x1  }
0x1: {  	s1 =	rddreg [dreg:$0x0]  }
0x2: {  	s11 =	rddreg [dreg:$0x1]  }
0x3: {  	s3 =	rddreg [dreg:$0x2];
	_ =	strace $0x8000004A;
	s12 =	simm.s32 $0x1  }
0x4: {  	v0 =	vimm.s32 $0x0;
	[sflag:s12] =	ssyncpa.u1 $0x0  }
0x5: {  	[tilespmem:$0x28] =	vst v0  }
0x6: {  	[tilespmem:$0x38] =	vst v0  }
0x7: {  	[tilespmem:$0x48] =	vst v0  }
0x8: {  	[tilespmem:$0x58] =	vst v0  }
0x9: {  	[tilespmem:$0x68] =	vst v0  }
0xa: {  	[tilespmem:$0x78] =	vst v0  }
0xb: {  	[tilespmem:$0x88] =	vst v0  }
0xc: {  	[tilespmem:$0x98] =	vst v0  }
0xd: {  	[tilespmem:$0xA8] =	vst v0  }
0xe: {  	[tilespmem:$0xB8] =	vst v0  }
0xf: {  	[tilespmem:$0xC8] =	vst v0  }
0x10: {  	[tilespmem:$0xD8] =	vst v0  }
0x11: {  	[tilespmem:$0xE8] =	vst v0  }
0x12: {  	[tilespmem:$0xF8] =	vst v0  }
0x13: {  	[tilespmem:$0x108] =	vst v0  }
0x14: {  	[tilespmem:$0x118] =	vst v0  }
0x15: {  	[tilespmem:$0x128] =	vst v0  }
0x16: {  	[tilespmem:$0x138] =	vst v0  }
0x17: {  	[tilespmem:$0x148] =	vst v0  }
0x18: {  	[tilespmem:$0x158] =	vst v0  }
0x19: {  	[tilespmem:$0x168] =	vst v0  }
0x1a: {  	[tilespmem:$0x178] =	vst v0  }
0x1b: {  	[tilespmem:$0x188] =	vst v0  }
0x1c: {  	[tilespmem:$0x198] =	vst v0  }
0x1d: {  	[tilespmem:$0x1A8] =	vst v0  }
0x1e: {  	[tilespmem:$0x1B8] =	vst v0  }
0x1f: {  	[tilespmem:$0x1C8] =	vst v0  }
0x20: {  	[tilespmem:$0x1D8] =	vst v0  }
0x21: {  	[tilespmem:$0x1E8] =	vst v0  }
0x22: {  	[tilespmem:$0x1F8] =	vst v0  }
0x23: {  	[tilespmem:$0x208] =	vst v0  }
0x24: {  	[tilespmem:$0x218] =	vst v0  }
0x25: {  	[tilespmem:$0x228] =	vst v0  }
0x26: {  	[tilespmem:$0x238] =	vst v0  }
0x27: {  	[tilespmem:$0x248] =	vst v0  }
0x28: {  	[tilespmem:$0x258] =	vst v0  }
0x29: {  	[tilespmem:$0x268] =	vst v0  }
0x2a: {  	[tilespmem:$0x278] =	vst v0  }
0x2b: {  	[tilespmem:$0x288] =	vst v0  }
0x2c: {  	[tilespmem:$0x298] =	vst v0  }
0x2d: {  	[tilespmem:$0x2A8] =	vst v0  }
0x2e: {  	[tilespmem:$0x2B8] =	vst v0  }
0x2f: {  	[tilespmem:$0x2C8] =	vst v0  }
0x30: {  	[tilespmem:$0x2D8] =	vst v0  }
0x31: {  	[tilespmem:$0x2E8] =	vst v0  }
0x32: {  	[tilespmem:$0x2F8] =	vst v0  }
0x33: {  	[tilespmem:$0x308] =	vst v0  }
0x34: {  	[tilespmem:$0x318] =	vst v0  }
0x35: {  	[tilespmem:$0x328] =	vst v0  }
0x36: {  	[tilespmem:$0x338] =	vst v0  }
0x37: {  	[tilespmem:$0x348] =	vst v0  }
0x38: {  	[tilespmem:$0x358] =	vst v0  }
0x39: {  	[tilespmem:$0x368] =	vst v0  }
0x3a: {  	[tilespmem:$0x378] =	vst v0  }
0x3b: {  	[tilespmem:$0x388] =	vst v0  }
0x3c: {  	[tilespmem:$0x398] =	vst v0  }
0x3d: {  	[tilespmem:$0x3A8] =	vst v0  }
0x3e: {  	[tilespmem:$0x3B8] =	vst v0  }
0x3f: {  	[tilespmem:$0x3C8] =	vst v0  }
0x40: {  	[tilespmem:$0x3D8] =	vst v0  }
0x41: {  	[tilespmem:$0x3E8] =	vst v0  }
0x42: {  	[tilespmem:$0x3F8] =	vst v0  }
0x43: {  	[tilespmem:$0x408] =	vst v0  }
0x44: {  	[tilespmem:$0x418] =	vst v0  }
0x45: {  	[tilespmem:$0x428] =	vst v0  }
0x46: {  	[tilespmem:$0x438] =	vst v0  }
0x47: {  	[tilespmem:$0x448] =	vst v0  }
0x48: {  	[tilespmem:$0x458] =	vst v0  }
0x49: {  	[tilespmem:$0x468] =	vst v0  }
0x4a: {  	[tilespmem:$0x478] =	vst v0  }
0x4b: {  	[tilespmem:$0x488] =	vst v0  }
0x4c: {  	[tilespmem:$0x498] =	vst v0  }
0x4d: {  	[tilespmem:$0x4A8] =	vst v0  }
0x4e: {  	[tilespmem:$0x4B8] =	vst v0  }
0x4f: {  	[tilespmem:$0x4C8] =	vst v0  }
0x50: {  	[tilespmem:$0x4D8] =	vst v0  }
0x51: {  	[tilespmem:$0x4E8] =	vst v0  }
0x52: {  	[tilespmem:$0x4F8] =	vst v0  }
0x53: {  	[tilespmem:$0x508] =	vst v0  }
0x54: {  	[tilespmem:$0x518] =	vst v0  }
0x55: {  	[tilespmem:$0x528] =	vst v0  }
0x56: {  	[tilespmem:$0x538] =	vst v0  }
0x57: {  	[tilespmem:$0x548] =	vst v0  }
0x58: {  	[tilespmem:$0x558] =	vst v0  }
0x59: {  	[tilespmem:$0x568] =	vst v0  }
0x5a: {  	[tilespmem:$0x578] =	vst v0  }
0x5b: {  	[tilespmem:$0x588] =	vst v0  }
0x5c: {  	[tilespmem:$0x598] =	vst v0  }
0x5d: {  	[tilespmem:$0x5A8] =	vst v0  }
0x5e: {  	[tilespmem:$0x5B8] =	vst v0  }
0x5f: {  	[tilespmem:$0x5C8] =	vst v0  }
0x60: {  	[tilespmem:$0x5D8] =	vst v0  }
0x61: {  	[tilespmem:$0x5E8] =	vst v0  }
0x62: {  	[tilespmem:$0x5F8] =	vst v0  }
0x63: {  	[tilespmem:$0x608] =	vst v0  }
0x64: {  	[tilespmem:$0x618] =	vst v0  }
0x65: {  	[tilespmem:$0x628] =	vst v0  }
0x66: {  	[tilespmem:$0x638] =	vst v0  }
0x67: {  	[tilespmem:$0x648] =	vst v0  }
0x68: {  	[tilespmem:$0x658] =	vst v0  }
0x69: {  	[tilespmem:$0x668] =	vst v0  }
0x6a: {  	[tilespmem:$0x678] =	vst v0  }
0x6b: {  	[tilespmem:$0x688] =	vst v0  }
0x6c: {  	[tilespmem:$0x698] =	vst v0  }
0x6d: {  	[tilespmem:$0x6A8] =	vst v0  }
0x6e: {  	[tilespmem:$0x6B8] =	vst v0  }
0x6f: {  	[tilespmem:$0x6C8] =	vst v0  }
0x70: {  	[tilespmem:$0x6D8] =	vst v0  }
0x71: {  	[tilespmem:$0x6E8] =	vst v0  }
0x72: {  	[tilespmem:$0x6F8] =	vst v0  }
0x73: {  	[tilespmem:$0x708] =	vst v0  }
0x74: {  	[tilespmem:$0x718] =	vst v0  }
0x75: {  	[tilespmem:$0x728] =	vst v0  }
0x76: {  	[tilespmem:$0x738] =	vst v0  }
0x77: {  	[tilespmem:$0x748] =	vst v0  }
0x78: {  	[tilespmem:$0x758] =	vst v0  }
0x79: {  	[tilespmem:$0x768] =	vst v0  }
0x7a: {  	[tilespmem:$0x778] =	vst v0  }
0x7b: {  	[tilespmem:$0x788] =	vst v0  }
0x7c: {  	[tilespmem:$0x798] =	vst v0  }
0x7d: {  	[tilespmem:$0x7A8] =	vst v0  }
0x7e: {  	[tilespmem:$0x7B8] =	vst v0  }
0x7f: {  	[tilespmem:$0x7C8] =	vst v0  }
0x80: {  	[tilespmem:$0x7D8] =	vst v0  }
0x81: {  	[tilespmem:$0x7E8] =	vst v0  }
0x82: {  	[tilespmem:$0x7F8] =	vst v0  }
0x83: {  	[tilespmem:$0x808] =	vst v0  }
0x84: {  	[tilespmem:$0x818] =	vst v0  }
0x85: {  	[tilespmem:$0x828] =	vst v0  }
0x86: {  	[tilespmem:$0x838] =	vst v0  }
0x87: {  	[tilespmem:$0x848] =	vst v0  }
0x88: {  	[tilespmem:$0x858] =	vst v0  }
0x89: {  	[tilespmem:$0x868] =	vst v0  }
0x8a: {  	[tilespmem:$0x878] =	vst v0  }
0x8b: {  	[tilespmem:$0x888] =	vst v0  }
0x8c: {  	[tilespmem:$0x898] =	vst v0  }
0x8d: {  	[tilespmem:$0x8A8] =	vst v0  }
0x8e: {  	[tilespmem:$0x8B8] =	vst v0  }
0x8f: {  	[tilespmem:$0x8C8] =	vst v0  }
0x90: {  	[tilespmem:$0x8D8] =	vst v0  }
0x91: {  	[tilespmem:$0x8E8] =	vst v0  }
0x92: {  	[tilespmem:$0x8F8] =	vst v0  }
0x93: {  	[tilespmem:$0x908] =	vst v0  }
0x94: {  	[tilespmem:$0x918] =	vst v0  }
0x95: {  	[tilespmem:$0x928] =	vst v0  }
0x96: {  	[tilespmem:$0x938] =	vst v0  }
0x97: {  	[tilespmem:$0x948] =	vst v0  }
0x98: {  	[tilespmem:$0x958] =	vst v0  }
0x99: {  	[tilespmem:$0x968] =	vst v0  }
0x9a: {  	[tilespmem:$0x978] =	vst v0  }
0x9b: {  	[tilespmem:$0x988] =	vst v0  }
0x9c: {  	[tilespmem:$0x998] =	vst v0  }
0x9d: {  	[tilespmem:$0x9A8] =	vst v0  }
0x9e: {  	[tilespmem:$0x9B8] =	vst v0  }
0x9f: {  	[tilespmem:$0x9C8] =	vst v0  }
0xa0: {  	[tilespmem:$0x9D8] =	vst v0  }
0xa1: {  	[tilespmem:$0x9E8] =	vst v0  }
0xa2: {  	[tilespmem:$0x9F8] =	vst v0  }
0xa3: {  	[tilespmem:$0xA08] =	vst v0  }
0xa4: {  	[tilespmem:$0xA18] =	vst v0  }
0xa5: {  	[tilespmem:$0xA28] =	vst v0  }
0xa6: {  	[tilespmem:$0xA38] =	vst v0  }
0xa7: {  	[tilespmem:$0xA48] =	vst v0  }
0xa8: {  	[tilespmem:$0xA58] =	vst v0  }
0xa9: {  	[tilespmem:$0xA68] =	vst v0  }
0xaa: {  	[tilespmem:$0xA78] =	vst v0  }
0xab: {  	[tilespmem:$0xA88] =	vst v0  }
0xac: {  	[tilespmem:$0xA98] =	vst v0  }
0xad: {  	[tilespmem:$0xAA8] =	vst v0  }
0xae: {  	[tilespmem:$0xAB8] =	vst v0  }
0xaf: {  	[tilespmem:$0xAC8] =	vst v0  }
0xb0: {  	[tilespmem:$0xAD8] =	vst v0  }
0xb1: {  	[tilespmem:$0xAE8] =	vst v0  }
0xb2: {  	[tilespmem:$0xAF8] =	vst v0  }
0xb3: {  	[tilespmem:$0xB08] =	vst v0  }
0xb4: {  	[tilespmem:$0xB18] =	vst v0  }
0xb5: {  	[tilespmem:$0xB28] =	vst v0  }
0xb6: {  	[tilespmem:$0xB38] =	vst v0  }
0xb7: {  	[tilespmem:$0xB48] =	vst v0  }
0xb8: {  	[tilespmem:$0xB58] =	vst v0  }
0xb9: {  	[tilespmem:$0xB68] =	vst v0  }
0xba: {  	[tilespmem:$0xB78] =	vst v0  }
0xbb: {  	[tilespmem:$0xB88] =	vst v0  }
0xbc: {  	[tilespmem:$0xB98] =	vst v0  }
0xbd: {  	[tilespmem:$0xBA8] =	vst v0  }
0xbe: {  	[tilespmem:$0xBB8] =	vst v0  }
0xbf: {  	[tilespmem:$0xBC8] =	vst v0  }
0xc0: {  	[tilespmem:$0xBD8] =	vst v0  }
0xc1: {  	[tilespmem:$0xBE8] =	vst v0  }
0xc2: {  	[tilespmem:$0xBF8] =	vst v0  }
0xc3: {  	[tilespmem:$0xC08] =	vst v0  }
0xc4: {  	[tilespmem:$0xC18] =	vst v0  }
0xc5: {  	[tilespmem:$0xC28] =	vst v0  }
0xc6: {  	[tilespmem:$0xC38] =	vst v0  }
0xc7: {  	[tilespmem:$0xC48] =	vst v0  }
0xc8: {  	[tilespmem:$0xC58] =	vst v0  }
0xc9: {  	[tilespmem:$0xC68] =	vst v0  }
0xca: {  	[tilespmem:$0xC78] =	vst v0  }
0xcb: {  	[tilespmem:$0xC88] =	vst v0  }
0xcc: {  	[tilespmem:$0xC98] =	vst v0  }
0xcd: {  	[tilespmem:$0xCA8] =	vst v0  }
0xce: {  	[tilespmem:$0xCB8] =	vst v0  }
0xcf: {  	[tilespmem:$0xCC8] =	vst v0  }
0xd0: {  	[tilespmem:$0xCD8] =	vst v0  }
0xd1: {  	[tilespmem:$0xCE8] =	vst v0  }
0xd2: {  	[tilespmem:$0xCF8] =	vst v0  }
0xd3: {  	[tilespmem:$0xD08] =	vst v0  }
0xd4: {  	[tilespmem:$0xD18] =	vst v0  }
0xd5: {  	[tilespmem:$0xD28] =	vst v0  }
0xd6: {  	[tilespmem:$0xD38] =	vst v0  }
0xd7: {  	[tilespmem:$0xD48] =	vst v0  }
0xd8: {  	[tilespmem:$0xD58] =	vst v0  }
0xd9: {  	[tilespmem:$0xD68] =	vst v0  }
0xda: {  	[tilespmem:$0xD78] =	vst v0  }
0xdb: {  	[tilespmem:$0xD88] =	vst v0  }
0xdc: {  	[tilespmem:$0xD98] =	vst v0  }
0xdd: {  	[tilespmem:$0xDA8] =	vst v0  }
0xde: {  	[tilespmem:$0xDB8] =	vst v0  }
0xdf: {  	[tilespmem:$0xDC8] =	vst v0  }
0xe0: {  	[tilespmem:$0xDD8] =	vst v0  }
0xe1: {  	[tilespmem:$0xDE8] =	vst v0  }
0xe2: {  	[tilespmem:$0xDF8] =	vst v0  }
0xe3: {  	[tilespmem:$0xE08] =	vst v0  }
0xe4: {  	[tilespmem:$0xE18] =	vst v0  }
0xe5: {  	[tilespmem:$0xE28] =	vst v0  }
0xe6: {  	[tilespmem:$0xE38] =	vst v0  }
0xe7: {  	[tilespmem:$0xE48] =	vst v0  }
0xe8: {  	[tilespmem:$0xE58] =	vst v0  }
0xe9: {  	[tilespmem:$0xE68] =	vst v0  }
0xea: {  	[tilespmem:$0xE78] =	vst v0  }
0xeb: {  	[tilespmem:$0xE88] =	vst v0  }
0xec: {  	[tilespmem:$0xE98] =	vst v0  }
0xed: {  	[tilespmem:$0xEA8] =	vst v0  }
0xee: {  	[tilespmem:$0xEB8] =	vst v0  }
0xef: {  	[tilespmem:$0xEC8] =	vst v0  }
0xf0: {  	[tilespmem:$0xED8] =	vst v0  }
0xf1: {  	[tilespmem:$0xEE8] =	vst v0  }
0xf2: {  	[tilespmem:$0xEF8] =	vst v0  }
0xf3: {  	[tilespmem:$0xF08] =	vst v0  }
0xf4: {  	[tilespmem:$0xF18] =	vst v0  }
0xf5: {  	[tilespmem:$0xF28] =	vst v0  }
0xf6: {  	[tilespmem:$0xF38] =	vst v0  }
0xf7: {  	[tilespmem:$0xF48] =	vst v0  }
0xf8: {  	[tilespmem:$0xF58] =	vst v0  }
0xf9: {  	[tilespmem:$0xF68] =	vst v0  }
0xfa: {  	[tilespmem:$0xF78] =	vst v0  }
0xfb: {  	[tilespmem:$0xF88] =	vst v0  }
0xfc: {  	[tilespmem:$0xF98] =	vst v0  }
0xfd: {  	[tilespmem:$0xFA8] =	vst v0  }
0xfe: {  	[tilespmem:$0xFB8] =	vst v0  }
0xff: {  	[tilespmem:$0xFC8] =	vst v0  }
0x100: {  	[tilespmem:$0xFD8] =	vst v0  }
0x101: {  	[tilespmem:$0xFE8] =	vst v0  }
0x102: {  	[tilespmem:$0xFF8] =	vst v0  }
0x103: {  	[tilespmem:$0x1028] =	vst v0  }
0x104: {  	[tilespmem:$0x10E8] =	vst v0  }
0x105: {  	[tilespmem:$0x1068] =	vst v0  }
0x106: {  	[tilespmem:$0x1058] =	vst v0  }
0x107: {  	[tilespmem:$0x1B28] =	vst v0  }
0x108: {  	[tilespmem:$0x1B18] =	vst v0  }
0x109: {  	[tilespmem:$0x1B08] =	vst v0  }
0x10a: {  	[tilespmem:$0x1AF8] =	vst v0  }
0x10b: {  	[tilespmem:$0x1AE8] =	vst v0  }
0x10c: {  	[tilespmem:$0x1AD8] =	vst v0  }
0x10d: {  	[tilespmem:$0x1AC8] =	vst v0  }
0x10e: {  	[tilespmem:$0x1AB8] =	vst v0  }
0x10f: {  	[tilespmem:$0x1AA8] =	vst v0  }
0x110: {  	[tilespmem:$0x1A98] =	vst v0  }
0x111: {  	[tilespmem:$0x1A88] =	vst v0  }
0x112: {  	[tilespmem:$0x1A78] =	vst v0  }
0x113: {  	[tilespmem:$0x1A68] =	vst v0  }
0x114: {  	[tilespmem:$0x1A58] =	vst v0  }
0x115: {  	[tilespmem:$0x1A48] =	vst v0  }
0x116: {  	[tilespmem:$0x1A38] =	vst v0  }
0x117: {  	[tilespmem:$0x1A28] =	vst v0  }
0x118: {  	[tilespmem:$0x1A18] =	vst v0  }
0x119: {  	[tilespmem:$0x1A08] =	vst v0  }
0x11a: {  	[tilespmem:$0x19F8] =	vst v0  }
0x11b: {  	[tilespmem:$0x19E8] =	vst v0  }
0x11c: {  	[tilespmem:$0x19D8] =	vst v0  }
0x11d: {  	[tilespmem:$0x19C8] =	vst v0  }
0x11e: {  	[tilespmem:$0x19B8] =	vst v0  }
0x11f: {  	[tilespmem:$0x19A8] =	vst v0  }
0x120: {  	[tilespmem:$0x1998] =	vst v0  }
0x121: {  	[tilespmem:$0x1988] =	vst v0  }
0x122: {  	[tilespmem:$0x1978] =	vst v0  }
0x123: {  	[tilespmem:$0x1968] =	vst v0  }
0x124: {  	[tilespmem:$0x1958] =	vst v0  }
0x125: {  	[tilespmem:$0x1948] =	vst v0  }
0x126: {  	[tilespmem:$0x1938] =	vst v0  }
0x127: {  	[tilespmem:$0x1928] =	vst v0  }
0x128: {  	[tilespmem:$0x1918] =	vst v0  }
0x129: {  	[tilespmem:$0x1908] =	vst v0  }
0x12a: {  	[tilespmem:$0x18F8] =	vst v0  }
0x12b: {  	[tilespmem:$0x18E8] =	vst v0  }
0x12c: {  	[tilespmem:$0x18D8] =	vst v0  }
0x12d: {  	[tilespmem:$0x18C8] =	vst v0  }
0x12e: {  	[tilespmem:$0x18B8] =	vst v0  }
0x12f: {  	[tilespmem:$0x18A8] =	vst v0  }
0x130: {  	[tilespmem:$0x1898] =	vst v0  }
0x131: {  	[tilespmem:$0x1888] =	vst v0  }
0x132: {  	[tilespmem:$0x1878] =	vst v0  }
0x133: {  	[tilespmem:$0x1868] =	vst v0  }
0x134: {  	[tilespmem:$0x1858] =	vst v0  }
0x135: {  	[tilespmem:$0x1848] =	vst v0  }
0x136: {  	[tilespmem:$0x1838] =	vst v0  }
0x137: {  	[tilespmem:$0x1828] =	vst v0  }
0x138: {  	[tilespmem:$0x1818] =	vst v0  }
0x139: {  	[tilespmem:$0x1808] =	vst v0  }
0x13a: {  	[tilespmem:$0x17F8] =	vst v0  }
0x13b: {  	[tilespmem:$0x17E8] =	vst v0  }
0x13c: {  	[tilespmem:$0x17D8] =	vst v0  }
0x13d: {  	[tilespmem:$0x17C8] =	vst v0  }
0x13e: {  	[tilespmem:$0x17B8] =	vst v0  }
0x13f: {  	[tilespmem:$0x17A8] =	vst v0  }
0x140: {  	[tilespmem:$0x1798] =	vst v0  }
0x141: {  	[tilespmem:$0x1788] =	vst v0  }
0x142: {  	[tilespmem:$0x1778] =	vst v0  }
0x143: {  	[tilespmem:$0x1768] =	vst v0  }
0x144: {  	[tilespmem:$0x1758] =	vst v0  }
0x145: {  	[tilespmem:$0x1748] =	vst v0  }
0x146: {  	[tilespmem:$0x1738] =	vst v0  }
0x147: {  	[tilespmem:$0x1728] =	vst v0  }
0x148: {  	[tilespmem:$0x1718] =	vst v0  }
0x149: {  	[tilespmem:$0x1708] =	vst v0  }
0x14a: {  	[tilespmem:$0x16F8] =	vst v0  }
0x14b: {  	[tilespmem:$0x16E8] =	vst v0  }
0x14c: {  	[tilespmem:$0x16D8] =	vst v0  }
0x14d: {  	[tilespmem:$0x16C8] =	vst v0  }
0x14e: {  	[tilespmem:$0x16B8] =	vst v0  }
0x14f: {  	[tilespmem:$0x16A8] =	vst v0  }
0x150: {  	[tilespmem:$0x1698] =	vst v0  }
0x151: {  	[tilespmem:$0x1688] =	vst v0  }
0x152: {  	[tilespmem:$0x1678] =	vst v0  }
0x153: {  	[tilespmem:$0x1668] =	vst v0  }
0x154: {  	[tilespmem:$0x1658] =	vst v0  }
0x155: {  	[tilespmem:$0x1648] =	vst v0  }
0x156: {  	[tilespmem:$0x1638] =	vst v0  }
0x157: {  	[tilespmem:$0x1628] =	vst v0  }
0x158: {  	[tilespmem:$0x1618] =	vst v0  }
0x159: {  	[tilespmem:$0x1608] =	vst v0  }
0x15a: {  	[tilespmem:$0x15F8] =	vst v0  }
0x15b: {  	[tilespmem:$0x15E8] =	vst v0  }
0x15c: {  	[tilespmem:$0x15D8] =	vst v0  }
0x15d: {  	[tilespmem:$0x15C8] =	vst v0  }
0x15e: {  	[tilespmem:$0x15B8] =	vst v0  }
0x15f: {  	[tilespmem:$0x15A8] =	vst v0  }
0x160: {  	[tilespmem:$0x1598] =	vst v0  }
0x161: {  	[tilespmem:$0x1588] =	vst v0  }
0x162: {  	[tilespmem:$0x1578] =	vst v0  }
0x163: {  	[tilespmem:$0x1568] =	vst v0  }
0x164: {  	[tilespmem:$0x1558] =	vst v0  }
0x165: {  	[tilespmem:$0x1548] =	vst v0  }
0x166: {  	[tilespmem:$0x1538] =	vst v0  }
0x167: {  	[tilespmem:$0x1528] =	vst v0  }
0x168: {  	[tilespmem:$0x1518] =	vst v0  }
0x169: {  	[tilespmem:$0x1508] =	vst v0  }
0x16a: {  	[tilespmem:$0x14F8] =	vst v0  }
0x16b: {  	[tilespmem:$0x14E8] =	vst v0  }
0x16c: {  	[tilespmem:$0x14D8] =	vst v0  }
0x16d: {  	[tilespmem:$0x14C8] =	vst v0  }
0x16e: {  	[tilespmem:$0x14B8] =	vst v0  }
0x16f: {  	[tilespmem:$0x14A8] =	vst v0  }
0x170: {  	[tilespmem:$0x1498] =	vst v0  }
0x171: {  	[tilespmem:$0x1488] =	vst v0  }
0x172: {  	[tilespmem:$0x1478] =	vst v0  }
0x173: {  	[tilespmem:$0x1468] =	vst v0  }
0x174: {  	[tilespmem:$0x1458] =	vst v0  }
0x175: {  	[tilespmem:$0x1448] =	vst v0  }
0x176: {  	[tilespmem:$0x1438] =	vst v0  }
0x177: {  	[tilespmem:$0x1428] =	vst v0  }
0x178: {  	[tilespmem:$0x1418] =	vst v0  }
0x179: {  	[tilespmem:$0x1408] =	vst v0  }
0x17a: {  	[tilespmem:$0x13F8] =	vst v0  }
0x17b: {  	[tilespmem:$0x13E8] =	vst v0  }
0x17c: {  	[tilespmem:$0x13D8] =	vst v0  }
0x17d: {  	[tilespmem:$0x13C8] =	vst v0  }
0x17e: {  	[tilespmem:$0x13B8] =	vst v0  }
0x17f: {  	[tilespmem:$0x13A8] =	vst v0  }
0x180: {  	[tilespmem:$0x1398] =	vst v0  }
0x181: {  	[tilespmem:$0x1388] =	vst v0  }
0x182: {  	[tilespmem:$0x1378] =	vst v0  }
0x183: {  	[tilespmem:$0x1368] =	vst v0  }
0x184: {  	[tilespmem:$0x1358] =	vst v0  }
0x185: {  	[tilespmem:$0x1348] =	vst v0  }
0x186: {  	[tilespmem:$0x1338] =	vst v0  }
0x187: {  	[tilespmem:$0x1328] =	vst v0  }
0x188: {  	[tilespmem:$0x1318] =	vst v0  }
0x189: {  	[tilespmem:$0x1308] =	vst v0  }
0x18a: {  	[tilespmem:$0x12F8] =	vst v0  }
0x18b: {  	[tilespmem:$0x12E8] =	vst v0  }
0x18c: {  	[tilespmem:$0x12D8] =	vst v0  }
0x18d: {  	[tilespmem:$0x12C8] =	vst v0  }
0x18e: {  	[tilespmem:$0x12B8] =	vst v0  }
0x18f: {  	[tilespmem:$0x12A8] =	vst v0  }
0x190: {  	[tilespmem:$0x1298] =	vst v0  }
0x191: {  	[tilespmem:$0x1288] =	vst v0  }
0x192: {  	[tilespmem:$0x1278] =	vst v0  }
0x193: {  	[tilespmem:$0x1268] =	vst v0  }
0x194: {  	[tilespmem:$0x1258] =	vst v0  }
0x195: {  	[tilespmem:$0x1248] =	vst v0  }
0x196: {  	[tilespmem:$0x1238] =	vst v0  }
0x197: {  	[tilespmem:$0x1228] =	vst v0  }
0x198: {  	[tilespmem:$0x1218] =	vst v0  }
0x199: {  	[tilespmem:$0x1208] =	vst v0  }
0x19a: {  	[tilespmem:$0x11F8] =	vst v0  }
0x19b: {  	[tilespmem:$0x11E8] =	vst v0  }
0x19c: {  	[tilespmem:$0x11D8] =	vst v0  }
0x19d: {  	[tilespmem:$0x11C8] =	vst v0  }
0x19e: {  	[tilespmem:$0x11B8] =	vst v0  }
0x19f: {  	[tilespmem:$0x11A8] =	vst v0  }
0x1a0: {  	[tilespmem:$0x1198] =	vst v0  }
0x1a1: {  	[tilespmem:$0x1188] =	vst v0  }
0x1a2: {  	[tilespmem:$0x1178] =	vst v0  }
0x1a3: {  	[tilespmem:$0x1168] =	vst v0  }
0x1a4: {  	[tilespmem:$0x1158] =	vst v0  }
0x1a5: {  	[tilespmem:$0x1148] =	vst v0  }
0x1a6: {  	[tilespmem:$0x1138] =	vst v0  }
0x1a7: {  	s4 =	stileid.u32;
	[tilespmem:$0x1128] =	vst v0  }
0x1a8: {  	s0 =	smul.u32 $0xB, s4;
	[tilespmem:$0x1118] =	vst v0  }
0x1a9: {  	s2 =	smin.u32 s4, $0xA;
	[tilespmem:$0x1108] =	vst v0  }
0x1aa: {  	[tilespmem:$0x10F8] =	vst v0;
	s0 =	sadd.s32 s2, s0  }
0x1ab: {  	p0 =	slt.u32 s4, $0xA;
	[tilespmem:$0x10C8] =	vst v0;
	s2 =	simm.s32 $0x1440;
	s6 =	smul.u32 $0x1B0, s0  }
0x1ac: {  	s2 =	simm.s32 @!p0 $0x1290;
	[tilespmem:$0x10D8] =	vst v0  }
0x1ad: {  	[tilespmem:$0x10B8] =	vst v0;
	s0 =	sadd.s32 s2, s6  }
0x1ae: {  	s5 =	simm.s32 $0x2;
	[tilespmem:$0x1038] =	vst v0;
	s7 =	smin.u32 s0, $0x13880  }
0x1af: {  	s8 =	simm.s32 $0x9;
	s10 =	simm.s32 $0xA;
	[tilespmem:$0x10A8] =	vst v0;
	s0 =	ssub.s32 s7, s6  }
0x1b0: {  	s30 =	simm.s32 $0xB;
	s16 =	simm.s32 $0x0;
	[tilespmem:$0x1098] =	vst v0;
	p0 =	sgt.s32 s0, $0x0  }
0x1b1: {  	p4 =	por $0x0, $0x0;
	s17 =	simm.s32 $0xC;
	[tilespmem:$0x1088] =	vst v0;
	s0 =	simm.s32 @!p0 $0x0  }
0x1b2: {  	s21 =	simm.s32 $0x0;
	s18 =	simm.s32 $0x0;
	[tilespmem:$0x1078] =	vst v0;
	s28 =	smulhi.u32 $0x4BDA12F7, s0  }
0x1b3: {  	s20 =	simm.s32 $0x0;
	s3 =	sand.u32 $0x1, s3;
	s31 =	sshll.u32 s4, $0x5;
	[tilespmem:$0x1048] =	vst v0  }
0x1b4: {  	s2 =	sshrl.u32 s28, $0x7;
	[tilespmem:$0x1018] =	vst v0;
	[dreg:$0x6] =	wrdreg s3;
	s3 =	smul.u32 $0x2710, s3  }
0x1b5: {  	[tilespmem:$0x1008] =	vst v0;
	[sflag:s5] =	ssyncpa.u1 $0x0;
	v0 =	vimm.s32 $0xFFFFFFFF;
	[dreg:$0x5] =	wrdreg s31;
	s29 =	smul.u32 $0x1B0, s2  }
.Ltmp0:
0x1b6: {  	[tilespmem:$0x3648] =	vst v0;
	[sflag:s8] =	ssyncpa.u1 $0x0;
	s3 =	sadd.s32 s3, s11;
	(pc) =	sbr.rel .LBB2_1-.Ltmp0, $4  }
0x1b7: {  	[sflag:s10] =	ssyncpa.u1 $0x0;
	s11 =	sadd.s32 $0x2457C00, s11;
	p0 =	sne.s32 s0, s29  }
0x1b8: {  	[sflag:s30] =	ssyncpa.u1 $0x0;
	s14 =	sadd.s32 $0x167A000, s3;
	s12 =	simm.s32 @!p0 $0x0  }
0x1b9: {  	s15 =	sadd.s32 $0x1675000, s3;
	s19 =	smov.u32 s6;
	s12 =	sadd.s32 s12, s2  }
0x1ba: {  	v0 =	vlaneseq.u32;
	[dreg:$0x7] =	wrdreg s6;
	p0 =	por $0x1, $0x1;
	s4 =	sadd.s32 $0x1, s12  }
.LBB2_18:
0x1bb: {  	s0 =	simm.s32 $0x2  }
0x1bc: {  	_ =	swait.ge [sflag:s0], $0x0  }
0x1bd: {  	[sflag:s0] =	ssyncset.done $0x0;
	s0 =	simm.s32 $0x0  }
.LBB2_19:
0x1be: {  	_ =	swait.ge [sflag:s17], s0  }
0x1bf: {  	s31 =	ssub.s32 $0x0, s0;
	v1 =	vmov s23;
	vm0 =	veq.s32 v0, $0x0;
	[sflag:s17] =	ssyncset.done $0x0  }
0x1c0: {  	vm15 =	veq.s32 v0, $0x2;
	v1 =	vsel vm0, s28, v1;
	[sflag:s17] =	ssyncadd.s32 s31  }
0x1c1: {  	v1 =	vsel vm15, s21, v1;
	[sflag:s17] =	ssyncpa.u1 $0x1  }
0x1c2: {  	[tilespmem:$0x3648] =	vst v1  }
.LBB2_20:
0x1c3: {  	s0 =	sadd.s32 $0x1B0, s19  }
0x1c4: {  	s2 =	smov.u32 s6;
	p1 =	slt.s32 s0, s7  }
0x1c5: {  	s2 =	smov.u32 @p1 s0;
	p1 =	sne.s32 s20, s4  }
.Ltmp1:
0x1c6: {  	_ = 	snop;
	(pc) =	sbr.rel @!p1 .LBB2_21-.Ltmp1, $4  }
0x1c7: {  	_ = 	snop  }
0x1c8: {  	s21 =	smov.u32 s18  }
0x1c9: {  	s31 =	sadd.s32 $0x1, s20;
	s18 =	smov.u32 s19;
	p0 =	por !p0, !p0  }
0x1ca: {  	p4 =	por !p4, !p4;
	s20 =	smov.u32 s31;
	s19 =	smov.u32 s2  }
.LBB2_1:
0x1cb: {  	p2 =	sge.u32 s20, s12  }
0x1cc: {  	s0 =	smulhi.u32 @!p2 $0xAAAAAAAB, s20  }
0x1cd: {  	s2 =	smov.u32 s19;
	p3 =	sgt.s32 @!p2 s19, $0x136D0  }
0x1ce: {  	s3 =	sshra.s32 @!p2 s19, $0x1F;
	p3 =	por !p3, p2;
	s0 =	sshrl.u32 @!p2 s0, $0x1  }
0x1cf: {  	s3 =	sand.u32 @!p2 s3, s19;
	s2 =	simm.s32 @p3 $0x136D0;
	s0 =	smul.u32 @!p2 $0x3, s0  }
0x1d0: {  	s2 =	ssub.s32 @!p2 s2, s3  }
0x1d1: {  	s23 =	sadd.s32 $0xFFFFFFFF, s20;
	s2 =	sadd.s32 @!p2 $0xFFFEC930, s2;
	s0 =	ssub.s32 @!p2 s20, s0  }
0x1d2: {  	s3 =	sshll.u32 @!p2 s2, $0x2;
	p3 =	sgt.s32 @!p2 s2, $0x1AF;
	s0 =	smul.u32 @!p2 $0x6C0, s0  }
0x1d3: {  	s5 =	sand.u32 @!p2 $0x7, s19;
	s2 =	ssub.s32 @!p2 $0x6C0, s3;
	p3 =	por !p3, p2  }
0x1d4: {  	s3 =	sshrl.u32 @!p2 s19, $0x3;
	s2 =	sshrl.u32 @!p2 s2, $0x2;
	s0 =	sshrl.u32 @!p2 s0, $0x2  }
0x1d5: {  	s3 =	sadd.s32 @!p2 s3, s14;
	s2 =	simm.s32 @!p3 $0x0;
	s0 =	sadd.s32 @!p2 $0x3888, s0  }
0x1d6: {  	[tilespmem:s0], [sflag:$0xA] =	stream.linear.gather @!p2 [hbm4b:s3+s5], s2, $0x38;
	[tilespmem:$0x1F0F8] =	vst v63  }
0x1d7: {  	p2 =	sge.u32 s23, s12  }
0x1d8: {  	p3 =	sgt.s32 @!p2 s18, $0x136D0  }
0x1d9: {  	s0 =	smov.u32 s18;
	s2 =	sshra.s32 @!p2 s18, $0x1F;
	p3 =	por !p3, p2  }
0x1da: {  	s2 =	sand.u32 @!p2 s2, s18;
	s0 =	simm.s32 @p3 $0x136D0  }
0x1db: {  	s0 =	ssub.s32 @!p2 s0, s2  }
0x1dc: {  	s0 =	sadd.s32 @!p2 $0xFFFEC930, s0  }
0x1dd: {  	s2 =	sshll.u32 @!p2 s0, $0x2  }
0x1de: {  	p3 =	sgt.s32 @!p2 s0, $0x1AF;
	s0 =	ssub.s32 @!p2 $0x6C0, s2  }
0x1df: {  	s22 =	ssub.s32 @!p2 $0x13880, s18;
	p3 =	por !p3, p2;
	s0 =	sshrl.u32 @!p2 s0, $0x2  }
0x1e0: {  	s2 =	sand.u32 @!p2 $0x1, s23;
	s0 =	simm.s32 @!p3 $0x0;
	p3 =	slt.s32 @!p2 s22, $0x1  }
0x1e1: {  	s3 =	simm.s32 @!p2 $0xA;
	s2 =	smul.u32 @!p2 $0x6C0, s2;
	p3 =	por p2, p3  }
.Ltmp2:
0x1e2: {  	_ =	swait.ge @!p2 [sflag:s3], s0;
	(pc) =	sbr.rel @p3 .LBB2_7-.Ltmp2, $4  }
0x1e3: {  	s5 =	ssub.s32 @!p2 $0x0, s0;
	[sflag:s3] =	ssyncset.done @!p2 $0x0  }
0x1e4: {  	s2 =	sshrl.u32 @!p2 s2, $0x2;
	[sflag:s3] =	ssyncadd.s32 @!p2 s5;
	s3 =	sshrl.u32 @!p2 s18, $0x3  }
0x1e5: {  	s2 =	sadd.s32 @!p2 $0x3D98, s2;
	s5 =	sand.u32 @!p2 $0x7, s18;
	s3 =	sadd.s32 @!p2 s3, s15  }
0x1e6: {  	[tilespmem:s2], [sflag:$0xB] =	stream.linear.gather @!p2 [hbm4b:s3+s5], s0, $0x38;
	[tilespmem:$0x1F0F8] =	vst v63  }
0x1e7: {  	s0 =	smulhi.u32 $0xAAAAAAAB, s23;
	_ =	sdelay $0x1  }
0x1e8: {  	s0 =	sshrl.u32 s0, $0x1  }
0x1e9: {  	s0 =	smul.u32 $0x3, s0;
	_ =	sdelay $0x1  }
0x1ea: {  	s0 =	ssub.s32 s23, s0  }
0x1eb: {  	s2 =	simm.s32 $0x1;
	s0 =	smul.u32 $0x6C0, s0  }
.Ltmp3:
0x1ec: {  	s2 =	simm.s32 @!p0 $0x0;
	(pc) =	sbr.rel .LBB2_4-.Ltmp3, $4  }
0x1ed: {  	s2 =	smul.u32 $0x36000, s2  }
0x1ee: {  	p3 =	slt.s32 @!p2 s22, $0x1B0;
	s0 =	sshrl.u32 s0, $0x2  }
0x1ef: {  	p2 =	por !p3, p2;
	s2 =	sshrl.u32 s2, $0x2;
	s0 =	sadd.s32 $0x3888, s0  }
0x1f0: {  	s24 =	simm.s32 $0x0;
	s22 =	simm.s32 @p2 $0x1B0;
	s23 =	sadd.s32 $0x40F8, s2;
	v1 =	vmov s0  }
.LBB2_3:
0x1f1: {  	p2 =	sge.s32 s24, s22  }
.Ltmp4:
0x1f2: {  	_ = 	snop;
	(pc) =	sbr.rel @p2 .LBB2_7-.Ltmp4, $2  }
0x1f3: {  	_ =	sdelay $0x2  }
0x1f4: {  	s23 =	sadd.s32 $0x800, s23  }
.LBB2_4:
0x1f5: {  	p2 =	sle.s32 s22, s24  }
.Ltmp5:
0x1f6: {  	_ = 	snop;
	(pc) =	sbr.rel @p2 .LBB2_3-.Ltmp5, $2  }
0x1f7: {  	_ =	sdelay $0x2  }
0x1f8: {  	s0 =	smov.u32 s24;
	s24 =	sadd.s32 $0x10, s24  }
0x1f9: {  	s2 =	ssub.s32 s22, s0  }
0x1fa: {  	p2 =	slt.s32 s2, $0x10  }
0x1fb: {  	s2 =	simm.s32 @!p2 $0x10  }
0x1fc: {  	v2 =	vmov s2  }
0x1fd: {  	vm0 =	vgt.s32 v2, v0;
	_ =	sdelay $0x5  }
0x1fe: {  	v2 =	vld.idx.msk [tilespmem:v1+s0+$0x0 ss:$0x1], vm0;
	_ =	sdelay $0x2  }
0x1ff: {  	p2 =	slt.s32 s24, s22;
	s2 =	smov.u32 s22  }
0x200: {  	s3 =	smov.u32 s23;
	s25 =	simm.s32 $0x0;
	s2 =	smov.u32 @p2 s24  }
.LBB2_6:
0x201: {  	(v2sf) =	vpush v2, s25;
	_ =	sdelay $0xc  }
0x202: {  	s25 =	sadd.s32 $0x1, s25  }
0x203: {  	s31 =	sadd.s32 s25, s0  }
0x204: {  	p2 =	slt.s32 s31, s2;
	s5 =	spop (v2sf)  }
.Ltmp6:
0x205: {  	s5 =	sshll.u32 s5, $0x4;
	(pc) =	sbr.rel @p2 .LBB2_6-.Ltmp6, $4  }
0x206: {  	s5 =	sand.u32 $0x1FFFFFF0, s5  }
0x207: {  	s5 =	sadd.s32 s11, s5  }
0x208: {  	[tilespmem:s3], [sflag:$0x9] =	stream.linear.gather [hbm4b:s5+s16], $0x4, $0x38;
	[tilespmem:$0x1F0F8] =	vst v63  }
0x209: {  	s3 =	sadd.s32 $0x80, s3  }
.Ltmp7:
0x20a: {  	_ = 	snop;
	(pc) =	sbr.rel .LBB2_3-.Ltmp7, $1  }
0x20b: {  	_ =	sdelay $0x3  }
.LBB2_7:
0x20c: {  	p2 =	slt.u32 s20, $0x2  }
.Ltmp8:
0x20d: {  	_ = 	snop;
	(pc) =	sbr.rel @p2 .LBB2_20-.Ltmp8, $1  }
0x20e: {  	_ =	sdelay $0x3  }
0x20f: {  	p2 =	sgt.s32 s21, $0x136D0  }
0x210: {  	s0 =	smov.u32 s21;
	s2 =	sshra.s32 s21, $0x1F;
	s3 =	ssub.s32 $0x13880, s21  }
0x211: {  	s0 =	simm.s32 @!p2 $0x136D0;
	s2 =	sand.u32 s2, s21;
	p2 =	slt.s32 s3, $0x1B0  }
0x212: {  	s0 =	ssub.s32 s0, s2;
	s3 =	simm.s32 @!p2 $0x1B0  }
0x213: {  	s0 =	sadd.s32 $0xFFFEC930, s0;
	s24 =	sshll.u32 s3, $0x2  }
0x214: {  	s28 =	simm.s32 $0x9;
	s25 =	sshll.u32 s0, $0x2;
	s2 =	sand.u32 $0x3FFFFFFC, s24  }
0x215: {  	p2 =	sgt.s32 s0, $0x1AF;
	s26 =	ssub.s32 $0x6C0, s25;
	_ =	swait.ge [sflag:s28], s2  }
0x216: {  	s2 =	ssub.s32 $0x0, s2;
	[sflag:s28] =	ssyncset.done $0x0;
	s0 =	sshrl.u32 s26, $0x2  }
0x217: {  	s30 =	simm.s32 $0xB;
	[sflag:s28] =	ssyncadd.s32 s2;
	s0 =	simm.s32 @p2 $0x0  }
0x218: {  	_ =	swait.ge [sflag:s30], s0  }
0x219: {  	s0 =	ssub.s32 $0x0, s0;
	[sflag:s30] =	ssyncset.done $0x0  }
0x21a: {  	[sflag:s30] =	ssyncadd.s32 s0  }
0x21b: {  	v1 =	vld [tilespmem:$0x3648];
	_ =	sdelay $0x4  }
0x21c: {  	(v2sf) =	vpush v1, $0x0  }
0x21d: {  	(v2sf) =	vpush v1, $0x1  }
0x21e: {  	(v2sf) =	vpush v1, $0x2;
	_ =	sdelay $0x3  }
0x21f: {  	s0 =	sadd.s32 $0x1B0, s21  }
0x220: {  	s2 =	ssub.s32 $0x27100, s21;
	p2 =	slt.s32 s7, s0  }
0x221: {  	s0 =	smov.u32 @p2 s7;
	p2 =	sgt.s32 s2, $0x0  }
0x222: {  	s25 =	ssub.s32 s0, s21;
	s2 =	simm.s32 @!p2 $0x0  }
0x223: {  	p2 =	slt.s32 s2, s25  }
0x224: {  	s25 =	smov.u32 @p2 s2  }
0x225: {  	s24 =	simm.s32 $0x1;
	p2 =	slt.s32 s25, $0x1  }
.Ltmp9:
0x226: {  	s24 =	simm.s32 @!p4 $0x0;
	(pc) =	sbr.rel @p2 .LBB2_12-.Ltmp9, $4  }
0x227: {  	s31 =	smul.u32 $0x6C0, s24  }
0x228: {  	s26 =	spop (v2sf)  }
0x229: {  	s0 =	sshrl.u32 s31, $0x2;
	s29 =	spop (v2sf)  }
0x22a: {  	s22 =	sadd.s32 $0x3D98, s0;
	s21 =	spop (v2sf)  }
0x22b: {  	s0 =	smin.u32 s25, $0x10  }
0x22c: {  	v1 =	vmov s0  }
0x22d: {  	p3 =	sgt.s32 s25, $0x10;
	vm1 =	vgt.u32 v1, v0  }
.Ltmp10:
0x22e: {  	_ = 	snop;
	(pc) =	sbr.rel @!p3 .LBB2_11-.Ltmp10, $2  }
0x22f: {  	_ =	sdelay $0x2  }
0x230: {  	s23 =	simm.s32 $0x10;
	s28 =	sadd.s32 $0xFFFFFFF0, s25;
	s0 =	smov.u32 s22;
	vm0 =	vmmov vm1  }
.LBB2_10:
0x231: {  	s2 =	smin.u32 s28, $0x10;
	s23 =	sadd.s32 $0x10, s23;
	v1 =	vld.msk [tilespmem:s0+$0x0 ss:$0x1], vm1  }
0x232: {  	v2 =	vmov s2;
	p3 =	slt.s32 s23, s25  }
0x233: {  	vm1 =	vgt.u32 v2, v0  }
.Ltmp11:
0x234: {  	(pc) =	sbr.rel @p3 .LBB2_10-.Ltmp11, $3  }
0x235: {  	_ =	sdelay $0x1  }
0x236: {  	v1 =	vshll.u32 v1, $0x4  }
0x237: {  	s28 =	sadd.s32 $0xFFFFFFF0, s28;
	[tilespmem:s0+$0x0] =	vst.msk vm0, v1;
	s0 =	sadd.s32 $0x10, s0;
	vm0 =	vmmov vm1  }
.LBB2_11:
0x238: {  	_ =	sdelay $0x4  }
0x239: {  	v1 =	vld.msk [tilespmem:s0+$0x0 ss:$0x1], vm1;
	_ =	sdelay $0x4  }
0x23a: {  	v1 =	vshll.u32 v1, $0x4  }
0x23b: {  	[tilespmem:s0+$0x0] =	vst.msk vm0, v1  }
.LBB2_12:
0x23c: {  	s0 =	sand.u32 $0x1, s20  }
0x23d: {  	s0 =	smul.u32 $0x1B0, s0  }
0x23e: {  	p3 =	sne.s32 s29, $0xFFFFFFFF  }
0x23f: {  	v1 =	vld.msk @!p3 [tilespmem:s0+$0x3D98], $0x1;
	_ =	sdelay $0x4  }
0x240: {  	(v2sf) =	vpush @!p3 v1, $0x0;
	_ =	sdelay $0xc  }
.Ltmp12:
0x241: {  	_ = 	snop;
	(pc) =	sbr.rel @p2 .LBB2_18-.Ltmp12, $4  }
0x242: {  	_ = 	snop  }
0x243: {  	s28 =	spop @!p3 (v2sf)  }
0x244: {  	s21 =	simm.s32 @!p3 $0x0;
	s23 =	smov.u32 s28  }
0x245: {  	[sflag:s17] =	ssyncpa.u1 $0x0;
	s28 =	smov.u32 @p3 s26;
	s23 =	smov.u32 @p3 s29  }
0x246: {  	v1 =	vld.msk [tilespmem:s22+$0x0], $0x1;
	_ =	sdelay $0x4  }
0x247: {  	(v2sf) =	vpush v1, $0x0;
	_ =	sdelay $0xe  }
0x248: {  	s0 =	simm.s32 @!p4 $0x0;
	s26 =	smul.u32 $0x36000, s24;
	s31 =	spop (v2sf)  }
0x249: {  	s29 =	ssub.s32 $0x0, s25;
	s0 =	simm.s32 @p4 $0x1;
	p2 =	seq.s32 s28, s31  }
0x24a: {  	s2 =	smov.u32 s28;
	[smem:$0x7FD] =	sst s0;
	p3 =	sgt.s32 @!p2 s28, $0x0  }
0x24b: {  	s0 =	sshrl.u32 s26, $0x2;
	s26 =	sadd.s32 $0x1, s29;
	p3 =	por !p3, p2  }
0x24c: {  	s2 =	simm.s32 @p3 $0x0;
	p3 =	seq.s32 s26, $0x0  }
.Ltmp13:
0x24d: {  	_ = 	snop;
	(pc) =	sbr.rel @p3 .LBB2_15-.Ltmp13, $4  }
0x24e: {  	s6 =	smov.u32 s4;
	s25 =	simm.s32 $0x0  }
0x24f: {  	s24 =	sadd.s32 $0x40F8, s0;
	s0 =	simm.s32 @!p2 $0x1;
	s3 =	smin.u32 @!p2 s2, $0x270FF  }
0x250: {  	s30 =	sadd.s32 $0x1, s22;
	s0 =	smov.u32 @p2 s25;
	s5 =	sand.u32 @!p2 $0x3FFF8, s3  }
0x251: {  	s2 =	simm.s32 @!p2 $0x1B38;
	s3 =	sand.u32 @!p2 $0x7, s3;
	s5 =	sadd.s32 @!p2 s1, s5  }
.LBB2_14:
0x252: {  	s4 =	smov.u32 s0  }
0x253: {  	[tilespmem:s2], [sflag:$0x2] =	stream.linear.gather @!p2 [hbm4b:s5+s3], $0x4, $0x38;
	[tilespmem:$0x1F0F8] =	vst v63  }
0x254: {  	s26 =	sadd.s32 $0x1, s26;
	s3 =	smov.u32 s31;
	v1 =	vld.msk [tilespmem:s30+$0x0], $0x1  }
0x255: {  	p3 =	seq.s32 s26, $0x0;
	_ =	sdelay $0x3  }
0x256: {  	(v2sf) =	vpush v1, $0x0;
	_ =	sdelay $0xe  }
0x257: {  	s31 =	spop (v2sf)  }
0x258: {  	p2 =	seq.s32 s3, s31  }
0x259: {  	p4 =	sgt.s32 @!p2 s3, $0x0;
	s2 =	sshll.u32 @!p2 s0, $0x6;
	s0 =	sadd.s32 @!p2 $0x1, s0  }
.Ltmp14:
0x25a: {  	p4 =	por !p4, p2;
	s2 =	sshra.s32 @!p2 s2, $0x2;
	(pc) =	sbr.rel @!p3 .LBB2_14-.Ltmp14, $4  }
0x25b: {  	s0 =	smov.u32 @p2 s4;
	s3 =	simm.s32 @p4 $0x0;
	s2 =	sadd.s32 @!p2 $0x1B38, s2  }
0x25c: {  	s3 =	smin.u32 @!p2 s3, $0x270FF  }
0x25d: {  	s4 =	sand.u32 @!p2 $0x3FFF8, s3;
	s3 =	sand.u32 @!p2 $0x7, s3  }
0x25e: {  	s30 =	sadd.s32 $0x1, s30;
	s5 =	sadd.s32 @!p2 s1, s4  }
.LBB2_15:
0x25f: {  	[tilespmem:s2], [sflag:$0x2] =	stream.linear.gather @!p2 [hbm4b:s5+s3], $0x4, $0x38;
	[tilespmem:$0x1F0F8] =	vst v63  }
0x260: {  	s0 =	sshll.u32 s0, $0x2  }
0x261: {  	s31 =	simm.s32 $0x2;
	s0 =	sand.u32 $0x3FFFFFFC, s0  }
0x262: {  	_ =	swait.ge [sflag:s31], s0  }
0x263: {  	s0 =	ssub.s32 $0x0, s0;
	[sflag:s31] =	ssyncset.done $0x0  }
0x264: {  	[sflag:s31] =	ssyncadd.s32 s0  }
0x265: {  	v1 =	vld.msk [tilespmem:s22+$0x0], $0x1;
	_ =	sdelay $0x4  }
0x266: {  	(v2sf) =	vpush v1, $0x0;
	_ =	sdelay $0xe  }
0x267: {  	s26 =	spop (v2sf)  }
0x268: {  	p2 =	sne.s32 s28, s26  }
0x269: {  	p4 =	sne.s32 @p2 s28, s23  }
0x26a: {  	p3 =	por !p4, !p2  }
0x26b: {  	s0 =	simm.s32 @!p3 $0x0  }
0x26c: {  	v1 =	vld.msk @!p3 [tilespmem:s0+$0x1B38], $0xf  }
0x26d: {  	p5 =	sgt.u32 @!p3 s28, $0x270FF  }
0x26e: {  	s2 =	sshll.u32 @!p3 s21, $0x6;
	p6 =	por @p2 p5, !p4  }
0x26f: {  	s2 =	sshra.s32 @!p3 s2, $0x2;
	p1 =	por p6, !p2;
	p6 =	por p4, !p2  }
0x270: {  	s3 =	sadd.s32 @!p3 $0x28, s2;
	s4 =	sand.u32 @!p1 $0x3FFF8, s28;
	s5 =	sshll.u32 @!p6 s21, $0x6  }
0x271: {  	s28 =	sand.u32 @!p1 $0x7, s28;
	[tilespmem:s2+$0x28] =	vst.add.f32.msk @!p3 $0xf, v1;
	s2 =	sadd.s32 @!p1 s1, s4;
	s4 =	sshra.s32 @!p6 s5, $0x2  }
0x272: {  	[hbm4b:s2+s28] =	stream.linear.scatter @!p1 [tilespmem:s3], [sflag:$0xC], $0x4, $0x38;
	[tilespmem:$0x1F0F8] =	vst v63  }
0x273: {  	s0 =	rddreg [dreg:$0x5];
	s2 =	sadd.s32 @!p6 $0x28, s4;
	s3 =	simm.s32 @!p6 $0x1  }
0x274: {  	[spmem:s0] =	stream.linear.scatter @!p6 [tilespmem:s2], [sflag:$0x1], $0x4, $0x38;
	[tilespmem:$0x1F0F8] =	vst v63  }
0x275: {  	s0 =	sadd.s32 @p2 $0x1, s21;
	_ =	swait.ge @!p6 [sflag:s3], $0x4  }
0x276: {  	s2 =	sshrl.u32 @p2 s0, $0x4;
	[sflag:s3] =	ssyncset.done @!p6 $0x0  }
0x277: {  	s2 =	smulhi.u32 @p2 $0x97B425F, s2;
	[sflag:s3] =	ssyncadd.s32 @!p6 $0xFFFFFFFC  }
0x278: {  	s28 =	sadd.s32 $0x1, s29;
	v1 =	vld.msk @p2 [tilespmem:s24+$0x0], $0xf  }
0x279: {  	p1 =	por @p2 !p5, !p4;
	p4 =	seq.s32 s28, $0x0;
	s2 =	smul.u32 @p2 $0x1B0, s2  }
.Ltmp15:
0x27a: {  	p1 =	por !p1, !p2;
	s3 =	simm.s32 @!p3 $0x0;
	(pc) =	sbr.rel @p4 .LBB2_17-.Ltmp15, $4  }
0x27b: {  	s4 =	sshll.u32 @!p2 s21, $0x6;
	s3 =	simm.s32 @!p1 $0x10;
	s0 =	ssub.s32 @p2 s0, s2  }
0x27c: {  	s29 =	simm.s32 $0x0;
	s3 =	sadd.s32 @!p3 $0x0, s3;
	s5 =	sshll.u32 @p2 s0, $0x4  }
0x27d: {  	s30 =	sshra.s32 @!p2 s4, $0x2;
	s2 =	simm.s32 @p2 $0x1;
	s3 =	smov.u32 @p3 s25;
	[tilespmem:s5+$0x28] =	vst.msk @p2 $0xf, v1  }
0x27e: {  	s21 =	smov.u32 @p2 s0;
	s29 =	smov.u32 @p2 s3;
	s25 =	smov.u32 @p2 s2;
	v1 =	vld.msk @!p2 [tilespmem:s24+$0x0], $0xf  }
.LBB2_16:
0x27f: {  	_ =	sdelay $0x3  }
0x280: {  	s22 =	sadd.s32 $0x1, s22;
	[tilespmem:s30+$0x28] =	vst.add.f32.msk @!p2 $0xf, v1  }
0x281: {  	v1 =	vld.msk [tilespmem:s22+$0x0], $0x1;
	_ =	sdelay $0x4  }
0x282: {  	(v2sf) =	vpush v1, $0x0;
	_ =	sdelay $0xe  }
0x283: {  	s0 =	smov.u32 s26;
	s26 =	spop (v2sf)  }
0x284: {  	p2 =	sne.s32 s0, s26  }
0x285: {  	p5 =	sne.s32 @p2 s0, s23  }
0x286: {  	s4 =	sshll.u32 @!p2 s21, $0x6;
	p4 =	por !p5, !p2  }
0x287: {  	s30 =	sshra.s32 @!p2 s4, $0x2;
	s4 =	sshll.u32 @!p4 s25, $0x6  }
0x288: {  	s4 =	sshra.s32 @!p4 s4, $0x2  }
0x289: {  	p1 =	sgt.u32 @!p4 s0, $0x270FF;
	v1 =	vld.msk @!p4 [tilespmem:s4+$0x1B38], $0xf  }
0x28a: {  	s31 =	sshll.u32 @!p4 s21, $0x6;
	p6 =	por @p2 p1, !p5;
	p1 =	por @p2 !p1, !p5  }
0x28b: {  	s8 =	simm.s32 @!p4 $0x0;
	s31 =	sshra.s32 @!p4 s31, $0x2;
	p1 =	por !p1, !p2  }
0x28c: {  	p5 =	por p5, !p2;
	s8 =	simm.s32 @!p1 $0x10;
	p1 =	por p6, !p2  }
0x28d: {  	s4 =	sadd.s32 @!p4 $0x28, s31;
	s13 =	sshll.u32 @!p5 s21, $0x6;
	s10 =	sand.u32 @!p1 $0x3FFF8, s0  }
0x28e: {  	s13 =	sshra.s32 @!p5 s13, $0x2;
	s0 =	sand.u32 @!p1 $0x7, s0;
	s10 =	sadd.s32 @!p1 s1, s10;
	[tilespmem:s31+$0x28] =	vst.add.f32.msk @!p4 $0xf, v1  }
0x28f: {  	[hbm4b:s10+s0] =	stream.linear.scatter @!p1 [tilespmem:s4], [sflag:$0xC], $0x4, $0x38;
	[tilespmem:$0x1F0F8] =	vst v63  }
0x290: {  	s2 =	rddreg [dreg:$0x5];
	s0 =	sadd.s32 @!p5 $0x28, s13;
	s4 =	simm.s32 @!p5 $0x1  }
0x291: {  	[spmem:s2] =	stream.linear.scatter @!p5 [tilespmem:s0], [sflag:$0x1], $0x4, $0x38;
	[tilespmem:$0x1F0F8] =	vst v63  }
0x292: {  	s3 =	sadd.s32 @p2 $0x1, s21;
	_ =	swait.ge @!p5 [sflag:s4], $0x4  }
0x293: {  	s5 =	sshrl.u32 @p2 s3, $0x4;
	[sflag:s4] =	ssyncset.done @!p5 $0x0  }
0x294: {  	s24 =	sadd.s32 $0x80, s24;
	s5 =	smulhi.u32 @p2 $0x97B425F, s5;
	[sflag:s4] =	ssyncadd.s32 @!p5 $0xFFFFFFFC  }
0x295: {  	s28 =	sadd.s32 $0x1, s28;
	v1 =	vld.msk @p2 [tilespmem:s24+$0x0], $0xf  }
0x296: {  	p3 =	seq.s32 s28, $0x0;
	s5 =	smul.u32 @p2 $0x1B0, s5  }
.Ltmp16:
0x297: {  	_ = 	snop;
	(pc) =	sbr.rel @!p3 .LBB2_16-.Ltmp16, $4  }
0x298: {  	s3 =	ssub.s32 @p2 s3, s5  }
0x299: {  	s8 =	sadd.s32 @!p4 s8, s29;
	s5 =	sshll.u32 @p2 s3, $0x4  }
0x29a: {  	s9 =	sadd.s32 @p2 $0x1, s25;
	s8 =	smov.u32 @p4 s29;
	[tilespmem:s5+$0x28] =	vst.msk @p2 $0xf, v1  }
0x29b: {  	s25 =	smov.u32 @p2 s9;
	s21 =	smov.u32 @p2 s3;
	s29 =	smov.u32 @p2 s8;
	v1 =	vld.msk @!p2 [tilespmem:s24+$0x0], $0xf  }
.LBB2_17:
.Ltmp17:
0x29c: {  	_ = 	snop;
	(pc) =	sbr.rel .LBB2_19-.Ltmp17, $3  }
0x29d: {  	s2 =	sld [smem:$0x7FD];
	_ =	sdelay $0x1  }
0x29e: {  	s0 =	sshrl.u32 s29, $0x2;
	s28 =	smov.u32 s26  }
0x29f: {  	s4 =	smov.u32 s6;
	s6 =	rddreg [dreg:$0x7];
	p4 =	seq.s32 s2, $0x1;
	[tilespmem:s30+$0x28] =	vst.add.f32.msk @!p2 $0xf, v1  }
.LBB2_21:
0x2a0: {  	_ =	sfence.sel $0x180000  }
0x2a1: {  	s0 =	simm.s32 $0x9;
	[bflag:$0x0] =	sbarrier.arrive $0xFFFF  }
0x2a2: {  	s24 =	simm.s32 $0xA;
	[sflag:s0] =	ssyncpa.u1 $0x1  }
0x2a3: {  	s25 =	simm.s32 $0xB;
	[sflag:s24] =	ssyncpa.u1 $0x1  }
0x2a4: {  	s26 =	simm.s32 $0x2;
	[sflag:s25] =	ssyncpa.u1 $0x1  }
0x2a5: {  	[sflag:s26] =	ssyncpa.u1 $0x1  }
0x2a6: {  	v0 =	vld [tilespmem:$0x3648];
	_ =	sdelay $0x4  }
0x2a7: {  	(v2sf) =	vpush v0, $0x0  }
0x2a8: {  	(v2sf) =	vpush v0, $0x1;
	_ =	sdelay $0x1  }
0x2a9: {  	(v2sf) =	vpush v0, $0x2;
	_ =	sdelay $0xb  }
0x2aa: {  	s0 =	spop (v2sf)  }
0x2ab: {  	s2 =	spop (v2sf)  }
0x2ac: {  	s3 =	smov.u32 s0;
	p0 =	sne.s32 s0, s2  }
0x2ad: {  	s4 =	spop (v2sf);
	s3 =	simm.s32 @!p0 $0xFFFFFFFF  }
0x2ae: {  	v2 =	vimm.s32 $0x1;
	v3 =	vlaneseq.u32;
	p0 =	seq.s32 s4, $0xFFFFFFFF;
	v1 =	vmov s3  }
0x2af: {  	s16 =	stileid.u32;
	v0 =	vperm.xlane v0, v2;
	p1 =	sne.s32 @!p0 s0, s2;
	v1 =	vperm.xlane v1, v3  }
0x2b0: {  	vm0 =	vcmask $0x3F04;
	s6 =	simm.s32 $0x3648;
	s0 =	simm.s32 @!p0 $0x1;
	p1 =	por !p1, p0  }
0x2b1: {  	s3 =	sshll.u32 s16, $0x1;
	s2 =	sshll.u32 @!p0 s4, $0x6;
	s0 =	simm.s32 @p1 $0x0;
	v0 =	vsel vm0, v1, v0  }
0x2b2: {  	s5 =	sor.u32 $0x200, s3;
	s2 =	sshra.s32 @!p0 s2, $0x2;
	s0 =	sor.u32 @!p0 s0, s3;
	[tilespmem:$0x3648] =	vst v0  }
0x2b3: {  	[spmem:s5] =	stream.linear.scatter [tilespmem:s6], [sflag:$0x1], $0x2, $0x38;
	[tilespmem:$0x1F0F8] =	vst v63  }
0x2b4: {  	s2 =	sadd.s32 @!p0 $0x28, s2;
	s0 =	sshll.u32 @!p0 s0, $0x4  }
0x2b5: {  	[spmem:s0] =	stream.linear.scatter @!p0 [tilespmem:s2], [sflag:$0x1], $0x10, $0x38;
	[tilespmem:$0x1F0F8] =	vst v63  }
0x2b6: {  	s0 =	simm.s32 @!p0 $0x12  }
0x2b7: {  	s28 =	simm.s32 $0x1;
	s0 =	simm.s32 @p0 $0x2  }
0x2b8: {  	_ =	swait.ge [sflag:s28], s0  }
0x2b9: {  	s0 =	ssub.s32 $0x0, s0;
	[sflag:s28] =	ssyncset.done $0x0  }
0x2ba: {  	p0 =	sne.s32 s16, $0x0;
	[sflag:s28] =	ssyncadd.s32 s0  }
.Ltmp18:
0x2bb: {  	_ =	sfence.stream.spmem;
	(pc) =	sbr.rel @p0 .LBB2_38-.Ltmp18, $4  }
0x2bc: {  	s29 =	simm.s32 $0x3;
	[bflag:$0x0] =	sbarrier.arrive $0xFFFF  }
0x2bd: {  	s30 =	simm.s32 $0x4;
	[sflag:s29] =	ssyncpa.u1 $0x1  }
0x2be: {  	s31 =	simm.s32 $0x3C;
	[sflag:s30] =	ssyncpa.u1 $0x1  }
0x2bf: {  	s17 =	rddreg [dreg:$0x6];
	[sflag:s31] =	ssyncpa.u1 $0x1  }
0x2c0: {  	_ =	sfence.stream.spmem;
	s0 =	simm.s32 $0x5  }
0x2c1: {  	s2 =	simm.s32 $0x200;
	s3 =	simm.s32 $0x3658;
	[sflag:s0] =	ssyncpa.u1 $0x0  }
0x2c2: {  	[tilespmem:s3], [sflag:$0x5] =	stream.linear.gather [spmem:s2], $0x20, $0x38;
	[tilespmem:$0x1F0F8] =	vst v63  }
0x2c3: {  	s26 =	simm.s32 $0x0;
	s28 =	simm.s32 $0x3678  }
0x2c4: {  	[tilespmem:s28], [sflag:$0x5] =	stream.linear.gather [spmem:s26], $0x200, $0x38;
	[tilespmem:$0x1F0F8] =	vst v63  }
0x2c5: {  	_ =	swait.ge [sflag:s0], $0x220  }
0x2c6: {  	[sflag:s0] =	ssyncset.done $0x0  }
0x2c7: {  	s29 =	simm.s32 $0x0;
	[sflag:s0] =	ssyncadd.s32 $0xFFFFFDE0  }
0x2c8: {  	v0 =	vld.msk [tilespmem:s29+$0x3658], $0x1;
	_ =	sdelay $0x1  }
0x2c9: {  	s30 =	simm.s32 $0x1  }
0x2ca: {  	v1 =	vld.msk [tilespmem:s30+$0x3658], $0x1;
	_ =	sdelay $0x1  }
0x2cb: {  	(v2sf) =	vpush v0, $0x0;
	_ =	sdelay $0x2  }
0x2cc: {  	(v2sf) =	vpush v1, $0x0;
	_ =	sdelay $0x2  }
0x2cd: {  	s31 =	simm.s32 $0x2  }
0x2ce: {  	v0 =	vld.msk [tilespmem:s31+$0x3658], $0x1;
	_ =	sdelay $0x2  }
0x2cf: {  	s6 =	simm.s32 $0xFFFFFFFF;
	s2 =	simm.s32 $0xFFFFFFFF;
	s0 =	simm.s32 $0xC  }
.LBB2_23:
0x2d0: {  	s3 =	smov.u32 s6;
	s4 =	smov.u32 s2  }
0x2d1: {  	s2 =	sshra.s32 s0, $0x2;
	p1 =	sne.s32 s0, $0x7C;
	s0 =	sadd.s32 $0x4, s0;
	(v2sf) =	vpush v0, $0x0  }
0x2d2: {  	v0 =	vld.msk [tilespmem:s2+$0x3658], $0x1  }
.Ltmp19:
0x2d3: {  	(pc) =	sbr.rel @p1 .LBB2_23-.Ltmp19, $4  }
0x2d4: {  	s6 =	spop (v2sf)  }
0x2d5: {  	p2 =	sne.s32 s4, $0xFFFFFFFF;
	s2 =	smov.u32 s6  }
0x2d6: {  	p3 =	seq.s32 s6, $0xFFFFFFFF;
	s2 =	smov.u32 @p2 s4  }
0x2d7: {  	s6 =	smov.u32 @p3 s3;
	s2 =	smov.u32 @p3 s4  }
0x2d8: {  	(v2sf) =	vpush v0, $0x0;
	_ =	sdelay $0x8  }
0x2d9: {  	s0 =	spop (v2sf)  }
0x2da: {  	p1 =	sne.s32 s2, $0xFFFFFFFF;
	s3 =	smov.u32 s0  }
0x2db: {  	s9 =	simm.s32 $0x6;
	p2 =	seq.s32 s0, $0xFFFFFFFF;
	s3 =	smov.u32 @p1 s2  }
0x2dc: {  	s10 =	simm.s32 $0x3638;
	s3 =	smov.u32 @p2 s2;
	s2 =	spop (v2sf)  }
0x2dd: {  	s0 =	smov.u32 @p2 s6;
	p1 =	sne.s32 s3, $0xFFFFFFFF;
	s4 =	smov.u32 s2  }
.Ltmp20:
0x2de: {  	p2 =	seq.s32 s2, $0xFFFFFFFF;
	s4 =	smov.u32 @p1 s3;
	(pc) =	sbr.rel .LBB2_25-.Ltmp20, $4  }
0x2df: {  	s11 =	simm.s32 $0x0;
	s4 =	smov.u32 @p2 s3;
	s7 =	spop (v2sf)  }
0x2e0: {  	[sflag:s9] =	ssyncpa.u1 $0x0;
	p1 =	sne.s32 s4, $0xFFFFFFFF;
	s8 =	smov.u32 s7  }
0x2e1: {  	s2 =	smov.u32 @p2 s0;
	p2 =	seq.s32 s7, $0xFFFFFFFF;
	s8 =	smov.u32 @p1 s4  }
0x2e2: {  	s6 =	simm.s32 $0x0;
	s7 =	smov.u32 @p2 s2;
	s8 =	smov.u32 @p2 s4  }
.LBB2_30:
0x2e3: {  	p1 =	sgt.u32 s12, $0x270FF  }
0x2e4: {  	p2 =	seq.s32 @!p1 s12, s8  }
0x2e5: {  	p1 =	por p1, p2  }
0x2e6: {  	p2 =	sne.s32 @!p1 s12, s7  }
0x2e7: {  	p1 =	por p1, !p2  }
0x2e8: {  	s0 =	sshll.u32 @p1 s11, $0x6  }
0x2e9: {  	s0 =	sand.u32 @!p1 $0x3FFF8, s12  }
0x2ea: {  	s2 =	sand.u32 @!p1 $0x7, s12;
	s0 =	sadd.s32 @!p1 s1, s0  }
0x2eb: {  	[tilespmem:s10], [sflag:$0x6] =	stream.linear.gather @!p1 [hbm4b:s0+s2], $0x4, $0x38;
	[tilespmem:$0x1F0F8] =	vst v63  }
0x2ec: {  	_ =	swait.ge @!p1 [sflag:s9], $0x4  }
0x2ed: {  	[sflag:s9] =	ssyncset.done @!p1 $0x0  }
0x2ee: {  	[sflag:s9] =	ssyncadd.s32 @!p1 $0xFFFFFFFC  }
0x2ef: {  	v1 =	vld @!p1 [tilespmem:$0x3638];
	_ =	sdelay $0x2  }
0x2f0: {  	s0 =	sshll.u32 @!p1 s11, $0x6  }
0x2f1: {  	s2 =	sshrl.u32 @!p1 s0, $0x2  }
0x2f2: {  	[tilespmem:s2+$0x3678] =	vst.add.f32.msk @!p1 $0xffff, v1  }
0x2f3: {  	s0 =	sshrl.u32 s0, $0x2;
	[tilespmem:s6+$0x3658] =	vst.msk $0x1, v0  }
0x2f4: {  	v0 =	vld [tilespmem:s0+$0x3678];
	_ =	sdelay $0x2  }
0x2f5: {  	s31 =	sshll.u32 s6, $0x6  }
0x2f6: {  	s0 =	sshra.s32 s31, $0x2  }
0x2f7: {  	s6 =	sadd.s32 $0x1, s6;
	[tilespmem:s0+$0x3678] =	vst v0  }
.LBB2_32:
0x2f8: {  	s11 =	sadd.s32 $0x1, s11  }
0x2f9: {  	p1 =	sne.s32 s11, $0x20  }
.Ltmp21:
0x2fa: {  	_ = 	snop;
	(pc) =	sbr.rel @!p1 .LBB2_33-.Ltmp21, $1  }
0x2fb: {  	_ =	sdelay $0x3  }
.LBB2_25:
0x2fc: {  	v0 =	vld.msk [tilespmem:s11+$0x3658], $0x1;
	_ =	sdelay $0x4  }
0x2fd: {  	(v2sf) =	vpush v0, $0x0;
	_ =	sdelay $0xe  }
0x2fe: {  	s12 =	spop (v2sf)  }
0x2ff: {  	p1 =	seq.s32 s12, $0xFFFFFFFF  }
.Ltmp22:
0x300: {  	_ = 	snop;
	(pc) =	sbr.rel @p1 .LBB2_32-.Ltmp22, $1  }
0x301: {  	_ =	sdelay $0x3  }
0x302: {  	p1 =	slt.s32 s6, $0x1  }
.Ltmp23:
0x303: {  	_ = 	snop;
	(pc) =	sbr.rel @p1 .LBB2_30-.Ltmp23, $1  }
0x304: {  	_ =	sdelay $0x3  }
0x305: {  	s13 =	simm.s32 $0x3658;
	p1 =	por $0x0, $0x0  }
0x306: {  	v1 =	vld.msk @!p1 [tilespmem:s13+$0x0], $0x1;
	_ =	sdelay $0x4  }
0x307: {  	(v2sf) =	vpush @!p1 v1, $0x0;
	_ =	sdelay $0xd  }
0x308: {  	p3 =	sne.s32 s6, $0x1  }
.Ltmp24:
0x309: {  	s0 =	spop @!p1 (v2sf);
	(pc) =	sbr.rel @!p3 .LBB2_29-.Ltmp24, $4  }
0x30a: {  	p2 =	seq.s32 @!p1 s12, s0  }
0x30b: {  	s14 =	simm.s32 $0x0;
	p2 =	por !p2, p1  }
0x30c: {  	s0 =	simm.s32 $0xFFFFFFFF;
	s14 =	simm.s32 @p2 $0xFFFFFFFF  }
0x30d: {  	s15 =	simm.s32 $0x1;
	s14 =	smov.u32 @p1 s0  }
.LBB2_28:
0x30e: {  	s0 =	smov.u32 s14;
	p1 =	sne.s32 s14, $0xFFFFFFFF  }
0x30f: {  	s13 =	sadd.s32 $0x1, s13;
	s14 =	smov.u32 s15;
	s15 =	sadd.s32 $0x1, s15  }
0x310: {  	p2 =	sne.s32 s6, s15;
	v1 =	vld.msk @!p1 [tilespmem:s13+$0x0], $0x1;
	_ =	sdelay $0x4  }
0x311: {  	(v2sf) =	vpush @!p1 v1, $0x0;
	_ =	sdelay $0xe  }
.Ltmp25:
0x312: {  	s2 =	spop @!p1 (v2sf);
	(pc) =	sbr.rel @p2 .LBB2_28-.Ltmp25, $4  }
0x313: {  	p3 =	seq.s32 @!p1 s12, s2  }
0x314: {  	p3 =	por !p3, p1  }
0x315: {  	s14 =	simm.s32 @p3 $0xFFFFFFFF  }
0x316: {  	s14 =	smov.u32 @p1 s0  }
.LBB2_29:
0x317: {  	p1 =	sne.s32 s14, $0xFFFFFFFF  }
.Ltmp26:
0x318: {  	_ = 	snop;
	(pc) =	sbr.rel @!p1 .LBB2_30-.Ltmp26, $1  }
0x319: {  	_ =	sdelay $0x3  }
0x31a: {  	s0 =	sshll.u32 s11, $0x4  }
0x31b: {  	s0 =	sand.u32 $0x3FFFFFF0, s0  }
0x31c: {  	v0 =	vld [tilespmem:s0+$0x3678]  }
.Ltmp27:
0x31d: {  	_ = 	snop;
	(pc) =	sbr.rel .LBB2_32-.Ltmp27, $4  }
0x31e: {  	_ = 	snop  }
0x31f: {  	s31 =	sshll.u32 s14, $0x6  }
0x320: {  	s0 =	sshra.s32 s31, $0x2  }
0x321: {  	[tilespmem:s0+$0x3678] =	vst.add.f32.msk $0xffff, v0  }
.LBB2_33:
0x322: {  	s0 =	simm.s32 $0x6;
	p1 =	seq.s32 s6, $0x0  }
0x323: {  	[sflag:s0] =	ssyncpa.u1 $0x1;
	v0 =	vimm.s32 @p1 $0xFFFFFFFF  }
0x324: {  	s9 =	sadd.s32 $0xFFFFFFFF, s6;
	[tilespmem:$0x3878] =	vst @p1 v0  }
0x325: {  	v0 =	vld.msk @!p1 [tilespmem:s9+$0x3658], $0x1;
	_ =	sdelay $0x1  }
0x326: {  	v1 =	vld.msk @!p1 [tilespmem:$0x3658], $0x1;
	_ =	sdelay $0x2  }
0x327: {  	p2 =	seq.s32 @!p1 s9, $0x0;
	v0 =	vbroadcast @!p1 v0, $0x0  }
0x328: {  	vm0 =	vmmov @!p1 $0x1;
	p2 =	por !p2, p1  }
0x329: {  	v1 =	vnsel @!p1 vm0, $0xFFFFFFFF, v1;
	vm0 =	vcmask @!p1 $0x308;
	v0 =	vpsel !p2, $0xFFFFFFFF, v0  }
0x32a: {  	p2 =	sne.s32 @!p1 s8, s7;
	v0 =	vsel @!p1 vm0, v1, v0  }
0x32b: {  	s0 =	simm.s32 @!p1 $0x3678;
	s2 =	simm.s32 @!p1 $0x0;
	p3 =	por !p2, p1;
	[tilespmem:$0x3878] =	vst @!p1 v0  }
0x32c: {  	[spmem:s2] =	stream.linear.scatter @!p1 [tilespmem:s0], [sflag:$0x1], $0x10, $0x38;
	[tilespmem:$0x1F0F8] =	vst v63  }
0x32d: {  	s0 =	sshll.u32 @!p3 s9, $0x6  }
0x32e: {  	s0 =	sshra.s32 @!p3 s0, $0x2  }
0x32f: {  	s2 =	simm.s32 @!p3 $0x10;
	s0 =	sadd.s32 @!p3 $0x3678, s0  }
0x330: {  	[spmem:s2] =	stream.linear.scatter @!p3 [tilespmem:s0], [sflag:$0x1], $0x10, $0x38;
	[tilespmem:$0x1F0F8] =	vst v63  }
0x331: {  	s0 =	simm.s32 @!p3 $0x1  }
0x332: {  	_ =	swait.ge @!p3 [sflag:s0], $0x20  }
0x333: {  	p1 =	por p2, p1;
	[sflag:s0] =	ssyncset.done @!p3 $0x0  }
0x334: {  	[sflag:s0] =	ssyncadd.s32 @!p3 $0xFFFFFFE0;
	s0 =	simm.s32 @!p1 $0x1  }
0x335: {  	_ =	swait.ge @!p1 [sflag:s0], $0x10  }
0x336: {  	s29 =	simm.s32 $0x3878;
	[sflag:s0] =	ssyncset.done @!p1 $0x0  }
0x337: {  	s30 =	simm.s32 $0x200;
	s31 =	simm.s32 $0x1;
	[sflag:s0] =	ssyncadd.s32 @!p1 $0xFFFFFFF0  }
0x338: {  	[spmem:s30] =	stream.linear.scatter [tilespmem:s29], [sflag:$0x1], $0x10, $0x38;
	[tilespmem:$0x1F0F8] =	vst v63  }
0x339: {  	_ =	swait.ge [sflag:s31], $0x10  }
0x33a: {  	[sflag:s31] =	ssyncset.done $0x0  }
0x33b: {  	p1 =	seq.s32 s17, $0x0;
	s8 =	rddreg [dreg:$0x2];
	[sflag:s31] =	ssyncadd.s32 $0xFFFFFFF0  }
0x33c: {  	s2 =	sshll.u32 @p1 s8, $0xE;
	s7 =	rddreg [dreg:$0x3]  }
0x33d: {  	s0 =	sadd.s32 @p1 $0x15C3C, s2;
	s2 =	sshll.u32 @p1 s7, $0x11  }
0x33e: {  	_ =	sfence.stream.spmem;
	s0 =	sor.u32 @p1 s2, s0  }
0x33f: {  	[sflag:s0] =	ssyncadd.remote.s32 @p1 $0x1;
	s0 =	simm.s32 @p1 $0x4  }
0x340: {  	s3 =	simm.s32 @!p1 $0x3C;
	s2 =	sand.u32 $0xFFFFFFFE, s8;
	_ =	swait.ge @p1 [sflag:s0], $0x6  }
0x341: {  	s4 =	simm.s32 @!p1 $0x0;
	s2 =	sadd.s32 @!p1 $0x4, s2;
	[sflag:s0] =	ssyncset.done @p1 $0x0  }
0x342: {  	s5 =	simm.s32 @!p1 $0x20;
	[sflag:s0] =	ssyncadd.s32 @p1 $0xFFFFFFFA;
	s0 =	sshll.u32 @!p1 s2, $0x1A  }
0x343: {  	s2 =	sshll.u32 @!p1 s2, $0xD;
	s0 =	sor.u32 @!p1 s0, s7;
	_ =	swait.eq @!p1 [sflag:s3], $0x1  }
0x344: {  	s2 =	sor.u32 @!p1 $0x1C04, s2;
	s3 =	simm.s32 @!p1 $0x1C03;
	s0 =	sor.u32 @!p1 $0x80004000, s0  }
0x345: {  	[spmem:s5], [sflag:s2] =	dma.general @!p1 [spmem:s4], [sflag:s3], length:$0x4, [dreg:$0x0], stride_count:$0x0, ici_dest:s0, dma_misc:DstOpCode:WRITE  }
0x346: {  	p2 =	slt.s32 s9, $0x2;
	s4 =	simm.s32 @!p1 $0x40;
	s5 =	simm.s32 @!p1 $0x42  }
0x347: {  	[spmem:s5], [sflag:s2] =	dma.general @!p1 [spmem:s4], [sflag:s3], length:$0x2, [dreg:$0x0], stride_count:$0x0, ici_dest:s0, dma_misc:DstOpCode:WRITE  }
.Ltmp28:
0x348: {  	s0 =	simm.s32 @!p1 $0x3;
	(pc) =	sbr.rel @p2 .LBB2_37-.Ltmp28, $4  }
0x349: {  	s2 =	sshll.u32 @!p1 s8, $0xE;
	_ =	swait.ge @!p1 [sflag:s0], $0x6  }
0x34a: {  	s3 =	sshll.u32 @!p1 s7, $0x11;
	s2 =	sadd.s32 @!p1 $0x11C3C, s2;
	[sflag:s0] =	ssyncset.done @!p1 $0x0  }
0x34b: {  	[sflag:s0] =	ssyncadd.s32 @!p1 $0xFFFFFFFA;
	s0 =	sor.u32 @!p1 s3, s2  }
0x34c: {  	[sflag:s0] =	ssyncadd.remote.s32 @!p1 $0xFFFFFFFF;
	s0 =	simm.s32 $0x0  }
0x34d: {  	s0 =	simm.s32 $0x3659  }
0x34e: {  	v0 =	vld.msk [tilespmem:s0+$0x0], $0x1;
	_ =	sdelay $0x4  }
0x34f: {  	(v2sf) =	vpush v0, $0x0;
	_ =	sdelay $0xd  }
0x350: {  	s3 =	sadd.s32 $0xFFFFFFFE, s6  }
0x351: {  	s3 =	sadd.s32 $0xFFFFFFFF, s3;
	s0 =	spop (v2sf)  }
0x352: {  	p2 =	sne.s32 s3, $0x0;
	p1 =	sgt.u32 s0, $0x270FF  }
.Ltmp29:
0x353: {  	s4 =	sand.u32 @!p1 $0x3FFF8, s0;
	(pc) =	sbr.rel @!p2 .LBB2_36-.Ltmp29, $4  }
0x354: {  	s2 =	simm.s32 $0x3688;
	s0 =	sand.u32 @!p1 $0x7, s0;
	s4 =	sadd.s32 @!p1 s1, s4  }
0x355: {  	[hbm4b:s4+s0] =	stream.linear.scatter @!p1 [tilespmem:s2], [sflag:$0x5], $0x4, $0x38;
	[tilespmem:$0x1F0F8] =	vst v63  }
0x356: {  	s0 =	simm.s32 $0x0  }
0x357: {  	s6 =	simm.s32 $0x0;
	s7 =	simm.s32 $0x365A;
	s0 =	simm.s32 @!p1 $0x10  }
.LBB2_35:
0x358: {  	v0 =	vld.msk [tilespmem:s7+$0x0], $0x1;
	s3 =	sadd.s32 $0xFFFFFFFF, s3;
	s6 =	sadd.s32 s6, s0  }
0x359: {  	p1 =	sne.s32 s3, $0x0;
	_ =	sdelay $0x3  }
0x35a: {  	(v2sf) =	vpush v0, $0x0;
	_ =	sdelay $0xe  }
.Ltmp30:
0x35b: {  	s4 =	spop (v2sf);
	(pc) =	sbr.rel @p1 .LBB2_35-.Ltmp30, $4  }
0x35c: {  	s0 =	simm.s32 $0x0;
	p2 =	sgt.u32 s4, $0x270FF  }
0x35d: {  	s2 =	sadd.s32 $0x10, s2;
	s0 =	simm.s32 @!p2 $0x10;
	s5 =	sand.u32 @!p2 $0x3FFF8, s4  }
0x35e: {  	s7 =	sadd.s32 $0x1, s7;
	s4 =	sand.u32 @!p2 $0x7, s4;
	s5 =	sadd.s32 @!p2 s1, s5  }
0x35f: {  	[hbm4b:s5+s4] =	stream.linear.scatter @!p2 [tilespmem:s2], [sflag:$0x5], $0x4, $0x38;
	[tilespmem:$0x1F0F8] =	vst v63  }
.LBB2_36:
0x360: {  	s0 =	sadd.s32 s6, s0  }
0x361: {  	s0 =	sshrl.u32 s0, $0x2  }
.LBB2_37:
0x362: {  	s2 =	simm.s32 $0x5  }
0x363: {  	_ =	swait.ge [sflag:s2], s0  }
0x364: {  	s31 =	ssub.s32 $0x0, s0;
	[sflag:s2] =	ssyncset.done $0x0  }
0x365: {  	[sflag:s2] =	ssyncadd.s32 s31  }
0x366: {  	[sflag:s2] =	ssyncpa.u1 $0x1  }
.LBB2_38:
0x367: {  	s0 =	sor.u32 s17, s16  }
0x368: {  	p1 =	sne.s32 s0, $0x0  }
.Ltmp31:
0x369: {  	_ = 	snop;
	(pc) =	sbr.rel @p1 .LBB2_53-.Ltmp31, $3  }
0x36a: {  	_ =	sdelay $0x1  }
0x36b: {  	[bflag:$0x0] =	sbarrier.arrive $0xFFFF  }
0x36c: {  	_ =	sfence  }
0x36d: {  	s0 =	simm.s32 $0x7  }
0x36e: {  	s2 =	simm.s32 $0x200;
	s3 =	simm.s32 $0x3658;
	[sflag:s0] =	ssyncpa.u1 $0x0  }
0x36f: {  	[tilespmem:s3], [sflag:$0x7] =	stream.linear.gather [spmem:s2], $0x20, $0x38;
	[tilespmem:$0x1F0F8] =	vst v63  }
0x370: {  	s30 =	simm.s32 $0x3678;
	s2 =	simm.s32 $0x0  }
0x371: {  	[tilespmem:s30], [sflag:$0x7] =	stream.linear.gather [spmem:s2], $0x200, $0x38;
	[tilespmem:$0x1F0F8] =	vst v63  }
.Ltmp32:
0x372: {  	_ = 	snop;
	(pc) =	sbr.rel .LBB2_40-.Ltmp32, $4  }
0x373: {  	_ =	swait.ge [sflag:s0], $0x220  }
0x374: {  	[sflag:s0] =	ssyncset.done $0x0  }
0x375: {  	s31 =	simm.s32 $0x8;
	[sflag:s0] =	ssyncadd.s32 $0xFFFFFDE0  }
0x376: {  	s3 =	simm.s32 $0x0;
	[sflag:s31] =	ssyncpa.u1 $0x0  }
.LBB2_45:
0x377: {  	p1 =	slt.u32 s4, $0x27100  }
0x378: {  	s0 =	sand.u32 @p1 $0x3FFF8, s4  }
0x379: {  	s4 =	sand.u32 @p1 $0x7, s4;
	s5 =	simm.s32 @p1 $0x3638;
	s0 =	sadd.s32 @p1 s1, s0  }
0x37a: {  	[tilespmem:s5], [sflag:$0x8] =	stream.linear.gather @p1 [hbm4b:s0+s4], $0x4, $0x38;
	[tilespmem:$0x1F0F8] =	vst v63  }
0x37b: {  	s0 =	simm.s32 @p1 $0x8  }
0x37c: {  	_ =	swait.ge @p1 [sflag:s0], $0x4  }
0x37d: {  	[sflag:s0] =	ssyncset.done @p1 $0x0  }
0x37e: {  	[sflag:s0] =	ssyncadd.s32 @p1 $0xFFFFFFFC  }
0x37f: {  	v1 =	vld @p1 [tilespmem:$0x3638];
	_ =	sdelay $0x2  }
0x380: {  	s0 =	sshll.u32 @p1 s3, $0x6  }
0x381: {  	s5 =	sshll.u32 @!p1 s3, $0x6;
	s4 =	sshrl.u32 @p1 s0, $0x2  }
0x382: {  	s5 =	smov.u32 @p1 s0;
	[tilespmem:s4+$0x3678] =	vst.add.f32.msk @p1 $0xffff, v1  }
0x383: {  	s0 =	sshrl.u32 s5, $0x2;
	[tilespmem:s2+$0x3658] =	vst.msk $0x1, v0  }
0x384: {  	v0 =	vld [tilespmem:s0+$0x3678];
	_ =	sdelay $0x2  }
0x385: {  	s31 =	sshll.u32 s2, $0x6  }
0x386: {  	s0 =	sshra.s32 s31, $0x2  }
0x387: {  	s2 =	sadd.s32 $0x1, s2;
	[tilespmem:s0+$0x3678] =	vst v0  }
.LBB2_47:
0x388: {  	s3 =	sadd.s32 $0x1, s3  }
0x389: {  	p1 =	sne.s32 s3, $0x20  }
.Ltmp33:
0x38a: {  	_ = 	snop;
	(pc) =	sbr.rel @!p1 .LBB2_48-.Ltmp33, $1  }
0x38b: {  	_ =	sdelay $0x3  }
.LBB2_40:
0x38c: {  	v0 =	vld.msk [tilespmem:s3+$0x3658], $0x1;
	_ =	sdelay $0x4  }
0x38d: {  	(v2sf) =	vpush v0, $0x0;
	_ =	sdelay $0xe  }
0x38e: {  	s4 =	spop (v2sf)  }
0x38f: {  	p1 =	seq.s32 s4, $0xFFFFFFFF  }
.Ltmp34:
0x390: {  	_ = 	snop;
	(pc) =	sbr.rel @p1 .LBB2_47-.Ltmp34, $1  }
0x391: {  	_ =	sdelay $0x3  }
0x392: {  	p1 =	slt.s32 s2, $0x1  }
.Ltmp35:
0x393: {  	_ = 	snop;
	(pc) =	sbr.rel @p1 .LBB2_45-.Ltmp35, $1  }
0x394: {  	_ =	sdelay $0x3  }
0x395: {  	s5 =	simm.s32 $0x3658;
	p1 =	por $0x0, $0x0  }
0x396: {  	v1 =	vld.msk @!p1 [tilespmem:s5+$0x0], $0x1;
	_ =	sdelay $0x4  }
0x397: {  	(v2sf) =	vpush @!p1 v1, $0x0;
	_ =	sdelay $0xd  }
0x398: {  	p3 =	sne.s32 s2, $0x1  }
.Ltmp36:
0x399: {  	s0 =	spop @!p1 (v2sf);
	(pc) =	sbr.rel @!p3 .LBB2_44-.Ltmp36, $4  }
0x39a: {  	p2 =	seq.s32 @!p1 s4, s0  }
0x39b: {  	s6 =	simm.s32 $0x0;
	p2 =	por !p2, p1  }
0x39c: {  	s0 =	simm.s32 $0xFFFFFFFF;
	s6 =	simm.s32 @p2 $0xFFFFFFFF  }
0x39d: {  	s7 =	simm.s32 $0x1;
	s6 =	smov.u32 @p1 s0  }
.LBB2_43:
0x39e: {  	s0 =	smov.u32 s6;
	p1 =	sne.s32 s6, $0xFFFFFFFF  }
0x39f: {  	s5 =	sadd.s32 $0x1, s5;
	s6 =	smov.u32 s7;
	s7 =	sadd.s32 $0x1, s7  }
0x3a0: {  	p2 =	sne.s32 s2, s7;
	v1 =	vld.msk @!p1 [tilespmem:s5+$0x0], $0x1;
	_ =	sdelay $0x4  }
0x3a1: {  	(v2sf) =	vpush @!p1 v1, $0x0;
	_ =	sdelay $0xe  }
.Ltmp37:
0x3a2: {  	s8 =	spop @!p1 (v2sf);
	(pc) =	sbr.rel @p2 .LBB2_43-.Ltmp37, $4  }
0x3a3: {  	p3 =	seq.s32 @!p1 s4, s8  }
0x3a4: {  	p3 =	por !p3, p1  }
0x3a5: {  	s6 =	simm.s32 @p3 $0xFFFFFFFF  }
0x3a6: {  	s6 =	smov.u32 @p1 s0  }
.LBB2_44:
0x3a7: {  	p1 =	sne.s32 s6, $0xFFFFFFFF  }
.Ltmp38:
0x3a8: {  	_ = 	snop;
	(pc) =	sbr.rel @!p1 .LBB2_45-.Ltmp38, $1  }
0x3a9: {  	_ =	sdelay $0x3  }
0x3aa: {  	s0 =	sshll.u32 s3, $0x4  }
0x3ab: {  	s0 =	sand.u32 $0x3FFFFFF0, s0  }
0x3ac: {  	v0 =	vld [tilespmem:s0+$0x3678]  }
.Ltmp39:
0x3ad: {  	_ = 	snop;
	(pc) =	sbr.rel .LBB2_47-.Ltmp39, $4  }
0x3ae: {  	_ = 	snop  }
0x3af: {  	s31 =	sshll.u32 s6, $0x6  }
0x3b0: {  	s0 =	sshra.s32 s31, $0x2  }
0x3b1: {  	[tilespmem:s0+$0x3678] =	vst.add.f32.msk $0xffff, v0  }
.LBB2_48:
0x3b2: {  	p1 =	slt.s32 s2, $0x1  }
.Ltmp40:
0x3b3: {  	_ = 	snop;
	(pc) =	sbr.rel @p1 .LBB2_52-.Ltmp40, $3  }
0x3b4: {  	_ =	sdelay $0x1  }
0x3b5: {  	s0 =	simm.s32 $0x8  }
0x3b6: {  	s3 =	simm.s32 $0x0;
	[sflag:s0] =	ssyncpa.u1 $0x1  }
0x3b7: {  	s0 =	simm.s32 $0x3658  }
0x3b8: {  	v0 =	vld.msk [tilespmem:s0+$0x0], $0x1;
	_ =	sdelay $0x4  }
0x3b9: {  	(v2sf) =	vpush v0, $0x0;
	_ =	sdelay $0xe  }
0x3ba: {  	s2 =	sadd.s32 $0xFFFFFFFF, s2;
	s0 =	spop (v2sf)  }
0x3bb: {  	p2 =	sne.s32 s2, $0x0;
	p1 =	sgt.u32 s0, $0x270FF  }
.Ltmp41:
0x3bc: {  	s5 =	sand.u32 @!p1 $0x3FFF8, s0;
	(pc) =	sbr.rel @!p2 .LBB2_51-.Ltmp41, $4  }
0x3bd: {  	s4 =	simm.s32 $0x3678;
	s0 =	sand.u32 @!p1 $0x7, s0;
	s5 =	sadd.s32 @!p1 s1, s5  }
0x3be: {  	[hbm4b:s5+s0] =	stream.linear.scatter @!p1 [tilespmem:s4], [sflag:$0x7], $0x4, $0x38;
	[tilespmem:$0x1F0F8] =	vst v63  }
0x3bf: {  	s0 =	simm.s32 $0x0  }
0x3c0: {  	s5 =	simm.s32 $0x3659;
	s0 =	simm.s32 @!p1 $0x10  }
.LBB2_50:
0x3c1: {  	v0 =	vld.msk [tilespmem:s5+$0x0], $0x1;
	s2 =	sadd.s32 $0xFFFFFFFF, s2;
	s3 =	sadd.s32 s3, s0  }
0x3c2: {  	p1 =	sne.s32 s2, $0x0;
	_ =	sdelay $0x3  }
0x3c3: {  	(v2sf) =	vpush v0, $0x0;
	_ =	sdelay $0xe  }
.Ltmp42:
0x3c4: {  	s6 =	spop (v2sf);
	(pc) =	sbr.rel @p1 .LBB2_50-.Ltmp42, $4  }
0x3c5: {  	s0 =	simm.s32 $0x0;
	p2 =	sgt.u32 s6, $0x270FF  }
0x3c6: {  	s4 =	sadd.s32 $0x10, s4;
	s0 =	simm.s32 @!p2 $0x10;
	s7 =	sand.u32 @!p2 $0x3FFF8, s6  }
0x3c7: {  	s5 =	sadd.s32 $0x1, s5;
	s6 =	sand.u32 @!p2 $0x7, s6;
	s7 =	sadd.s32 @!p2 s1, s7  }
0x3c8: {  	[hbm4b:s7+s6] =	stream.linear.scatter @!p2 [tilespmem:s4], [sflag:$0x7], $0x4, $0x38;
	[tilespmem:$0x1F0F8] =	vst v63  }
.LBB2_51:
0x3c9: {  	s0 =	sadd.s32 s3, s0  }
0x3ca: {  	s3 =	sshrl.u32 s0, $0x2  }
.LBB2_52:
0x3cb: {  	s0 =	simm.s32 $0x7  }
0x3cc: {  	_ =	swait.ge [sflag:s0], s3  }
0x3cd: {  	s1 =	ssub.s32 $0x0, s3;
	[sflag:s0] =	ssyncset.done $0x0  }
0x3ce: {  	[sflag:s0] =	ssyncadd.s32 s1  }
0x3cf: {  	[sflag:s0] =	ssyncpa.u1 $0x1  }
.LBB2_53:
0x3d0: {  	_ =	sfence;
	s0 =	simm.s32 $0x1  }
0x3d1: {  	[sflag:s0] =	ssyncpa.u1 $0x1  }
0x3d2: {  	_ =	strace $0x9000004A  }
0x3d3: {  	[bflag:$0x2] =	sbarrier.arrive $0xFFFF  }
0x3d4: {  	s0 =	rddreg [dreg:$0x4]  }
0x3d5: {  	s0 =	sadd.s32 @!p0 $0x100000, s0  }
0x3d6: {  	[sflag:s0] =	ssyncadd.tile.s32 @!p0 $0x1;
	_ =	shalt  }
.Lfunc_end2:
_tile_overlayer_lowered:
.L_overlay_start_2:
0x3d7: {  	(tag) =	ssettag $0x2  }
0x3d8: {  	s0 =	rddreg [dreg:$0x0];
	s2 =	stileid.u32  }
0x3d9: {  	s1 =	rddreg [dreg:$0x1];
	p0 =	sne.s32 s2, $0x0  }
0x3da: {  	s3 =	rddreg [dreg:$0x2];
	[bflag:$0x3] =	sbarrier.arrive $0xFFFF;
	s2 =	simm.s32 @!p0 $0x1C01  }
0x3db: {  	[timem:s3], [sflag:s2] =	dma.local @!p0 [hbm:s0], s1  }
0x3dc: {  	s0 =	simm.s32 @!p0 $0x1  }
0x3dd: {  	_ =	swait.ge @!p0 [sflag:s0], s1  }
0x3de: {  	s1 =	ssub.s32 @!p0 $0x0, s1;
	[sflag:s0] =	ssyncset.done @!p0 $0x0  }
0x3df: {  	[sflag:s0] =	ssyncadd.s32 @!p0 s1  }
0x3e0: {  	[bflag:$0x3] =	sbarrier.arrive $0xFFFF  }
0x3e1: {  	_ =	shalt  }

// kernel: sparse-core-data-format-call.cloned.1.call-start
scs
called_computation.1_lowered:
.L_overlay_start_0:
0x0: {  	s1 =	sld [smem:$0x3FD9]  }
0x1: {  	s2 =	sld [smem:$0x3FFE];
	_ =	sdelay $0x1  }
0x2: {  	s3 =	srdreg.scid  }
0x3: {  	s0 =	sand.u32 $0x1, s3  }
0x4: {  	s17 =	sshll.u32 s0, $0xA;
	s1 =	sadd.s32 s2, s1  }
0x5: {  	s1 =	sadd.s32 s1, s17  }
0x6: {  	[smem:$0x3FB6] =	sst s1  }
0x7: {  	_ = 	snop  }
0x8: {  	(tm) =	ssettm $0x1  }
0x9: {  	s18 =	sld [smem:$0x3FFB];
	_ =	sdelay $0x3  }
0xa: {  	_ =	strace s18  }
0xb: {  	s1 =	sld [smem:$0x3FFC];
	_ =	sdelay $0x3  }
0xc: {  	_ =	strace s1  }
0xd: {  	s1 =	sld [smem:$0x3FFD];
	_ =	sdelay $0x3  }
0xe: {  	_ =	strace s1  }
0xf: {  	_ =	strace $0x8FFFFFFF  }
0x10: {  	s19 =	sld [smem:$0x3FDB];
	_ =	sdelay $0x1  }
0x11: {  	s20 =	simm.s32 $_scs_section_size  }
0x12: {  	s4 =	simm.s32 $_size__tile_overlayer_lowered;
	s5 =	simm.s32 $_tile_overlayer_lowered  }
0x13: {  	s23 =	simm.s32 $0x1BFF;
	s22 =	sshll.u32 s5, $0x1;
	s1 =	sadd.s32 s20, s19  }
0x14: {  	s6 =	simm.s32 $0x0;
	s21 =	sshll.u32 s4, $0x1;
	s4 =	sadd.s32 s22, s1  }
0x15: {  	[timem:s6], [sflag:s23] =	dma.local [hbm:s4], s21  }
0x16: {  	_ =	swait.ge [sflag:s23], s21  }
0x17: {  	s2 =	ssub.s32 $0x0, s21;
	[sflag:s23] =	ssyncset.done $0x0  }
0x18: {  	[sflag:s23] =	ssyncadd.s32 s2;
	_ =	sdelay $0x1  }
0x19: {  	s24 =	simm.s32 $0x1B8B  }
0x1a: {  	_ =	swait.ge [sflag:s24], $0x1  }
0x1b: {  	[sflag:s24] =	ssyncset.done $0x0  }
0x1c: {  	s26 =	simm.s32 $0x1B8E;
	s25 =	sld [smem:$0x3FFE];
	[sflag:s24] =	ssyncadd.s32 $0xFFFFFFFF  }
0x1d: {  	s27 =	simm.s32 $execute0_lowered;
	[smem:$0x3FD2] =	sst s26  }
0x1e: {  	s4 =	sshll.u32 s27, $0x1;
	_ =	strace $0x8000004C;
	[dreg:$0x1] =	wrdreg $0xFFFFFFFF  }
0x1f: {  	s28 =	simm.s32 $_size_execute0_lowered;
	s1 =	sadd.s32 s1, s4;
	[dreg:$0x0] =	wrdreg $0x0  }
0x20: {  	s4 =	sshll.u32 s28, $0x1;
	[dreg:$0x2] =	wrdreg s1  }
0x21: {  	[dreg:$0x3] =	wrdreg s4  }
0x22: {  	[dreg:$0x4] =	wrdreg $0xC0  }
0x23: {  	_ =	task [dreg:s6], $0x5FFFF  }
0x24: {  	[dreg:$0x1] =	wrdreg $0xFFFFFFFF  }
0x25: {  	[dreg:$0x0] =	wrdreg $0x60  }
0x26: {  	[dreg:$0x2] =	wrdreg s25  }
0x27: {  	[dreg:$0x3] =	wrdreg $0x9  }
0x28: {  	_ =	task.clear_ibuf [dreg:s6], $0x4FFFF;
	_ =	strace $0x9000004C  }
0x29: {  	s29 =	simm.s32 $0x9;
	_ =	strace $0x8000004E  }
0x2a: {  	_ =	swait.ge [sflag:s29], $0x1  }
0x2b: {  	[sflag:s29] =	ssyncadd.s32 $0xFFFFFFFF  }
0x2c: {  	_ =	strace $0x9000004E  }
0x2d: {  	_ =	sfence  }
0x2e: {  	s30 =	sld [smem:$0x0];
	_ =	sdelay $0x2  }
0x2f: {  	s31 =	sshll.u32 s3, $0xD;
	s3 =	sshrl.u32 s3, $0x2  }
0x30: {  	s2 =	sand.u32 $0x4000, s31;
	s1 =	sadd.s32 s3, s30  }
0x31: {  	s0 =	sor.u32 s2, s0;
	s1 =	sshll.u32 s1, $0x11  }
0x32: {  	s0 =	sor.u32 s1, s0  }
0x33: {  	s0 =	sadd.s32 $0x8F2B, s0  }
0x34: {  	[sflag:s0] =	ssyncadd.remote.s32 $0x1  }
0x35: {  	_ =	sfence.sel $0xFFFF  }
0x36: {  	[dreg:$0x0] =	wrdreg $0xFFFFFFFF;
	(pc) =	sbr.abs _section_cstart, $3  }
0x37: {  	[dreg:$0x1] =	wrdreg $0xFFFFFFFF  }
0x38: {  	_ =	task.clear_ibuf [dreg:s6], $0x2FFFF;
	_ =	strace $0x9FFFFFFF  }
0x39: {  	(tm) =	ssettm $0x7FFFFFFF  }
tec
execute0_lowered:
.L_overlay_start_1:
0x0: {  	(tag) =	ssettag $0x1  }
0x1: {  	s0 =	srdreg.scid  }
0x2: {  	s1 =	sshll.u32 s0, $0x4  }
0x3: {  	s0 =	stileid.u32;
	s1 =	sand.u32 $0x10, s1  }
0x4: {  	s6 =	rddreg [dreg:$0x0];
	s4 =	simm.s32 $0x1;
	s1 =	sor.u32 s0, s1  }
0x5: {  	s7 =	simm.s32 $0x2;
	s14 =	simm.s32 $0x0;
	s2 =	sshll.u32 s1, $0x8  }
0x6: {  	s8 =	simm.s32 $0x800;
	s13 =	simm.s32 $0x0;
	s3 =	ssub.s32 $0x27100, s2  }
0x7: {  	s15 =	simm.s32 $0x0;
	s10 =	simm.s32 $0x0;
	s31 =	sand.u32 $0x1F00, s3  }
0x8: {  	s11 =	simm.s32 $0x0;
	s1 =	rddreg [dreg:$0x1];
	p0 =	sne.s32 s31, $0x0  }
.Ltmp0:
0x9: {  	s5 =	sshrl.u32 s3, $0xD;
	s4 =	simm.s32 @!p0 $0x0;
	(pc) =	sbr.rel .LBB1_1-.Ltmp0, $4  }
0xa: {  	_ =	strace $0x8000004D;
	s3 =	simm.s32 $0x1;
	s4 =	sadd.s32 s4, s5  }
0xb: {  	s12 =	simm.s32 $0x0;
	[sflag:s3] =	ssyncpa.u1 $0x0;
	s4 =	smul.u32 $0x9, s4  }
0xc: {  	s9 =	smov.u32 s2;
	[sflag:s7] =	ssyncpa.u1 $0x0;
	p0 =	por $0x0, $0x0  }
0xd: {  	s5 =	sadd.s32 $0x6600, s6;
	s6 =	sadd.s32 $0x584A00, s6;
	s7 =	sadd.s32 $0x1, s4  }
.LBB1_4:
0xe: {  	_ = 	snop  }
0xf: {  	[tilespmem:s20+$0xC60 ss:$0x21] =	vst.msk $0xffff, v8  }
0x10: {  	[tilespmem:s20+$0xE70 ss:$0x21] =	vst.msk $0xffff, v7  }
0x11: {  	[tilespmem:s20+$0x1290 ss:$0x21] =	vst.msk $0xffff, v1  }
0x12: {  	s23 =	sor.u32 s26, s25;
	v47 =	vld.idx.msk [tilespmem:v0+s18+$0x470 ss:$0x1], $0xffff;
	[tilespmem:s20+$0x14A0 ss:$0x21] =	vst.msk $0xffff, v2  }
0x13: {  	[tilespmem:s20+$0x16B0 ss:$0x21] =	vst.msk $0xffff, v3;
	v57 =	vld.idx.msk [tilespmem:v0+s23+$0x410 ss:$0x1], $0xffff  }
0x14: {  	[tilespmem:s20+$0x18C0 ss:$0x21] =	vst.msk $0xffff, v4;
	v58 =	vld.idx.msk [tilespmem:v0+s23+$0x420 ss:$0x1], $0xffff  }
0x15: {  	[tilespmem:s20+$0x1AD0 ss:$0x21] =	vst.msk $0xffff, v5;
	v59 =	vld.idx.msk [tilespmem:v0+s23+$0x430 ss:$0x1], $0xffff  }
0x16: {  	s27 =	sshra.s32 s21, $0x2;
	[tilespmem:s20+$0x1CE0 ss:$0x21] =	vst.msk $0xffff, v6;
	v60 =	vld.idx.msk [tilespmem:v0+s23+$0x440 ss:$0x1], $0xffff  }
0x17: {  	s24 =	sand.u32 $0x1B00, s23;
	s18 =	sadd.s32 s27, s19;
	v61 =	vld.idx.msk [tilespmem:v0+s23+$0x450 ss:$0x1], $0xffff;
	[tilespmem:s20+$0x1EF0 ss:$0x21] =	vst.msk $0xffff, v47  }
0x18: {  	s22 =	sand.u32 $0x80, s22;
	v62 =	vld.idx.msk [tilespmem:v0+s23+$0x460 ss:$0x1], $0xffff;
	s17 =	sadd.s32 s24, s17;
	[tilespmem:s18+$0x1290 ss:$0x21] =	vst.msk $0xffff, v57  }
0x19: {  	v63 =	vld.idx.msk [tilespmem:v0+s23+$0x470 ss:$0x1], $0xffff;
	s17 =	sadd.s32 s22, s17;
	[tilespmem:s18+$0x14A0 ss:$0x21] =	vst.msk $0xffff, v58  }
0x1a: {  	v48 =	vld [tilespmem:s17+$0x400];
	[tilespmem:s18+$0x16B0 ss:$0x21] =	vst.msk $0xffff, v59  }
0x1b: {  	v49 =	vld [tilespmem:s17+$0x0];
	[tilespmem:s18+$0x18C0 ss:$0x21] =	vst.msk $0xffff, v60  }
0x1c: {  	v50 =	vld [tilespmem:s17+$0x10];
	[tilespmem:s18+$0x1AD0 ss:$0x21] =	vst.msk $0xffff, v61  }
0x1d: {  	v51 =	vld [tilespmem:s17+$0x20];
	[tilespmem:s18+$0x1CE0 ss:$0x21] =	vst.msk $0xffff, v62  }
0x1e: {  	v52 =	vld [tilespmem:s17+$0x30];
	[tilespmem:s18+$0x1EF0 ss:$0x21] =	vst.msk $0xffff, v63  }
0x1f: {  	v53 =	vld [tilespmem:s17+$0x40];
	[tilespmem:s18+$0x1080 ss:$0x21] =	vst.msk $0xffff, v48  }
0x20: {  	v54 =	vld [tilespmem:s17+$0x50];
	[tilespmem:s18+$0x0 ss:$0x21] =	vst.msk $0xffff, v49  }
0x21: {  	s15 =	sshll.u32 s15, $0x7;
	s28 =	sshll.u32 s13, $0x3;
	v55 =	vld [tilespmem:s17+$0x60];
	[tilespmem:s18+$0x210 ss:$0x21] =	vst.msk $0xffff, v50  }
0x22: {  	s29 =	sand.u32 $0x400, s15;
	v56 =	vld [tilespmem:s17+$0x70];
	s17 =	sand.u32 $0x400, s28;
	[tilespmem:s18+$0x420 ss:$0x21] =	vst.msk $0xffff, v51  }
0x23: {  	s14 =	sshll.u32 s14, $0x8;
	s15 =	sand.u32 $0x380, s15;
	s17 =	sadd.s32 s29, s17;
	[tilespmem:s18+$0x630 ss:$0x21] =	vst.msk $0xffff, v52  }
0x24: {  	s30 =	sshrl.u32 s13, $0x3;
	s31 =	sand.u32 $0x7, s13;
	s15 =	sor.u32 s15, s17;
	[tilespmem:s18+$0x840 ss:$0x21] =	vst.msk $0xffff, v53  }
0x25: {  	s14 =	sadd.s32 s6, s14;
	s17 =	sand.u32 $0xF, s30;
	s15 =	sshrl.u32 s15, $0x3;
	[tilespmem:s18+$0xA50 ss:$0x21] =	vst.msk $0xffff, v54  }
0x26: {  	s13 =	sshll.u32 s31, $0x12;
	s14 =	sadd.s32 s17, s14;
	s15 =	sand.u32 $0xF0, s15;
	[tilespmem:s18+$0xC60 ss:$0x21] =	vst.msk $0xffff, v55  }
0x27: {  	s13 =	sor.u32 $0x20, s13;
	[tilespmem:s18+$0xE70 ss:$0x21] =	vst.msk $0xffff, v56;
	s14 =	sadd.s32 s15, s14  }
0x28: {  	[hbm4b:s14+s13] =	stream.strided.scatter [tilespmem:s16], [sflag:$0x2], $0x2000, s8, s13, $0x10;
	[tilespmem:$0x8200] =	vst v63  }
.LBB1_5:
0x29: {  	s16 =	sadd.s32 $0x2000, s9  }
0x2a: {  	s13 =	sadd.s32 $0x20, s10;
	s17 =	smov.u32 s10;
	p2 =	sgt.s32 s16, $0x270FF  }
0x2b: {  	s17 =	smov.u32 @p2 s13  }
0x2c: {  	s13 =	simm.s32 $0x1;
	p3 =	sgt.s32 s17, $0x1F  }
0x2d: {  	s13 =	simm.s32 @!p3 $0x0  }
0x2e: {  	s19 =	sadd.s32 s13, s11  }
0x2f: {  	s16 =	smov.u32 @p2 s2;
	p2 =	sgt.s32 s19, $0x8  }
0x30: {  	p1 =	slt.u32 s12, $0x2;
	s19 =	simm.s32 @p2 $0x0;
	p2 =	sne.s32 s12, s7  }
.Ltmp1:
0x31: {  	s18 =	simm.s32 @!p1 $0x2;
	(pc) =	sbr.rel @!p2 .LBB1_6-.Ltmp1, $4  }
0x32: {  	s14 =	smov.u32 s9;
	s15 =	smov.u32 s11;
	_ =	swait.ge @!p1 [sflag:s18], $0x2000  }
0x33: {  	p0 =	por !p0, !p0;
	[sflag:s18] =	ssyncset.done @!p1 $0x0;
	s9 =	smov.u32 s16  }
0x34: {  	s17 =	simm.s32 @p3 $0x0;
	[sflag:s18] =	ssyncadd.s32 @!p1 $0xFFFFE000;
	s13 =	smov.u32 s10  }
0x35: {  	s10 =	smov.u32 s17;
	s12 =	sadd.s32 $0x1, s12;
	s11 =	smov.u32 s19  }
.LBB1_1:
0x36: {  	p1 =	sge.u32 s12, s4  }
0x37: {  	s16 =	sshrl.u32 @!p1 s10, $0x3  }
0x38: {  	s17 =	sshll.u32 @!p1 s9, $0x3;
	s16 =	smul.u32 @!p1 $0x138800, s16  }
0x39: {  	s18 =	sshll.u32 @!p1 s10, $0x7;
	s17 =	sand.u32 @!p1 $0xFFFFFC00, s17  }
0x3a: {  	s16 =	sadd.s32 @!p1 s16, s17;
	s17 =	sand.u32 @!p1 $0x380, s18  }
0x3b: {  	s18 =	sand.u32 @!p1 $0x7F, s9;
	s16 =	sor.u32 @!p1 s17, s16  }
0x3c: {  	s17 =	sor.u32 @!p1 s18, s16  }
0x3d: {  	s18 =	smulhi.u32 @!p1 $0xD1B71759, s17  }
0x3e: {  	s16 =	smulhi.u32 @!p1 $0xD1B71759, s16  }
0x3f: {  	s18 =	sshrl.u32 @!p1 s18, $0x11  }
0x40: {  	s31 =	sadd.s32 $0xFFFFFFFF, s12;
	s16 =	sshrl.u32 @!p1 s16, $0x11;
	s18 =	smul.u32 @!p1 $0x27100, s18  }
0x41: {  	s19 =	sxor.u32 @!p1 $0xFFFFFFFF, s12;
	s20 =	smul.u32 @!p1 $0x9C400, s11;
	s16 =	sand.u32 @!p1 $0x1F, s16  }
0x42: {  	s19 =	sshll.u32 @!p1 s19, $0xD;
	s16 =	smul.u32 @!p1 $0x4E20, s16;
	s17 =	ssub.s32 @!p1 s17, s18  }
0x43: {  	s18 =	sand.u32 @!p1 $0x2000, s19;
	s19 =	sadd.s32 @!p1 s5, s20;
	s20 =	sand.u32 @!p1 $0x7, s17  }
0x44: {  	s17 =	sshrl.u32 @!p1 s17, $0x3;
	s16 =	sadd.s32 @!p1 s16, s19;
	s19 =	sshll.u32 @!p1 s20, $0x12  }
0x45: {  	s16 =	sadd.s32 @!p1 s17, s16;
	s17 =	sor.u32 @!p1 $0x800, s19;
	s19 =	simm.s32 @!p1 $0x138800  }
0x46: {  	[tilespmem:s18], [sflag:$0x1] =	stream.strided.gather @!p1 [hbm4b:s16+s17], $0x2000, s19, s17, $0x38;
	[tilespmem:$0x8200] =	vst v63  }
0x47: {  	p1 =	sge.u32 s31, s4  }
.Ltmp2:
0x48: {  	_ = 	snop;
	(pc) =	sbr.rel @p1 .LBB1_5-.Ltmp2, $1  }
0x49: {  	_ =	sdelay $0x3  }
0x4a: {  	s19 =	simm.s32 $0x0  }
0x4b: {  	s18 =	sand.u32 $0x1800, s19;
	s20 =	sand.u32 $0x380, s19  }
0x4c: {  	s16 =	sand.u32 $0x1, s12;
	s18 =	sor.u32 s20, s18  }
0x4d: {  	_ =	swait.ge [sflag:s3], $0x2000;
	s17 =	sshll.u32 s16, $0xD;
	s20 =	sand.u32 $0x1B00, s18  }
0x4e: {  	[sflag:s3] =	ssyncset.done $0x0;
	s19 =	sand.u32 $0x80, s19;
	s20 =	sadd.s32 s20, s17  }
0x4f: {  	[sflag:s3] =	ssyncadd.s32 $0xFFFFE000;
	s22 =	sadd.s32 s19, s20  }
0x50: {  	v4 =	vld [tilespmem:s22+$0x400]  }
0x51: {  	s21 =	simm.s32 $0x1;
	v5 =	vld [tilespmem:s22+$0x0]  }
0x52: {  	s21 =	simm.s32 @!p0 $0x0;
	v6 =	vld [tilespmem:s22+$0x10]  }
0x53: {  	v0 =	vmov s17;
	s31 =	smul.u32 $0x8400, s21;
	v7 =	vld [tilespmem:s22+$0x20]  }
0x54: {  	v9 =	vld [tilespmem:s22+$0x30]  }
0x55: {  	s19 =	sshrl.u32 s31, $0x2;
	v10 =	vld [tilespmem:s22+$0x40]  }
0x56: {  	s19 =	sor.u32 $0x4000, s19;
	v11 =	vld [tilespmem:s22+$0x50]  }
0x57: {  	v8 =	vld [tilespmem:s22+$0x60];
	s20 =	sadd.s32 $0x0, s19  }
0x58: {  	v1 =	vld.idx.msk [tilespmem:v0+s18+$0x410 ss:$0x1], $0xffff;
	[tilespmem:s20+$0x1080 ss:$0x21] =	vst.msk $0xffff, v4  }
0x59: {  	v2 =	vld.idx.msk [tilespmem:v0+s18+$0x420 ss:$0x1], $0xffff;
	[tilespmem:s20+$0x0 ss:$0x21] =	vst.msk $0xffff, v5  }
0x5a: {  	v3 =	vld.idx.msk [tilespmem:v0+s18+$0x430 ss:$0x1], $0xffff;
	[tilespmem:s20+$0x210 ss:$0x21] =	vst.msk $0xffff, v6  }
0x5b: {  	s16 =	smul.u32 $0x8400, s16;
	[tilespmem:s20+$0x420 ss:$0x21] =	vst.msk $0xffff, v7;
	v7 =	vld [tilespmem:s22+$0x70]  }
0x5c: {  	s23 =	simm.s32 $0x100;
	s24 =	simm.s32 $0x8;
	[tilespmem:s20+$0x630 ss:$0x21] =	vst.msk $0xffff, v9;
	v4 =	vld.idx.msk [tilespmem:v0+s18+$0x440 ss:$0x1], $0xffff  }
0x5d: {  	s25 =	sand.u32 $0x1800, s23;
	s16 =	sshrl.u32 s16, $0x2;
	[tilespmem:s20+$0x840 ss:$0x21] =	vst.msk $0xffff, v10;
	v5 =	vld.idx.msk [tilespmem:v0+s18+$0x450 ss:$0x1], $0xffff;
	s22 =	simm.s32 $0x80  }
0x5e: {  	s21 =	simm.s32 $0x4;
	s16 =	sor.u32 $0x4000, s16;
	[tilespmem:s20+$0xA50 ss:$0x21] =	vst.msk $0xffff, v11;
	v6 =	vld.idx.msk [tilespmem:v0+s18+$0x460 ss:$0x1], $0xffff;
	s26 =	sand.u32 $0x380, s22  }
.LBB1_3:
0x5f: {  	p1 =	sne.s32 s24, $0x7C;
	[tilespmem:s20+$0xC60 ss:$0x21] =	vst.msk $0xffff, v8;
	v8 =	vld.idx.msk [tilespmem:v0+s18+$0x470 ss:$0x1], $0xffff;
	s18 =	sor.u32 s26, s25  }
0x60: {  	s25 =	sand.u32 $0x1B00, s18;
	v9 =	vld.idx.msk [tilespmem:v0+s18+$0x410 ss:$0x1], $0xffff;
	[tilespmem:s20+$0xE70 ss:$0x21] =	vst.msk $0xffff, v7  }
0x61: {  	s26 =	sand.u32 $0x80, s22;
	s25 =	sadd.s32 s25, s17;
	v7 =	vld.idx.msk [tilespmem:v0+s18+$0x420 ss:$0x1], $0xffff;
	[tilespmem:s20+$0x1290 ss:$0x21] =	vst.msk $0xffff, v1  }
0x62: {  	s25 =	sadd.s32 s26, s25;
	v10 =	vld.idx.msk [tilespmem:v0+s18+$0x430 ss:$0x1], $0xffff;
	[tilespmem:s20+$0x14A0 ss:$0x21] =	vst.msk $0xffff, v2  }
0x63: {  	v11 =	vld [tilespmem:s25+$0x400];
	[tilespmem:s20+$0x16B0 ss:$0x21] =	vst.msk $0xffff, v3  }
0x64: {  	v12 =	vld [tilespmem:s25+$0x0];
	[tilespmem:s20+$0x18C0 ss:$0x21] =	vst.msk $0xffff, v4  }
0x65: {  	v4 =	vld [tilespmem:s25+$0x10];
	[tilespmem:s20+$0x1AD0 ss:$0x21] =	vst.msk $0xffff, v5  }
0x66: {  	s26 =	sshra.s32 s21, $0x2;
	s21 =	smov.u32 s24;
	v1 =	vmov v9;
	v5 =	vld [tilespmem:s25+$0x20];
	[tilespmem:s20+$0x1CE0 ss:$0x21] =	vst.msk $0xffff, v6  }
0x67: {  	v2 =	vmov v7;
	v6 =	vld [tilespmem:s25+$0x30];
	[tilespmem:s20+$0x1EF0 ss:$0x21] =	vst.msk $0xffff, v8;
	s20 =	sadd.s32 s26, s19  }
0x68: {  	v3 =	vmov v10;
	v9 =	vld [tilespmem:s25+$0x40];
	[tilespmem:s20+$0x1080 ss:$0x21] =	vst.msk $0xffff, v11  }
0x69: {  	[tilespmem:s20+$0x0 ss:$0x21] =	vst.msk $0xffff, v12;
	v10 =	vld [tilespmem:s25+$0x50]  }
.Ltmp3:
0x6a: {  	[tilespmem:s20+$0x210 ss:$0x21] =	vst.msk $0xffff, v4;
	v8 =	vld [tilespmem:s25+$0x60];
	(pc) =	sbr.rel @p1 .LBB1_3-.Ltmp3, $4  }
0x6b: {  	[tilespmem:s20+$0x420 ss:$0x21] =	vst.msk $0xffff, v5;
	v7 =	vld [tilespmem:s25+$0x70]  }
0x6c: {  	[tilespmem:s20+$0x630 ss:$0x21] =	vst.msk $0xffff, v6;
	v4 =	vld.idx.msk [tilespmem:v0+s18+$0x440 ss:$0x1], $0xffff  }
0x6d: {  	s22 =	sadd.s32 $0x80, s22;
	s23 =	sadd.s32 $0x100, s23;
	[tilespmem:s20+$0x840 ss:$0x21] =	vst.msk $0xffff, v9;
	v5 =	vld.idx.msk [tilespmem:v0+s18+$0x450 ss:$0x1], $0xffff  }
0x6e: {  	s24 =	sadd.s32 $0x4, s24;
	s26 =	sand.u32 $0x380, s22;
	s25 =	sand.u32 $0x1800, s23;
	[tilespmem:s20+$0xA50 ss:$0x21] =	vst.msk $0xffff, v10;
	v6 =	vld.idx.msk [tilespmem:v0+s18+$0x460 ss:$0x1], $0xffff  }
.Ltmp4:
0x6f: {  	_ = 	snop;
	(pc) =	sbr.rel .LBB1_4-.Ltmp4, $1  }
0x70: {  	_ =	sdelay $0x3  }
.LBB1_6:
0x71: {  	_ =	sfence.sel $0x180000  }
0x72: {  	s2 =	simm.s32 $0x1;
	[bflag:$0x0] =	sbarrier.arrive $0xFFFF  }
0x73: {  	s31 =	simm.s32 $0x2;
	[sflag:s2] =	ssyncpa.u1 $0x1  }
0x74: {  	[sflag:s31] =	ssyncpa.u1 $0x1  }
0x75: {  	p0 =	sne.s32 s0, $0x0;
	_ =	strace $0x9000004D  }
0x76: {  	s0 =	sadd.s32 @!p0 $0x100000, s1;
	[bflag:$0x2] =	sbarrier.arrive $0xFFFF  }
0x77: {  	[sflag:s0] =	ssyncadd.tile.s32 @!p0 $0x1;
	_ =	shalt  }
.Lfunc_end1:
_tile_overlayer_lowered:
.L_overlay_start_2:
0x78: {  	(tag) =	ssettag $0x2  }
0x79: {  	s0 =	rddreg [dreg:$0x0];
	s2 =	stileid.u32  }
0x7a: {  	s1 =	rddreg [dreg:$0x1];
	p0 =	sne.s32 s2, $0x0  }
0x7b: {  	s3 =	rddreg [dreg:$0x2];
	[bflag:$0x3] =	sbarrier.arrive $0xFFFF;
	s2 =	simm.s32 @!p0 $0x1C01  }
0x7c: {  	[timem:s3], [sflag:s2] =	dma.local @!p0 [hbm:s0], s1  }
0x7d: {  	s0 =	simm.s32 @!p0 $0x1  }
0x7e: {  	_ =	swait.ge @!p0 [sflag:s0], s1  }
0x7f: {  	s1 =	ssub.s32 @!p0 $0x0, s1;
	[sflag:s0] =	ssyncset.done @!p0 $0x0  }
0x80: {  	[sflag:s0] =	ssyncadd.s32 @!p0 s1  }
0x81: {  	[bflag:$0x3] =	sbarrier.arrive $0xFFFF  }
0x82: {  	_ =	shalt  }

</sc_bundles>
